<compile_context>
chip_gen: v7x
topology: tpu7x:2x2x1
jax: 0.10.2.dev20260603
libtpu: 0.0.44.dev20260713+nightly
codegen_flags: <defaults>
</compile_context>

<pallas_src>
import functools

import jax
import jax.numpy as jnp
from jax import lax
from jax.experimental import pallas as pl
from jax.experimental.pallas import tpu as pltpu
from jax.experimental.pallas import tpu_sc as plsc

N = 50000
E = 800000
IMG = 16
HID = 64
OUT = 16
LIN_IN = (IMG - 2) * (IMG - 2) * 3

NTILES = 16
CH = 384
SUB = 128
NSUB = CH // SUB
NCHUNKS = 2112
E_PAD = NCHUNKS * CH
CPT2 = NCHUNKS // (2 * NTILES)
NPAIR2 = CPT2 // 2
ROWS_PER_TILE = 3136
N_PAD = NTILES * ROWS_PER_TILE
TRASH = N

CH_C = 1024
NSUB_C = CH_C // SUB
E_PAD_C = 819200
CPT_C = E_PAD_C // 2 // (CH_C * NTILES)

_TB = 2000
_TBS = 5000


def _make_agg():
    mesh = plsc.VectorSubcoreMesh(core_axis_name="c", subcore_axis_name="s")

    out_type = [
        jax.ShapeDtypeStruct((2, N_PAD, HID), jnp.bfloat16),
    ]

    scratch = [
        pltpu.VMEM((2, 2, CH), jnp.int32),
        pltpu.VMEM((2, CH, HID), jnp.bfloat16),
        pltpu.VMEM_SHARED((N_PAD, HID), jnp.bfloat16),
        pltpu.SemaphoreType.DMA,
        pltpu.SemaphoreType.DMA,
        pltpu.SemaphoreType.DMA,
        pltpu.SemaphoreType.DMA,
    ]

    def body(vb_hbm, epk_hbm, zrow_hbm, out_hbm,
             epk_v, rows_v, acc_sh, semg0, semg1, sems0, sems1):
        c = lax.axis_index("c")
        s = lax.axis_index("s")
        semg = [semg0, semg1]
        sems = [sems0, sems1]

        def stage(b, cid):
            pltpu.sync_copy(epk_hbm.at[cid], epk_v.at[b])
            pltpu.async_copy(vb_hbm.at[epk_v.at[b, 0]], rows_v.at[b],
                             semg[b])

        def wait_gathers(b):
            pltpu.make_async_copy(vb_hbm.at[epk_v.at[b, 0]], rows_v.at[b],
                                  semg[b]).wait()

        def fire_scatters(b):
            pltpu.async_copy(rows_v.at[b], acc_sh.at[epk_v.at[b, 1]],
                             sems[b], add=True)

        def wait_scatters(b):
            pltpu.make_async_copy(rows_v.at[b], acc_sh.at[epk_v.at[b, 1]],
                                  sems[b]).wait()

        pltpu.sync_copy(zrow_hbm, acc_sh.at[pl.ds(s * ROWS_PER_TILE,
                                                  ROWS_PER_TILE)])
        base = (c * NTILES + s) * CPT2
        stage(0, base)
        plsc.subcore_barrier()

        def pair(t, _):
            wait_gathers(0)

            @pl.when(t > 0)
            def _():
                wait_scatters(1)

            fire_scatters(0)
            stage(1, base + 2 * t + 1)
            wait_gathers(1)
            wait_scatters(0)

            @pl.when(t < NPAIR2 - 1)
            def _():
                stage(0, base + 2 * t + 2)

            fire_scatters(1)
            return ()

        lax.fori_loop(0, NPAIR2, pair, (), unroll=False)
        wait_scatters(1)
        plsc.subcore_barrier()

        sl = pl.ds(s * ROWS_PER_TILE, ROWS_PER_TILE)
        pltpu.sync_copy(acc_sh.at[sl], out_hbm.at[c, sl])

    return pl.kernel(body, out_type=out_type, mesh=mesh,
                     scratch_types=scratch,
                     compiler_params=pltpu.CompilerParams(
                         use_tc_tiling_on_sc=False))


def _make_cnt():
    mesh = plsc.VectorSubcoreMesh(core_axis_name="c", subcore_axis_name="s")

    out_type = [
        jax.ShapeDtypeStruct((2, N_PAD, 8), jnp.float32),
    ]
    scratch = [
        pltpu.VMEM((NSUB_C, SUB), jnp.int32),
        pltpu.VMEM((SUB, 8), jnp.float32),
        pltpu.VMEM_SHARED((N_PAD, 8), jnp.float32),
        pltpu.SemaphoreType.DMA,
    ]

    def body(dstp2d_hbm, zrow8_hbm, ones8_hbm, out_hbm,
             dst_v, ones_v, acc_sh, sems):
        c = lax.axis_index("c")
        s = lax.axis_index("s")

        pltpu.sync_copy(zrow8_hbm, acc_sh.at[pl.ds(s * ROWS_PER_TILE,
                                                   ROWS_PER_TILE)])
        pltpu.sync_copy(ones8_hbm, ones_v)
        plsc.subcore_barrier()

        def chunk(i, _):
            cid = (c * NTILES * CPT_C) + s + i * NTILES
            row0 = cid * NSUB_C
            pltpu.sync_copy(dstp2d_hbm.at[pl.ds(row0, NSUB_C), :], dst_v)
            ss = [pltpu.async_copy(ones_v, acc_sh.at[dst_v.at[j]],
                                   sems, add=True) for j in range(NSUB_C)]
            for d in ss:
                d.wait()
            return ()

        lax.fori_loop(0, CPT_C, chunk, (), unroll=False)
        plsc.subcore_barrier()

        sl = pl.ds(s * ROWS_PER_TILE, ROWS_PER_TILE)
        pltpu.sync_copy(acc_sh.at[sl], out_hbm.at[c, sl])

    return pl.kernel(body, out_type=out_type, mesh=mesh,
                     scratch_types=scratch,
                     compiler_params=pltpu.CompilerParams(
                         use_tc_tiling_on_sc=False))


@functools.lru_cache(maxsize=2)
def _agg():
    return _make_agg()


@functools.lru_cache(maxsize=2)
def _cnt():
    return _make_cnt()


def _conv_matrix(w):
    o, c, di, dj, i, j = jnp.meshgrid(
        jnp.arange(3), jnp.arange(3), jnp.arange(3), jnp.arange(3),
        jnp.arange(14), jnp.arange(14), indexing="ij")
    k6 = jnp.zeros((3, 16, 16, 3, 14, 14), jnp.float32)
    k6 = k6.at[c, i + di, j + dj, o, i, j].set(w[o, c, di, dj])
    return k6.reshape(768, 588)


def _conv_body(x_ref, ks_ref, bbs_ref, ws_ref, bs_ref, kn_ref, bbn_ref,
               wn_ref, bn_ref, hs_ref, hn_ref, hnb_ref):
    x = x_ref[...].astype(jnp.bfloat16)
    a = jnp.maximum(jnp.dot(x, ks_ref[...],
                            preferred_element_type=jnp.float32)
                    + bbs_ref[...], 0.0)
    hs_ref[...] = jnp.dot(a, ws_ref[...],
                          preferred_element_type=jnp.float32) + bs_ref[...]
    b = jnp.maximum(jnp.dot(x, kn_ref[...],
                            preferred_element_type=jnp.float32)
                    + bbn_ref[...], 0.0)
    hn = jnp.dot(b, wn_ref[...],
                 preferred_element_type=jnp.float32) + bn_ref[...]
    hn_ref[...] = hn
    hnb_ref[...] = hn.astype(jnp.bfloat16)


def _conv_linear(x_flat, ks, bbs, ws, bs, kn, bbn, wn, bn):
    grid = N // _TB
    full = lambda r, cdim: pl.BlockSpec((r, cdim), lambda i: (0, 0))
    return pl.pallas_call(
        _conv_body,
        grid=(grid,),
        in_specs=[
            pl.BlockSpec((_TB, 768), lambda i: (i, 0)),
            full(768, LIN_IN), full(1, LIN_IN), full(LIN_IN, HID),
            full(1, HID),
            full(768, LIN_IN), full(1, LIN_IN), full(LIN_IN, HID),
            full(1, HID),
        ],
        out_specs=[pl.BlockSpec((_TB, HID), lambda i: (i, 0)),
                   pl.BlockSpec((_TB, HID), lambda i: (i, 0)),
                   pl.BlockSpec((_TB, HID), lambda i: (i, 0))],
        out_shape=[jax.ShapeDtypeStruct((N, HID), jnp.float32),
                   jax.ShapeDtypeStruct((N, HID), jnp.float32),
                   jax.ShapeDtypeStruct((N, HID), jnp.bfloat16)],
    )(x_flat, ks.astype(jnp.bfloat16), bbs,
      ws, bs, kn.astype(jnp.bfloat16), bbn, wn, bn)


def _ln(v, g, b):
    mu = v.mean(-1, keepdims=True)
    var = ((v - mu) ** 2).mean(-1, keepdims=True)
    return (v - mu) / jnp.sqrt(var + 1e-5) * g + b


def _pre_body(hs_ref, o2_ref, g_ref, b_ref, z_ref, zb_ref):
    a = o2_ref[...].astype(jnp.float32)
    h = hs_ref[...] + a[0] + a[1]
    z = _ln(jnp.maximum(h, 0.0), g_ref[...], b_ref[...])
    z_ref[...] = z
    zb_ref[...] = z.astype(jnp.bfloat16)


def _pre(h_self, o2, g, b):
    grid = N // _TBS
    return pl.pallas_call(
        _pre_body,
        grid=(grid,),
        in_specs=[
            pl.BlockSpec((_TBS, HID), lambda i: (i, 0)),
            pl.BlockSpec((2, _TBS, HID), lambda i: (0, i, 0)),
            pl.BlockSpec((1, HID), lambda i: (0, 0)),
            pl.BlockSpec((1, HID), lambda i: (0, 0)),
        ],
        out_specs=[pl.BlockSpec((_TBS, HID), lambda i: (i, 0)),
                   pl.BlockSpec((_TBS, HID), lambda i: (i, 0))],
        out_shape=[jax.ShapeDtypeStruct((N, HID), jnp.float32),
                   jax.ShapeDtypeStruct((N, HID), jnp.bfloat16)],
    )(h_self, o2, g.reshape(1, HID), b.reshape(1, HID))


def _sage_mid_body(z_ref, s2_ref, cnt_ref, wl_ref, bl_ref, wr_ref,
                   g_ref, b_ref, zn_ref, znb_ref):
    a = s2_ref[...].astype(jnp.float32)
    mean = (a[0] + a[1]) / jnp.maximum(cnt_ref[...], 1.0)
    h = (jnp.dot(mean, wl_ref[...], preferred_element_type=jnp.float32)
         + bl_ref[...]
         + jnp.dot(z_ref[...], wr_ref[...],
                   preferred_element_type=jnp.float32))
    zn = _ln(jnp.maximum(h, 0.0), g_ref[...], b_ref[...])
    zn_ref[...] = zn
    znb_ref[...] = zn.astype(jnp.bfloat16)


def _sage_final_body(z_ref, s2_ref, cnt_ref, wl_ref, bl_ref, wr_ref,
                     w1_ref, b1_ref, w2_ref, b2_ref, emb_ref, out_ref):
    a = s2_ref[...].astype(jnp.float32)
    mean = (a[0] + a[1]) / jnp.maximum(cnt_ref[...], 1.0)
    h = (jnp.dot(mean, wl_ref[...], preferred_element_type=jnp.float32)
         + bl_ref[...]
         + jnp.dot(z_ref[...], wr_ref[...],
                   preferred_element_type=jnp.float32))
    emb_ref[...] = h
    a = jnp.maximum(h, 0.0)
    t = jnp.dot(a, w1_ref[...], preferred_element_type=jnp.float32) + b1_ref[...]
    t = jnp.dot(t, w2_ref[...], preferred_element_type=jnp.float32) + b2_ref[...]
    m = jnp.max(t, axis=1, keepdims=True)
    sh = t - m
    out_ref[...] = sh - jnp.log(jnp.sum(jnp.exp(sh), axis=1, keepdims=True))


def _sage_specs():
    return [
        pl.BlockSpec((_TBS, HID), lambda i: (i, 0)),
        pl.BlockSpec((2, _TBS, HID), lambda i: (0, i, 0)),
        pl.BlockSpec((_TBS, 1), lambda i: (i, 0)),
        pl.BlockSpec((HID, HID), lambda i: (0, 0)),
        pl.BlockSpec((1, HID), lambda i: (0, 0)),
        pl.BlockSpec((HID, HID), lambda i: (0, 0)),
    ]


def _sage_mid(z, s2, cnt, wl, bl, wr, g, b):
    grid = N // _TBS
    return pl.pallas_call(
        _sage_mid_body,
        grid=(grid,),
        in_specs=_sage_specs() + [
            pl.BlockSpec((1, HID), lambda i: (0, 0)),
            pl.BlockSpec((1, HID), lambda i: (0, 0)),
        ],
        out_specs=[pl.BlockSpec((_TBS, HID), lambda i: (i, 0)),
                   pl.BlockSpec((_TBS, HID), lambda i: (i, 0))],
        out_shape=[jax.ShapeDtypeStruct((N, HID), jnp.float32),
                   jax.ShapeDtypeStruct((N, HID), jnp.bfloat16)],
    )(z, s2, cnt, wl, bl.reshape(1, HID), wr,
      g.reshape(1, HID), b.reshape(1, HID))


def _sage_final(z, s2, cnt, wl, bl, wr, w1, b1, w2, b2):
    grid = N // _TBS
    return pl.pallas_call(
        _sage_final_body,
        grid=(grid,),
        in_specs=_sage_specs() + [
            pl.BlockSpec((HID, HID), lambda i: (0, 0)),
            pl.BlockSpec((1, HID), lambda i: (0, 0)),
            pl.BlockSpec((HID, OUT), lambda i: (0, 0)),
            pl.BlockSpec((1, OUT), lambda i: (0, 0)),
        ],
        out_specs=[pl.BlockSpec((_TBS, HID), lambda i: (i, 0)),
                   pl.BlockSpec((_TBS, OUT), lambda i: (i, 0))],
        out_shape=[jax.ShapeDtypeStruct((N, HID), jnp.float32),
                   jax.ShapeDtypeStruct((N, OUT), jnp.float32)],
    )(z, s2, cnt, wl, bl.reshape(1, HID), wr, w1,
      b1.reshape(1, HID), w2, b2.reshape(1, OUT))


def kernel(x, edge_index, batch, cw_self, cb_self, cw, cb, lin_self_W,
           lin_self_b, lin_W, lin_b, Wl1, bl1, Wr1, Wl2, bl2, Wr2, Wl3, bl3,
           Wr3, ln0_g, ln0_b, ln1_g, ln1_b, ln2_g, ln2_b, mp_W1, mp_b1,
           mp_W2, mp_b2):
    src = edge_index[0]
    dst = edge_index[1]

    padT = jnp.full((E_PAD - E,), TRASH, jnp.int32)
    srcp3 = jnp.concatenate(
        [src, jnp.zeros((E_PAD - E,), jnp.int32)]).reshape(NCHUNKS, CH)
    dstp3 = jnp.concatenate([dst, padT]).reshape(NCHUNKS, CH)
    dstm3 = jnp.concatenate(
        [jnp.where(src == dst, TRASH, dst), padT]).reshape(NCHUNKS, CH)
    epk_u = jnp.stack([srcp3, dstp3], axis=1)
    epk_m = jnp.stack([srcp3, dstm3], axis=1)
    dstp2d = jnp.concatenate(
        [dst, jnp.full((E_PAD_C - E,), TRASH, jnp.int32)]).reshape(-1, SUB)
    zrow = jnp.zeros((ROWS_PER_TILE, HID), jnp.bfloat16)
    zrow8 = jnp.zeros((ROWS_PER_TILE, 8), jnp.float32)
    ones8 = jnp.ones((SUB, 8), jnp.float32)

    ks = _conv_matrix(cw_self)
    kn = _conv_matrix(cw)
    bbs = jnp.repeat(cb_self, 196).reshape(1, LIN_IN)
    bbn = jnp.repeat(cb, 196).reshape(1, LIN_IN)
    h_self, h_nb, h_nb_b = _conv_linear(x.reshape(N, 768), ks, bbs,
                                        lin_self_W,
                                        lin_self_b.reshape(1, HID), kn, bbn,
                                        lin_W, lin_b.reshape(1, HID))

    (cnt2,) = _cnt()(dstp2d, zrow8, ones8)
    cnt = cnt2[0, :, :1] + cnt2[1, :, :1]

    (o2,) = _agg()(h_nb_b, epk_m, zrow)
    z, zb = _pre(h_self, o2, ln0_g, ln0_b)

    (s2,) = _agg()(zb, epk_u, zrow)
    z, zb = _sage_mid(z, s2, cnt, Wl1, bl1, Wr1, ln1_g, ln1_b)

    (s2,) = _agg()(zb, epk_u, zrow)
    z, zb = _sage_mid(z, s2, cnt, Wl2, bl2, Wr2, ln2_g, ln2_b)

    (s2,) = _agg()(zb, epk_u, zrow)
    emb, out = _sage_final(z, s2, cnt, Wl3, bl3, Wr3, mp_W1, mp_b1,
                           mp_W2, mp_b2)
    return (emb, out)

# --- scband reference (transcript-rebuilt; emitter-appended) ---
"""Pipeline reference for scband-gnnstack-11166914970396 (READ-ONLY COPY).

The authoritative reference and input builder live on the scoring server;
editing this copy changes nothing except your own understanding.
"""

import jax, jax.numpy as jnp
import numpy as np

N = 50000
E = 800000
IMG = 16
HID = 64
OUT = 16
LIN_IN = (IMG - 2) * (IMG - 2) * 3


def setup_inputs(seed: int = 0):
    key = jax.random.key(seed)
    ks = jax.random.split(key, 32)
    def p(i, shape, scale=0.05):
        return jax.random.normal(ks[i], shape, dtype=jnp.float32) * scale
    inp = {}
    inp["x"] = jax.random.normal(ks[0], (N, 3, IMG, IMG), dtype=jnp.float32)
    inp["edge_index"] = jax.random.randint(ks[1], (2, E), 0, N, dtype=jnp.int32)
    inp["batch"] = jnp.zeros((N,), dtype=jnp.int32)
    inp["cw_self"] = p(2, (3, 3, 3, 3)); inp["cb_self"] = p(3, (3,))
    inp["cw"] = p(4, (3, 3, 3, 3)); inp["cb"] = p(5, (3,))
    inp["lin_self_W"] = p(6, (LIN_IN, HID)); inp["lin_self_b"] = p(7, (HID,))
    inp["lin_W"] = p(8, (LIN_IN, HID)); inp["lin_b"] = p(9, (HID,))
    for i in range(3):
        inp["Wl%d" % (i + 1)] = p(10 + 3 * i, (HID, HID))
        inp["bl%d" % (i + 1)] = p(11 + 3 * i, (HID,))
        inp["Wr%d" % (i + 1)] = p(12 + 3 * i, (HID, HID))
    for i in range(3):
        inp["ln%d_g" % i] = jnp.ones((HID,), jnp.float32)
        inp["ln%d_b" % i] = jnp.zeros((HID,), jnp.float32)
    inp["mp_W1"] = p(20, (HID, HID)); inp["mp_b1"] = p(21, (HID,))
    inp["mp_W2"] = p(22, (HID, OUT)); inp["mp_b2"] = p(23, (OUT,))
    return inp


def _forward(x, edge_index, cw_self, cb_self, cw, cb, lin_self_W, lin_self_b, lin_W, lin_b,
             Wl1, bl1, Wr1, Wl2, bl2, Wr2, Wl3, bl3, Wr3,
             ln0_g, ln0_b, ln1_g, ln1_b, ln2_g, ln2_b,
             mp_W1, mp_b1, mp_W2, mp_b2):
    src = edge_index[0]
    dst = edge_index[1]
    n = x.shape[0]
    nonself = (src != dst).astype(jnp.float32)

    def conv2d(xx, w, b):
        y = jax.lax.conv_general_dilated(xx, w, (1, 1), 'VALID',
                                         dimension_numbers=('NCHW', 'OIHW', 'NCHW'))
        return y + b[None, :, None, None]

    def ln(v, g, b):
        mu = v.mean(-1, keepdims=True)
        var = ((v - mu) ** 2).mean(-1, keepdims=True)
        return (v - mu) / jnp.sqrt(var + 1e-5) * g + b

    def sage(v, Wl, bl, Wr):
        s = jax.ops.segment_sum(v[src], dst, num_segments=n)
        cnt = jax.ops.segment_sum(jnp.ones((src.shape[0],), jnp.float32), dst, num_segments=n)
        mean = s / jnp.clip(cnt, 1.0)[:, None]
        return mean @ Wl + bl + v @ Wr

    # CustomConv layer (remove_self_loops emulated by masking self-loop messages; aggr='add')
    h_self = jax.nn.relu(conv2d(x, cw_self, cb_self)).reshape(n, -1) @ lin_self_W + lin_self_b
    h_nb = jax.nn.relu(conv2d(x, cw, cb)).reshape(n, -1) @ lin_W + lin_b
    agg = jax.ops.segment_sum(h_nb[src] * nonself[:, None], dst, num_segments=n)
    h = h_self + agg
    emb = h
    h = ln(jax.nn.relu(h), ln0_g, ln0_b)
    h = sage(h, Wl1, bl1, Wr1); emb = h
    h = ln(jax.nn.relu(h), ln1_g, ln1_b)
    h = sage(h, Wl2, bl2, Wr2); emb = h
    h = ln(jax.nn.relu(h), ln2_g, ln2_b)
    h = sage(h, Wl3, bl3, Wr3); emb = h
    h = jax.nn.relu(h)
    # post_mp (dropout is identity in eval)
    h = h @ mp_W1 + mp_b1
    h = h @ mp_W2 + mp_b2
    return (emb, jax.nn.log_softmax(h, axis=1))


def reference(x, edge_index, batch, cw_self, cb_self, cw, cb, lin_self_W, lin_self_b, lin_W, lin_b,
              Wl1, bl1, Wr1, Wl2, bl2, Wr2, Wl3, bl3, Wr3,
              ln0_g, ln0_b, ln1_g, ln1_b, ln2_g, ln2_b,
              mp_W1, mp_b1, mp_W2, mp_b2):
    # batch is unused for task='node'
    return _forward(x, edge_index, cw_self, cb_self, cw, cb, lin_self_W, lin_self_b, lin_W, lin_b,
                    Wl1, bl1, Wr1, Wl2, bl2, Wr2, Wl3, bl3, Wr3,
                    ln0_g, ln0_b, ln1_g, ln1_b, ln2_g, ln2_b,
                    mp_W1, mp_b1, mp_W2, mp_b2)

if __name__ == "__main__":
    import jax
    _d = setup_inputs()
    print(jax.jit(kernel)(*tuple(_d.values())))

</pallas_src>

<mosaic_0001>
#map = affine_map<(d0, d1) -> (0, 0)>
#map1 = affine_map<(d0, d1) -> (0, 0, 0)>
module attributes {stable_mosaic.version = 14 : i64} {
  func.func @body(%arg0: i32, %arg1: i32, %arg2: memref<6400x128xi32, #tpu.memory_space<hbm>>, %arg3: memref<3136x8xf32, #tpu.memory_space<hbm>>, %arg4: memref<128x8xf32, #tpu.memory_space<hbm>>, %arg5: memref<2x50176x8xf32, #tpu.memory_space<hbm>>, %arg6: memref<8x128xi32, #tpu.memory_space<vmem>>, %arg7: memref<128x8xf32, #tpu.memory_space<vmem>>, %arg8: memref<50176x8xf32, #tpu.memory_space<vmem_shared>>, %arg9: memref<!tpu.dma_semaphore, #tpu.memory_space<semaphore_mem>>) attributes {dimension_semantics = [#tpu.dimension_semantics<core_parallel>, #tpu.dimension_semantics<subcore_parallel>], iteration_bounds = array<i64: 2, 16>, scalar_prefetch = 0 : i64, scratch_operands = 4 : i64, tpu.core_type = #tpu.core_type<sc_vector_subcore>, window_params = [{transform_indices = #map}, {transform_indices = #map}, {transform_indices = #map}, {transform_indices = #map1}]} {
    %mul3A = arith.constant 3136 : i32
    %mul3A_0 = arith.muli %arg1, %mul3A : i32
    "tpu.region"() ({
      %run_scoped3A = tpu.sem_alloc : memref<!tpu.dma_semaphore, #tpu.memory_space<semaphore_mem>>
      %dma_start3A = arith.constant 0 : i32
      %dma_start3A_8 = tpu.memref_slice %arg8[%mul3A_0, %dma_start3A] : memref<50176x8xf32, #tpu.memory_space<vmem_shared>> -> memref<3136x8xf32, #tpu.memory_space<vmem_shared>>
      tpu.enqueue_dma source(%arg3 : memref<3136x8xf32, #tpu.memory_space<hbm>>) target(%dma_start3A_8 : memref<3136x8xf32, #tpu.memory_space<vmem_shared>>) target_semaphore(%run_scoped3A : memref<!tpu.dma_semaphore, #tpu.memory_space<semaphore_mem>>)
      %dma_wait3A = arith.constant 0 : i32
      %dma_wait3A_9 = tpu.memref_slice %arg8[%mul3A_0, %dma_wait3A] : memref<50176x8xf32, #tpu.memory_space<vmem_shared>> -> memref<3136x8xf32, #tpu.memory_space<vmem_shared>>
      tpu.wait_dma2 semaphore(%run_scoped3A : memref<!tpu.dma_semaphore, #tpu.memory_space<semaphore_mem>>) src(%arg3 : memref<3136x8xf32, #tpu.memory_space<hbm>>) dst(%dma_wait3A_9 : memref<3136x8xf32, #tpu.memory_space<vmem_shared>>)
      tpu.yield
    }) : () -> ()
    "tpu.region"() ({
      %run_scoped3A = tpu.sem_alloc : memref<!tpu.dma_semaphore, #tpu.memory_space<semaphore_mem>>
      tpu.enqueue_dma source(%arg4 : memref<128x8xf32, #tpu.memory_space<hbm>>) target(%arg7 : memref<128x8xf32, #tpu.memory_space<vmem>>) target_semaphore(%run_scoped3A : memref<!tpu.dma_semaphore, #tpu.memory_space<semaphore_mem>>)
      tpu.wait_dma2 semaphore(%run_scoped3A : memref<!tpu.dma_semaphore, #tpu.memory_space<semaphore_mem>>) src(%arg4 : memref<128x8xf32, #tpu.memory_space<hbm>>) dst(%arg7 : memref<128x8xf32, #tpu.memory_space<vmem>>)
      tpu.yield
    }) : () -> ()
    %barrier3A = arith.constant 0 : index
    tpu.barrier barrier_id(%barrier3A)
    %scan3A = arith.constant 0 : i32
    %scan3A_1 = arith.constant 25 : i32
    %scan3A_2 = arith.addi %scan3A, %scan3A_1 : i32
    %scan3A_3 = arith.constant 1 : i32
    scf.for %scan3A_8 = %scan3A to %scan3A_2 step %scan3A_3  : i32 {
      %mul3A_9 = arith.constant 16 : i32
      %mul3A_10 = arith.muli %arg0, %mul3A_9 : i32
      %mul3A_11 = arith.constant 25 : i32
      %mul3A_12 = arith.muli %mul3A_10, %mul3A_11 : i32
      %add3A = arith.addi %mul3A_12, %arg1 : i32
      %mul3A_13 = arith.constant 16 : i32
      %mul3A_14 = arith.muli %scan3A_8, %mul3A_13 : i32
      %add3A_15 = arith.addi %add3A, %mul3A_14 : i32
      %mul3A_16 = arith.constant 8 : i32
      %mul3A_17 = arith.muli %add3A_15, %mul3A_16 : i32
      "tpu.region"() ({
        %run_scoped3A = tpu.sem_alloc : memref<!tpu.dma_semaphore, #tpu.memory_space<semaphore_mem>>
        %dma_start3A_128 = arith.constant 0 : i32
        %dma_start3A_129 = tpu.memref_slice %arg2[%mul3A_17, %dma_start3A_128] : memref<6400x128xi32, #tpu.memory_space<hbm>> -> memref<8x128xi32, #tpu.memory_space<hbm>>
        %dma_start3A_130 = arith.constant 0 : i32
        %dma_start3A_131 = tpu.memref_slice %arg2[%mul3A_17, %dma_start3A_130] : memref<6400x128xi32, #tpu.memory_space<hbm>> -> memref<8x128xi32, #tpu.memory_space<hbm>>
        tpu.enqueue_dma source(%dma_start3A_131 : memref<8x128xi32, #tpu.memory_space<hbm>>) target(%arg6 : memref<8x128xi32, #tpu.memory_space<vmem>>) target_semaphore(%run_scoped3A : memref<!tpu.dma_semaphore, #tpu.memory_space<semaphore_mem>>)
        %dma_wait3A_132 = arith.constant 0 : i32
        %dma_wait3A_133 = tpu.memref_slice %arg2[%mul3A_17, %dma_wait3A_132] : memref<6400x128xi32, #tpu.memory_space<hbm>> -> memref<8x128xi32, #tpu.memory_space<hbm>>
        %dma_wait3A_134 = arith.constant 0 : i32
        %dma_wait3A_135 = tpu.memref_slice %arg2[%mul3A_17, %dma_wait3A_134] : memref<6400x128xi32, #tpu.memory_space<hbm>> -> memref<8x128xi32, #tpu.memory_space<hbm>>
        tpu.wait_dma2 semaphore(%run_scoped3A : memref<!tpu.dma_semaphore, #tpu.memory_space<semaphore_mem>>) src(%dma_wait3A_135 : memref<8x128xi32, #tpu.memory_space<hbm>>) dst(%arg6 : memref<8x128xi32, #tpu.memory_space<vmem>>)
        tpu.yield
      }) : () -> ()
      %dma_start3A = arith.constant 0 : i32
      %dma_start3A_18 = arith.constant 0 : i32
      %dma_start3A_19 = tpu.memref_slice %arg6[%dma_start3A, %dma_start3A_18] : memref<8x128xi32, #tpu.memory_space<vmem>> -> memref<1x128xi32, #tpu.memory_space<vmem>>
      %dma_start3A_20 = tpu.memref_squeeze %dma_start3A_19 : memref<1x128xi32, #tpu.memory_space<vmem>> -> memref<128xi32, #tpu.memory_space<vmem>>
      %dma_start3A_21 = arith.constant 0 : i32
      %dma_start3A_22 = arith.constant 0 : i32
      %dma_start3A_23 = tpu.memref_slice %arg8[%dma_start3A_21, %dma_start3A_22] : memref<50176x8xf32, #tpu.memory_space<vmem_shared>> -> memref<50176x8xf32, #tpu.memory_space<vmem_shared>>
      tpu.enqueue_indirect_dma source(%arg7 : memref<128x8xf32, #tpu.memory_space<vmem>>) target(%dma_start3A_23 : memref<50176x8xf32, #tpu.memory_space<vmem_shared>>) offsets(%dma_start3A_20 : memref<128xi32, #tpu.memory_space<vmem>>) semaphore(%arg9 : memref<!tpu.dma_semaphore, #tpu.memory_space<semaphore_mem>>) {add = true}
      %dma_start3A_24 = arith.constant 1 : i32
      %dma_start3A_25 = arith.constant 0 : i32
      %dma_start3A_26 = tpu.memref_slice %arg6[%dma_start3A_24, %dma_start3A_25] : memref<8x128xi32, #tpu.memory_space<vmem>> -> memref<1x128xi32, #tpu.memory_space<vmem>>
      %dma_start3A_27 = tpu.memref_squeeze %dma_start3A_26 : memref<1x128xi32, #tpu.memory_space<vmem>> -> memref<128xi32, #tpu.memory_space<vmem>>
      %dma_start3A_28 = arith.constant 0 : i32
      %dma_start3A_29 = arith.constant 0 : i32
      %dma_start3A_30 = tpu.memref_slice %arg8[%dma_start3A_28, %dma_start3A_29] : memref<50176x8xf32, #tpu.memory_space<vmem_shared>> -> memref<50176x8xf32, #tpu.memory_space<vmem_shared>>
      tpu.enqueue_indirect_dma source(%arg7 : memref<128x8xf32, #tpu.memory_space<vmem>>) target(%dma_start3A_30 : memref<50176x8xf32, #tpu.memory_space<vmem_shared>>) offsets(%dma_start3A_27 : memref<128xi32, #tpu.memory_space<vmem>>) semaphore(%arg9 : memref<!tpu.dma_semaphore, #tpu.memory_space<semaphore_mem>>) {add = true}
      %dma_start3A_31 = arith.constant 2 : i32
      %dma_start3A_32 = arith.constant 0 : i32
      %dma_start3A_33 = tpu.memref_slice %arg6[%dma_start3A_31, %dma_start3A_32] : memref<8x128xi32, #tpu.memory_space<vmem>> -> memref<1x128xi32, #tpu.memory_space<vmem>>
      %dma_start3A_34 = tpu.memref_squeeze %dma_start3A_33 : memref<1x128xi32, #tpu.memory_space<vmem>> -> memref<128xi32, #tpu.memory_space<vmem>>
      %dma_start3A_35 = arith.constant 0 : i32
      %dma_start3A_36 = arith.constant 0 : i32
      %dma_start3A_37 = tpu.memref_slice %arg8[%dma_start3A_35, %dma_start3A_36] : memref<50176x8xf32, #tpu.memory_space<vmem_shared>> -> memref<50176x8xf32, #tpu.memory_space<vmem_shared>>
      tpu.enqueue_indirect_dma source(%arg7 : memref<128x8xf32, #tpu.memory_space<vmem>>) target(%dma_start3A_37 : memref<50176x8xf32, #tpu.memory_space<vmem_shared>>) offsets(%dma_start3A_34 : memref<128xi32, #tpu.memory_space<vmem>>) semaphore(%arg9 : memref<!tpu.dma_semaphore, #tpu.memory_space<semaphore_mem>>) {add = true}
      %dma_start3A_38 = arith.constant 3 : i32
      %dma_start3A_39 = arith.constant 0 : i32
      %dma_start3A_40 = tpu.memref_slice %arg6[%dma_start3A_38, %dma_start3A_39] : memref<8x128xi32, #tpu.memory_space<vmem>> -> memref<1x128xi32, #tpu.memory_space<vmem>>
      %dma_start3A_41 = tpu.memref_squeeze %dma_start3A_40 : memref<1x128xi32, #tpu.memory_space<vmem>> -> memref<128xi32, #tpu.memory_space<vmem>>
      %dma_start3A_42 = arith.constant 0 : i32
      %dma_start3A_43 = arith.constant 0 : i32
      %dma_start3A_44 = tpu.memref_slice %arg8[%dma_start3A_42, %dma_start3A_43] : memref<50176x8xf32, #tpu.memory_space<vmem_shared>> -> memref<50176x8xf32, #tpu.memory_space<vmem_shared>>
      tpu.enqueue_indirect_dma source(%arg7 : memref<128x8xf32, #tpu.memory_space<vmem>>) target(%dma_start3A_44 : memref<50176x8xf32, #tpu.memory_space<vmem_shared>>) offsets(%dma_start3A_41 : memref<128xi32, #tpu.memory_space<vmem>>) semaphore(%arg9 : memref<!tpu.dma_semaphore, #tpu.memory_space<semaphore_mem>>) {add = true}
      %dma_start3A_45 = arith.constant 4 : i32
      %dma_start3A_46 = arith.constant 0 : i32
      %dma_start3A_47 = tpu.memref_slice %arg6[%dma_start3A_45, %dma_start3A_46] : memref<8x128xi32, #tpu.memory_space<vmem>> -> memref<1x128xi32, #tpu.memory_space<vmem>>
      %dma_start3A_48 = tpu.memref_squeeze %dma_start3A_47 : memref<1x128xi32, #tpu.memory_space<vmem>> -> memref<128xi32, #tpu.memory_space<vmem>>
      %dma_start3A_49 = arith.constant 0 : i32
      %dma_start3A_50 = arith.constant 0 : i32
      %dma_start3A_51 = tpu.memref_slice %arg8[%dma_start3A_49, %dma_start3A_50] : memref<50176x8xf32, #tpu.memory_space<vmem_shared>> -> memref<50176x8xf32, #tpu.memory_space<vmem_shared>>
      tpu.enqueue_indirect_dma source(%arg7 : memref<128x8xf32, #tpu.memory_space<vmem>>) target(%dma_start3A_51 : memref<50176x8xf32, #tpu.memory_space<vmem_shared>>) offsets(%dma_start3A_48 : memref<128xi32, #tpu.memory_space<vmem>>) semaphore(%arg9 : memref<!tpu.dma_semaphore, #tpu.memory_space<semaphore_mem>>) {add = true}
      %dma_start3A_52 = arith.constant 5 : i32
      %dma_start3A_53 = arith.constant 0 : i32
      %dma_start3A_54 = tpu.memref_slice %arg6[%dma_start3A_52, %dma_start3A_53] : memref<8x128xi32, #tpu.memory_space<vmem>> -> memref<1x128xi32, #tpu.memory_space<vmem>>
      %dma_start3A_55 = tpu.memref_squeeze %dma_start3A_54 : memref<1x128xi32, #tpu.memory_space<vmem>> -> memref<128xi32, #tpu.memory_space<vmem>>
      %dma_start3A_56 = arith.constant 0 : i32
      %dma_start3A_57 = arith.constant 0 : i32
      %dma_start3A_58 = tpu.memref_slice %arg8[%dma_start3A_56, %dma_start3A_57] : memref<50176x8xf32, #tpu.memory_space<vmem_shared>> -> memref<50176x8xf32, #tpu.memory_space<vmem_shared>>
      tpu.enqueue_indirect_dma source(%arg7 : memref<128x8xf32, #tpu.memory_space<vmem>>) target(%dma_start3A_58 : memref<50176x8xf32, #tpu.memory_space<vmem_shared>>) offsets(%dma_start3A_55 : memref<128xi32, #tpu.memory_space<vmem>>) semaphore(%arg9 : memref<!tpu.dma_semaphore, #tpu.memory_space<semaphore_mem>>) {add = true}
      %dma_start3A_59 = arith.constant 6 : i32
      %dma_start3A_60 = arith.constant 0 : i32
      %dma_start3A_61 = tpu.memref_slice %arg6[%dma_start3A_59, %dma_start3A_60] : memref<8x128xi32, #tpu.memory_space<vmem>> -> memref<1x128xi32, #tpu.memory_space<vmem>>
      %dma_start3A_62 = tpu.memref_squeeze %dma_start3A_61 : memref<1x128xi32, #tpu.memory_space<vmem>> -> memref<128xi32, #tpu.memory_space<vmem>>
      %dma_start3A_63 = arith.constant 0 : i32
      %dma_start3A_64 = arith.constant 0 : i32
      %dma_start3A_65 = tpu.memref_slice %arg8[%dma_start3A_63, %dma_start3A_64] : memref<50176x8xf32, #tpu.memory_space<vmem_shared>> -> memref<50176x8xf32, #tpu.memory_space<vmem_shared>>
      tpu.enqueue_indirect_dma source(%arg7 : memref<128x8xf32, #tpu.memory_space<vmem>>) target(%dma_start3A_65 : memref<50176x8xf32, #tpu.memory_space<vmem_shared>>) offsets(%dma_start3A_62 : memref<128xi32, #tpu.memory_space<vmem>>) semaphore(%arg9 : memref<!tpu.dma_semaphore, #tpu.memory_space<semaphore_mem>>) {add = true}
      %dma_start3A_66 = arith.constant 7 : i32
      %dma_start3A_67 = arith.constant 0 : i32
      %dma_start3A_68 = tpu.memref_slice %arg6[%dma_start3A_66, %dma_start3A_67] : memref<8x128xi32, #tpu.memory_space<vmem>> -> memref<1x128xi32, #tpu.memory_space<vmem>>
      %dma_start3A_69 = tpu.memref_squeeze %dma_start3A_68 : memref<1x128xi32, #tpu.memory_space<vmem>> -> memref<128xi32, #tpu.memory_space<vmem>>
      %dma_start3A_70 = arith.constant 0 : i32
      %dma_start3A_71 = arith.constant 0 : i32
      %dma_start3A_72 = tpu.memref_slice %arg8[%dma_start3A_70, %dma_start3A_71] : memref<50176x8xf32, #tpu.memory_space<vmem_shared>> -> memref<50176x8xf32, #tpu.memory_space<vmem_shared>>
      tpu.enqueue_indirect_dma source(%arg7 : memref<128x8xf32, #tpu.memory_space<vmem>>) target(%dma_start3A_72 : memref<50176x8xf32, #tpu.memory_space<vmem_shared>>) offsets(%dma_start3A_69 : memref<128xi32, #tpu.memory_space<vmem>>) semaphore(%arg9 : memref<!tpu.dma_semaphore, #tpu.memory_space<semaphore_mem>>) {add = true}
      %dma_wait3A = arith.constant 0 : i32
      %dma_wait3A_73 = arith.constant 0 : i32
      %dma_wait3A_74 = tpu.memref_slice %arg6[%dma_wait3A, %dma_wait3A_73] : memref<8x128xi32, #tpu.memory_space<vmem>> -> memref<1x128xi32, #tpu.memory_space<vmem>>
      %dma_wait3A_75 = tpu.memref_squeeze %dma_wait3A_74 : memref<1x128xi32, #tpu.memory_space<vmem>> -> memref<128xi32, #tpu.memory_space<vmem>>
      %dma_wait3A_76 = arith.constant 0 : i32
      %dma_wait3A_77 = arith.constant 0 : i32
      %dma_wait3A_78 = tpu.memref_slice %arg8[%dma_wait3A_76, %dma_wait3A_77] : memref<50176x8xf32, #tpu.memory_space<vmem_shared>> -> memref<50176x8xf32, #tpu.memory_space<vmem_shared>>
      tpu.wait_indirect_dma semaphore(%arg9 : memref<!tpu.dma_semaphore, #tpu.memory_space<semaphore_mem>>) src(%arg7 : memref<128x8xf32, #tpu.memory_space<vmem>>) dst(%dma_wait3A_78 : memref<50176x8xf32, #tpu.memory_space<vmem_shared>>)
      %dma_wait3A_79 = arith.constant 1 : i32
      %dma_wait3A_80 = arith.constant 0 : i32
      %dma_wait3A_81 = tpu.memref_slice %arg6[%dma_wait3A_79, %dma_wait3A_80] : memref<8x128xi32, #tpu.memory_space<vmem>> -> memref<1x128xi32, #tpu.memory_space<vmem>>
      %dma_wait3A_82 = tpu.memref_squeeze %dma_wait3A_81 : memref<1x128xi32, #tpu.memory_space<vmem>> -> memref<128xi32, #tpu.memory_space<vmem>>
      %dma_wait3A_83 = arith.constant 0 : i32
      %dma_wait3A_84 = arith.constant 0 : i32
      %dma_wait3A_85 = tpu.memref_slice %arg8[%dma_wait3A_83, %dma_wait3A_84] : memref<50176x8xf32, #tpu.memory_space<vmem_shared>> -> memref<50176x8xf32, #tpu.memory_space<vmem_shared>>
      tpu.wait_indirect_dma semaphore(%arg9 : memref<!tpu.dma_semaphore, #tpu.memory_space<semaphore_mem>>) src(%arg7 : memref<128x8xf32, #tpu.memory_space<vmem>>) dst(%dma_wait3A_85 : memref<50176x8xf32, #tpu.memory_space<vmem_shared>>)
      %dma_wait3A_86 = arith.constant 2 : i32
      %dma_wait3A_87 = arith.constant 0 : i32
      %dma_wait3A_88 = tpu.memref_slice %arg6[%dma_wait3A_86, %dma_wait3A_87] : memref<8x128xi32, #tpu.memory_space<vmem>> -> memref<1x128xi32, #tpu.memory_space<vmem>>
      %dma_wait3A_89 = tpu.memref_squeeze %dma_wait3A_88 : memref<1x128xi32, #tpu.memory_space<vmem>> -> memref<128xi32, #tpu.memory_space<vmem>>
      %dma_wait3A_90 = arith.constant 0 : i32
      %dma_wait3A_91 = arith.constant 0 : i32
      %dma_wait3A_92 = tpu.memref_slice %arg8[%dma_wait3A_90, %dma_wait3A_91] : memref<50176x8xf32, #tpu.memory_space<vmem_shared>> -> memref<50176x8xf32, #tpu.memory_space<vmem_shared>>
      tpu.wait_indirect_dma semaphore(%arg9 : memref<!tpu.dma_semaphore, #tpu.memory_space<semaphore_mem>>) src(%arg7 : memref<128x8xf32, #tpu.memory_space<vmem>>) dst(%dma_wait3A_92 : memref<50176x8xf32, #tpu.memory_space<vmem_shared>>)
      %dma_wait3A_93 = arith.constant 3 : i32
      %dma_wait3A_94 = arith.constant 0 : i32
      %dma_wait3A_95 = tpu.memref_slice %arg6[%dma_wait3A_93, %dma_wait3A_94] : memref<8x128xi32, #tpu.memory_space<vmem>> -> memref<1x128xi32, #tpu.memory_space<vmem>>
      %dma_wait3A_96 = tpu.memref_squeeze %dma_wait3A_95 : memref<1x128xi32, #tpu.memory_space<vmem>> -> memref<128xi32, #tpu.memory_space<vmem>>
      %dma_wait3A_97 = arith.constant 0 : i32
      %dma_wait3A_98 = arith.constant 0 : i32
      %dma_wait3A_99 = tpu.memref_slice %arg8[%dma_wait3A_97, %dma_wait3A_98] : memref<50176x8xf32, #tpu.memory_space<vmem_shared>> -> memref<50176x8xf32, #tpu.memory_space<vmem_shared>>
      tpu.wait_indirect_dma semaphore(%arg9 : memref<!tpu.dma_semaphore, #tpu.memory_space<semaphore_mem>>) src(%arg7 : memref<128x8xf32, #tpu.memory_space<vmem>>) dst(%dma_wait3A_99 : memref<50176x8xf32, #tpu.memory_space<vmem_shared>>)
      %dma_wait3A_100 = arith.constant 4 : i32
      %dma_wait3A_101 = arith.constant 0 : i32
      %dma_wait3A_102 = tpu.memref_slice %arg6[%dma_wait3A_100, %dma_wait3A_101] : memref<8x128xi32, #tpu.memory_space<vmem>> -> memref<1x128xi32, #tpu.memory_space<vmem>>
      %dma_wait3A_103 = tpu.memref_squeeze %dma_wait3A_102 : memref<1x128xi32, #tpu.memory_space<vmem>> -> memref<128xi32, #tpu.memory_space<vmem>>
      %dma_wait3A_104 = arith.constant 0 : i32
      %dma_wait3A_105 = arith.constant 0 : i32
      %dma_wait3A_106 = tpu.memref_slice %arg8[%dma_wait3A_104, %dma_wait3A_105] : memref<50176x8xf32, #tpu.memory_space<vmem_shared>> -> memref<50176x8xf32, #tpu.memory_space<vmem_shared>>
      tpu.wait_indirect_dma semaphore(%arg9 : memref<!tpu.dma_semaphore, #tpu.memory_space<semaphore_mem>>) src(%arg7 : memref<128x8xf32, #tpu.memory_space<vmem>>) dst(%dma_wait3A_106 : memref<50176x8xf32, #tpu.memory_space<vmem_shared>>)
      %dma_wait3A_107 = arith.constant 5 : i32
      %dma_wait3A_108 = arith.constant 0 : i32
      %dma_wait3A_109 = tpu.memref_slice %arg6[%dma_wait3A_107, %dma_wait3A_108] : memref<8x128xi32, #tpu.memory_space<vmem>> -> memref<1x128xi32, #tpu.memory_space<vmem>>
      %dma_wait3A_110 = tpu.memref_squeeze %dma_wait3A_109 : memref<1x128xi32, #tpu.memory_space<vmem>> -> memref<128xi32, #tpu.memory_space<vmem>>
      %dma_wait3A_111 = arith.constant 0 : i32
      %dma_wait3A_112 = arith.constant 0 : i32
      %dma_wait3A_113 = tpu.memref_slice %arg8[%dma_wait3A_111, %dma_wait3A_112] : memref<50176x8xf32, #tpu.memory_space<vmem_shared>> -> memref<50176x8xf32, #tpu.memory_space<vmem_shared>>
      tpu.wait_indirect_dma semaphore(%arg9 : memref<!tpu.dma_semaphore, #tpu.memory_space<semaphore_mem>>) src(%arg7 : memref<128x8xf32, #tpu.memory_space<vmem>>) dst(%dma_wait3A_113 : memref<50176x8xf32, #tpu.memory_space<vmem_shared>>)
      %dma_wait3A_114 = arith.constant 6 : i32
      %dma_wait3A_115 = arith.constant 0 : i32
      %dma_wait3A_116 = tpu.memref_slice %arg6[%dma_wait3A_114, %dma_wait3A_115] : memref<8x128xi32, #tpu.memory_space<vmem>> -> memref<1x128xi32, #tpu.memory_space<vmem>>
      %dma_wait3A_117 = tpu.memref_squeeze %dma_wait3A_116 : memref<1x128xi32, #tpu.memory_space<vmem>> -> memref<128xi32, #tpu.memory_space<vmem>>
      %dma_wait3A_118 = arith.constant 0 : i32
      %dma_wait3A_119 = arith.constant 0 : i32
      %dma_wait3A_120 = tpu.memref_slice %arg8[%dma_wait3A_118, %dma_wait3A_119] : memref<50176x8xf32, #tpu.memory_space<vmem_shared>> -> memref<50176x8xf32, #tpu.memory_space<vmem_shared>>
      tpu.wait_indirect_dma semaphore(%arg9 : memref<!tpu.dma_semaphore, #tpu.memory_space<semaphore_mem>>) src(%arg7 : memref<128x8xf32, #tpu.memory_space<vmem>>) dst(%dma_wait3A_120 : memref<50176x8xf32, #tpu.memory_space<vmem_shared>>)
      %dma_wait3A_121 = arith.constant 7 : i32
      %dma_wait3A_122 = arith.constant 0 : i32
      %dma_wait3A_123 = tpu.memref_slice %arg6[%dma_wait3A_121, %dma_wait3A_122] : memref<8x128xi32, #tpu.memory_space<vmem>> -> memref<1x128xi32, #tpu.memory_space<vmem>>
      %dma_wait3A_124 = tpu.memref_squeeze %dma_wait3A_123 : memref<1x128xi32, #tpu.memory_space<vmem>> -> memref<128xi32, #tpu.memory_space<vmem>>
      %dma_wait3A_125 = arith.constant 0 : i32
      %dma_wait3A_126 = arith.constant 0 : i32
      %dma_wait3A_127 = tpu.memref_slice %arg8[%dma_wait3A_125, %dma_wait3A_126] : memref<50176x8xf32, #tpu.memory_space<vmem_shared>> -> memref<50176x8xf32, #tpu.memory_space<vmem_shared>>
      tpu.wait_indirect_dma semaphore(%arg9 : memref<!tpu.dma_semaphore, #tpu.memory_space<semaphore_mem>>) src(%arg7 : memref<128x8xf32, #tpu.memory_space<vmem>>) dst(%dma_wait3A_127 : memref<50176x8xf32, #tpu.memory_space<vmem_shared>>)
    }
    %scan3A_4 = arith.constant 25 : i32
    %barrier3A_5 = arith.constant 0 : index
    tpu.barrier barrier_id(%barrier3A_5)
    %mul3A_6 = arith.constant 3136 : i32
    %mul3A_7 = arith.muli %arg1, %mul3A_6 : i32
    "tpu.region"() ({
      %run_scoped3A = tpu.sem_alloc : memref<!tpu.dma_semaphore, #tpu.memory_space<semaphore_mem>>
      %dma_start3A = arith.constant 0 : i32
      %dma_start3A_8 = tpu.memref_slice %arg5[%arg0, %mul3A_7, %dma_start3A] : memref<2x50176x8xf32, #tpu.memory_space<hbm>> -> memref<1x3136x8xf32, #tpu.memory_space<hbm>>
      %dma_start3A_9 = tpu.memref_squeeze %dma_start3A_8 : memref<1x3136x8xf32, #tpu.memory_space<hbm>> -> memref<3136x8xf32, #tpu.memory_space<hbm>>
      %dma_start3A_10 = arith.constant 0 : i32
      %dma_start3A_11 = tpu.memref_slice %arg8[%mul3A_7, %dma_start3A_10] : memref<50176x8xf32, #tpu.memory_space<vmem_shared>> -> memref<3136x8xf32, #tpu.memory_space<vmem_shared>>
      tpu.enqueue_dma source(%dma_start3A_11 : memref<3136x8xf32, #tpu.memory_space<vmem_shared>>) target(%dma_start3A_9 : memref<3136x8xf32, #tpu.memory_space<hbm>>) target_semaphore(%run_scoped3A : memref<!tpu.dma_semaphore, #tpu.memory_space<semaphore_mem>>)
      %dma_wait3A = arith.constant 0 : i32
      %dma_wait3A_12 = tpu.memref_slice %arg5[%arg0, %mul3A_7, %dma_wait3A] : memref<2x50176x8xf32, #tpu.memory_space<hbm>> -> memref<1x3136x8xf32, #tpu.memory_space<hbm>>
      %dma_wait3A_13 = tpu.memref_squeeze %dma_wait3A_12 : memref<1x3136x8xf32, #tpu.memory_space<hbm>> -> memref<3136x8xf32, #tpu.memory_space<hbm>>
      %dma_wait3A_14 = arith.constant 0 : i32
      %dma_wait3A_15 = tpu.memref_slice %arg8[%mul3A_7, %dma_wait3A_14] : memref<50176x8xf32, #tpu.memory_space<vmem_shared>> -> memref<3136x8xf32, #tpu.memory_space<vmem_shared>>
      tpu.wait_dma2 semaphore(%run_scoped3A : memref<!tpu.dma_semaphore, #tpu.memory_space<semaphore_mem>>) src(%dma_wait3A_15 : memref<3136x8xf32, #tpu.memory_space<vmem_shared>>) dst(%dma_wait3A_13 : memref<3136x8xf32, #tpu.memory_space<hbm>>)
      tpu.yield
    }) : () -> ()
    return
  }
}

#map = affine_map<(d0, d1) -> (0, 0)>
#map1 = affine_map<(d0, d1) -> (0, 0, 0)>
module attributes {stable_mosaic.version = 14 : i64} {
  func.func @body(%arg0: i32, %arg1: i32, %arg2: memref<50000x64xbf16, #tpu.memory_space<hbm>>, %arg3: memref<2112x2x384xi32, #tpu.memory_space<hbm>>, %arg4: memref<3136x64xbf16, #tpu.memory_space<hbm>>, %arg5: memref<2x50176x64xbf16, #tpu.memory_space<hbm>>, %arg6: memref<2x2x384xi32, #tpu.memory_space<vmem>>, %arg7: memref<2x384x64xbf16, #tpu.memory_space<vmem>>, %arg8: memref<50176x64xbf16, #tpu.memory_space<vmem_shared>>, %arg9: memref<!tpu.dma_semaphore, #tpu.memory_space<semaphore_mem>>, %arg10: memref<!tpu.dma_semaphore, #tpu.memory_space<semaphore_mem>>, %arg11: memref<!tpu.dma_semaphore, #tpu.memory_space<semaphore_mem>>, %arg12: memref<!tpu.dma_semaphore, #tpu.memory_space<semaphore_mem>>) attributes {dimension_semantics = [#tpu.dimension_semantics<core_parallel>, #tpu.dimension_semantics<subcore_parallel>], iteration_bounds = array<i64: 2, 16>, scalar_prefetch = 0 : i64, scratch_operands = 7 : i64, tpu.core_type = #tpu.core_type<sc_vector_subcore>, window_params = [{transform_indices = #map}, {transform_indices = #map1}, {transform_indices = #map}, {transform_indices = #map1}]} {
    %mul3A = arith.constant 3136 : i32
    %mul3A_0 = arith.muli %arg1, %mul3A : i32
    "tpu.region"() ({
      %run_scoped3A_36 = tpu.sem_alloc : memref<!tpu.dma_semaphore, #tpu.memory_space<semaphore_mem>>
      %dma_start3A_37 = arith.constant 0 : i32
      %dma_start3A_38 = tpu.memref_slice %arg8[%mul3A_0, %dma_start3A_37] : memref<50176x64xbf16, #tpu.memory_space<vmem_shared>> -> memref<3136x64xbf16, #tpu.memory_space<vmem_shared>>
      tpu.enqueue_dma source(%arg4 : memref<3136x64xbf16, #tpu.memory_space<hbm>>) target(%dma_start3A_38 : memref<3136x64xbf16, #tpu.memory_space<vmem_shared>>) target_semaphore(%run_scoped3A_36 : memref<!tpu.dma_semaphore, #tpu.memory_space<semaphore_mem>>)
      %dma_wait3A_39 = arith.constant 0 : i32
      %dma_wait3A_40 = tpu.memref_slice %arg8[%mul3A_0, %dma_wait3A_39] : memref<50176x64xbf16, #tpu.memory_space<vmem_shared>> -> memref<3136x64xbf16, #tpu.memory_space<vmem_shared>>
      tpu.wait_dma2 semaphore(%run_scoped3A_36 : memref<!tpu.dma_semaphore, #tpu.memory_space<semaphore_mem>>) src(%arg4 : memref<3136x64xbf16, #tpu.memory_space<hbm>>) dst(%dma_wait3A_40 : memref<3136x64xbf16, #tpu.memory_space<vmem_shared>>)
      tpu.yield
    }) : () -> ()
    %mul3A_1 = arith.constant 16 : i32
    %mul3A_2 = arith.muli %arg0, %mul3A_1 : i32
    %add3A = arith.addi %mul3A_2, %arg1 : i32
    %mul3A_3 = arith.constant 66 : i32
    %mul3A_4 = arith.muli %add3A, %mul3A_3 : i32
    %run_scoped3A = arith.constant 0 : i32
    "tpu.region"() ({
      %run_scoped3A_36 = tpu.sem_alloc : memref<!tpu.dma_semaphore, #tpu.memory_space<semaphore_mem>>
      %dma_start3A_37 = arith.constant 0 : i32
      %dma_start3A_38 = arith.constant 0 : i32
      %dma_start3A_39 = tpu.memref_slice %arg6[%run_scoped3A, %dma_start3A_37, %dma_start3A_38] : memref<2x2x384xi32, #tpu.memory_space<vmem>> -> memref<1x2x384xi32, #tpu.memory_space<vmem>>
      %dma_start3A_40 = tpu.memref_squeeze %dma_start3A_39 : memref<1x2x384xi32, #tpu.memory_space<vmem>> -> memref<2x384xi32, #tpu.memory_space<vmem>>
      %dma_start3A_41 = arith.constant 0 : i32
      %dma_start3A_42 = arith.constant 0 : i32
      %dma_start3A_43 = tpu.memref_slice %arg3[%mul3A_4, %dma_start3A_41, %dma_start3A_42] : memref<2112x2x384xi32, #tpu.memory_space<hbm>> -> memref<1x2x384xi32, #tpu.memory_space<hbm>>
      %dma_start3A_44 = tpu.memref_squeeze %dma_start3A_43 : memref<1x2x384xi32, #tpu.memory_space<hbm>> -> memref<2x384xi32, #tpu.memory_space<hbm>>
      %dma_start3A_45 = arith.constant 0 : i32
      %dma_start3A_46 = arith.constant 0 : i32
      %dma_start3A_47 = tpu.memref_slice %arg6[%run_scoped3A, %dma_start3A_45, %dma_start3A_46] : memref<2x2x384xi32, #tpu.memory_space<vmem>> -> memref<1x2x384xi32, #tpu.memory_space<vmem>>
      %dma_start3A_48 = tpu.memref_squeeze %dma_start3A_47 : memref<1x2x384xi32, #tpu.memory_space<vmem>> -> memref<2x384xi32, #tpu.memory_space<vmem>>
      %dma_start3A_49 = arith.constant 0 : i32
      %dma_start3A_50 = arith.constant 0 : i32
      %dma_start3A_51 = tpu.memref_slice %arg3[%mul3A_4, %dma_start3A_49, %dma_start3A_50] : memref<2112x2x384xi32, #tpu.memory_space<hbm>> -> memref<1x2x384xi32, #tpu.memory_space<hbm>>
      %dma_start3A_52 = tpu.memref_squeeze %dma_start3A_51 : memref<1x2x384xi32, #tpu.memory_space<hbm>> -> memref<2x384xi32, #tpu.memory_space<hbm>>
      tpu.enqueue_dma source(%dma_start3A_52 : memref<2x384xi32, #tpu.memory_space<hbm>>) target(%dma_start3A_48 : memref<2x384xi32, #tpu.memory_space<vmem>>) target_semaphore(%run_scoped3A_36 : memref<!tpu.dma_semaphore, #tpu.memory_space<semaphore_mem>>)
      %dma_wait3A_53 = arith.constant 0 : i32
      %dma_wait3A_54 = arith.constant 0 : i32
      %dma_wait3A_55 = tpu.memref_slice %arg6[%run_scoped3A, %dma_wait3A_53, %dma_wait3A_54] : memref<2x2x384xi32, #tpu.memory_space<vmem>> -> memref<1x2x384xi32, #tpu.memory_space<vmem>>
      %dma_wait3A_56 = tpu.memref_squeeze %dma_wait3A_55 : memref<1x2x384xi32, #tpu.memory_space<vmem>> -> memref<2x384xi32, #tpu.memory_space<vmem>>
      %dma_wait3A_57 = arith.constant 0 : i32
      %dma_wait3A_58 = arith.constant 0 : i32
      %dma_wait3A_59 = tpu.memref_slice %arg3[%mul3A_4, %dma_wait3A_57, %dma_wait3A_58] : memref<2112x2x384xi32, #tpu.memory_space<hbm>> -> memref<1x2x384xi32, #tpu.memory_space<hbm>>
      %dma_wait3A_60 = tpu.memref_squeeze %dma_wait3A_59 : memref<1x2x384xi32, #tpu.memory_space<hbm>> -> memref<2x384xi32, #tpu.memory_space<hbm>>
      %dma_wait3A_61 = arith.constant 0 : i32
      %dma_wait3A_62 = arith.constant 0 : i32
      %dma_wait3A_63 = tpu.memref_slice %arg6[%run_scoped3A, %dma_wait3A_61, %dma_wait3A_62] : memref<2x2x384xi32, #tpu.memory_space<vmem>> -> memref<1x2x384xi32, #tpu.memory_space<vmem>>
      %dma_wait3A_64 = tpu.memref_squeeze %dma_wait3A_63 : memref<1x2x384xi32, #tpu.memory_space<vmem>> -> memref<2x384xi32, #tpu.memory_space<vmem>>
      %dma_wait3A_65 = arith.constant 0 : i32
      %dma_wait3A_66 = arith.constant 0 : i32
      %dma_wait3A_67 = tpu.memref_slice %arg3[%mul3A_4, %dma_wait3A_65, %dma_wait3A_66] : memref<2112x2x384xi32, #tpu.memory_space<hbm>> -> memref<1x2x384xi32, #tpu.memory_space<hbm>>
      %dma_wait3A_68 = tpu.memref_squeeze %dma_wait3A_67 : memref<1x2x384xi32, #tpu.memory_space<hbm>> -> memref<2x384xi32, #tpu.memory_space<hbm>>
      tpu.wait_dma2 semaphore(%run_scoped3A_36 : memref<!tpu.dma_semaphore, #tpu.memory_space<semaphore_mem>>) src(%dma_wait3A_68 : memref<2x384xi32, #tpu.memory_space<hbm>>) dst(%dma_wait3A_64 : memref<2x384xi32, #tpu.memory_space<vmem>>)
      tpu.yield
    }) : () -> ()
    %dma_start3A = arith.constant 0 : i32
    %dma_start3A_5 = arith.constant 0 : i32
    %dma_start3A_6 = arith.constant 0 : i32
    %dma_start3A_7 = arith.constant 0 : i32
    %dma_start3A_8 = arith.constant 0 : i32
    %dma_start3A_9 = tpu.memref_slice %arg7[%dma_start3A_6, %dma_start3A_7, %dma_start3A_8] : memref<2x384x64xbf16, #tpu.memory_space<vmem>> -> memref<1x384x64xbf16, #tpu.memory_space<vmem>>
    %dma_start3A_10 = tpu.memref_squeeze %dma_start3A_9 : memref<1x384x64xbf16, #tpu.memory_space<vmem>> -> memref<384x64xbf16, #tpu.memory_space<vmem>>
    %dma_start3A_11 = arith.constant 0 : i32
    %dma_start3A_12 = tpu.memref_slice %arg6[%dma_start3A, %dma_start3A_5, %dma_start3A_11] : memref<2x2x384xi32, #tpu.memory_space<vmem>> -> memref<1x1x384xi32, #tpu.memory_space<vmem>>
    %dma_start3A_13 = tpu.memref_squeeze %dma_start3A_12 : memref<1x1x384xi32, #tpu.memory_space<vmem>> -> memref<384xi32, #tpu.memory_space<vmem>>
    %dma_start3A_14 = arith.constant 0 : i32
    %dma_start3A_15 = arith.constant 0 : i32
    %dma_start3A_16 = tpu.memref_slice %arg2[%dma_start3A_14, %dma_start3A_15] : memref<50000x64xbf16, #tpu.memory_space<hbm>> -> memref<50000x64xbf16, #tpu.memory_space<hbm>>
    tpu.enqueue_indirect_dma source(%dma_start3A_16 : memref<50000x64xbf16, #tpu.memory_space<hbm>>) target(%dma_start3A_10 : memref<384x64xbf16, #tpu.memory_space<vmem>>) offsets(%dma_start3A_13 : memref<384xi32, #tpu.memory_space<vmem>>) semaphore(%arg9 : memref<!tpu.dma_semaphore, #tpu.memory_space<semaphore_mem>>)
    %barrier3A = arith.constant 0 : index
    tpu.barrier barrier_id(%barrier3A)
    %scan3A = arith.constant 0 : i32
    %scan3A_17 = arith.constant 33 : i32
    %scan3A_18 = arith.addi %scan3A, %scan3A_17 : i32
    %scan3A_19 = arith.constant 1 : i32
    scf.for %scan3A_36 = %scan3A to %scan3A_18 step %scan3A_19  : i32 {
      %dma_wait3A_37 = arith.constant 0 : i32
      %dma_wait3A_38 = arith.constant 0 : i32
      %dma_wait3A_39 = arith.constant 0 : i32
      %dma_wait3A_40 = arith.constant 0 : i32
      %dma_wait3A_41 = arith.constant 0 : i32
      %dma_wait3A_42 = tpu.memref_slice %arg7[%dma_wait3A_39, %dma_wait3A_40, %dma_wait3A_41] : memref<2x384x64xbf16, #tpu.memory_space<vmem>> -> memref<1x384x64xbf16, #tpu.memory_space<vmem>>
      %dma_wait3A_43 = tpu.memref_squeeze %dma_wait3A_42 : memref<1x384x64xbf16, #tpu.memory_space<vmem>> -> memref<384x64xbf16, #tpu.memory_space<vmem>>
      %dma_wait3A_44 = arith.constant 0 : i32
      %dma_wait3A_45 = tpu.memref_slice %arg6[%dma_wait3A_37, %dma_wait3A_38, %dma_wait3A_44] : memref<2x2x384xi32, #tpu.memory_space<vmem>> -> memref<1x1x384xi32, #tpu.memory_space<vmem>>
      %dma_wait3A_46 = tpu.memref_squeeze %dma_wait3A_45 : memref<1x1x384xi32, #tpu.memory_space<vmem>> -> memref<384xi32, #tpu.memory_space<vmem>>
      %dma_wait3A_47 = arith.constant 0 : i32
      %dma_wait3A_48 = arith.constant 0 : i32
      %dma_wait3A_49 = tpu.memref_slice %arg2[%dma_wait3A_47, %dma_wait3A_48] : memref<50000x64xbf16, #tpu.memory_space<hbm>> -> memref<50000x64xbf16, #tpu.memory_space<hbm>>
      tpu.wait_indirect_dma semaphore(%arg9 : memref<!tpu.dma_semaphore, #tpu.memory_space<semaphore_mem>>) src(%dma_wait3A_49 : memref<50000x64xbf16, #tpu.memory_space<hbm>>) dst(%dma_wait3A_43 : memref<384x64xbf16, #tpu.memory_space<vmem>>)
      %gt3A = arith.constant 0 : i32
      %gt3A_50 = arith.cmpi sgt, %scan3A_36, %gt3A : i32
      %convert_element_type3A = arith.extui %gt3A_50 : i1 to i32
      %cond3A = arith.constant 0 : i32
      %cond3A_51 = arith.cmpi ne, %convert_element_type3A, %cond3A : i32
      scf.if %cond3A_51 {
        %dma_wait3A_127 = arith.constant 1 : i32
        %dma_wait3A_128 = arith.constant 1 : i32
        %dma_wait3A_129 = arith.constant 1 : i32
        %dma_wait3A_130 = arith.constant 0 : i32
        %dma_wait3A_131 = arith.constant 0 : i32
        %dma_wait3A_132 = tpu.memref_slice %arg7[%dma_wait3A_127, %dma_wait3A_130, %dma_wait3A_131] : memref<2x384x64xbf16, #tpu.memory_space<vmem>> -> memref<1x384x64xbf16, #tpu.memory_space<vmem>>
        %dma_wait3A_133 = tpu.memref_squeeze %dma_wait3A_132 : memref<1x384x64xbf16, #tpu.memory_space<vmem>> -> memref<384x64xbf16, #tpu.memory_space<vmem>>
        %dma_wait3A_134 = arith.constant 0 : i32
        %dma_wait3A_135 = tpu.memref_slice %arg6[%dma_wait3A_128, %dma_wait3A_129, %dma_wait3A_134] : memref<2x2x384xi32, #tpu.memory_space<vmem>> -> memref<1x1x384xi32, #tpu.memory_space<vmem>>
        %dma_wait3A_136 = tpu.memref_squeeze %dma_wait3A_135 : memref<1x1x384xi32, #tpu.memory_space<vmem>> -> memref<384xi32, #tpu.memory_space<vmem>>
        %dma_wait3A_137 = arith.constant 0 : i32
        %dma_wait3A_138 = arith.constant 0 : i32
        %dma_wait3A_139 = tpu.memref_slice %arg8[%dma_wait3A_137, %dma_wait3A_138] : memref<50176x64xbf16, #tpu.memory_space<vmem_shared>> -> memref<50176x64xbf16, #tpu.memory_space<vmem_shared>>
        tpu.wait_indirect_dma semaphore(%arg12 : memref<!tpu.dma_semaphore, #tpu.memory_space<semaphore_mem>>) src(%dma_wait3A_133 : memref<384x64xbf16, #tpu.memory_space<vmem>>) dst(%dma_wait3A_139 : memref<50176x64xbf16, #tpu.memory_space<vmem_shared>>)
      } else {
      }
      %dma_start3A_52 = arith.constant 0 : i32
      %dma_start3A_53 = arith.constant 0 : i32
      %dma_start3A_54 = arith.constant 1 : i32
      %dma_start3A_55 = arith.constant 0 : i32
      %dma_start3A_56 = arith.constant 0 : i32
      %dma_start3A_57 = tpu.memref_slice %arg7[%dma_start3A_52, %dma_start3A_55, %dma_start3A_56] : memref<2x384x64xbf16, #tpu.memory_space<vmem>> -> memref<1x384x64xbf16, #tpu.memory_space<vmem>>
      %dma_start3A_58 = tpu.memref_squeeze %dma_start3A_57 : memref<1x384x64xbf16, #tpu.memory_space<vmem>> -> memref<384x64xbf16, #tpu.memory_space<vmem>>
      %dma_start3A_59 = arith.constant 0 : i32
      %dma_start3A_60 = tpu.memref_slice %arg6[%dma_start3A_53, %dma_start3A_54, %dma_start3A_59] : memref<2x2x384xi32, #tpu.memory_space<vmem>> -> memref<1x1x384xi32, #tpu.memory_space<vmem>>
      %dma_start3A_61 = tpu.memref_squeeze %dma_start3A_60 : memref<1x1x384xi32, #tpu.memory_space<vmem>> -> memref<384xi32, #tpu.memory_space<vmem>>
      %dma_start3A_62 = arith.constant 0 : i32
      %dma_start3A_63 = arith.constant 0 : i32
      %dma_start3A_64 = tpu.memref_slice %arg8[%dma_start3A_62, %dma_start3A_63] : memref<50176x64xbf16, #tpu.memory_space<vmem_shared>> -> memref<50176x64xbf16, #tpu.memory_space<vmem_shared>>
      tpu.enqueue_indirect_dma source(%dma_start3A_58 : memref<384x64xbf16, #tpu.memory_space<vmem>>) target(%dma_start3A_64 : memref<50176x64xbf16, #tpu.memory_space<vmem_shared>>) offsets(%dma_start3A_61 : memref<384xi32, #tpu.memory_space<vmem>>) semaphore(%arg11 : memref<!tpu.dma_semaphore, #tpu.memory_space<semaphore_mem>>) {add = true}
      %mul3A_65 = arith.constant 2 : i32
      %mul3A_66 = arith.muli %mul3A_65, %scan3A_36 : i32
      %add3A_67 = arith.addi %mul3A_4, %mul3A_66 : i32
      %add3A_68 = arith.constant 1 : i32
      %add3A_69 = arith.addi %add3A_67, %add3A_68 : i32
      %run_scoped3A_70 = arith.constant 1 : i32
      "tpu.region"() ({
        %run_scoped3A_127 = tpu.sem_alloc : memref<!tpu.dma_semaphore, #tpu.memory_space<semaphore_mem>>
        %dma_start3A_128 = arith.constant 0 : i32
        %dma_start3A_129 = arith.constant 0 : i32
        %dma_start3A_130 = tpu.memref_slice %arg6[%run_scoped3A_70, %dma_start3A_128, %dma_start3A_129] : memref<2x2x384xi32, #tpu.memory_space<vmem>> -> memref<1x2x384xi32, #tpu.memory_space<vmem>>
        %dma_start3A_131 = tpu.memref_squeeze %dma_start3A_130 : memref<1x2x384xi32, #tpu.memory_space<vmem>> -> memref<2x384xi32, #tpu.memory_space<vmem>>
        %dma_start3A_132 = arith.constant 0 : i32
        %dma_start3A_133 = arith.constant 0 : i32
        %dma_start3A_134 = tpu.memref_slice %arg3[%add3A_69, %dma_start3A_132, %dma_start3A_133] : memref<2112x2x384xi32, #tpu.memory_space<hbm>> -> memref<1x2x384xi32, #tpu.memory_space<hbm>>
        %dma_start3A_135 = tpu.memref_squeeze %dma_start3A_134 : memref<1x2x384xi32, #tpu.memory_space<hbm>> -> memref<2x384xi32, #tpu.memory_space<hbm>>
        %dma_start3A_136 = arith.constant 0 : i32
        %dma_start3A_137 = arith.constant 0 : i32
        %dma_start3A_138 = tpu.memref_slice %arg6[%run_scoped3A_70, %dma_start3A_136, %dma_start3A_137] : memref<2x2x384xi32, #tpu.memory_space<vmem>> -> memref<1x2x384xi32, #tpu.memory_space<vmem>>
        %dma_start3A_139 = tpu.memref_squeeze %dma_start3A_138 : memref<1x2x384xi32, #tpu.memory_space<vmem>> -> memref<2x384xi32, #tpu.memory_space<vmem>>
        %dma_start3A_140 = arith.constant 0 : i32
        %dma_start3A_141 = arith.constant 0 : i32
        %dma_start3A_142 = tpu.memref_slice %arg3[%add3A_69, %dma_start3A_140, %dma_start3A_141] : memref<2112x2x384xi32, #tpu.memory_space<hbm>> -> memref<1x2x384xi32, #tpu.memory_space<hbm>>
        %dma_start3A_143 = tpu.memref_squeeze %dma_start3A_142 : memref<1x2x384xi32, #tpu.memory_space<hbm>> -> memref<2x384xi32, #tpu.memory_space<hbm>>
        tpu.enqueue_dma source(%dma_start3A_143 : memref<2x384xi32, #tpu.memory_space<hbm>>) target(%dma_start3A_139 : memref<2x384xi32, #tpu.memory_space<vmem>>) target_semaphore(%run_scoped3A_127 : memref<!tpu.dma_semaphore, #tpu.memory_space<semaphore_mem>>)
        %dma_wait3A_144 = arith.constant 0 : i32
        %dma_wait3A_145 = arith.constant 0 : i32
        %dma_wait3A_146 = tpu.memref_slice %arg6[%run_scoped3A_70, %dma_wait3A_144, %dma_wait3A_145] : memref<2x2x384xi32, #tpu.memory_space<vmem>> -> memref<1x2x384xi32, #tpu.memory_space<vmem>>
        %dma_wait3A_147 = tpu.memref_squeeze %dma_wait3A_146 : memref<1x2x384xi32, #tpu.memory_space<vmem>> -> memref<2x384xi32, #tpu.memory_space<vmem>>
        %dma_wait3A_148 = arith.constant 0 : i32
        %dma_wait3A_149 = arith.constant 0 : i32
        %dma_wait3A_150 = tpu.memref_slice %arg3[%add3A_69, %dma_wait3A_148, %dma_wait3A_149] : memref<2112x2x384xi32, #tpu.memory_space<hbm>> -> memref<1x2x384xi32, #tpu.memory_space<hbm>>
        %dma_wait3A_151 = tpu.memref_squeeze %dma_wait3A_150 : memref<1x2x384xi32, #tpu.memory_space<hbm>> -> memref<2x384xi32, #tpu.memory_space<hbm>>
        %dma_wait3A_152 = arith.constant 0 : i32
        %dma_wait3A_153 = arith.constant 0 : i32
        %dma_wait3A_154 = tpu.memref_slice %arg6[%run_scoped3A_70, %dma_wait3A_152, %dma_wait3A_153] : memref<2x2x384xi32, #tpu.memory_space<vmem>> -> memref<1x2x384xi32, #tpu.memory_space<vmem>>
        %dma_wait3A_155 = tpu.memref_squeeze %dma_wait3A_154 : memref<1x2x384xi32, #tpu.memory_space<vmem>> -> memref<2x384xi32, #tpu.memory_space<vmem>>
        %dma_wait3A_156 = arith.constant 0 : i32
        %dma_wait3A_157 = arith.constant 0 : i32
        %dma_wait3A_158 = tpu.memref_slice %arg3[%add3A_69, %dma_wait3A_156, %dma_wait3A_157] : memref<2112x2x384xi32, #tpu.memory_space<hbm>> -> memref<1x2x384xi32, #tpu.memory_space<hbm>>
        %dma_wait3A_159 = tpu.memref_squeeze %dma_wait3A_158 : memref<1x2x384xi32, #tpu.memory_space<hbm>> -> memref<2x384xi32, #tpu.memory_space<hbm>>
        tpu.wait_dma2 semaphore(%run_scoped3A_127 : memref<!tpu.dma_semaphore, #tpu.memory_space<semaphore_mem>>) src(%dma_wait3A_159 : memref<2x384xi32, #tpu.memory_space<hbm>>) dst(%dma_wait3A_155 : memref<2x384xi32, #tpu.memory_space<vmem>>)
        tpu.yield
      }) : () -> ()
      %dma_start3A_71 = arith.constant 1 : i32
      %dma_start3A_72 = arith.constant 0 : i32
      %dma_start3A_73 = arith.constant 1 : i32
      %dma_start3A_74 = arith.constant 0 : i32
      %dma_start3A_75 = arith.constant 0 : i32
      %dma_start3A_76 = tpu.memref_slice %arg7[%dma_start3A_73, %dma_start3A_74, %dma_start3A_75] : memref<2x384x64xbf16, #tpu.memory_space<vmem>> -> memref<1x384x64xbf16, #tpu.memory_space<vmem>>
      %dma_start3A_77 = tpu.memref_squeeze %dma_start3A_76 : memref<1x384x64xbf16, #tpu.memory_space<vmem>> -> memref<384x64xbf16, #tpu.memory_space<vmem>>
      %dma_start3A_78 = arith.constant 0 : i32
      %dma_start3A_79 = tpu.memref_slice %arg6[%dma_start3A_71, %dma_start3A_72, %dma_start3A_78] : memref<2x2x384xi32, #tpu.memory_space<vmem>> -> memref<1x1x384xi32, #tpu.memory_space<vmem>>
      %dma_start3A_80 = tpu.memref_squeeze %dma_start3A_79 : memref<1x1x384xi32, #tpu.memory_space<vmem>> -> memref<384xi32, #tpu.memory_space<vmem>>
      %dma_start3A_81 = arith.constant 0 : i32
      %dma_start3A_82 = arith.constant 0 : i32
      %dma_start3A_83 = tpu.memref_slice %arg2[%dma_start3A_81, %dma_start3A_82] : memref<50000x64xbf16, #tpu.memory_space<hbm>> -> memref<50000x64xbf16, #tpu.memory_space<hbm>>
      tpu.enqueue_indirect_dma source(%dma_start3A_83 : memref<50000x64xbf16, #tpu.memory_space<hbm>>) target(%dma_start3A_77 : memref<384x64xbf16, #tpu.memory_space<vmem>>) offsets(%dma_start3A_80 : memref<384xi32, #tpu.memory_space<vmem>>) semaphore(%arg10 : memref<!tpu.dma_semaphore, #tpu.memory_space<semaphore_mem>>)
      %dma_wait3A_84 = arith.constant 1 : i32
      %dma_wait3A_85 = arith.constant 0 : i32
      %dma_wait3A_86 = arith.constant 1 : i32
      %dma_wait3A_87 = arith.constant 0 : i32
      %dma_wait3A_88 = arith.constant 0 : i32
      %dma_wait3A_89 = tpu.memref_slice %arg7[%dma_wait3A_86, %dma_wait3A_87, %dma_wait3A_88] : memref<2x384x64xbf16, #tpu.memory_space<vmem>> -> memref<1x384x64xbf16, #tpu.memory_space<vmem>>
      %dma_wait3A_90 = tpu.memref_squeeze %dma_wait3A_89 : memref<1x384x64xbf16, #tpu.memory_space<vmem>> -> memref<384x64xbf16, #tpu.memory_space<vmem>>
      %dma_wait3A_91 = arith.constant 0 : i32
      %dma_wait3A_92 = tpu.memref_slice %arg6[%dma_wait3A_84, %dma_wait3A_85, %dma_wait3A_91] : memref<2x2x384xi32, #tpu.memory_space<vmem>> -> memref<1x1x384xi32, #tpu.memory_space<vmem>>
      %dma_wait3A_93 = tpu.memref_squeeze %dma_wait3A_92 : memref<1x1x384xi32, #tpu.memory_space<vmem>> -> memref<384xi32, #tpu.memory_space<vmem>>
      %dma_wait3A_94 = arith.constant 0 : i32
      %dma_wait3A_95 = arith.constant 0 : i32
      %dma_wait3A_96 = tpu.memref_slice %arg2[%dma_wait3A_94, %dma_wait3A_95] : memref<50000x64xbf16, #tpu.memory_space<hbm>> -> memref<50000x64xbf16, #tpu.memory_space<hbm>>
      tpu.wait_indirect_dma semaphore(%arg10 : memref<!tpu.dma_semaphore, #tpu.memory_space<semaphore_mem>>) src(%dma_wait3A_96 : memref<50000x64xbf16, #tpu.memory_space<hbm>>) dst(%dma_wait3A_90 : memref<384x64xbf16, #tpu.memory_space<vmem>>)
      %dma_wait3A_97 = arith.constant 0 : i32
      %dma_wait3A_98 = arith.constant 0 : i32
      %dma_wait3A_99 = arith.constant 1 : i32
      %dma_wait3A_100 = arith.constant 0 : i32
      %dma_wait3A_101 = arith.constant 0 : i32
      %dma_wait3A_102 = tpu.memref_slice %arg7[%dma_wait3A_97, %dma_wait3A_100, %dma_wait3A_101] : memref<2x384x64xbf16, #tpu.memory_space<vmem>> -> memref<1x384x64xbf16, #tpu.memory_space<vmem>>
      %dma_wait3A_103 = tpu.memref_squeeze %dma_wait3A_102 : memref<1x384x64xbf16, #tpu.memory_space<vmem>> -> memref<384x64xbf16, #tpu.memory_space<vmem>>
      %dma_wait3A_104 = arith.constant 0 : i32
      %dma_wait3A_105 = tpu.memref_slice %arg6[%dma_wait3A_98, %dma_wait3A_99, %dma_wait3A_104] : memref<2x2x384xi32, #tpu.memory_space<vmem>> -> memref<1x1x384xi32, #tpu.memory_space<vmem>>
      %dma_wait3A_106 = tpu.memref_squeeze %dma_wait3A_105 : memref<1x1x384xi32, #tpu.memory_space<vmem>> -> memref<384xi32, #tpu.memory_space<vmem>>
      %dma_wait3A_107 = arith.constant 0 : i32
      %dma_wait3A_108 = arith.constant 0 : i32
      %dma_wait3A_109 = tpu.memref_slice %arg8[%dma_wait3A_107, %dma_wait3A_108] : memref<50176x64xbf16, #tpu.memory_space<vmem_shared>> -> memref<50176x64xbf16, #tpu.memory_space<vmem_shared>>
      tpu.wait_indirect_dma semaphore(%arg11 : memref<!tpu.dma_semaphore, #tpu.memory_space<semaphore_mem>>) src(%dma_wait3A_103 : memref<384x64xbf16, #tpu.memory_space<vmem>>) dst(%dma_wait3A_109 : memref<50176x64xbf16, #tpu.memory_space<vmem_shared>>)
      %lt3A = arith.constant 32 : i32
      %lt3A_110 = arith.cmpi slt, %scan3A_36, %lt3A : i32
      %convert_element_type3A_111 = arith.extui %lt3A_110 : i1 to i32
      %cond3A_112 = arith.constant 0 : i32
      %cond3A_113 = arith.cmpi ne, %convert_element_type3A_111, %cond3A_112 : i32
      scf.if %cond3A_113 {
        %mul3A_127 = arith.constant 2 : i32
        %mul3A_128 = arith.muli %mul3A_127, %scan3A_36 : i32
        %add3A_129 = arith.addi %mul3A_4, %mul3A_128 : i32
        %add3A_130 = arith.constant 2 : i32
        %add3A_131 = arith.addi %add3A_129, %add3A_130 : i32
        %run_scoped3A_132 = arith.constant 0 : i32
        "tpu.region"() ({
          %run_scoped3A_146 = tpu.sem_alloc : memref<!tpu.dma_semaphore, #tpu.memory_space<semaphore_mem>>
          %dma_start3A_147 = arith.constant 0 : i32
          %dma_start3A_148 = arith.constant 0 : i32
          %dma_start3A_149 = tpu.memref_slice %arg6[%run_scoped3A_132, %dma_start3A_147, %dma_start3A_148] : memref<2x2x384xi32, #tpu.memory_space<vmem>> -> memref<1x2x384xi32, #tpu.memory_space<vmem>>
          %dma_start3A_150 = tpu.memref_squeeze %dma_start3A_149 : memref<1x2x384xi32, #tpu.memory_space<vmem>> -> memref<2x384xi32, #tpu.memory_space<vmem>>
          %dma_start3A_151 = arith.constant 0 : i32
          %dma_start3A_152 = arith.constant 0 : i32
          %dma_start3A_153 = tpu.memref_slice %arg3[%add3A_131, %dma_start3A_151, %dma_start3A_152] : memref<2112x2x384xi32, #tpu.memory_space<hbm>> -> memref<1x2x384xi32, #tpu.memory_space<hbm>>
          %dma_start3A_154 = tpu.memref_squeeze %dma_start3A_153 : memref<1x2x384xi32, #tpu.memory_space<hbm>> -> memref<2x384xi32, #tpu.memory_space<hbm>>
          %dma_start3A_155 = arith.constant 0 : i32
          %dma_start3A_156 = arith.constant 0 : i32
          %dma_start3A_157 = tpu.memref_slice %arg6[%run_scoped3A_132, %dma_start3A_155, %dma_start3A_156] : memref<2x2x384xi32, #tpu.memory_space<vmem>> -> memref<1x2x384xi32, #tpu.memory_space<vmem>>
          %dma_start3A_158 = tpu.memref_squeeze %dma_start3A_157 : memref<1x2x384xi32, #tpu.memory_space<vmem>> -> memref<2x384xi32, #tpu.memory_space<vmem>>
          %dma_start3A_159 = arith.constant 0 : i32
          %dma_start3A_160 = arith.constant 0 : i32
          %dma_start3A_161 = tpu.memref_slice %arg3[%add3A_131, %dma_start3A_159, %dma_start3A_160] : memref<2112x2x384xi32, #tpu.memory_space<hbm>> -> memref<1x2x384xi32, #tpu.memory_space<hbm>>
          %dma_start3A_162 = tpu.memref_squeeze %dma_start3A_161 : memref<1x2x384xi32, #tpu.memory_space<hbm>> -> memref<2x384xi32, #tpu.memory_space<hbm>>
          tpu.enqueue_dma source(%dma_start3A_162 : memref<2x384xi32, #tpu.memory_space<hbm>>) target(%dma_start3A_158 : memref<2x384xi32, #tpu.memory_space<vmem>>) target_semaphore(%run_scoped3A_146 : memref<!tpu.dma_semaphore, #tpu.memory_space<semaphore_mem>>)
          %dma_wait3A_163 = arith.constant 0 : i32
          %dma_wait3A_164 = arith.constant 0 : i32
          %dma_wait3A_165 = tpu.memref_slice %arg6[%run_scoped3A_132, %dma_wait3A_163, %dma_wait3A_164] : memref<2x2x384xi32, #tpu.memory_space<vmem>> -> memref<1x2x384xi32, #tpu.memory_space<vmem>>
          %dma_wait3A_166 = tpu.memref_squeeze %dma_wait3A_165 : memref<1x2x384xi32, #tpu.memory_space<vmem>> -> memref<2x384xi32, #tpu.memory_space<vmem>>
          %dma_wait3A_167 = arith.constant 0 : i32
          %dma_wait3A_168 = arith.constant 0 : i32
          %dma_wait3A_169 = tpu.memref_slice %arg3[%add3A_131, %dma_wait3A_167, %dma_wait3A_168] : memref<2112x2x384xi32, #tpu.memory_space<hbm>> -> memref<1x2x384xi32, #tpu.memory_space<hbm>>
          %dma_wait3A_170 = tpu.memref_squeeze %dma_wait3A_169 : memref<1x2x384xi32, #tpu.memory_space<hbm>> -> memref<2x384xi32, #tpu.memory_space<hbm>>
          %dma_wait3A_171 = arith.constant 0 : i32
          %dma_wait3A_172 = arith.constant 0 : i32
          %dma_wait3A_173 = tpu.memref_slice %arg6[%run_scoped3A_132, %dma_wait3A_171, %dma_wait3A_172] : memref<2x2x384xi32, #tpu.memory_space<vmem>> -> memref<1x2x384xi32, #tpu.memory_space<vmem>>
          %dma_wait3A_174 = tpu.memref_squeeze %dma_wait3A_173 : memref<1x2x384xi32, #tpu.memory_space<vmem>> -> memref<2x384xi32, #tpu.memory_space<vmem>>
          %dma_wait3A_175 = arith.constant 0 : i32
          %dma_wait3A_176 = arith.constant 0 : i32
          %dma_wait3A_177 = tpu.memref_slice %arg3[%add3A_131, %dma_wait3A_175, %dma_wait3A_176] : memref<2112x2x384xi32, #tpu.memory_space<hbm>> -> memref<1x2x384xi32, #tpu.memory_space<hbm>>
          %dma_wait3A_178 = tpu.memref_squeeze %dma_wait3A_177 : memref<1x2x384xi32, #tpu.memory_space<hbm>> -> memref<2x384xi32, #tpu.memory_space<hbm>>
          tpu.wait_dma2 semaphore(%run_scoped3A_146 : memref<!tpu.dma_semaphore, #tpu.memory_space<semaphore_mem>>) src(%dma_wait3A_178 : memref<2x384xi32, #tpu.memory_space<hbm>>) dst(%dma_wait3A_174 : memref<2x384xi32, #tpu.memory_space<vmem>>)
          tpu.yield
        }) : () -> ()
        %dma_start3A_133 = arith.constant 0 : i32
        %dma_start3A_134 = arith.constant 0 : i32
        %dma_start3A_135 = arith.constant 0 : i32
        %dma_start3A_136 = arith.constant 0 : i32
        %dma_start3A_137 = arith.constant 0 : i32
        %dma_start3A_138 = tpu.memref_slice %arg7[%dma_start3A_135, %dma_start3A_136, %dma_start3A_137] : memref<2x384x64xbf16, #tpu.memory_space<vmem>> -> memref<1x384x64xbf16, #tpu.memory_space<vmem>>
        %dma_start3A_139 = tpu.memref_squeeze %dma_start3A_138 : memref<1x384x64xbf16, #tpu.memory_space<vmem>> -> memref<384x64xbf16, #tpu.memory_space<vmem>>
        %dma_start3A_140 = arith.constant 0 : i32
        %dma_start3A_141 = tpu.memref_slice %arg6[%dma_start3A_133, %dma_start3A_134, %dma_start3A_140] : memref<2x2x384xi32, #tpu.memory_space<vmem>> -> memref<1x1x384xi32, #tpu.memory_space<vmem>>
        %dma_start3A_142 = tpu.memref_squeeze %dma_start3A_141 : memref<1x1x384xi32, #tpu.memory_space<vmem>> -> memref<384xi32, #tpu.memory_space<vmem>>
        %dma_start3A_143 = arith.constant 0 : i32
        %dma_start3A_144 = arith.constant 0 : i32
        %dma_start3A_145 = tpu.memref_slice %arg2[%dma_start3A_143, %dma_start3A_144] : memref<50000x64xbf16, #tpu.memory_space<hbm>> -> memref<50000x64xbf16, #tpu.memory_space<hbm>>
        tpu.enqueue_indirect_dma source(%dma_start3A_145 : memref<50000x64xbf16, #tpu.memory_space<hbm>>) target(%dma_start3A_139 : memref<384x64xbf16, #tpu.memory_space<vmem>>) offsets(%dma_start3A_142 : memref<384xi32, #tpu.memory_space<vmem>>) semaphore(%arg9 : memref<!tpu.dma_semaphore, #tpu.memory_space<semaphore_mem>>)
      } else {
      }
      %dma_start3A_114 = arith.constant 1 : i32
      %dma_start3A_115 = arith.constant 1 : i32
      %dma_start3A_116 = arith.constant 1 : i32
      %dma_start3A_117 = arith.constant 0 : i32
      %dma_start3A_118 = arith.constant 0 : i32
      %dma_start3A_119 = tpu.memref_slice %arg7[%dma_start3A_114, %dma_start3A_117, %dma_start3A_118] : memref<2x384x64xbf16, #tpu.memory_space<vmem>> -> memref<1x384x64xbf16, #tpu.memory_space<vmem>>
      %dma_start3A_120 = tpu.memref_squeeze %dma_start3A_119 : memref<1x384x64xbf16, #tpu.memory_space<vmem>> -> memref<384x64xbf16, #tpu.memory_space<vmem>>
      %dma_start3A_121 = arith.constant 0 : i32
      %dma_start3A_122 = tpu.memref_slice %arg6[%dma_start3A_115, %dma_start3A_116, %dma_start3A_121] : memref<2x2x384xi32, #tpu.memory_space<vmem>> -> memref<1x1x384xi32, #tpu.memory_space<vmem>>
      %dma_start3A_123 = tpu.memref_squeeze %dma_start3A_122 : memref<1x1x384xi32, #tpu.memory_space<vmem>> -> memref<384xi32, #tpu.memory_space<vmem>>
      %dma_start3A_124 = arith.constant 0 : i32
      %dma_start3A_125 = arith.constant 0 : i32
      %dma_start3A_126 = tpu.memref_slice %arg8[%dma_start3A_124, %dma_start3A_125] : memref<50176x64xbf16, #tpu.memory_space<vmem_shared>> -> memref<50176x64xbf16, #tpu.memory_space<vmem_shared>>
      tpu.enqueue_indirect_dma source(%dma_start3A_120 : memref<384x64xbf16, #tpu.memory_space<vmem>>) target(%dma_start3A_126 : memref<50176x64xbf16, #tpu.memory_space<vmem_shared>>) offsets(%dma_start3A_123 : memref<384xi32, #tpu.memory_space<vmem>>) semaphore(%arg12 : memref<!tpu.dma_semaphore, #tpu.memory_space<semaphore_mem>>) {add = true}
    }
    %scan3A_20 = arith.constant 33 : i32
    %dma_wait3A = arith.constant 1 : i32
    %dma_wait3A_21 = arith.constant 1 : i32
    %dma_wait3A_22 = arith.constant 1 : i32
    %dma_wait3A_23 = arith.constant 0 : i32
    %dma_wait3A_24 = arith.constant 0 : i32
    %dma_wait3A_25 = tpu.memref_slice %arg7[%dma_wait3A, %dma_wait3A_23, %dma_wait3A_24] : memref<2x384x64xbf16, #tpu.memory_space<vmem>> -> memref<1x384x64xbf16, #tpu.memory_space<vmem>>
    %dma_wait3A_26 = tpu.memref_squeeze %dma_wait3A_25 : memref<1x384x64xbf16, #tpu.memory_space<vmem>> -> memref<384x64xbf16, #tpu.memory_space<vmem>>
    %dma_wait3A_27 = arith.constant 0 : i32
    %dma_wait3A_28 = tpu.memref_slice %arg6[%dma_wait3A_21, %dma_wait3A_22, %dma_wait3A_27] : memref<2x2x384xi32, #tpu.memory_space<vmem>> -> memref<1x1x384xi32, #tpu.memory_space<vmem>>
    %dma_wait3A_29 = tpu.memref_squeeze %dma_wait3A_28 : memref<1x1x384xi32, #tpu.memory_space<vmem>> -> memref<384xi32, #tpu.memory_space<vmem>>
    %dma_wait3A_30 = arith.constant 0 : i32
    %dma_wait3A_31 = arith.constant 0 : i32
    %dma_wait3A_32 = tpu.memref_slice %arg8[%dma_wait3A_30, %dma_wait3A_31] : memref<50176x64xbf16, #tpu.memory_space<vmem_shared>> -> memref<50176x64xbf16, #tpu.memory_space<vmem_shared>>
    tpu.wait_indirect_dma semaphore(%arg12 : memref<!tpu.dma_semaphore, #tpu.memory_space<semaphore_mem>>) src(%dma_wait3A_26 : memref<384x64xbf16, #tpu.memory_space<vmem>>) dst(%dma_wait3A_32 : memref<50176x64xbf16, #tpu.memory_space<vmem_shared>>)
    %barrier3A_33 = arith.constant 0 : index
    tpu.barrier barrier_id(%barrier3A_33)
    %mul3A_34 = arith.constant 3136 : i32
    %mul3A_35 = arith.muli %arg1, %mul3A_34 : i32
    "tpu.region"() ({
      %run_scoped3A_36 = tpu.sem_alloc : memref<!tpu.dma_semaphore, #tpu.memory_space<semaphore_mem>>
      %dma_start3A_37 = arith.constant 0 : i32
      %dma_start3A_38 = tpu.memref_slice %arg5[%arg0, %mul3A_35, %dma_start3A_37] : memref<2x50176x64xbf16, #tpu.memory_space<hbm>> -> memref<1x3136x64xbf16, #tpu.memory_space<hbm>>
      %dma_start3A_39 = tpu.memref_squeeze %dma_start3A_38 : memref<1x3136x64xbf16, #tpu.memory_space<hbm>> -> memref<3136x64xbf16, #tpu.memory_space<hbm>>
      %dma_start3A_40 = arith.constant 0 : i32
      %dma_start3A_41 = tpu.memref_slice %arg8[%mul3A_35, %dma_start3A_40] : memref<50176x64xbf16, #tpu.memory_space<vmem_shared>> -> memref<3136x64xbf16, #tpu.memory_space<vmem_shared>>
      tpu.enqueue_dma source(%dma_start3A_41 : memref<3136x64xbf16, #tpu.memory_space<vmem_shared>>) target(%dma_start3A_39 : memref<3136x64xbf16, #tpu.memory_space<hbm>>) target_semaphore(%run_scoped3A_36 : memref<!tpu.dma_semaphore, #tpu.memory_space<semaphore_mem>>)
      %dma_wait3A_42 = arith.constant 0 : i32
      %dma_wait3A_43 = tpu.memref_slice %arg5[%arg0, %mul3A_35, %dma_wait3A_42] : memref<2x50176x64xbf16, #tpu.memory_space<hbm>> -> memref<1x3136x64xbf16, #tpu.memory_space<hbm>>
      %dma_wait3A_44 = tpu.memref_squeeze %dma_wait3A_43 : memref<1x3136x64xbf16, #tpu.memory_space<hbm>> -> memref<3136x64xbf16, #tpu.memory_space<hbm>>
      %dma_wait3A_45 = arith.constant 0 : i32
      %dma_wait3A_46 = tpu.memref_slice %arg8[%mul3A_35, %dma_wait3A_45] : memref<50176x64xbf16, #tpu.memory_space<vmem_shared>> -> memref<3136x64xbf16, #tpu.memory_space<vmem_shared>>
      tpu.wait_dma2 semaphore(%run_scoped3A_36 : memref<!tpu.dma_semaphore, #tpu.memory_space<semaphore_mem>>) src(%dma_wait3A_46 : memref<3136x64xbf16, #tpu.memory_space<vmem_shared>>) dst(%dma_wait3A_44 : memref<3136x64xbf16, #tpu.memory_space<hbm>>)
      tpu.yield
    }) : () -> ()
    return
  }
}

#map = affine_map<(d0, d1) -> (0, 0)>
#map1 = affine_map<(d0, d1) -> (0, 0, 0)>
module attributes {stable_mosaic.version = 14 : i64} {
  func.func @body(%arg0: i32, %arg1: i32, %arg2: memref<50000x64xbf16, #tpu.memory_space<hbm>>, %arg3: memref<2112x2x384xi32, #tpu.memory_space<hbm>>, %arg4: memref<3136x64xbf16, #tpu.memory_space<hbm>>, %arg5: memref<2x50176x64xbf16, #tpu.memory_space<hbm>>, %arg6: memref<2x2x384xi32, #tpu.memory_space<vmem>>, %arg7: memref<2x384x64xbf16, #tpu.memory_space<vmem>>, %arg8: memref<50176x64xbf16, #tpu.memory_space<vmem_shared>>, %arg9: memref<!tpu.dma_semaphore, #tpu.memory_space<semaphore_mem>>, %arg10: memref<!tpu.dma_semaphore, #tpu.memory_space<semaphore_mem>>, %arg11: memref<!tpu.dma_semaphore, #tpu.memory_space<semaphore_mem>>, %arg12: memref<!tpu.dma_semaphore, #tpu.memory_space<semaphore_mem>>) attributes {dimension_semantics = [#tpu.dimension_semantics<core_parallel>, #tpu.dimension_semantics<subcore_parallel>], iteration_bounds = array<i64: 2, 16>, scalar_prefetch = 0 : i64, scratch_operands = 7 : i64, tpu.core_type = #tpu.core_type<sc_vector_subcore>, window_params = [{transform_indices = #map}, {transform_indices = #map1}, {transform_indices = #map}, {transform_indices = #map1}]} {
    %mul3A = arith.constant 3136 : i32
    %mul3A_0 = arith.muli %arg1, %mul3A : i32
    "tpu.region"() ({
      %run_scoped3A_36 = tpu.sem_alloc : memref<!tpu.dma_semaphore, #tpu.memory_space<semaphore_mem>>
      %dma_start3A_37 = arith.constant 0 : i32
      %dma_start3A_38 = tpu.memref_slice %arg8[%mul3A_0, %dma_start3A_37] : memref<50176x64xbf16, #tpu.memory_space<vmem_shared>> -> memref<3136x64xbf16, #tpu.memory_space<vmem_shared>>
      tpu.enqueue_dma source(%arg4 : memref<3136x64xbf16, #tpu.memory_space<hbm>>) target(%dma_start3A_38 : memref<3136x64xbf16, #tpu.memory_space<vmem_shared>>) target_semaphore(%run_scoped3A_36 : memref<!tpu.dma_semaphore, #tpu.memory_space<semaphore_mem>>)
      %dma_wait3A_39 = arith.constant 0 : i32
      %dma_wait3A_40 = tpu.memref_slice %arg8[%mul3A_0, %dma_wait3A_39] : memref<50176x64xbf16, #tpu.memory_space<vmem_shared>> -> memref<3136x64xbf16, #tpu.memory_space<vmem_shared>>
      tpu.wait_dma2 semaphore(%run_scoped3A_36 : memref<!tpu.dma_semaphore, #tpu.memory_space<semaphore_mem>>) src(%arg4 : memref<3136x64xbf16, #tpu.memory_space<hbm>>) dst(%dma_wait3A_40 : memref<3136x64xbf16, #tpu.memory_space<vmem_shared>>)
      tpu.yield
    }) : () -> ()
    %mul3A_1 = arith.constant 16 : i32
    %mul3A_2 = arith.muli %arg0, %mul3A_1 : i32
    %add3A = arith.addi %mul3A_2, %arg1 : i32
    %mul3A_3 = arith.constant 66 : i32
    %mul3A_4 = arith.muli %add3A, %mul3A_3 : i32
    %run_scoped3A = arith.constant 0 : i32
    "tpu.region"() ({
      %run_scoped3A_36 = tpu.sem_alloc : memref<!tpu.dma_semaphore, #tpu.memory_space<semaphore_mem>>
      %dma_start3A_37 = arith.constant 0 : i32
      %dma_start3A_38 = arith.constant 0 : i32
      %dma_start3A_39 = tpu.memref_slice %arg6[%run_scoped3A, %dma_start3A_37, %dma_start3A_38] : memref<2x2x384xi32, #tpu.memory_space<vmem>> -> memref<1x2x384xi32, #tpu.memory_space<vmem>>
      %dma_start3A_40 = tpu.memref_squeeze %dma_start3A_39 : memref<1x2x384xi32, #tpu.memory_space<vmem>> -> memref<2x384xi32, #tpu.memory_space<vmem>>
      %dma_start3A_41 = arith.constant 0 : i32
      %dma_start3A_42 = arith.constant 0 : i32
      %dma_start3A_43 = tpu.memref_slice %arg3[%mul3A_4, %dma_start3A_41, %dma_start3A_42] : memref<2112x2x384xi32, #tpu.memory_space<hbm>> -> memref<1x2x384xi32, #tpu.memory_space<hbm>>
      %dma_start3A_44 = tpu.memref_squeeze %dma_start3A_43 : memref<1x2x384xi32, #tpu.memory_space<hbm>> -> memref<2x384xi32, #tpu.memory_space<hbm>>
      %dma_start3A_45 = arith.constant 0 : i32
      %dma_start3A_46 = arith.constant 0 : i32
      %dma_start3A_47 = tpu.memref_slice %arg6[%run_scoped3A, %dma_start3A_45, %dma_start3A_46] : memref<2x2x384xi32, #tpu.memory_space<vmem>> -> memref<1x2x384xi32, #tpu.memory_space<vmem>>
      %dma_start3A_48 = tpu.memref_squeeze %dma_start3A_47 : memref<1x2x384xi32, #tpu.memory_space<vmem>> -> memref<2x384xi32, #tpu.memory_space<vmem>>
      %dma_start3A_49 = arith.constant 0 : i32
      %dma_start3A_50 = arith.constant 0 : i32
      %dma_start3A_51 = tpu.memref_slice %arg3[%mul3A_4, %dma_start3A_49, %dma_start3A_50] : memref<2112x2x384xi32, #tpu.memory_space<hbm>> -> memref<1x2x384xi32, #tpu.memory_space<hbm>>
      %dma_start3A_52 = tpu.memref_squeeze %dma_start3A_51 : memref<1x2x384xi32, #tpu.memory_space<hbm>> -> memref<2x384xi32, #tpu.memory_space<hbm>>
      tpu.enqueue_dma source(%dma_start3A_52 : memref<2x384xi32, #tpu.memory_space<hbm>>) target(%dma_start3A_48 : memref<2x384xi32, #tpu.memory_space<vmem>>) target_semaphore(%run_scoped3A_36 : memref<!tpu.dma_semaphore, #tpu.memory_space<semaphore_mem>>)
      %dma_wait3A_53 = arith.constant 0 : i32
      %dma_wait3A_54 = arith.constant 0 : i32
      %dma_wait3A_55 = tpu.memref_slice %arg6[%run_scoped3A, %dma_wait3A_53, %dma_wait3A_54] : memref<2x2x384xi32, #tpu.memory_space<vmem>> -> memref<1x2x384xi32, #tpu.memory_space<vmem>>
      %dma_wait3A_56 = tpu.memref_squeeze %dma_wait3A_55 : memref<1x2x384xi32, #tpu.memory_space<vmem>> -> memref<2x384xi32, #tpu.memory_space<vmem>>
      %dma_wait3A_57 = arith.constant 0 : i32
      %dma_wait3A_58 = arith.constant 0 : i32
      %dma_wait3A_59 = tpu.memref_slice %arg3[%mul3A_4, %dma_wait3A_57, %dma_wait3A_58] : memref<2112x2x384xi32, #tpu.memory_space<hbm>> -> memref<1x2x384xi32, #tpu.memory_space<hbm>>
      %dma_wait3A_60 = tpu.memref_squeeze %dma_wait3A_59 : memref<1x2x384xi32, #tpu.memory_space<hbm>> -> memref<2x384xi32, #tpu.memory_space<hbm>>
      %dma_wait3A_61 = arith.constant 0 : i32
      %dma_wait3A_62 = arith.constant 0 : i32
      %dma_wait3A_63 = tpu.memref_slice %arg6[%run_scoped3A, %dma_wait3A_61, %dma_wait3A_62] : memref<2x2x384xi32, #tpu.memory_space<vmem>> -> memref<1x2x384xi32, #tpu.memory_space<vmem>>
      %dma_wait3A_64 = tpu.memref_squeeze %dma_wait3A_63 : memref<1x2x384xi32, #tpu.memory_space<vmem>> -> memref<2x384xi32, #tpu.memory_space<vmem>>
      %dma_wait3A_65 = arith.constant 0 : i32
      %dma_wait3A_66 = arith.constant 0 : i32
      %dma_wait3A_67 = tpu.memref_slice %arg3[%mul3A_4, %dma_wait3A_65, %dma_wait3A_66] : memref<2112x2x384xi32, #tpu.memory_space<hbm>> -> memref<1x2x384xi32, #tpu.memory_space<hbm>>
      %dma_wait3A_68 = tpu.memref_squeeze %dma_wait3A_67 : memref<1x2x384xi32, #tpu.memory_space<hbm>> -> memref<2x384xi32, #tpu.memory_space<hbm>>
      tpu.wait_dma2 semaphore(%run_scoped3A_36 : memref<!tpu.dma_semaphore, #tpu.memory_space<semaphore_mem>>) src(%dma_wait3A_68 : memref<2x384xi32, #tpu.memory_space<hbm>>) dst(%dma_wait3A_64 : memref<2x384xi32, #tpu.memory_space<vmem>>)
      tpu.yield
    }) : () -> ()
    %dma_start3A = arith.constant 0 : i32
    %dma_start3A_5 = arith.constant 0 : i32
    %dma_start3A_6 = arith.constant 0 : i32
    %dma_start3A_7 = arith.constant 0 : i32
    %dma_start3A_8 = arith.constant 0 : i32
    %dma_start3A_9 = tpu.memref_slice %arg7[%dma_start3A_6, %dma_start3A_7, %dma_start3A_8] : memref<2x384x64xbf16, #tpu.memory_space<vmem>> -> memref<1x384x64xbf16, #tpu.memory_space<vmem>>
    %dma_start3A_10 = tpu.memref_squeeze %dma_start3A_9 : memref<1x384x64xbf16, #tpu.memory_space<vmem>> -> memref<384x64xbf16, #tpu.memory_space<vmem>>
    %dma_start3A_11 = arith.constant 0 : i32
    %dma_start3A_12 = tpu.memref_slice %arg6[%dma_start3A, %dma_start3A_5, %dma_start3A_11] : memref<2x2x384xi32, #tpu.memory_space<vmem>> -> memref<1x1x384xi32, #tpu.memory_space<vmem>>
    %dma_start3A_13 = tpu.memref_squeeze %dma_start3A_12 : memref<1x1x384xi32, #tpu.memory_space<vmem>> -> memref<384xi32, #tpu.memory_space<vmem>>
    %dma_start3A_14 = arith.constant 0 : i32
    %dma_start3A_15 = arith.constant 0 : i32
    %dma_start3A_16 = tpu.memref_slice %arg2[%dma_start3A_14, %dma_start3A_15] : memref<50000x64xbf16, #tpu.memory_space<hbm>> -> memref<50000x64xbf16, #tpu.memory_space<hbm>>
    tpu.enqueue_indirect_dma source(%dma_start3A_16 : memref<50000x64xbf16, #tpu.memory_space<hbm>>) target(%dma_start3A_10 : memref<384x64xbf16, #tpu.memory_space<vmem>>) offsets(%dma_start3A_13 : memref<384xi32, #tpu.memory_space<vmem>>) semaphore(%arg9 : memref<!tpu.dma_semaphore, #tpu.memory_space<semaphore_mem>>)
    %barrier3A = arith.constant 0 : index
    tpu.barrier barrier_id(%barrier3A)
    %scan3A = arith.constant 0 : i32
    %scan3A_17 = arith.constant 33 : i32
    %scan3A_18 = arith.addi %scan3A, %scan3A_17 : i32
    %scan3A_19 = arith.constant 1 : i32
    scf.for %scan3A_36 = %scan3A to %scan3A_18 step %scan3A_19  : i32 {
      %dma_wait3A_37 = arith.constant 0 : i32
      %dma_wait3A_38 = arith.constant 0 : i32
      %dma_wait3A_39 = arith.constant 0 : i32
      %dma_wait3A_40 = arith.constant 0 : i32
      %dma_wait3A_41 = arith.constant 0 : i32
      %dma_wait3A_42 = tpu.memref_slice %arg7[%dma_wait3A_39, %dma_wait3A_40, %dma_wait3A_41] : memref<2x384x64xbf16, #tpu.memory_space<vmem>> -> memref<1x384x64xbf16, #tpu.memory_space<vmem>>
      %dma_wait3A_43 = tpu.memref_squeeze %dma_wait3A_42 : memref<1x384x64xbf16, #tpu.memory_space<vmem>> -> memref<384x64xbf16, #tpu.memory_space<vmem>>
      %dma_wait3A_44 = arith.constant 0 : i32
      %dma_wait3A_45 = tpu.memref_slice %arg6[%dma_wait3A_37, %dma_wait3A_38, %dma_wait3A_44] : memref<2x2x384xi32, #tpu.memory_space<vmem>> -> memref<1x1x384xi32, #tpu.memory_space<vmem>>
      %dma_wait3A_46 = tpu.memref_squeeze %dma_wait3A_45 : memref<1x1x384xi32, #tpu.memory_space<vmem>> -> memref<384xi32, #tpu.memory_space<vmem>>
      %dma_wait3A_47 = arith.constant 0 : i32
      %dma_wait3A_48 = arith.constant 0 : i32
      %dma_wait3A_49 = tpu.memref_slice %arg2[%dma_wait3A_47, %dma_wait3A_48] : memref<50000x64xbf16, #tpu.memory_space<hbm>> -> memref<50000x64xbf16, #tpu.memory_space<hbm>>
      tpu.wait_indirect_dma semaphore(%arg9 : memref<!tpu.dma_semaphore, #tpu.memory_space<semaphore_mem>>) src(%dma_wait3A_49 : memref<50000x64xbf16, #tpu.memory_space<hbm>>) dst(%dma_wait3A_43 : memref<384x64xbf16, #tpu.memory_space<vmem>>)
      %gt3A = arith.constant 0 : i32
      %gt3A_50 = arith.cmpi sgt, %scan3A_36, %gt3A : i32
      %convert_element_type3A = arith.extui %gt3A_50 : i1 to i32
      %cond3A = arith.constant 0 : i32
      %cond3A_51 = arith.cmpi ne, %convert_element_type3A, %cond3A : i32
      scf.if %cond3A_51 {
        %dma_wait3A_127 = arith.constant 1 : i32
        %dma_wait3A_128 = arith.constant 1 : i32
        %dma_wait3A_129 = arith.constant 1 : i32
        %dma_wait3A_130 = arith.constant 0 : i32
        %dma_wait3A_131 = arith.constant 0 : i32
        %dma_wait3A_132 = tpu.memref_slice %arg7[%dma_wait3A_127, %dma_wait3A_130, %dma_wait3A_131] : memref<2x384x64xbf16, #tpu.memory_space<vmem>> -> memref<1x384x64xbf16, #tpu.memory_space<vmem>>
        %dma_wait3A_133 = tpu.memref_squeeze %dma_wait3A_132 : memref<1x384x64xbf16, #tpu.memory_space<vmem>> -> memref<384x64xbf16, #tpu.memory_space<vmem>>
        %dma_wait3A_134 = arith.constant 0 : i32
        %dma_wait3A_135 = tpu.memref_slice %arg6[%dma_wait3A_128, %dma_wait3A_129, %dma_wait3A_134] : memref<2x2x384xi32, #tpu.memory_space<vmem>> -> memref<1x1x384xi32, #tpu.memory_space<vmem>>
        %dma_wait3A_136 = tpu.memref_squeeze %dma_wait3A_135 : memref<1x1x384xi32, #tpu.memory_space<vmem>> -> memref<384xi32, #tpu.memory_space<vmem>>
        %dma_wait3A_137 = arith.constant 0 : i32
        %dma_wait3A_138 = arith.constant 0 : i32
        %dma_wait3A_139 = tpu.memref_slice %arg8[%dma_wait3A_137, %dma_wait3A_138] : memref<50176x64xbf16, #tpu.memory_space<vmem_shared>> -> memref<50176x64xbf16, #tpu.memory_space<vmem_shared>>
        tpu.wait_indirect_dma semaphore(%arg12 : memref<!tpu.dma_semaphore, #tpu.memory_space<semaphore_mem>>) src(%dma_wait3A_133 : memref<384x64xbf16, #tpu.memory_space<vmem>>) dst(%dma_wait3A_139 : memref<50176x64xbf16, #tpu.memory_space<vmem_shared>>)
      } else {
      }
      %dma_start3A_52 = arith.constant 0 : i32
      %dma_start3A_53 = arith.constant 0 : i32
      %dma_start3A_54 = arith.constant 1 : i32
      %dma_start3A_55 = arith.constant 0 : i32
      %dma_start3A_56 = arith.constant 0 : i32
      %dma_start3A_57 = tpu.memref_slice %arg7[%dma_start3A_52, %dma_start3A_55, %dma_start3A_56] : memref<2x384x64xbf16, #tpu.memory_space<vmem>> -> memref<1x384x64xbf16, #tpu.memory_space<vmem>>
      %dma_start3A_58 = tpu.memref_squeeze %dma_start3A_57 : memref<1x384x64xbf16, #tpu.memory_space<vmem>> -> memref<384x64xbf16, #tpu.memory_space<vmem>>
      %dma_start3A_59 = arith.constant 0 : i32
      %dma_start3A_60 = tpu.memref_slice %arg6[%dma_start3A_53, %dma_start3A_54, %dma_start3A_59] : memref<2x2x384xi32, #tpu.memory_space<vmem>> -> memref<1x1x384xi32, #tpu.memory_space<vmem>>
      %dma_start3A_61 = tpu.memref_squeeze %dma_start3A_60 : memref<1x1x384xi32, #tpu.memory_space<vmem>> -> memref<384xi32, #tpu.memory_space<vmem>>
      %dma_start3A_62 = arith.constant 0 : i32
      %dma_start3A_63 = arith.constant 0 : i32
      %dma_start3A_64 = tpu.memref_slice %arg8[%dma_start3A_62, %dma_start3A_63] : memref<50176x64xbf16, #tpu.memory_space<vmem_shared>> -> memref<50176x64xbf16, #tpu.memory_space<vmem_shared>>
      tpu.enqueue_indirect_dma source(%dma_start3A_58 : memref<384x64xbf16, #tpu.memory_space<vmem>>) target(%dma_start3A_64 : memref<50176x64xbf16, #tpu.memory_space<vmem_shared>>) offsets(%dma_start3A_61 : memref<384xi32, #tpu.memory_space<vmem>>) semaphore(%arg11 : memref<!tpu.dma_semaphore, #tpu.memory_space<semaphore_mem>>) {add = true}
      %mul3A_65 = arith.constant 2 : i32
      %mul3A_66 = arith.muli %mul3A_65, %scan3A_36 : i32
      %add3A_67 = arith.addi %mul3A_4, %mul3A_66 : i32
      %add3A_68 = arith.constant 1 : i32
      %add3A_69 = arith.addi %add3A_67, %add3A_68 : i32
      %run_scoped3A_70 = arith.constant 1 : i32
      "tpu.region"() ({
        %run_scoped3A_127 = tpu.sem_alloc : memref<!tpu.dma_semaphore, #tpu.memory_space<semaphore_mem>>
        %dma_start3A_128 = arith.constant 0 : i32
        %dma_start3A_129 = arith.constant 0 : i32
        %dma_start3A_130 = tpu.memref_slice %arg6[%run_scoped3A_70, %dma_start3A_128, %dma_start3A_129] : memref<2x2x384xi32, #tpu.memory_space<vmem>> -> memref<1x2x384xi32, #tpu.memory_space<vmem>>
        %dma_start3A_131 = tpu.memref_squeeze %dma_start3A_130 : memref<1x2x384xi32, #tpu.memory_space<vmem>> -> memref<2x384xi32, #tpu.memory_space<vmem>>
        %dma_start3A_132 = arith.constant 0 : i32
        %dma_start3A_133 = arith.constant 0 : i32
        %dma_start3A_134 = tpu.memref_slice %arg3[%add3A_69, %dma_start3A_132, %dma_start3A_133] : memref<2112x2x384xi32, #tpu.memory_space<hbm>> -> memref<1x2x384xi32, #tpu.memory_space<hbm>>
        %dma_start3A_135 = tpu.memref_squeeze %dma_start3A_134 : memref<1x2x384xi32, #tpu.memory_space<hbm>> -> memref<2x384xi32, #tpu.memory_space<hbm>>
        %dma_start3A_136 = arith.constant 0 : i32
        %dma_start3A_137 = arith.constant 0 : i32
        %dma_start3A_138 = tpu.memref_slice %arg6[%run_scoped3A_70, %dma_start3A_136, %dma_start3A_137] : memref<2x2x384xi32, #tpu.memory_space<vmem>> -> memref<1x2x384xi32, #tpu.memory_space<vmem>>
        %dma_start3A_139 = tpu.memref_squeeze %dma_start3A_138 : memref<1x2x384xi32, #tpu.memory_space<vmem>> -> memref<2x384xi32, #tpu.memory_space<vmem>>
        %dma_start3A_140 = arith.constant 0 : i32
        %dma_start3A_141 = arith.constant 0 : i32
        %dma_start3A_142 = tpu.memref_slice %arg3[%add3A_69, %dma_start3A_140, %dma_start3A_141] : memref<2112x2x384xi32, #tpu.memory_space<hbm>> -> memref<1x2x384xi32, #tpu.memory_space<hbm>>
        %dma_start3A_143 = tpu.memref_squeeze %dma_start3A_142 : memref<1x2x384xi32, #tpu.memory_space<hbm>> -> memref<2x384xi32, #tpu.memory_space<hbm>>
        tpu.enqueue_dma source(%dma_start3A_143 : memref<2x384xi32, #tpu.memory_space<hbm>>) target(%dma_start3A_139 : memref<2x384xi32, #tpu.memory_space<vmem>>) target_semaphore(%run_scoped3A_127 : memref<!tpu.dma_semaphore, #tpu.memory_space<semaphore_mem>>)
        %dma_wait3A_144 = arith.constant 0 : i32
        %dma_wait3A_145 = arith.constant 0 : i32
        %dma_wait3A_146 = tpu.memref_slice %arg6[%run_scoped3A_70, %dma_wait3A_144, %dma_wait3A_145] : memref<2x2x384xi32, #tpu.memory_space<vmem>> -> memref<1x2x384xi32, #tpu.memory_space<vmem>>
        %dma_wait3A_147 = tpu.memref_squeeze %dma_wait3A_146 : memref<1x2x384xi32, #tpu.memory_space<vmem>> -> memref<2x384xi32, #tpu.memory_space<vmem>>
        %dma_wait3A_148 = arith.constant 0 : i32
        %dma_wait3A_149 = arith.constant 0 : i32
        %dma_wait3A_150 = tpu.memref_slice %arg3[%add3A_69, %dma_wait3A_148, %dma_wait3A_149] : memref<2112x2x384xi32, #tpu.memory_space<hbm>> -> memref<1x2x384xi32, #tpu.memory_space<hbm>>
        %dma_wait3A_151 = tpu.memref_squeeze %dma_wait3A_150 : memref<1x2x384xi32, #tpu.memory_space<hbm>> -> memref<2x384xi32, #tpu.memory_space<hbm>>
        %dma_wait3A_152 = arith.constant 0 : i32
        %dma_wait3A_153 = arith.constant 0 : i32
        %dma_wait3A_154 = tpu.memref_slice %arg6[%run_scoped3A_70, %dma_wait3A_152, %dma_wait3A_153] : memref<2x2x384xi32, #tpu.memory_space<vmem>> -> memref<1x2x384xi32, #tpu.memory_space<vmem>>
        %dma_wait3A_155 = tpu.memref_squeeze %dma_wait3A_154 : memref<1x2x384xi32, #tpu.memory_space<vmem>> -> memref<2x384xi32, #tpu.memory_space<vmem>>
        %dma_wait3A_156 = arith.constant 0 : i32
        %dma_wait3A_157 = arith.constant 0 : i32
        %dma_wait3A_158 = tpu.memref_slice %arg3[%add3A_69, %dma_wait3A_156, %dma_wait3A_157] : memref<2112x2x384xi32, #tpu.memory_space<hbm>> -> memref<1x2x384xi32, #tpu.memory_space<hbm>>
        %dma_wait3A_159 = tpu.memref_squeeze %dma_wait3A_158 : memref<1x2x384xi32, #tpu.memory_space<hbm>> -> memref<2x384xi32, #tpu.memory_space<hbm>>
        tpu.wait_dma2 semaphore(%run_scoped3A_127 : memref<!tpu.dma_semaphore, #tpu.memory_space<semaphore_mem>>) src(%dma_wait3A_159 : memref<2x384xi32, #tpu.memory_space<hbm>>) dst(%dma_wait3A_155 : memref<2x384xi32, #tpu.memory_space<vmem>>)
        tpu.yield
      }) : () -> ()
      %dma_start3A_71 = arith.constant 1 : i32
      %dma_start3A_72 = arith.constant 0 : i32
      %dma_start3A_73 = arith.constant 1 : i32
      %dma_start3A_74 = arith.constant 0 : i32
      %dma_start3A_75 = arith.constant 0 : i32
      %dma_start3A_76 = tpu.memref_slice %arg7[%dma_start3A_73, %dma_start3A_74, %dma_start3A_75] : memref<2x384x64xbf16, #tpu.memory_space<vmem>> -> memref<1x384x64xbf16, #tpu.memory_space<vmem>>
      %dma_start3A_77 = tpu.memref_squeeze %dma_start3A_76 : memref<1x384x64xbf16, #tpu.memory_space<vmem>> -> memref<384x64xbf16, #tpu.memory_space<vmem>>
      %dma_start3A_78 = arith.constant 0 : i32
      %dma_start3A_79 = tpu.memref_slice %arg6[%dma_start3A_71, %dma_start3A_72, %dma_start3A_78] : memref<2x2x384xi32, #tpu.memory_space<vmem>> -> memref<1x1x384xi32, #tpu.memory_space<vmem>>
      %dma_start3A_80 = tpu.memref_squeeze %dma_start3A_79 : memref<1x1x384xi32, #tpu.memory_space<vmem>> -> memref<384xi32, #tpu.memory_space<vmem>>
      %dma_start3A_81 = arith.constant 0 : i32
      %dma_start3A_82 = arith.constant 0 : i32
      %dma_start3A_83 = tpu.memref_slice %arg2[%dma_start3A_81, %dma_start3A_82] : memref<50000x64xbf16, #tpu.memory_space<hbm>> -> memref<50000x64xbf16, #tpu.memory_space<hbm>>
      tpu.enqueue_indirect_dma source(%dma_start3A_83 : memref<50000x64xbf16, #tpu.memory_space<hbm>>) target(%dma_start3A_77 : memref<384x64xbf16, #tpu.memory_space<vmem>>) offsets(%dma_start3A_80 : memref<384xi32, #tpu.memory_space<vmem>>) semaphore(%arg10 : memref<!tpu.dma_semaphore, #tpu.memory_space<semaphore_mem>>)
      %dma_wait3A_84 = arith.constant 1 : i32
      %dma_wait3A_85 = arith.constant 0 : i32
      %dma_wait3A_86 = arith.constant 1 : i32
      %dma_wait3A_87 = arith.constant 0 : i32
      %dma_wait3A_88 = arith.constant 0 : i32
      %dma_wait3A_89 = tpu.memref_slice %arg7[%dma_wait3A_86, %dma_wait3A_87, %dma_wait3A_88] : memref<2x384x64xbf16, #tpu.memory_space<vmem>> -> memref<1x384x64xbf16, #tpu.memory_space<vmem>>
      %dma_wait3A_90 = tpu.memref_squeeze %dma_wait3A_89 : memref<1x384x64xbf16, #tpu.memory_space<vmem>> -> memref<384x64xbf16, #tpu.memory_space<vmem>>
      %dma_wait3A_91 = arith.constant 0 : i32
      %dma_wait3A_92 = tpu.memref_slice %arg6[%dma_wait3A_84, %dma_wait3A_85, %dma_wait3A_91] : memref<2x2x384xi32, #tpu.memory_space<vmem>> -> memref<1x1x384xi32, #tpu.memory_space<vmem>>
      %dma_wait3A_93 = tpu.memref_squeeze %dma_wait3A_92 : memref<1x1x384xi32, #tpu.memory_space<vmem>> -> memref<384xi32, #tpu.memory_space<vmem>>
      %dma_wait3A_94 = arith.constant 0 : i32
      %dma_wait3A_95 = arith.constant 0 : i32
      %dma_wait3A_96 = tpu.memref_slice %arg2[%dma_wait3A_94, %dma_wait3A_95] : memref<50000x64xbf16, #tpu.memory_space<hbm>> -> memref<50000x64xbf16, #tpu.memory_space<hbm>>
      tpu.wait_indirect_dma semaphore(%arg10 : memref<!tpu.dma_semaphore, #tpu.memory_space<semaphore_mem>>) src(%dma_wait3A_96 : memref<50000x64xbf16, #tpu.memory_space<hbm>>) dst(%dma_wait3A_90 : memref<384x64xbf16, #tpu.memory_space<vmem>>)
      %dma_wait3A_97 = arith.constant 0 : i32
      %dma_wait3A_98 = arith.constant 0 : i32
      %dma_wait3A_99 = arith.constant 1 : i32
      %dma_wait3A_100 = arith.constant 0 : i32
      %dma_wait3A_101 = arith.constant 0 : i32
      %dma_wait3A_102 = tpu.memref_slice %arg7[%dma_wait3A_97, %dma_wait3A_100, %dma_wait3A_101] : memref<2x384x64xbf16, #tpu.memory_space<vmem>> -> memref<1x384x64xbf16, #tpu.memory_space<vmem>>
      %dma_wait3A_103 = tpu.memref_squeeze %dma_wait3A_102 : memref<1x384x64xbf16, #tpu.memory_space<vmem>> -> memref<384x64xbf16, #tpu.memory_space<vmem>>
      %dma_wait3A_104 = arith.constant 0 : i32
      %dma_wait3A_105 = tpu.memref_slice %arg6[%dma_wait3A_98, %dma_wait3A_99, %dma_wait3A_104] : memref<2x2x384xi32, #tpu.memory_space<vmem>> -> memref<1x1x384xi32, #tpu.memory_space<vmem>>
      %dma_wait3A_106 = tpu.memref_squeeze %dma_wait3A_105 : memref<1x1x384xi32, #tpu.memory_space<vmem>> -> memref<384xi32, #tpu.memory_space<vmem>>
      %dma_wait3A_107 = arith.constant 0 : i32
      %dma_wait3A_108 = arith.constant 0 : i32
      %dma_wait3A_109 = tpu.memref_slice %arg8[%dma_wait3A_107, %dma_wait3A_108] : memref<50176x64xbf16, #tpu.memory_space<vmem_shared>> -> memref<50176x64xbf16, #tpu.memory_space<vmem_shared>>
      tpu.wait_indirect_dma semaphore(%arg11 : memref<!tpu.dma_semaphore, #tpu.memory_space<semaphore_mem>>) src(%dma_wait3A_103 : memref<384x64xbf16, #tpu.memory_space<vmem>>) dst(%dma_wait3A_109 : memref<50176x64xbf16, #tpu.memory_space<vmem_shared>>)
      %lt3A = arith.constant 32 : i32
      %lt3A_110 = arith.cmpi slt, %scan3A_36, %lt3A : i32
      %convert_element_type3A_111 = arith.extui %lt3A_110 : i1 to i32
      %cond3A_112 = arith.constant 0 : i32
      %cond3A_113 = arith.cmpi ne, %convert_element_type3A_111, %cond3A_112 : i32
      scf.if %cond3A_113 {
        %mul3A_127 = arith.constant 2 : i32
        %mul3A_128 = arith.muli %mul3A_127, %scan3A_36 : i32
        %add3A_129 = arith.addi %mul3A_4, %mul3A_128 : i32
        %add3A_130 = arith.constant 2 : i32
        %add3A_131 = arith.addi %add3A_129, %add3A_130 : i32
        %run_scoped3A_132 = arith.constant 0 : i32
        "tpu.region"() ({
          %run_scoped3A_146 = tpu.sem_alloc : memref<!tpu.dma_semaphore, #tpu.memory_space<semaphore_mem>>
          %dma_start3A_147 = arith.constant 0 : i32
          %dma_start3A_148 = arith.constant 0 : i32
          %dma_start3A_149 = tpu.memref_slice %arg6[%run_scoped3A_132, %dma_start3A_147, %dma_start3A_148] : memref<2x2x384xi32, #tpu.memory_space<vmem>> -> memref<1x2x384xi32, #tpu.memory_space<vmem>>
          %dma_start3A_150 = tpu.memref_squeeze %dma_start3A_149 : memref<1x2x384xi32, #tpu.memory_space<vmem>> -> memref<2x384xi32, #tpu.memory_space<vmem>>
          %dma_start3A_151 = arith.constant 0 : i32
          %dma_start3A_152 = arith.constant 0 : i32
          %dma_start3A_153 = tpu.memref_slice %arg3[%add3A_131, %dma_start3A_151, %dma_start3A_152] : memref<2112x2x384xi32, #tpu.memory_space<hbm>> -> memref<1x2x384xi32, #tpu.memory_space<hbm>>
          %dma_start3A_154 = tpu.memref_squeeze %dma_start3A_153 : memref<1x2x384xi32, #tpu.memory_space<hbm>> -> memref<2x384xi32, #tpu.memory_space<hbm>>
          %dma_start3A_155 = arith.constant 0 : i32
          %dma_start3A_156 = arith.constant 0 : i32
          %dma_start3A_157 = tpu.memref_slice %arg6[%run_scoped3A_132, %dma_start3A_155, %dma_start3A_156] : memref<2x2x384xi32, #tpu.memory_space<vmem>> -> memref<1x2x384xi32, #tpu.memory_space<vmem>>
          %dma_start3A_158 = tpu.memref_squeeze %dma_start3A_157 : memref<1x2x384xi32, #tpu.memory_space<vmem>> -> memref<2x384xi32, #tpu.memory_space<vmem>>
          %dma_start3A_159 = arith.constant 0 : i32
          %dma_start3A_160 = arith.constant 0 : i32
          %dma_start3A_161 = tpu.memref_slice %arg3[%add3A_131, %dma_start3A_159, %dma_start3A_160] : memref<2112x2x384xi32, #tpu.memory_space<hbm>> -> memref<1x2x384xi32, #tpu.memory_space<hbm>>
          %dma_start3A_162 = tpu.memref_squeeze %dma_start3A_161 : memref<1x2x384xi32, #tpu.memory_space<hbm>> -> memref<2x384xi32, #tpu.memory_space<hbm>>
          tpu.enqueue_dma source(%dma_start3A_162 : memref<2x384xi32, #tpu.memory_space<hbm>>) target(%dma_start3A_158 : memref<2x384xi32, #tpu.memory_space<vmem>>) target_semaphore(%run_scoped3A_146 : memref<!tpu.dma_semaphore, #tpu.memory_space<semaphore_mem>>)
          %dma_wait3A_163 = arith.constant 0 : i32
          %dma_wait3A_164 = arith.constant 0 : i32
          %dma_wait3A_165 = tpu.memref_slice %arg6[%run_scoped3A_132, %dma_wait3A_163, %dma_wait3A_164] : memref<2x2x384xi32, #tpu.memory_space<vmem>> -> memref<1x2x384xi32, #tpu.memory_space<vmem>>
          %dma_wait3A_166 = tpu.memref_squeeze %dma_wait3A_165 : memref<1x2x384xi32, #tpu.memory_space<vmem>> -> memref<2x384xi32, #tpu.memory_space<vmem>>
          %dma_wait3A_167 = arith.constant 0 : i32
          %dma_wait3A_168 = arith.constant 0 : i32
          %dma_wait3A_169 = tpu.memref_slice %arg3[%add3A_131, %dma_wait3A_167, %dma_wait3A_168] : memref<2112x2x384xi32, #tpu.memory_space<hbm>> -> memref<1x2x384xi32, #tpu.memory_space<hbm>>
          %dma_wait3A_170 = tpu.memref_squeeze %dma_wait3A_169 : memref<1x2x384xi32, #tpu.memory_space<hbm>> -> memref<2x384xi32, #tpu.memory_space<hbm>>
          %dma_wait3A_171 = arith.constant 0 : i32
          %dma_wait3A_172 = arith.constant 0 : i32
          %dma_wait3A_173 = tpu.memref_slice %arg6[%run_scoped3A_132, %dma_wait3A_171, %dma_wait3A_172] : memref<2x2x384xi32, #tpu.memory_space<vmem>> -> memref<1x2x384xi32, #tpu.memory_space<vmem>>
          %dma_wait3A_174 = tpu.memref_squeeze %dma_wait3A_173 : memref<1x2x384xi32, #tpu.memory_space<vmem>> -> memref<2x384xi32, #tpu.memory_space<vmem>>
          %dma_wait3A_175 = arith.constant 0 : i32
          %dma_wait3A_176 = arith.constant 0 : i32
          %dma_wait3A_177 = tpu.memref_slice %arg3[%add3A_131, %dma_wait3A_175, %dma_wait3A_176] : memref<2112x2x384xi32, #tpu.memory_space<hbm>> -> memref<1x2x384xi32, #tpu.memory_space<hbm>>
          %dma_wait3A_178 = tpu.memref_squeeze %dma_wait3A_177 : memref<1x2x384xi32, #tpu.memory_space<hbm>> -> memref<2x384xi32, #tpu.memory_space<hbm>>
          tpu.wait_dma2 semaphore(%run_scoped3A_146 : memref<!tpu.dma_semaphore, #tpu.memory_space<semaphore_mem>>) src(%dma_wait3A_178 : memref<2x384xi32, #tpu.memory_space<hbm>>) dst(%dma_wait3A_174 : memref<2x384xi32, #tpu.memory_space<vmem>>)
          tpu.yield
        }) : () -> ()
        %dma_start3A_133 = arith.constant 0 : i32
        %dma_start3A_134 = arith.constant 0 : i32
        %dma_start3A_135 = arith.constant 0 : i32
        %dma_start3A_136 = arith.constant 0 : i32
        %dma_start3A_137 = arith.constant 0 : i32
        %dma_start3A_138 = tpu.memref_slice %arg7[%dma_start3A_135, %dma_start3A_136, %dma_start3A_137] : memref<2x384x64xbf16, #tpu.memory_space<vmem>> -> memref<1x384x64xbf16, #tpu.memory_space<vmem>>
        %dma_start3A_139 = tpu.memref_squeeze %dma_start3A_138 : memref<1x384x64xbf16, #tpu.memory_space<vmem>> -> memref<384x64xbf16, #tpu.memory_space<vmem>>
        %dma_start3A_140 = arith.constant 0 : i32
        %dma_start3A_141 = tpu.memref_slice %arg6[%dma_start3A_133, %dma_start3A_134, %dma_start3A_140] : memref<2x2x384xi32, #tpu.memory_space<vmem>> -> memref<1x1x384xi32, #tpu.memory_space<vmem>>
        %dma_start3A_142 = tpu.memref_squeeze %dma_start3A_141 : memref<1x1x384xi32, #tpu.memory_space<vmem>> -> memref<384xi32, #tpu.memory_space<vmem>>
        %dma_start3A_143 = arith.constant 0 : i32
        %dma_start3A_144 = arith.constant 0 : i32
        %dma_start3A_145 = tpu.memref_slice %arg2[%dma_start3A_143, %dma_start3A_144] : memref<50000x64xbf16, #tpu.memory_space<hbm>> -> memref<50000x64xbf16, #tpu.memory_space<hbm>>
        tpu.enqueue_indirect_dma source(%dma_start3A_145 : memref<50000x64xbf16, #tpu.memory_space<hbm>>) target(%dma_start3A_139 : memref<384x64xbf16, #tpu.memory_space<vmem>>) offsets(%dma_start3A_142 : memref<384xi32, #tpu.memory_space<vmem>>) semaphore(%arg9 : memref<!tpu.dma_semaphore, #tpu.memory_space<semaphore_mem>>)
      } else {
      }
      %dma_start3A_114 = arith.constant 1 : i32
      %dma_start3A_115 = arith.constant 1 : i32
      %dma_start3A_116 = arith.constant 1 : i32
      %dma_start3A_117 = arith.constant 0 : i32
      %dma_start3A_118 = arith.constant 0 : i32
      %dma_start3A_119 = tpu.memref_slice %arg7[%dma_start3A_114, %dma_start3A_117, %dma_start3A_118] : memref<2x384x64xbf16, #tpu.memory_space<vmem>> -> memref<1x384x64xbf16, #tpu.memory_space<vmem>>
      %dma_start3A_120 = tpu.memref_squeeze %dma_start3A_119 : memref<1x384x64xbf16, #tpu.memory_space<vmem>> -> memref<384x64xbf16, #tpu.memory_space<vmem>>
      %dma_start3A_121 = arith.constant 0 : i32
      %dma_start3A_122 = tpu.memref_slice %arg6[%dma_start3A_115, %dma_start3A_116, %dma_start3A_121] : memref<2x2x384xi32, #tpu.memory_space<vmem>> -> memref<1x1x384xi32, #tpu.memory_space<vmem>>
      %dma_start3A_123 = tpu.memref_squeeze %dma_start3A_122 : memref<1x1x384xi32, #tpu.memory_space<vmem>> -> memref<384xi32, #tpu.memory_space<vmem>>
      %dma_start3A_124 = arith.constant 0 : i32
      %dma_start3A_125 = arith.constant 0 : i32
      %dma_start3A_126 = tpu.memref_slice %arg8[%dma_start3A_124, %dma_start3A_125] : memref<50176x64xbf16, #tpu.memory_space<vmem_shared>> -> memref<50176x64xbf16, #tpu.memory_space<vmem_shared>>
      tpu.enqueue_indirect_dma source(%dma_start3A_120 : memref<384x64xbf16, #tpu.memory_space<vmem>>) target(%dma_start3A_126 : memref<50176x64xbf16, #tpu.memory_space<vmem_shared>>) offsets(%dma_start3A_123 : memref<384xi32, #tpu.memory_space<vmem>>) semaphore(%arg12 : memref<!tpu.dma_semaphore, #tpu.memory_space<semaphore_mem>>) {add = true}
    }
    %scan3A_20 = arith.constant 33 : i32
    %dma_wait3A = arith.constant 1 : i32
    %dma_wait3A_21 = arith.constant 1 : i32
    %dma_wait3A_22 = arith.constant 1 : i32
    %dma_wait3A_23 = arith.constant 0 : i32
    %dma_wait3A_24 = arith.constant 0 : i32
    %dma_wait3A_25 = tpu.memref_slice %arg7[%dma_wait3A, %dma_wait3A_23, %dma_wait3A_24] : memref<2x384x64xbf16, #tpu.memory_space<vmem>> -> memref<1x384x64xbf16, #tpu.memory_space<vmem>>
    %dma_wait3A_26 = tpu.memref_squeeze %dma_wait3A_25 : memref<1x384x64xbf16, #tpu.memory_space<vmem>> -> memref<384x64xbf16, #tpu.memory_space<vmem>>
    %dma_wait3A_27 = arith.constant 0 : i32
    %dma_wait3A_28 = tpu.memref_slice %arg6[%dma_wait3A_21, %dma_wait3A_22, %dma_wait3A_27] : memref<2x2x384xi32, #tpu.memory_space<vmem>> -> memref<1x1x384xi32, #tpu.memory_space<vmem>>
    %dma_wait3A_29 = tpu.memref_squeeze %dma_wait3A_28 : memref<1x1x384xi32, #tpu.memory_space<vmem>> -> memref<384xi32, #tpu.memory_space<vmem>>
    %dma_wait3A_30 = arith.constant 0 : i32
    %dma_wait3A_31 = arith.constant 0 : i32
    %dma_wait3A_32 = tpu.memref_slice %arg8[%dma_wait3A_30, %dma_wait3A_31] : memref<50176x64xbf16, #tpu.memory_space<vmem_shared>> -> memref<50176x64xbf16, #tpu.memory_space<vmem_shared>>
    tpu.wait_indirect_dma semaphore(%arg12 : memref<!tpu.dma_semaphore, #tpu.memory_space<semaphore_mem>>) src(%dma_wait3A_26 : memref<384x64xbf16, #tpu.memory_space<vmem>>) dst(%dma_wait3A_32 : memref<50176x64xbf16, #tpu.memory_space<vmem_shared>>)
    %barrier3A_33 = arith.constant 0 : index
    tpu.barrier barrier_id(%barrier3A_33)
    %mul3A_34 = arith.constant 3136 : i32
    %mul3A_35 = arith.muli %arg1, %mul3A_34 : i32
    "tpu.region"() ({
      %run_scoped3A_36 = tpu.sem_alloc : memref<!tpu.dma_semaphore, #tpu.memory_space<semaphore_mem>>
      %dma_start3A_37 = arith.constant 0 : i32
      %dma_start3A_38 = tpu.memref_slice %arg5[%arg0, %mul3A_35, %dma_start3A_37] : memref<2x50176x64xbf16, #tpu.memory_space<hbm>> -> memref<1x3136x64xbf16, #tpu.memory_space<hbm>>
      %dma_start3A_39 = tpu.memref_squeeze %dma_start3A_38 : memref<1x3136x64xbf16, #tpu.memory_space<hbm>> -> memref<3136x64xbf16, #tpu.memory_space<hbm>>
      %dma_start3A_40 = arith.constant 0 : i32
      %dma_start3A_41 = tpu.memref_slice %arg8[%mul3A_35, %dma_start3A_40] : memref<50176x64xbf16, #tpu.memory_space<vmem_shared>> -> memref<3136x64xbf16, #tpu.memory_space<vmem_shared>>
      tpu.enqueue_dma source(%dma_start3A_41 : memref<3136x64xbf16, #tpu.memory_space<vmem_shared>>) target(%dma_start3A_39 : memref<3136x64xbf16, #tpu.memory_space<hbm>>) target_semaphore(%run_scoped3A_36 : memref<!tpu.dma_semaphore, #tpu.memory_space<semaphore_mem>>)
      %dma_wait3A_42 = arith.constant 0 : i32
      %dma_wait3A_43 = tpu.memref_slice %arg5[%arg0, %mul3A_35, %dma_wait3A_42] : memref<2x50176x64xbf16, #tpu.memory_space<hbm>> -> memref<1x3136x64xbf16, #tpu.memory_space<hbm>>
      %dma_wait3A_44 = tpu.memref_squeeze %dma_wait3A_43 : memref<1x3136x64xbf16, #tpu.memory_space<hbm>> -> memref<3136x64xbf16, #tpu.memory_space<hbm>>
      %dma_wait3A_45 = arith.constant 0 : i32
      %dma_wait3A_46 = tpu.memref_slice %arg8[%mul3A_35, %dma_wait3A_45] : memref<50176x64xbf16, #tpu.memory_space<vmem_shared>> -> memref<3136x64xbf16, #tpu.memory_space<vmem_shared>>
      tpu.wait_dma2 semaphore(%run_scoped3A_36 : memref<!tpu.dma_semaphore, #tpu.memory_space<semaphore_mem>>) src(%dma_wait3A_46 : memref<3136x64xbf16, #tpu.memory_space<vmem_shared>>) dst(%dma_wait3A_44 : memref<3136x64xbf16, #tpu.memory_space<hbm>>)
      tpu.yield
    }) : () -> ()
    return
  }
}

#map = affine_map<(d0, d1) -> (0, 0)>
#map1 = affine_map<(d0, d1) -> (0, 0, 0)>
module attributes {stable_mosaic.version = 14 : i64} {
  func.func @body(%arg0: i32, %arg1: i32, %arg2: memref<50000x64xbf16, #tpu.memory_space<hbm>>, %arg3: memref<2112x2x384xi32, #tpu.memory_space<hbm>>, %arg4: memref<3136x64xbf16, #tpu.memory_space<hbm>>, %arg5: memref<2x50176x64xbf16, #tpu.memory_space<hbm>>, %arg6: memref<2x2x384xi32, #tpu.memory_space<vmem>>, %arg7: memref<2x384x64xbf16, #tpu.memory_space<vmem>>, %arg8: memref<50176x64xbf16, #tpu.memory_space<vmem_shared>>, %arg9: memref<!tpu.dma_semaphore, #tpu.memory_space<semaphore_mem>>, %arg10: memref<!tpu.dma_semaphore, #tpu.memory_space<semaphore_mem>>, %arg11: memref<!tpu.dma_semaphore, #tpu.memory_space<semaphore_mem>>, %arg12: memref<!tpu.dma_semaphore, #tpu.memory_space<semaphore_mem>>) attributes {dimension_semantics = [#tpu.dimension_semantics<core_parallel>, #tpu.dimension_semantics<subcore_parallel>], iteration_bounds = array<i64: 2, 16>, scalar_prefetch = 0 : i64, scratch_operands = 7 : i64, tpu.core_type = #tpu.core_type<sc_vector_subcore>, window_params = [{transform_indices = #map}, {transform_indices = #map1}, {transform_indices = #map}, {transform_indices = #map1}]} {
    %mul3A = arith.constant 3136 : i32
    %mul3A_0 = arith.muli %arg1, %mul3A : i32
    "tpu.region"() ({
      %run_scoped3A_36 = tpu.sem_alloc : memref<!tpu.dma_semaphore, #tpu.memory_space<semaphore_mem>>
      %dma_start3A_37 = arith.constant 0 : i32
      %dma_start3A_38 = tpu.memref_slice %arg8[%mul3A_0, %dma_start3A_37] : memref<50176x64xbf16, #tpu.memory_space<vmem_shared>> -> memref<3136x64xbf16, #tpu.memory_space<vmem_shared>>
      tpu.enqueue_dma source(%arg4 : memref<3136x64xbf16, #tpu.memory_space<hbm>>) target(%dma_start3A_38 : memref<3136x64xbf16, #tpu.memory_space<vmem_shared>>) target_semaphore(%run_scoped3A_36 : memref<!tpu.dma_semaphore, #tpu.memory_space<semaphore_mem>>)
      %dma_wait3A_39 = arith.constant 0 : i32
      %dma_wait3A_40 = tpu.memref_slice %arg8[%mul3A_0, %dma_wait3A_39] : memref<50176x64xbf16, #tpu.memory_space<vmem_shared>> -> memref<3136x64xbf16, #tpu.memory_space<vmem_shared>>
      tpu.wait_dma2 semaphore(%run_scoped3A_36 : memref<!tpu.dma_semaphore, #tpu.memory_space<semaphore_mem>>) src(%arg4 : memref<3136x64xbf16, #tpu.memory_space<hbm>>) dst(%dma_wait3A_40 : memref<3136x64xbf16, #tpu.memory_space<vmem_shared>>)
      tpu.yield
    }) : () -> ()
    %mul3A_1 = arith.constant 16 : i32
    %mul3A_2 = arith.muli %arg0, %mul3A_1 : i32
    %add3A = arith.addi %mul3A_2, %arg1 : i32
    %mul3A_3 = arith.constant 66 : i32
    %mul3A_4 = arith.muli %add3A, %mul3A_3 : i32
    %run_scoped3A = arith.constant 0 : i32
    "tpu.region"() ({
      %run_scoped3A_36 = tpu.sem_alloc : memref<!tpu.dma_semaphore, #tpu.memory_space<semaphore_mem>>
      %dma_start3A_37 = arith.constant 0 : i32
      %dma_start3A_38 = arith.constant 0 : i32
      %dma_start3A_39 = tpu.memref_slice %arg6[%run_scoped3A, %dma_start3A_37, %dma_start3A_38] : memref<2x2x384xi32, #tpu.memory_space<vmem>> -> memref<1x2x384xi32, #tpu.memory_space<vmem>>
      %dma_start3A_40 = tpu.memref_squeeze %dma_start3A_39 : memref<1x2x384xi32, #tpu.memory_space<vmem>> -> memref<2x384xi32, #tpu.memory_space<vmem>>
      %dma_start3A_41 = arith.constant 0 : i32
      %dma_start3A_42 = arith.constant 0 : i32
      %dma_start3A_43 = tpu.memref_slice %arg3[%mul3A_4, %dma_start3A_41, %dma_start3A_42] : memref<2112x2x384xi32, #tpu.memory_space<hbm>> -> memref<1x2x384xi32, #tpu.memory_space<hbm>>
      %dma_start3A_44 = tpu.memref_squeeze %dma_start3A_43 : memref<1x2x384xi32, #tpu.memory_space<hbm>> -> memref<2x384xi32, #tpu.memory_space<hbm>>
      %dma_start3A_45 = arith.constant 0 : i32
      %dma_start3A_46 = arith.constant 0 : i32
      %dma_start3A_47 = tpu.memref_slice %arg6[%run_scoped3A, %dma_start3A_45, %dma_start3A_46] : memref<2x2x384xi32, #tpu.memory_space<vmem>> -> memref<1x2x384xi32, #tpu.memory_space<vmem>>
      %dma_start3A_48 = tpu.memref_squeeze %dma_start3A_47 : memref<1x2x384xi32, #tpu.memory_space<vmem>> -> memref<2x384xi32, #tpu.memory_space<vmem>>
      %dma_start3A_49 = arith.constant 0 : i32
      %dma_start3A_50 = arith.constant 0 : i32
      %dma_start3A_51 = tpu.memref_slice %arg3[%mul3A_4, %dma_start3A_49, %dma_start3A_50] : memref<2112x2x384xi32, #tpu.memory_space<hbm>> -> memref<1x2x384xi32, #tpu.memory_space<hbm>>
      %dma_start3A_52 = tpu.memref_squeeze %dma_start3A_51 : memref<1x2x384xi32, #tpu.memory_space<hbm>> -> memref<2x384xi32, #tpu.memory_space<hbm>>
      tpu.enqueue_dma source(%dma_start3A_52 : memref<2x384xi32, #tpu.memory_space<hbm>>) target(%dma_start3A_48 : memref<2x384xi32, #tpu.memory_space<vmem>>) target_semaphore(%run_scoped3A_36 : memref<!tpu.dma_semaphore, #tpu.memory_space<semaphore_mem>>)
      %dma_wait3A_53 = arith.constant 0 : i32
      %dma_wait3A_54 = arith.constant 0 : i32
      %dma_wait3A_55 = tpu.memref_slice %arg6[%run_scoped3A, %dma_wait3A_53, %dma_wait3A_54] : memref<2x2x384xi32, #tpu.memory_space<vmem>> -> memref<1x2x384xi32, #tpu.memory_space<vmem>>
      %dma_wait3A_56 = tpu.memref_squeeze %dma_wait3A_55 : memref<1x2x384xi32, #tpu.memory_space<vmem>> -> memref<2x384xi32, #tpu.memory_space<vmem>>
      %dma_wait3A_57 = arith.constant 0 : i32
      %dma_wait3A_58 = arith.constant 0 : i32
      %dma_wait3A_59 = tpu.memref_slice %arg3[%mul3A_4, %dma_wait3A_57, %dma_wait3A_58] : memref<2112x2x384xi32, #tpu.memory_space<hbm>> -> memref<1x2x384xi32, #tpu.memory_space<hbm>>
      %dma_wait3A_60 = tpu.memref_squeeze %dma_wait3A_59 : memref<1x2x384xi32, #tpu.memory_space<hbm>> -> memref<2x384xi32, #tpu.memory_space<hbm>>
      %dma_wait3A_61 = arith.constant 0 : i32
      %dma_wait3A_62 = arith.constant 0 : i32
      %dma_wait3A_63 = tpu.memref_slice %arg6[%run_scoped3A, %dma_wait3A_61, %dma_wait3A_62] : memref<2x2x384xi32, #tpu.memory_space<vmem>> -> memref<1x2x384xi32, #tpu.memory_space<vmem>>
      %dma_wait3A_64 = tpu.memref_squeeze %dma_wait3A_63 : memref<1x2x384xi32, #tpu.memory_space<vmem>> -> memref<2x384xi32, #tpu.memory_space<vmem>>
      %dma_wait3A_65 = arith.constant 0 : i32
      %dma_wait3A_66 = arith.constant 0 : i32
      %dma_wait3A_67 = tpu.memref_slice %arg3[%mul3A_4, %dma_wait3A_65, %dma_wait3A_66] : memref<2112x2x384xi32, #tpu.memory_space<hbm>> -> memref<1x2x384xi32, #tpu.memory_space<hbm>>
      %dma_wait3A_68 = tpu.memref_squeeze %dma_wait3A_67 : memref<1x2x384xi32, #tpu.memory_space<hbm>> -> memref<2x384xi32, #tpu.memory_space<hbm>>
      tpu.wait_dma2 semaphore(%run_scoped3A_36 : memref<!tpu.dma_semaphore, #tpu.memory_space<semaphore_mem>>) src(%dma_wait3A_68 : memref<2x384xi32, #tpu.memory_space<hbm>>) dst(%dma_wait3A_64 : memref<2x384xi32, #tpu.memory_space<vmem>>)
      tpu.yield
    }) : () -> ()
    %dma_start3A = arith.constant 0 : i32
    %dma_start3A_5 = arith.constant 0 : i32
    %dma_start3A_6 = arith.constant 0 : i32
    %dma_start3A_7 = arith.constant 0 : i32
    %dma_start3A_8 = arith.constant 0 : i32
    %dma_start3A_9 = tpu.memref_slice %arg7[%dma_start3A_6, %dma_start3A_7, %dma_start3A_8] : memref<2x384x64xbf16, #tpu.memory_space<vmem>> -> memref<1x384x64xbf16, #tpu.memory_space<vmem>>
    %dma_start3A_10 = tpu.memref_squeeze %dma_start3A_9 : memref<1x384x64xbf16, #tpu.memory_space<vmem>> -> memref<384x64xbf16, #tpu.memory_space<vmem>>
    %dma_start3A_11 = arith.constant 0 : i32
    %dma_start3A_12 = tpu.memref_slice %arg6[%dma_start3A, %dma_start3A_5, %dma_start3A_11] : memref<2x2x384xi32, #tpu.memory_space<vmem>> -> memref<1x1x384xi32, #tpu.memory_space<vmem>>
    %dma_start3A_13 = tpu.memref_squeeze %dma_start3A_12 : memref<1x1x384xi32, #tpu.memory_space<vmem>> -> memref<384xi32, #tpu.memory_space<vmem>>
    %dma_start3A_14 = arith.constant 0 : i32
    %dma_start3A_15 = arith.constant 0 : i32
    %dma_start3A_16 = tpu.memref_slice %arg2[%dma_start3A_14, %dma_start3A_15] : memref<50000x64xbf16, #tpu.memory_space<hbm>> -> memref<50000x64xbf16, #tpu.memory_space<hbm>>
    tpu.enqueue_indirect_dma source(%dma_start3A_16 : memref<50000x64xbf16, #tpu.memory_space<hbm>>) target(%dma_start3A_10 : memref<384x64xbf16, #tpu.memory_space<vmem>>) offsets(%dma_start3A_13 : memref<384xi32, #tpu.memory_space<vmem>>) semaphore(%arg9 : memref<!tpu.dma_semaphore, #tpu.memory_space<semaphore_mem>>)
    %barrier3A = arith.constant 0 : index
    tpu.barrier barrier_id(%barrier3A)
    %scan3A = arith.constant 0 : i32
    %scan3A_17 = arith.constant 33 : i32
    %scan3A_18 = arith.addi %scan3A, %scan3A_17 : i32
    %scan3A_19 = arith.constant 1 : i32
    scf.for %scan3A_36 = %scan3A to %scan3A_18 step %scan3A_19  : i32 {
      %dma_wait3A_37 = arith.constant 0 : i32
      %dma_wait3A_38 = arith.constant 0 : i32
      %dma_wait3A_39 = arith.constant 0 : i32
      %dma_wait3A_40 = arith.constant 0 : i32
      %dma_wait3A_41 = arith.constant 0 : i32
      %dma_wait3A_42 = tpu.memref_slice %arg7[%dma_wait3A_39, %dma_wait3A_40, %dma_wait3A_41] : memref<2x384x64xbf16, #tpu.memory_space<vmem>> -> memref<1x384x64xbf16, #tpu.memory_space<vmem>>
      %dma_wait3A_43 = tpu.memref_squeeze %dma_wait3A_42 : memref<1x384x64xbf16, #tpu.memory_space<vmem>> -> memref<384x64xbf16, #tpu.memory_space<vmem>>
      %dma_wait3A_44 = arith.constant 0 : i32
      %dma_wait3A_45 = tpu.memref_slice %arg6[%dma_wait3A_37, %dma_wait3A_38, %dma_wait3A_44] : memref<2x2x384xi32, #tpu.memory_space<vmem>> -> memref<1x1x384xi32, #tpu.memory_space<vmem>>
      %dma_wait3A_46 = tpu.memref_squeeze %dma_wait3A_45 : memref<1x1x384xi32, #tpu.memory_space<vmem>> -> memref<384xi32, #tpu.memory_space<vmem>>
      %dma_wait3A_47 = arith.constant 0 : i32
      %dma_wait3A_48 = arith.constant 0 : i32
      %dma_wait3A_49 = tpu.memref_slice %arg2[%dma_wait3A_47, %dma_wait3A_48] : memref<50000x64xbf16, #tpu.memory_space<hbm>> -> memref<50000x64xbf16, #tpu.memory_space<hbm>>
      tpu.wait_indirect_dma semaphore(%arg9 : memref<!tpu.dma_semaphore, #tpu.memory_space<semaphore_mem>>) src(%dma_wait3A_49 : memref<50000x64xbf16, #tpu.memory_space<hbm>>) dst(%dma_wait3A_43 : memref<384x64xbf16, #tpu.memory_space<vmem>>)
      %gt3A = arith.constant 0 : i32
      %gt3A_50 = arith.cmpi sgt, %scan3A_36, %gt3A : i32
      %convert_element_type3A = arith.extui %gt3A_50 : i1 to i32
      %cond3A = arith.constant 0 : i32
      %cond3A_51 = arith.cmpi ne, %convert_element_type3A, %cond3A : i32
      scf.if %cond3A_51 {
        %dma_wait3A_127 = arith.constant 1 : i32
        %dma_wait3A_128 = arith.constant 1 : i32
        %dma_wait3A_129 = arith.constant 1 : i32
        %dma_wait3A_130 = arith.constant 0 : i32
        %dma_wait3A_131 = arith.constant 0 : i32
        %dma_wait3A_132 = tpu.memref_slice %arg7[%dma_wait3A_127, %dma_wait3A_130, %dma_wait3A_131] : memref<2x384x64xbf16, #tpu.memory_space<vmem>> -> memref<1x384x64xbf16, #tpu.memory_space<vmem>>
        %dma_wait3A_133 = tpu.memref_squeeze %dma_wait3A_132 : memref<1x384x64xbf16, #tpu.memory_space<vmem>> -> memref<384x64xbf16, #tpu.memory_space<vmem>>
        %dma_wait3A_134 = arith.constant 0 : i32
        %dma_wait3A_135 = tpu.memref_slice %arg6[%dma_wait3A_128, %dma_wait3A_129, %dma_wait3A_134] : memref<2x2x384xi32, #tpu.memory_space<vmem>> -> memref<1x1x384xi32, #tpu.memory_space<vmem>>
        %dma_wait3A_136 = tpu.memref_squeeze %dma_wait3A_135 : memref<1x1x384xi32, #tpu.memory_space<vmem>> -> memref<384xi32, #tpu.memory_space<vmem>>
        %dma_wait3A_137 = arith.constant 0 : i32
        %dma_wait3A_138 = arith.constant 0 : i32
        %dma_wait3A_139 = tpu.memref_slice %arg8[%dma_wait3A_137, %dma_wait3A_138] : memref<50176x64xbf16, #tpu.memory_space<vmem_shared>> -> memref<50176x64xbf16, #tpu.memory_space<vmem_shared>>
        tpu.wait_indirect_dma semaphore(%arg12 : memref<!tpu.dma_semaphore, #tpu.memory_space<semaphore_mem>>) src(%dma_wait3A_133 : memref<384x64xbf16, #tpu.memory_space<vmem>>) dst(%dma_wait3A_139 : memref<50176x64xbf16, #tpu.memory_space<vmem_shared>>)
      } else {
      }
      %dma_start3A_52 = arith.constant 0 : i32
      %dma_start3A_53 = arith.constant 0 : i32
      %dma_start3A_54 = arith.constant 1 : i32
      %dma_start3A_55 = arith.constant 0 : i32
      %dma_start3A_56 = arith.constant 0 : i32
      %dma_start3A_57 = tpu.memref_slice %arg7[%dma_start3A_52, %dma_start3A_55, %dma_start3A_56] : memref<2x384x64xbf16, #tpu.memory_space<vmem>> -> memref<1x384x64xbf16, #tpu.memory_space<vmem>>
      %dma_start3A_58 = tpu.memref_squeeze %dma_start3A_57 : memref<1x384x64xbf16, #tpu.memory_space<vmem>> -> memref<384x64xbf16, #tpu.memory_space<vmem>>
      %dma_start3A_59 = arith.constant 0 : i32
      %dma_start3A_60 = tpu.memref_slice %arg6[%dma_start3A_53, %dma_start3A_54, %dma_start3A_59] : memref<2x2x384xi32, #tpu.memory_space<vmem>> -> memref<1x1x384xi32, #tpu.memory_space<vmem>>
      %dma_start3A_61 = tpu.memref_squeeze %dma_start3A_60 : memref<1x1x384xi32, #tpu.memory_space<vmem>> -> memref<384xi32, #tpu.memory_space<vmem>>
      %dma_start3A_62 = arith.constant 0 : i32
      %dma_start3A_63 = arith.constant 0 : i32
      %dma_start3A_64 = tpu.memref_slice %arg8[%dma_start3A_62, %dma_start3A_63] : memref<50176x64xbf16, #tpu.memory_space<vmem_shared>> -> memref<50176x64xbf16, #tpu.memory_space<vmem_shared>>
      tpu.enqueue_indirect_dma source(%dma_start3A_58 : memref<384x64xbf16, #tpu.memory_space<vmem>>) target(%dma_start3A_64 : memref<50176x64xbf16, #tpu.memory_space<vmem_shared>>) offsets(%dma_start3A_61 : memref<384xi32, #tpu.memory_space<vmem>>) semaphore(%arg11 : memref<!tpu.dma_semaphore, #tpu.memory_space<semaphore_mem>>) {add = true}
      %mul3A_65 = arith.constant 2 : i32
      %mul3A_66 = arith.muli %mul3A_65, %scan3A_36 : i32
      %add3A_67 = arith.addi %mul3A_4, %mul3A_66 : i32
      %add3A_68 = arith.constant 1 : i32
      %add3A_69 = arith.addi %add3A_67, %add3A_68 : i32
      %run_scoped3A_70 = arith.constant 1 : i32
      "tpu.region"() ({
        %run_scoped3A_127 = tpu.sem_alloc : memref<!tpu.dma_semaphore, #tpu.memory_space<semaphore_mem>>
        %dma_start3A_128 = arith.constant 0 : i32
        %dma_start3A_129 = arith.constant 0 : i32
        %dma_start3A_130 = tpu.memref_slice %arg6[%run_scoped3A_70, %dma_start3A_128, %dma_start3A_129] : memref<2x2x384xi32, #tpu.memory_space<vmem>> -> memref<1x2x384xi32, #tpu.memory_space<vmem>>
        %dma_start3A_131 = tpu.memref_squeeze %dma_start3A_130 : memref<1x2x384xi32, #tpu.memory_space<vmem>> -> memref<2x384xi32, #tpu.memory_space<vmem>>
        %dma_start3A_132 = arith.constant 0 : i32
        %dma_start3A_133 = arith.constant 0 : i32
        %dma_start3A_134 = tpu.memref_slice %arg3[%add3A_69, %dma_start3A_132, %dma_start3A_133] : memref<2112x2x384xi32, #tpu.memory_space<hbm>> -> memref<1x2x384xi32, #tpu.memory_space<hbm>>
        %dma_start3A_135 = tpu.memref_squeeze %dma_start3A_134 : memref<1x2x384xi32, #tpu.memory_space<hbm>> -> memref<2x384xi32, #tpu.memory_space<hbm>>
        %dma_start3A_136 = arith.constant 0 : i32
        %dma_start3A_137 = arith.constant 0 : i32
        %dma_start3A_138 = tpu.memref_slice %arg6[%run_scoped3A_70, %dma_start3A_136, %dma_start3A_137] : memref<2x2x384xi32, #tpu.memory_space<vmem>> -> memref<1x2x384xi32, #tpu.memory_space<vmem>>
        %dma_start3A_139 = tpu.memref_squeeze %dma_start3A_138 : memref<1x2x384xi32, #tpu.memory_space<vmem>> -> memref<2x384xi32, #tpu.memory_space<vmem>>
        %dma_start3A_140 = arith.constant 0 : i32
        %dma_start3A_141 = arith.constant 0 : i32
        %dma_start3A_142 = tpu.memref_slice %arg3[%add3A_69, %dma_start3A_140, %dma_start3A_141] : memref<2112x2x384xi32, #tpu.memory_space<hbm>> -> memref<1x2x384xi32, #tpu.memory_space<hbm>>
        %dma_start3A_143 = tpu.memref_squeeze %dma_start3A_142 : memref<1x2x384xi32, #tpu.memory_space<hbm>> -> memref<2x384xi32, #tpu.memory_space<hbm>>
        tpu.enqueue_dma source(%dma_start3A_143 : memref<2x384xi32, #tpu.memory_space<hbm>>) target(%dma_start3A_139 : memref<2x384xi32, #tpu.memory_space<vmem>>) target_semaphore(%run_scoped3A_127 : memref<!tpu.dma_semaphore, #tpu.memory_space<semaphore_mem>>)
        %dma_wait3A_144 = arith.constant 0 : i32
        %dma_wait3A_145 = arith.constant 0 : i32
        %dma_wait3A_146 = tpu.memref_slice %arg6[%run_scoped3A_70, %dma_wait3A_144, %dma_wait3A_145] : memref<2x2x384xi32, #tpu.memory_space<vmem>> -> memref<1x2x384xi32, #tpu.memory_space<vmem>>
        %dma_wait3A_147 = tpu.memref_squeeze %dma_wait3A_146 : memref<1x2x384xi32, #tpu.memory_space<vmem>> -> memref<2x384xi32, #tpu.memory_space<vmem>>
        %dma_wait3A_148 = arith.constant 0 : i32
        %dma_wait3A_149 = arith.constant 0 : i32
        %dma_wait3A_150 = tpu.memref_slice %arg3[%add3A_69, %dma_wait3A_148, %dma_wait3A_149] : memref<2112x2x384xi32, #tpu.memory_space<hbm>> -> memref<1x2x384xi32, #tpu.memory_space<hbm>>
        %dma_wait3A_151 = tpu.memref_squeeze %dma_wait3A_150 : memref<1x2x384xi32, #tpu.memory_space<hbm>> -> memref<2x384xi32, #tpu.memory_space<hbm>>
        %dma_wait3A_152 = arith.constant 0 : i32
        %dma_wait3A_153 = arith.constant 0 : i32
        %dma_wait3A_154 = tpu.memref_slice %arg6[%run_scoped3A_70, %dma_wait3A_152, %dma_wait3A_153] : memref<2x2x384xi32, #tpu.memory_space<vmem>> -> memref<1x2x384xi32, #tpu.memory_space<vmem>>
        %dma_wait3A_155 = tpu.memref_squeeze %dma_wait3A_154 : memref<1x2x384xi32, #tpu.memory_space<vmem>> -> memref<2x384xi32, #tpu.memory_space<vmem>>
        %dma_wait3A_156 = arith.constant 0 : i32
        %dma_wait3A_157 = arith.constant 0 : i32
        %dma_wait3A_158 = tpu.memref_slice %arg3[%add3A_69, %dma_wait3A_156, %dma_wait3A_157] : memref<2112x2x384xi32, #tpu.memory_space<hbm>> -> memref<1x2x384xi32, #tpu.memory_space<hbm>>
        %dma_wait3A_159 = tpu.memref_squeeze %dma_wait3A_158 : memref<1x2x384xi32, #tpu.memory_space<hbm>> -> memref<2x384xi32, #tpu.memory_space<hbm>>
        tpu.wait_dma2 semaphore(%run_scoped3A_127 : memref<!tpu.dma_semaphore, #tpu.memory_space<semaphore_mem>>) src(%dma_wait3A_159 : memref<2x384xi32, #tpu.memory_space<hbm>>) dst(%dma_wait3A_155 : memref<2x384xi32, #tpu.memory_space<vmem>>)
        tpu.yield
      }) : () -> ()
      %dma_start3A_71 = arith.constant 1 : i32
      %dma_start3A_72 = arith.constant 0 : i32
      %dma_start3A_73 = arith.constant 1 : i32
      %dma_start3A_74 = arith.constant 0 : i32
      %dma_start3A_75 = arith.constant 0 : i32
      %dma_start3A_76 = tpu.memref_slice %arg7[%dma_start3A_73, %dma_start3A_74, %dma_start3A_75] : memref<2x384x64xbf16, #tpu.memory_space<vmem>> -> memref<1x384x64xbf16, #tpu.memory_space<vmem>>
      %dma_start3A_77 = tpu.memref_squeeze %dma_start3A_76 : memref<1x384x64xbf16, #tpu.memory_space<vmem>> -> memref<384x64xbf16, #tpu.memory_space<vmem>>
      %dma_start3A_78 = arith.constant 0 : i32
      %dma_start3A_79 = tpu.memref_slice %arg6[%dma_start3A_71, %dma_start3A_72, %dma_start3A_78] : memref<2x2x384xi32, #tpu.memory_space<vmem>> -> memref<1x1x384xi32, #tpu.memory_space<vmem>>
      %dma_start3A_80 = tpu.memref_squeeze %dma_start3A_79 : memref<1x1x384xi32, #tpu.memory_space<vmem>> -> memref<384xi32, #tpu.memory_space<vmem>>
      %dma_start3A_81 = arith.constant 0 : i32
      %dma_start3A_82 = arith.constant 0 : i32
      %dma_start3A_83 = tpu.memref_slice %arg2[%dma_start3A_81, %dma_start3A_82] : memref<50000x64xbf16, #tpu.memory_space<hbm>> -> memref<50000x64xbf16, #tpu.memory_space<hbm>>
      tpu.enqueue_indirect_dma source(%dma_start3A_83 : memref<50000x64xbf16, #tpu.memory_space<hbm>>) target(%dma_start3A_77 : memref<384x64xbf16, #tpu.memory_space<vmem>>) offsets(%dma_start3A_80 : memref<384xi32, #tpu.memory_space<vmem>>) semaphore(%arg10 : memref<!tpu.dma_semaphore, #tpu.memory_space<semaphore_mem>>)
      %dma_wait3A_84 = arith.constant 1 : i32
      %dma_wait3A_85 = arith.constant 0 : i32
      %dma_wait3A_86 = arith.constant 1 : i32
      %dma_wait3A_87 = arith.constant 0 : i32
      %dma_wait3A_88 = arith.constant 0 : i32
      %dma_wait3A_89 = tpu.memref_slice %arg7[%dma_wait3A_86, %dma_wait3A_87, %dma_wait3A_88] : memref<2x384x64xbf16, #tpu.memory_space<vmem>> -> memref<1x384x64xbf16, #tpu.memory_space<vmem>>
      %dma_wait3A_90 = tpu.memref_squeeze %dma_wait3A_89 : memref<1x384x64xbf16, #tpu.memory_space<vmem>> -> memref<384x64xbf16, #tpu.memory_space<vmem>>
      %dma_wait3A_91 = arith.constant 0 : i32
      %dma_wait3A_92 = tpu.memref_slice %arg6[%dma_wait3A_84, %dma_wait3A_85, %dma_wait3A_91] : memref<2x2x384xi32, #tpu.memory_space<vmem>> -> memref<1x1x384xi32, #tpu.memory_space<vmem>>
      %dma_wait3A_93 = tpu.memref_squeeze %dma_wait3A_92 : memref<1x1x384xi32, #tpu.memory_space<vmem>> -> memref<384xi32, #tpu.memory_space<vmem>>
      %dma_wait3A_94 = arith.constant 0 : i32
      %dma_wait3A_95 = arith.constant 0 : i32
      %dma_wait3A_96 = tpu.memref_slice %arg2[%dma_wait3A_94, %dma_wait3A_95] : memref<50000x64xbf16, #tpu.memory_space<hbm>> -> memref<50000x64xbf16, #tpu.memory_space<hbm>>
      tpu.wait_indirect_dma semaphore(%arg10 : memref<!tpu.dma_semaphore, #tpu.memory_space<semaphore_mem>>) src(%dma_wait3A_96 : memref<50000x64xbf16, #tpu.memory_space<hbm>>) dst(%dma_wait3A_90 : memref<384x64xbf16, #tpu.memory_space<vmem>>)
      %dma_wait3A_97 = arith.constant 0 : i32
      %dma_wait3A_98 = arith.constant 0 : i32
      %dma_wait3A_99 = arith.constant 1 : i32
      %dma_wait3A_100 = arith.constant 0 : i32
      %dma_wait3A_101 = arith.constant 0 : i32
      %dma_wait3A_102 = tpu.memref_slice %arg7[%dma_wait3A_97, %dma_wait3A_100, %dma_wait3A_101] : memref<2x384x64xbf16, #tpu.memory_space<vmem>> -> memref<1x384x64xbf16, #tpu.memory_space<vmem>>
      %dma_wait3A_103 = tpu.memref_squeeze %dma_wait3A_102 : memref<1x384x64xbf16, #tpu.memory_space<vmem>> -> memref<384x64xbf16, #tpu.memory_space<vmem>>
      %dma_wait3A_104 = arith.constant 0 : i32
      %dma_wait3A_105 = tpu.memref_slice %arg6[%dma_wait3A_98, %dma_wait3A_99, %dma_wait3A_104] : memref<2x2x384xi32, #tpu.memory_space<vmem>> -> memref<1x1x384xi32, #tpu.memory_space<vmem>>
      %dma_wait3A_106 = tpu.memref_squeeze %dma_wait3A_105 : memref<1x1x384xi32, #tpu.memory_space<vmem>> -> memref<384xi32, #tpu.memory_space<vmem>>
      %dma_wait3A_107 = arith.constant 0 : i32
      %dma_wait3A_108 = arith.constant 0 : i32
      %dma_wait3A_109 = tpu.memref_slice %arg8[%dma_wait3A_107, %dma_wait3A_108] : memref<50176x64xbf16, #tpu.memory_space<vmem_shared>> -> memref<50176x64xbf16, #tpu.memory_space<vmem_shared>>
      tpu.wait_indirect_dma semaphore(%arg11 : memref<!tpu.dma_semaphore, #tpu.memory_space<semaphore_mem>>) src(%dma_wait3A_103 : memref<384x64xbf16, #tpu.memory_space<vmem>>) dst(%dma_wait3A_109 : memref<50176x64xbf16, #tpu.memory_space<vmem_shared>>)
      %lt3A = arith.constant 32 : i32
      %lt3A_110 = arith.cmpi slt, %scan3A_36, %lt3A : i32
      %convert_element_type3A_111 = arith.extui %lt3A_110 : i1 to i32
      %cond3A_112 = arith.constant 0 : i32
      %cond3A_113 = arith.cmpi ne, %convert_element_type3A_111, %cond3A_112 : i32
      scf.if %cond3A_113 {
        %mul3A_127 = arith.constant 2 : i32
        %mul3A_128 = arith.muli %mul3A_127, %scan3A_36 : i32
        %add3A_129 = arith.addi %mul3A_4, %mul3A_128 : i32
        %add3A_130 = arith.constant 2 : i32
        %add3A_131 = arith.addi %add3A_129, %add3A_130 : i32
        %run_scoped3A_132 = arith.constant 0 : i32
        "tpu.region"() ({
          %run_scoped3A_146 = tpu.sem_alloc : memref<!tpu.dma_semaphore, #tpu.memory_space<semaphore_mem>>
          %dma_start3A_147 = arith.constant 0 : i32
          %dma_start3A_148 = arith.constant 0 : i32
          %dma_start3A_149 = tpu.memref_slice %arg6[%run_scoped3A_132, %dma_start3A_147, %dma_start3A_148] : memref<2x2x384xi32, #tpu.memory_space<vmem>> -> memref<1x2x384xi32, #tpu.memory_space<vmem>>
          %dma_start3A_150 = tpu.memref_squeeze %dma_start3A_149 : memref<1x2x384xi32, #tpu.memory_space<vmem>> -> memref<2x384xi32, #tpu.memory_space<vmem>>
          %dma_start3A_151 = arith.constant 0 : i32
          %dma_start3A_152 = arith.constant 0 : i32
          %dma_start3A_153 = tpu.memref_slice %arg3[%add3A_131, %dma_start3A_151, %dma_start3A_152] : memref<2112x2x384xi32, #tpu.memory_space<hbm>> -> memref<1x2x384xi32, #tpu.memory_space<hbm>>
          %dma_start3A_154 = tpu.memref_squeeze %dma_start3A_153 : memref<1x2x384xi32, #tpu.memory_space<hbm>> -> memref<2x384xi32, #tpu.memory_space<hbm>>
          %dma_start3A_155 = arith.constant 0 : i32
          %dma_start3A_156 = arith.constant 0 : i32
          %dma_start3A_157 = tpu.memref_slice %arg6[%run_scoped3A_132, %dma_start3A_155, %dma_start3A_156] : memref<2x2x384xi32, #tpu.memory_space<vmem>> -> memref<1x2x384xi32, #tpu.memory_space<vmem>>
          %dma_start3A_158 = tpu.memref_squeeze %dma_start3A_157 : memref<1x2x384xi32, #tpu.memory_space<vmem>> -> memref<2x384xi32, #tpu.memory_space<vmem>>
          %dma_start3A_159 = arith.constant 0 : i32
          %dma_start3A_160 = arith.constant 0 : i32
          %dma_start3A_161 = tpu.memref_slice %arg3[%add3A_131, %dma_start3A_159, %dma_start3A_160] : memref<2112x2x384xi32, #tpu.memory_space<hbm>> -> memref<1x2x384xi32, #tpu.memory_space<hbm>>
          %dma_start3A_162 = tpu.memref_squeeze %dma_start3A_161 : memref<1x2x384xi32, #tpu.memory_space<hbm>> -> memref<2x384xi32, #tpu.memory_space<hbm>>
          tpu.enqueue_dma source(%dma_start3A_162 : memref<2x384xi32, #tpu.memory_space<hbm>>) target(%dma_start3A_158 : memref<2x384xi32, #tpu.memory_space<vmem>>) target_semaphore(%run_scoped3A_146 : memref<!tpu.dma_semaphore, #tpu.memory_space<semaphore_mem>>)
          %dma_wait3A_163 = arith.constant 0 : i32
          %dma_wait3A_164 = arith.constant 0 : i32
          %dma_wait3A_165 = tpu.memref_slice %arg6[%run_scoped3A_132, %dma_wait3A_163, %dma_wait3A_164] : memref<2x2x384xi32, #tpu.memory_space<vmem>> -> memref<1x2x384xi32, #tpu.memory_space<vmem>>
          %dma_wait3A_166 = tpu.memref_squeeze %dma_wait3A_165 : memref<1x2x384xi32, #tpu.memory_space<vmem>> -> memref<2x384xi32, #tpu.memory_space<vmem>>
          %dma_wait3A_167 = arith.constant 0 : i32
          %dma_wait3A_168 = arith.constant 0 : i32
          %dma_wait3A_169 = tpu.memref_slice %arg3[%add3A_131, %dma_wait3A_167, %dma_wait3A_168] : memref<2112x2x384xi32, #tpu.memory_space<hbm>> -> memref<1x2x384xi32, #tpu.memory_space<hbm>>
          %dma_wait3A_170 = tpu.memref_squeeze %dma_wait3A_169 : memref<1x2x384xi32, #tpu.memory_space<hbm>> -> memref<2x384xi32, #tpu.memory_space<hbm>>
          %dma_wait3A_171 = arith.constant 0 : i32
          %dma_wait3A_172 = arith.constant 0 : i32
          %dma_wait3A_173 = tpu.memref_slice %arg6[%run_scoped3A_132, %dma_wait3A_171, %dma_wait3A_172] : memref<2x2x384xi32, #tpu.memory_space<vmem>> -> memref<1x2x384xi32, #tpu.memory_space<vmem>>
          %dma_wait3A_174 = tpu.memref_squeeze %dma_wait3A_173 : memref<1x2x384xi32, #tpu.memory_space<vmem>> -> memref<2x384xi32, #tpu.memory_space<vmem>>
          %dma_wait3A_175 = arith.constant 0 : i32
          %dma_wait3A_176 = arith.constant 0 : i32
          %dma_wait3A_177 = tpu.memref_slice %arg3[%add3A_131, %dma_wait3A_175, %dma_wait3A_176] : memref<2112x2x384xi32, #tpu.memory_space<hbm>> -> memref<1x2x384xi32, #tpu.memory_space<hbm>>
          %dma_wait3A_178 = tpu.memref_squeeze %dma_wait3A_177 : memref<1x2x384xi32, #tpu.memory_space<hbm>> -> memref<2x384xi32, #tpu.memory_space<hbm>>
          tpu.wait_dma2 semaphore(%run_scoped3A_146 : memref<!tpu.dma_semaphore, #tpu.memory_space<semaphore_mem>>) src(%dma_wait3A_178 : memref<2x384xi32, #tpu.memory_space<hbm>>) dst(%dma_wait3A_174 : memref<2x384xi32, #tpu.memory_space<vmem>>)
          tpu.yield
        }) : () -> ()
        %dma_start3A_133 = arith.constant 0 : i32
        %dma_start3A_134 = arith.constant 0 : i32
        %dma_start3A_135 = arith.constant 0 : i32
        %dma_start3A_136 = arith.constant 0 : i32
        %dma_start3A_137 = arith.constant 0 : i32
        %dma_start3A_138 = tpu.memref_slice %arg7[%dma_start3A_135, %dma_start3A_136, %dma_start3A_137] : memref<2x384x64xbf16, #tpu.memory_space<vmem>> -> memref<1x384x64xbf16, #tpu.memory_space<vmem>>
        %dma_start3A_139 = tpu.memref_squeeze %dma_start3A_138 : memref<1x384x64xbf16, #tpu.memory_space<vmem>> -> memref<384x64xbf16, #tpu.memory_space<vmem>>
        %dma_start3A_140 = arith.constant 0 : i32
        %dma_start3A_141 = tpu.memref_slice %arg6[%dma_start3A_133, %dma_start3A_134, %dma_start3A_140] : memref<2x2x384xi32, #tpu.memory_space<vmem>> -> memref<1x1x384xi32, #tpu.memory_space<vmem>>
        %dma_start3A_142 = tpu.memref_squeeze %dma_start3A_141 : memref<1x1x384xi32, #tpu.memory_space<vmem>> -> memref<384xi32, #tpu.memory_space<vmem>>
        %dma_start3A_143 = arith.constant 0 : i32
        %dma_start3A_144 = arith.constant 0 : i32
        %dma_start3A_145 = tpu.memref_slice %arg2[%dma_start3A_143, %dma_start3A_144] : memref<50000x64xbf16, #tpu.memory_space<hbm>> -> memref<50000x64xbf16, #tpu.memory_space<hbm>>
        tpu.enqueue_indirect_dma source(%dma_start3A_145 : memref<50000x64xbf16, #tpu.memory_space<hbm>>) target(%dma_start3A_139 : memref<384x64xbf16, #tpu.memory_space<vmem>>) offsets(%dma_start3A_142 : memref<384xi32, #tpu.memory_space<vmem>>) semaphore(%arg9 : memref<!tpu.dma_semaphore, #tpu.memory_space<semaphore_mem>>)
      } else {
      }
      %dma_start3A_114 = arith.constant 1 : i32
      %dma_start3A_115 = arith.constant 1 : i32
      %dma_start3A_116 = arith.constant 1 : i32
      %dma_start3A_117 = arith.constant 0 : i32
      %dma_start3A_118 = arith.constant 0 : i32
      %dma_start3A_119 = tpu.memref_slice %arg7[%dma_start3A_114, %dma_start3A_117, %dma_start3A_118] : memref<2x384x64xbf16, #tpu.memory_space<vmem>> -> memref<1x384x64xbf16, #tpu.memory_space<vmem>>
      %dma_start3A_120 = tpu.memref_squeeze %dma_start3A_119 : memref<1x384x64xbf16, #tpu.memory_space<vmem>> -> memref<384x64xbf16, #tpu.memory_space<vmem>>
      %dma_start3A_121 = arith.constant 0 : i32
      %dma_start3A_122 = tpu.memref_slice %arg6[%dma_start3A_115, %dma_start3A_116, %dma_start3A_121] : memref<2x2x384xi32, #tpu.memory_space<vmem>> -> memref<1x1x384xi32, #tpu.memory_space<vmem>>
      %dma_start3A_123 = tpu.memref_squeeze %dma_start3A_122 : memref<1x1x384xi32, #tpu.memory_space<vmem>> -> memref<384xi32, #tpu.memory_space<vmem>>
      %dma_start3A_124 = arith.constant 0 : i32
      %dma_start3A_125 = arith.constant 0 : i32
      %dma_start3A_126 = tpu.memref_slice %arg8[%dma_start3A_124, %dma_start3A_125] : memref<50176x64xbf16, #tpu.memory_space<vmem_shared>> -> memref<50176x64xbf16, #tpu.memory_space<vmem_shared>>
      tpu.enqueue_indirect_dma source(%dma_start3A_120 : memref<384x64xbf16, #tpu.memory_space<vmem>>) target(%dma_start3A_126 : memref<50176x64xbf16, #tpu.memory_space<vmem_shared>>) offsets(%dma_start3A_123 : memref<384xi32, #tpu.memory_space<vmem>>) semaphore(%arg12 : memref<!tpu.dma_semaphore, #tpu.memory_space<semaphore_mem>>) {add = true}
    }
    %scan3A_20 = arith.constant 33 : i32
    %dma_wait3A = arith.constant 1 : i32
    %dma_wait3A_21 = arith.constant 1 : i32
    %dma_wait3A_22 = arith.constant 1 : i32
    %dma_wait3A_23 = arith.constant 0 : i32
    %dma_wait3A_24 = arith.constant 0 : i32
    %dma_wait3A_25 = tpu.memref_slice %arg7[%dma_wait3A, %dma_wait3A_23, %dma_wait3A_24] : memref<2x384x64xbf16, #tpu.memory_space<vmem>> -> memref<1x384x64xbf16, #tpu.memory_space<vmem>>
    %dma_wait3A_26 = tpu.memref_squeeze %dma_wait3A_25 : memref<1x384x64xbf16, #tpu.memory_space<vmem>> -> memref<384x64xbf16, #tpu.memory_space<vmem>>
    %dma_wait3A_27 = arith.constant 0 : i32
    %dma_wait3A_28 = tpu.memref_slice %arg6[%dma_wait3A_21, %dma_wait3A_22, %dma_wait3A_27] : memref<2x2x384xi32, #tpu.memory_space<vmem>> -> memref<1x1x384xi32, #tpu.memory_space<vmem>>
    %dma_wait3A_29 = tpu.memref_squeeze %dma_wait3A_28 : memref<1x1x384xi32, #tpu.memory_space<vmem>> -> memref<384xi32, #tpu.memory_space<vmem>>
    %dma_wait3A_30 = arith.constant 0 : i32
    %dma_wait3A_31 = arith.constant 0 : i32
    %dma_wait3A_32 = tpu.memref_slice %arg8[%dma_wait3A_30, %dma_wait3A_31] : memref<50176x64xbf16, #tpu.memory_space<vmem_shared>> -> memref<50176x64xbf16, #tpu.memory_space<vmem_shared>>
    tpu.wait_indirect_dma semaphore(%arg12 : memref<!tpu.dma_semaphore, #tpu.memory_space<semaphore_mem>>) src(%dma_wait3A_26 : memref<384x64xbf16, #tpu.memory_space<vmem>>) dst(%dma_wait3A_32 : memref<50176x64xbf16, #tpu.memory_space<vmem_shared>>)
    %barrier3A_33 = arith.constant 0 : index
    tpu.barrier barrier_id(%barrier3A_33)
    %mul3A_34 = arith.constant 3136 : i32
    %mul3A_35 = arith.muli %arg1, %mul3A_34 : i32
    "tpu.region"() ({
      %run_scoped3A_36 = tpu.sem_alloc : memref<!tpu.dma_semaphore, #tpu.memory_space<semaphore_mem>>
      %dma_start3A_37 = arith.constant 0 : i32
      %dma_start3A_38 = tpu.memref_slice %arg5[%arg0, %mul3A_35, %dma_start3A_37] : memref<2x50176x64xbf16, #tpu.memory_space<hbm>> -> memref<1x3136x64xbf16, #tpu.memory_space<hbm>>
      %dma_start3A_39 = tpu.memref_squeeze %dma_start3A_38 : memref<1x3136x64xbf16, #tpu.memory_space<hbm>> -> memref<3136x64xbf16, #tpu.memory_space<hbm>>
      %dma_start3A_40 = arith.constant 0 : i32
      %dma_start3A_41 = tpu.memref_slice %arg8[%mul3A_35, %dma_start3A_40] : memref<50176x64xbf16, #tpu.memory_space<vmem_shared>> -> memref<3136x64xbf16, #tpu.memory_space<vmem_shared>>
      tpu.enqueue_dma source(%dma_start3A_41 : memref<3136x64xbf16, #tpu.memory_space<vmem_shared>>) target(%dma_start3A_39 : memref<3136x64xbf16, #tpu.memory_space<hbm>>) target_semaphore(%run_scoped3A_36 : memref<!tpu.dma_semaphore, #tpu.memory_space<semaphore_mem>>)
      %dma_wait3A_42 = arith.constant 0 : i32
      %dma_wait3A_43 = tpu.memref_slice %arg5[%arg0, %mul3A_35, %dma_wait3A_42] : memref<2x50176x64xbf16, #tpu.memory_space<hbm>> -> memref<1x3136x64xbf16, #tpu.memory_space<hbm>>
      %dma_wait3A_44 = tpu.memref_squeeze %dma_wait3A_43 : memref<1x3136x64xbf16, #tpu.memory_space<hbm>> -> memref<3136x64xbf16, #tpu.memory_space<hbm>>
      %dma_wait3A_45 = arith.constant 0 : i32
      %dma_wait3A_46 = tpu.memref_slice %arg8[%mul3A_35, %dma_wait3A_45] : memref<50176x64xbf16, #tpu.memory_space<vmem_shared>> -> memref<3136x64xbf16, #tpu.memory_space<vmem_shared>>
      tpu.wait_dma2 semaphore(%run_scoped3A_36 : memref<!tpu.dma_semaphore, #tpu.memory_space<semaphore_mem>>) src(%dma_wait3A_46 : memref<3136x64xbf16, #tpu.memory_space<vmem_shared>>) dst(%dma_wait3A_44 : memref<3136x64xbf16, #tpu.memory_space<hbm>>)
      tpu.yield
    }) : () -> ()
    return
  }
}

#map = affine_map<(d0, d1) -> (0, 0)>
#map1 = affine_map<(d0, d1) -> (0, 0, 0)>
module attributes {stable_mosaic.version = 14 : i64} {
  func.func @body(%arg0: i32, %arg1: i32, %arg2: memref<50000x64xbf16, #tpu.memory_space<hbm>>, %arg3: memref<2112x2x384xi32, #tpu.memory_space<hbm>>, %arg4: memref<3136x64xbf16, #tpu.memory_space<hbm>>, %arg5: memref<2x50176x64xbf16, #tpu.memory_space<hbm>>, %arg6: memref<2x2x384xi32, #tpu.memory_space<vmem>>, %arg7: memref<2x384x64xbf16, #tpu.memory_space<vmem>>, %arg8: memref<50176x64xbf16, #tpu.memory_space<vmem_shared>>, %arg9: memref<!tpu.dma_semaphore, #tpu.memory_space<semaphore_mem>>, %arg10: memref<!tpu.dma_semaphore, #tpu.memory_space<semaphore_mem>>, %arg11: memref<!tpu.dma_semaphore, #tpu.memory_space<semaphore_mem>>, %arg12: memref<!tpu.dma_semaphore, #tpu.memory_space<semaphore_mem>>) attributes {dimension_semantics = [#tpu.dimension_semantics<core_parallel>, #tpu.dimension_semantics<subcore_parallel>], iteration_bounds = array<i64: 2, 16>, scalar_prefetch = 0 : i64, scratch_operands = 7 : i64, tpu.core_type = #tpu.core_type<sc_vector_subcore>, window_params = [{transform_indices = #map}, {transform_indices = #map1}, {transform_indices = #map}, {transform_indices = #map1}]} {
    %mul3A = arith.constant 3136 : i32
    %mul3A_0 = arith.muli %arg1, %mul3A : i32
    "tpu.region"() ({
      %run_scoped3A_36 = tpu.sem_alloc : memref<!tpu.dma_semaphore, #tpu.memory_space<semaphore_mem>>
      %dma_start3A_37 = arith.constant 0 : i32
      %dma_start3A_38 = tpu.memref_slice %arg8[%mul3A_0, %dma_start3A_37] : memref<50176x64xbf16, #tpu.memory_space<vmem_shared>> -> memref<3136x64xbf16, #tpu.memory_space<vmem_shared>>
      tpu.enqueue_dma source(%arg4 : memref<3136x64xbf16, #tpu.memory_space<hbm>>) target(%dma_start3A_38 : memref<3136x64xbf16, #tpu.memory_space<vmem_shared>>) target_semaphore(%run_scoped3A_36 : memref<!tpu.dma_semaphore, #tpu.memory_space<semaphore_mem>>)
      %dma_wait3A_39 = arith.constant 0 : i32
      %dma_wait3A_40 = tpu.memref_slice %arg8[%mul3A_0, %dma_wait3A_39] : memref<50176x64xbf16, #tpu.memory_space<vmem_shared>> -> memref<3136x64xbf16, #tpu.memory_space<vmem_shared>>
      tpu.wait_dma2 semaphore(%run_scoped3A_36 : memref<!tpu.dma_semaphore, #tpu.memory_space<semaphore_mem>>) src(%arg4 : memref<3136x64xbf16, #tpu.memory_space<hbm>>) dst(%dma_wait3A_40 : memref<3136x64xbf16, #tpu.memory_space<vmem_shared>>)
      tpu.yield
    }) : () -> ()
    %mul3A_1 = arith.constant 16 : i32
    %mul3A_2 = arith.muli %arg0, %mul3A_1 : i32
    %add3A = arith.addi %mul3A_2, %arg1 : i32
    %mul3A_3 = arith.constant 66 : i32
    %mul3A_4 = arith.muli %add3A, %mul3A_3 : i32
    %run_scoped3A = arith.constant 0 : i32
    "tpu.region"() ({
      %run_scoped3A_36 = tpu.sem_alloc : memref<!tpu.dma_semaphore, #tpu.memory_space<semaphore_mem>>
      %dma_start3A_37 = arith.constant 0 : i32
      %dma_start3A_38 = arith.constant 0 : i32
      %dma_start3A_39 = tpu.memref_slice %arg6[%run_scoped3A, %dma_start3A_37, %dma_start3A_38] : memref<2x2x384xi32, #tpu.memory_space<vmem>> -> memref<1x2x384xi32, #tpu.memory_space<vmem>>
      %dma_start3A_40 = tpu.memref_squeeze %dma_start3A_39 : memref<1x2x384xi32, #tpu.memory_space<vmem>> -> memref<2x384xi32, #tpu.memory_space<vmem>>
      %dma_start3A_41 = arith.constant 0 : i32
      %dma_start3A_42 = arith.constant 0 : i32
      %dma_start3A_43 = tpu.memref_slice %arg3[%mul3A_4, %dma_start3A_41, %dma_start3A_42] : memref<2112x2x384xi32, #tpu.memory_space<hbm>> -> memref<1x2x384xi32, #tpu.memory_space<hbm>>
      %dma_start3A_44 = tpu.memref_squeeze %dma_start3A_43 : memref<1x2x384xi32, #tpu.memory_space<hbm>> -> memref<2x384xi32, #tpu.memory_space<hbm>>
      %dma_start3A_45 = arith.constant 0 : i32
      %dma_start3A_46 = arith.constant 0 : i32
      %dma_start3A_47 = tpu.memref_slice %arg6[%run_scoped3A, %dma_start3A_45, %dma_start3A_46] : memref<2x2x384xi32, #tpu.memory_space<vmem>> -> memref<1x2x384xi32, #tpu.memory_space<vmem>>
      %dma_start3A_48 = tpu.memref_squeeze %dma_start3A_47 : memref<1x2x384xi32, #tpu.memory_space<vmem>> -> memref<2x384xi32, #tpu.memory_space<vmem>>
      %dma_start3A_49 = arith.constant 0 : i32
      %dma_start3A_50 = arith.constant 0 : i32
      %dma_start3A_51 = tpu.memref_slice %arg3[%mul3A_4, %dma_start3A_49, %dma_start3A_50] : memref<2112x2x384xi32, #tpu.memory_space<hbm>> -> memref<1x2x384xi32, #tpu.memory_space<hbm>>
      %dma_start3A_52 = tpu.memref_squeeze %dma_start3A_51 : memref<1x2x384xi32, #tpu.memory_space<hbm>> -> memref<2x384xi32, #tpu.memory_space<hbm>>
      tpu.enqueue_dma source(%dma_start3A_52 : memref<2x384xi32, #tpu.memory_space<hbm>>) target(%dma_start3A_48 : memref<2x384xi32, #tpu.memory_space<vmem>>) target_semaphore(%run_scoped3A_36 : memref<!tpu.dma_semaphore, #tpu.memory_space<semaphore_mem>>)
      %dma_wait3A_53 = arith.constant 0 : i32
      %dma_wait3A_54 = arith.constant 0 : i32
      %dma_wait3A_55 = tpu.memref_slice %arg6[%run_scoped3A, %dma_wait3A_53, %dma_wait3A_54] : memref<2x2x384xi32, #tpu.memory_space<vmem>> -> memref<1x2x384xi32, #tpu.memory_space<vmem>>
      %dma_wait3A_56 = tpu.memref_squeeze %dma_wait3A_55 : memref<1x2x384xi32, #tpu.memory_space<vmem>> -> memref<2x384xi32, #tpu.memory_space<vmem>>
      %dma_wait3A_57 = arith.constant 0 : i32
      %dma_wait3A_58 = arith.constant 0 : i32
      %dma_wait3A_59 = tpu.memref_slice %arg3[%mul3A_4, %dma_wait3A_57, %dma_wait3A_58] : memref<2112x2x384xi32, #tpu.memory_space<hbm>> -> memref<1x2x384xi32, #tpu.memory_space<hbm>>
      %dma_wait3A_60 = tpu.memref_squeeze %dma_wait3A_59 : memref<1x2x384xi32, #tpu.memory_space<hbm>> -> memref<2x384xi32, #tpu.memory_space<hbm>>
      %dma_wait3A_61 = arith.constant 0 : i32
      %dma_wait3A_62 = arith.constant 0 : i32
      %dma_wait3A_63 = tpu.memref_slice %arg6[%run_scoped3A, %dma_wait3A_61, %dma_wait3A_62] : memref<2x2x384xi32, #tpu.memory_space<vmem>> -> memref<1x2x384xi32, #tpu.memory_space<vmem>>
      %dma_wait3A_64 = tpu.memref_squeeze %dma_wait3A_63 : memref<1x2x384xi32, #tpu.memory_space<vmem>> -> memref<2x384xi32, #tpu.memory_space<vmem>>
      %dma_wait3A_65 = arith.constant 0 : i32
      %dma_wait3A_66 = arith.constant 0 : i32
      %dma_wait3A_67 = tpu.memref_slice %arg3[%mul3A_4, %dma_wait3A_65, %dma_wait3A_66] : memref<2112x2x384xi32, #tpu.memory_space<hbm>> -> memref<1x2x384xi32, #tpu.memory_space<hbm>>
      %dma_wait3A_68 = tpu.memref_squeeze %dma_wait3A_67 : memref<1x2x384xi32, #tpu.memory_space<hbm>> -> memref<2x384xi32, #tpu.memory_space<hbm>>
      tpu.wait_dma2 semaphore(%run_scoped3A_36 : memref<!tpu.dma_semaphore, #tpu.memory_space<semaphore_mem>>) src(%dma_wait3A_68 : memref<2x384xi32, #tpu.memory_space<hbm>>) dst(%dma_wait3A_64 : memref<2x384xi32, #tpu.memory_space<vmem>>)
      tpu.yield
    }) : () -> ()
    %dma_start3A = arith.constant 0 : i32
    %dma_start3A_5 = arith.constant 0 : i32
    %dma_start3A_6 = arith.constant 0 : i32
    %dma_start3A_7 = arith.constant 0 : i32
    %dma_start3A_8 = arith.constant 0 : i32
    %dma_start3A_9 = tpu.memref_slice %arg7[%dma_start3A_6, %dma_start3A_7, %dma_start3A_8] : memref<2x384x64xbf16, #tpu.memory_space<vmem>> -> memref<1x384x64xbf16, #tpu.memory_space<vmem>>
    %dma_start3A_10 = tpu.memref_squeeze %dma_start3A_9 : memref<1x384x64xbf16, #tpu.memory_space<vmem>> -> memref<384x64xbf16, #tpu.memory_space<vmem>>
    %dma_start3A_11 = arith.constant 0 : i32
    %dma_start3A_12 = tpu.memref_slice %arg6[%dma_start3A, %dma_start3A_5, %dma_start3A_11] : memref<2x2x384xi32, #tpu.memory_space<vmem>> -> memref<1x1x384xi32, #tpu.memory_space<vmem>>
    %dma_start3A_13 = tpu.memref_squeeze %dma_start3A_12 : memref<1x1x384xi32, #tpu.memory_space<vmem>> -> memref<384xi32, #tpu.memory_space<vmem>>
    %dma_start3A_14 = arith.constant 0 : i32
    %dma_start3A_15 = arith.constant 0 : i32
    %dma_start3A_16 = tpu.memref_slice %arg2[%dma_start3A_14, %dma_start3A_15] : memref<50000x64xbf16, #tpu.memory_space<hbm>> -> memref<50000x64xbf16, #tpu.memory_space<hbm>>
    tpu.enqueue_indirect_dma source(%dma_start3A_16 : memref<50000x64xbf16, #tpu.memory_space<hbm>>) target(%dma_start3A_10 : memref<384x64xbf16, #tpu.memory_space<vmem>>) offsets(%dma_start3A_13 : memref<384xi32, #tpu.memory_space<vmem>>) semaphore(%arg9 : memref<!tpu.dma_semaphore, #tpu.memory_space<semaphore_mem>>)
    %barrier3A = arith.constant 0 : index
    tpu.barrier barrier_id(%barrier3A)
    %scan3A = arith.constant 0 : i32
    %scan3A_17 = arith.constant 33 : i32
    %scan3A_18 = arith.addi %scan3A, %scan3A_17 : i32
    %scan3A_19 = arith.constant 1 : i32
    scf.for %scan3A_36 = %scan3A to %scan3A_18 step %scan3A_19  : i32 {
      %dma_wait3A_37 = arith.constant 0 : i32
      %dma_wait3A_38 = arith.constant 0 : i32
      %dma_wait3A_39 = arith.constant 0 : i32
      %dma_wait3A_40 = arith.constant 0 : i32
      %dma_wait3A_41 = arith.constant 0 : i32
      %dma_wait3A_42 = tpu.memref_slice %arg7[%dma_wait3A_39, %dma_wait3A_40, %dma_wait3A_41] : memref<2x384x64xbf16, #tpu.memory_space<vmem>> -> memref<1x384x64xbf16, #tpu.memory_space<vmem>>
      %dma_wait3A_43 = tpu.memref_squeeze %dma_wait3A_42 : memref<1x384x64xbf16, #tpu.memory_space<vmem>> -> memref<384x64xbf16, #tpu.memory_space<vmem>>
      %dma_wait3A_44 = arith.constant 0 : i32
      %dma_wait3A_45 = tpu.memref_slice %arg6[%dma_wait3A_37, %dma_wait3A_38, %dma_wait3A_44] : memref<2x2x384xi32, #tpu.memory_space<vmem>> -> memref<1x1x384xi32, #tpu.memory_space<vmem>>
      %dma_wait3A_46 = tpu.memref_squeeze %dma_wait3A_45 : memref<1x1x384xi32, #tpu.memory_space<vmem>> -> memref<384xi32, #tpu.memory_space<vmem>>
      %dma_wait3A_47 = arith.constant 0 : i32
      %dma_wait3A_48 = arith.constant 0 : i32
      %dma_wait3A_49 = tpu.memref_slice %arg2[%dma_wait3A_47, %dma_wait3A_48] : memref<50000x64xbf16, #tpu.memory_space<hbm>> -> memref<50000x64xbf16, #tpu.memory_space<hbm>>
      tpu.wait_indirect_dma semaphore(%arg9 : memref<!tpu.dma_semaphore, #tpu.memory_space<semaphore_mem>>) src(%dma_wait3A_49 : memref<50000x64xbf16, #tpu.memory_space<hbm>>) dst(%dma_wait3A_43 : memref<384x64xbf16, #tpu.memory_space<vmem>>)
      %gt3A = arith.constant 0 : i32
      %gt3A_50 = arith.cmpi sgt, %scan3A_36, %gt3A : i32
      %convert_element_type3A = arith.extui %gt3A_50 : i1 to i32
      %cond3A = arith.constant 0 : i32
      %cond3A_51 = arith.cmpi ne, %convert_element_type3A, %cond3A : i32
      scf.if %cond3A_51 {
        %dma_wait3A_127 = arith.constant 1 : i32
        %dma_wait3A_128 = arith.constant 1 : i32
        %dma_wait3A_129 = arith.constant 1 : i32
        %dma_wait3A_130 = arith.constant 0 : i32
        %dma_wait3A_131 = arith.constant 0 : i32
        %dma_wait3A_132 = tpu.memref_slice %arg7[%dma_wait3A_127, %dma_wait3A_130, %dma_wait3A_131] : memref<2x384x64xbf16, #tpu.memory_space<vmem>> -> memref<1x384x64xbf16, #tpu.memory_space<vmem>>
        %dma_wait3A_133 = tpu.memref_squeeze %dma_wait3A_132 : memref<1x384x64xbf16, #tpu.memory_space<vmem>> -> memref<384x64xbf16, #tpu.memory_space<vmem>>
        %dma_wait3A_134 = arith.constant 0 : i32
        %dma_wait3A_135 = tpu.memref_slice %arg6[%dma_wait3A_128, %dma_wait3A_129, %dma_wait3A_134] : memref<2x2x384xi32, #tpu.memory_space<vmem>> -> memref<1x1x384xi32, #tpu.memory_space<vmem>>
        %dma_wait3A_136 = tpu.memref_squeeze %dma_wait3A_135 : memref<1x1x384xi32, #tpu.memory_space<vmem>> -> memref<384xi32, #tpu.memory_space<vmem>>
        %dma_wait3A_137 = arith.constant 0 : i32
        %dma_wait3A_138 = arith.constant 0 : i32
        %dma_wait3A_139 = tpu.memref_slice %arg8[%dma_wait3A_137, %dma_wait3A_138] : memref<50176x64xbf16, #tpu.memory_space<vmem_shared>> -> memref<50176x64xbf16, #tpu.memory_space<vmem_shared>>
        tpu.wait_indirect_dma semaphore(%arg12 : memref<!tpu.dma_semaphore, #tpu.memory_space<semaphore_mem>>) src(%dma_wait3A_133 : memref<384x64xbf16, #tpu.memory_space<vmem>>) dst(%dma_wait3A_139 : memref<50176x64xbf16, #tpu.memory_space<vmem_shared>>)
      } else {
      }
      %dma_start3A_52 = arith.constant 0 : i32
      %dma_start3A_53 = arith.constant 0 : i32
      %dma_start3A_54 = arith.constant 1 : i32
      %dma_start3A_55 = arith.constant 0 : i32
      %dma_start3A_56 = arith.constant 0 : i32
      %dma_start3A_57 = tpu.memref_slice %arg7[%dma_start3A_52, %dma_start3A_55, %dma_start3A_56] : memref<2x384x64xbf16, #tpu.memory_space<vmem>> -> memref<1x384x64xbf16, #tpu.memory_space<vmem>>
      %dma_start3A_58 = tpu.memref_squeeze %dma_start3A_57 : memref<1x384x64xbf16, #tpu.memory_space<vmem>> -> memref<384x64xbf16, #tpu.memory_space<vmem>>
      %dma_start3A_59 = arith.constant 0 : i32
      %dma_start3A_60 = tpu.memref_slice %arg6[%dma_start3A_53, %dma_start3A_54, %dma_start3A_59] : memref<2x2x384xi32, #tpu.memory_space<vmem>> -> memref<1x1x384xi32, #tpu.memory_space<vmem>>
      %dma_start3A_61 = tpu.memref_squeeze %dma_start3A_60 : memref<1x1x384xi32, #tpu.memory_space<vmem>> -> memref<384xi32, #tpu.memory_space<vmem>>
      %dma_start3A_62 = arith.constant 0 : i32
      %dma_start3A_63 = arith.constant 0 : i32
      %dma_start3A_64 = tpu.memref_slice %arg8[%dma_start3A_62, %dma_start3A_63] : memref<50176x64xbf16, #tpu.memory_space<vmem_shared>> -> memref<50176x64xbf16, #tpu.memory_space<vmem_shared>>
      tpu.enqueue_indirect_dma source(%dma_start3A_58 : memref<384x64xbf16, #tpu.memory_space<vmem>>) target(%dma_start3A_64 : memref<50176x64xbf16, #tpu.memory_space<vmem_shared>>) offsets(%dma_start3A_61 : memref<384xi32, #tpu.memory_space<vmem>>) semaphore(%arg11 : memref<!tpu.dma_semaphore, #tpu.memory_space<semaphore_mem>>) {add = true}
      %mul3A_65 = arith.constant 2 : i32
      %mul3A_66 = arith.muli %mul3A_65, %scan3A_36 : i32
      %add3A_67 = arith.addi %mul3A_4, %mul3A_66 : i32
      %add3A_68 = arith.constant 1 : i32
      %add3A_69 = arith.addi %add3A_67, %add3A_68 : i32
      %run_scoped3A_70 = arith.constant 1 : i32
      "tpu.region"() ({
        %run_scoped3A_127 = tpu.sem_alloc : memref<!tpu.dma_semaphore, #tpu.memory_space<semaphore_mem>>
        %dma_start3A_128 = arith.constant 0 : i32
        %dma_start3A_129 = arith.constant 0 : i32
        %dma_start3A_130 = tpu.memref_slice %arg6[%run_scoped3A_70, %dma_start3A_128, %dma_start3A_129] : memref<2x2x384xi32, #tpu.memory_space<vmem>> -> memref<1x2x384xi32, #tpu.memory_space<vmem>>
        %dma_start3A_131 = tpu.memref_squeeze %dma_start3A_130 : memref<1x2x384xi32, #tpu.memory_space<vmem>> -> memref<2x384xi32, #tpu.memory_space<vmem>>
        %dma_start3A_132 = arith.constant 0 : i32
        %dma_start3A_133 = arith.constant 0 : i32
        %dma_start3A_134 = tpu.memref_slice %arg3[%add3A_69, %dma_start3A_132, %dma_start3A_133] : memref<2112x2x384xi32, #tpu.memory_space<hbm>> -> memref<1x2x384xi32, #tpu.memory_space<hbm>>
        %dma_start3A_135 = tpu.memref_squeeze %dma_start3A_134 : memref<1x2x384xi32, #tpu.memory_space<hbm>> -> memref<2x384xi32, #tpu.memory_space<hbm>>
        %dma_start3A_136 = arith.constant 0 : i32
        %dma_start3A_137 = arith.constant 0 : i32
        %dma_start3A_138 = tpu.memref_slice %arg6[%run_scoped3A_70, %dma_start3A_136, %dma_start3A_137] : memref<2x2x384xi32, #tpu.memory_space<vmem>> -> memref<1x2x384xi32, #tpu.memory_space<vmem>>
        %dma_start3A_139 = tpu.memref_squeeze %dma_start3A_138 : memref<1x2x384xi32, #tpu.memory_space<vmem>> -> memref<2x384xi32, #tpu.memory_space<vmem>>
        %dma_start3A_140 = arith.constant 0 : i32
        %dma_start3A_141 = arith.constant 0 : i32
        %dma_start3A_142 = tpu.memref_slice %arg3[%add3A_69, %dma_start3A_140, %dma_start3A_141] : memref<2112x2x384xi32, #tpu.memory_space<hbm>> -> memref<1x2x384xi32, #tpu.memory_space<hbm>>
        %dma_start3A_143 = tpu.memref_squeeze %dma_start3A_142 : memref<1x2x384xi32, #tpu.memory_space<hbm>> -> memref<2x384xi32, #tpu.memory_space<hbm>>
        tpu.enqueue_dma source(%dma_start3A_143 : memref<2x384xi32, #tpu.memory_space<hbm>>) target(%dma_start3A_139 : memref<2x384xi32, #tpu.memory_space<vmem>>) target_semaphore(%run_scoped3A_127 : memref<!tpu.dma_semaphore, #tpu.memory_space<semaphore_mem>>)
        %dma_wait3A_144 = arith.constant 0 : i32
        %dma_wait3A_145 = arith.constant 0 : i32
        %dma_wait3A_146 = tpu.memref_slice %arg6[%run_scoped3A_70, %dma_wait3A_144, %dma_wait3A_145] : memref<2x2x384xi32, #tpu.memory_space<vmem>> -> memref<1x2x384xi32, #tpu.memory_space<vmem>>
        %dma_wait3A_147 = tpu.memref_squeeze %dma_wait3A_146 : memref<1x2x384xi32, #tpu.memory_space<vmem>> -> memref<2x384xi32, #tpu.memory_space<vmem>>
        %dma_wait3A_148 = arith.constant 0 : i32
        %dma_wait3A_149 = arith.constant 0 : i32
        %dma_wait3A_150 = tpu.memref_slice %arg3[%add3A_69, %dma_wait3A_148, %dma_wait3A_149] : memref<2112x2x384xi32, #tpu.memory_space<hbm>> -> memref<1x2x384xi32, #tpu.memory_space<hbm>>
        %dma_wait3A_151 = tpu.memref_squeeze %dma_wait3A_150 : memref<1x2x384xi32, #tpu.memory_space<hbm>> -> memref<2x384xi32, #tpu.memory_space<hbm>>
        %dma_wait3A_152 = arith.constant 0 : i32
        %dma_wait3A_153 = arith.constant 0 : i32
        %dma_wait3A_154 = tpu.memref_slice %arg6[%run_scoped3A_70, %dma_wait3A_152, %dma_wait3A_153] : memref<2x2x384xi32, #tpu.memory_space<vmem>> -> memref<1x2x384xi32, #tpu.memory_space<vmem>>
        %dma_wait3A_155 = tpu.memref_squeeze %dma_wait3A_154 : memref<1x2x384xi32, #tpu.memory_space<vmem>> -> memref<2x384xi32, #tpu.memory_space<vmem>>
        %dma_wait3A_156 = arith.constant 0 : i32
        %dma_wait3A_157 = arith.constant 0 : i32
        %dma_wait3A_158 = tpu.memref_slice %arg3[%add3A_69, %dma_wait3A_156, %dma_wait3A_157] : memref<2112x2x384xi32, #tpu.memory_space<hbm>> -> memref<1x2x384xi32, #tpu.memory_space<hbm>>
        %dma_wait3A_159 = tpu.memref_squeeze %dma_wait3A_158 : memref<1x2x384xi32, #tpu.memory_space<hbm>> -> memref<2x384xi32, #tpu.memory_space<hbm>>
        tpu.wait_dma2 semaphore(%run_scoped3A_127 : memref<!tpu.dma_semaphore, #tpu.memory_space<semaphore_mem>>) src(%dma_wait3A_159 : memref<2x384xi32, #tpu.memory_space<hbm>>) dst(%dma_wait3A_155 : memref<2x384xi32, #tpu.memory_space<vmem>>)
        tpu.yield
      }) : () -> ()
      %dma_start3A_71 = arith.constant 1 : i32
      %dma_start3A_72 = arith.constant 0 : i32
      %dma_start3A_73 = arith.constant 1 : i32
      %dma_start3A_74 = arith.constant 0 : i32
      %dma_start3A_75 = arith.constant 0 : i32
      %dma_start3A_76 = tpu.memref_slice %arg7[%dma_start3A_73, %dma_start3A_74, %dma_start3A_75] : memref<2x384x64xbf16, #tpu.memory_space<vmem>> -> memref<1x384x64xbf16, #tpu.memory_space<vmem>>
      %dma_start3A_77 = tpu.memref_squeeze %dma_start3A_76 : memref<1x384x64xbf16, #tpu.memory_space<vmem>> -> memref<384x64xbf16, #tpu.memory_space<vmem>>
      %dma_start3A_78 = arith.constant 0 : i32
      %dma_start3A_79 = tpu.memref_slice %arg6[%dma_start3A_71, %dma_start3A_72, %dma_start3A_78] : memref<2x2x384xi32, #tpu.memory_space<vmem>> -> memref<1x1x384xi32, #tpu.memory_space<vmem>>
      %dma_start3A_80 = tpu.memref_squeeze %dma_start3A_79 : memref<1x1x384xi32, #tpu.memory_space<vmem>> -> memref<384xi32, #tpu.memory_space<vmem>>
      %dma_start3A_81 = arith.constant 0 : i32
      %dma_start3A_82 = arith.constant 0 : i32
      %dma_start3A_83 = tpu.memref_slice %arg2[%dma_start3A_81, %dma_start3A_82] : memref<50000x64xbf16, #tpu.memory_space<hbm>> -> memref<50000x64xbf16, #tpu.memory_space<hbm>>
      tpu.enqueue_indirect_dma source(%dma_start3A_83 : memref<50000x64xbf16, #tpu.memory_space<hbm>>) target(%dma_start3A_77 : memref<384x64xbf16, #tpu.memory_space<vmem>>) offsets(%dma_start3A_80 : memref<384xi32, #tpu.memory_space<vmem>>) semaphore(%arg10 : memref<!tpu.dma_semaphore, #tpu.memory_space<semaphore_mem>>)
      %dma_wait3A_84 = arith.constant 1 : i32
      %dma_wait3A_85 = arith.constant 0 : i32
      %dma_wait3A_86 = arith.constant 1 : i32
      %dma_wait3A_87 = arith.constant 0 : i32
      %dma_wait3A_88 = arith.constant 0 : i32
      %dma_wait3A_89 = tpu.memref_slice %arg7[%dma_wait3A_86, %dma_wait3A_87, %dma_wait3A_88] : memref<2x384x64xbf16, #tpu.memory_space<vmem>> -> memref<1x384x64xbf16, #tpu.memory_space<vmem>>
      %dma_wait3A_90 = tpu.memref_squeeze %dma_wait3A_89 : memref<1x384x64xbf16, #tpu.memory_space<vmem>> -> memref<384x64xbf16, #tpu.memory_space<vmem>>
      %dma_wait3A_91 = arith.constant 0 : i32
      %dma_wait3A_92 = tpu.memref_slice %arg6[%dma_wait3A_84, %dma_wait3A_85, %dma_wait3A_91] : memref<2x2x384xi32, #tpu.memory_space<vmem>> -> memref<1x1x384xi32, #tpu.memory_space<vmem>>
      %dma_wait3A_93 = tpu.memref_squeeze %dma_wait3A_92 : memref<1x1x384xi32, #tpu.memory_space<vmem>> -> memref<384xi32, #tpu.memory_space<vmem>>
      %dma_wait3A_94 = arith.constant 0 : i32
      %dma_wait3A_95 = arith.constant 0 : i32
      %dma_wait3A_96 = tpu.memref_slice %arg2[%dma_wait3A_94, %dma_wait3A_95] : memref<50000x64xbf16, #tpu.memory_space<hbm>> -> memref<50000x64xbf16, #tpu.memory_space<hbm>>
      tpu.wait_indirect_dma semaphore(%arg10 : memref<!tpu.dma_semaphore, #tpu.memory_space<semaphore_mem>>) src(%dma_wait3A_96 : memref<50000x64xbf16, #tpu.memory_space<hbm>>) dst(%dma_wait3A_90 : memref<384x64xbf16, #tpu.memory_space<vmem>>)
      %dma_wait3A_97 = arith.constant 0 : i32
      %dma_wait3A_98 = arith.constant 0 : i32
      %dma_wait3A_99 = arith.constant 1 : i32
      %dma_wait3A_100 = arith.constant 0 : i32
      %dma_wait3A_101 = arith.constant 0 : i32
      %dma_wait3A_102 = tpu.memref_slice %arg7[%dma_wait3A_97, %dma_wait3A_100, %dma_wait3A_101] : memref<2x384x64xbf16, #tpu.memory_space<vmem>> -> memref<1x384x64xbf16, #tpu.memory_space<vmem>>
      %dma_wait3A_103 = tpu.memref_squeeze %dma_wait3A_102 : memref<1x384x64xbf16, #tpu.memory_space<vmem>> -> memref<384x64xbf16, #tpu.memory_space<vmem>>
      %dma_wait3A_104 = arith.constant 0 : i32
      %dma_wait3A_105 = tpu.memref_slice %arg6[%dma_wait3A_98, %dma_wait3A_99, %dma_wait3A_104] : memref<2x2x384xi32, #tpu.memory_space<vmem>> -> memref<1x1x384xi32, #tpu.memory_space<vmem>>
      %dma_wait3A_106 = tpu.memref_squeeze %dma_wait3A_105 : memref<1x1x384xi32, #tpu.memory_space<vmem>> -> memref<384xi32, #tpu.memory_space<vmem>>
      %dma_wait3A_107 = arith.constant 0 : i32
      %dma_wait3A_108 = arith.constant 0 : i32
      %dma_wait3A_109 = tpu.memref_slice %arg8[%dma_wait3A_107, %dma_wait3A_108] : memref<50176x64xbf16, #tpu.memory_space<vmem_shared>> -> memref<50176x64xbf16, #tpu.memory_space<vmem_shared>>
      tpu.wait_indirect_dma semaphore(%arg11 : memref<!tpu.dma_semaphore, #tpu.memory_space<semaphore_mem>>) src(%dma_wait3A_103 : memref<384x64xbf16, #tpu.memory_space<vmem>>) dst(%dma_wait3A_109 : memref<50176x64xbf16, #tpu.memory_space<vmem_shared>>)
      %lt3A = arith.constant 32 : i32
      %lt3A_110 = arith.cmpi slt, %scan3A_36, %lt3A : i32
      %convert_element_type3A_111 = arith.extui %lt3A_110 : i1 to i32
      %cond3A_112 = arith.constant 0 : i32
      %cond3A_113 = arith.cmpi ne, %convert_element_type3A_111, %cond3A_112 : i32
      scf.if %cond3A_113 {
        %mul3A_127 = arith.constant 2 : i32
        %mul3A_128 = arith.muli %mul3A_127, %scan3A_36 : i32
        %add3A_129 = arith.addi %mul3A_4, %mul3A_128 : i32
        %add3A_130 = arith.constant 2 : i32
        %add3A_131 = arith.addi %add3A_129, %add3A_130 : i32
        %run_scoped3A_132 = arith.constant 0 : i32
        "tpu.region"() ({
          %run_scoped3A_146 = tpu.sem_alloc : memref<!tpu.dma_semaphore, #tpu.memory_space<semaphore_mem>>
          %dma_start3A_147 = arith.constant 0 : i32
          %dma_start3A_148 = arith.constant 0 : i32
          %dma_start3A_149 = tpu.memref_slice %arg6[%run_scoped3A_132, %dma_start3A_147, %dma_start3A_148] : memref<2x2x384xi32, #tpu.memory_space<vmem>> -> memref<1x2x384xi32, #tpu.memory_space<vmem>>
          %dma_start3A_150 = tpu.memref_squeeze %dma_start3A_149 : memref<1x2x384xi32, #tpu.memory_space<vmem>> -> memref<2x384xi32, #tpu.memory_space<vmem>>
          %dma_start3A_151 = arith.constant 0 : i32
          %dma_start3A_152 = arith.constant 0 : i32
          %dma_start3A_153 = tpu.memref_slice %arg3[%add3A_131, %dma_start3A_151, %dma_start3A_152] : memref<2112x2x384xi32, #tpu.memory_space<hbm>> -> memref<1x2x384xi32, #tpu.memory_space<hbm>>
          %dma_start3A_154 = tpu.memref_squeeze %dma_start3A_153 : memref<1x2x384xi32, #tpu.memory_space<hbm>> -> memref<2x384xi32, #tpu.memory_space<hbm>>
          %dma_start3A_155 = arith.constant 0 : i32
          %dma_start3A_156 = arith.constant 0 : i32
          %dma_start3A_157 = tpu.memref_slice %arg6[%run_scoped3A_132, %dma_start3A_155, %dma_start3A_156] : memref<2x2x384xi32, #tpu.memory_space<vmem>> -> memref<1x2x384xi32, #tpu.memory_space<vmem>>
          %dma_start3A_158 = tpu.memref_squeeze %dma_start3A_157 : memref<1x2x384xi32, #tpu.memory_space<vmem>> -> memref<2x384xi32, #tpu.memory_space<vmem>>
          %dma_start3A_159 = arith.constant 0 : i32
          %dma_start3A_160 = arith.constant 0 : i32
          %dma_start3A_161 = tpu.memref_slice %arg3[%add3A_131, %dma_start3A_159, %dma_start3A_160] : memref<2112x2x384xi32, #tpu.memory_space<hbm>> -> memref<1x2x384xi32, #tpu.memory_space<hbm>>
          %dma_start3A_162 = tpu.memref_squeeze %dma_start3A_161 : memref<1x2x384xi32, #tpu.memory_space<hbm>> -> memref<2x384xi32, #tpu.memory_space<hbm>>
          tpu.enqueue_dma source(%dma_start3A_162 : memref<2x384xi32, #tpu.memory_space<hbm>>) target(%dma_start3A_158 : memref<2x384xi32, #tpu.memory_space<vmem>>) target_semaphore(%run_scoped3A_146 : memref<!tpu.dma_semaphore, #tpu.memory_space<semaphore_mem>>)
          %dma_wait3A_163 = arith.constant 0 : i32
          %dma_wait3A_164 = arith.constant 0 : i32
          %dma_wait3A_165 = tpu.memref_slice %arg6[%run_scoped3A_132, %dma_wait3A_163, %dma_wait3A_164] : memref<2x2x384xi32, #tpu.memory_space<vmem>> -> memref<1x2x384xi32, #tpu.memory_space<vmem>>
          %dma_wait3A_166 = tpu.memref_squeeze %dma_wait3A_165 : memref<1x2x384xi32, #tpu.memory_space<vmem>> -> memref<2x384xi32, #tpu.memory_space<vmem>>
          %dma_wait3A_167 = arith.constant 0 : i32
          %dma_wait3A_168 = arith.constant 0 : i32
          %dma_wait3A_169 = tpu.memref_slice %arg3[%add3A_131, %dma_wait3A_167, %dma_wait3A_168] : memref<2112x2x384xi32, #tpu.memory_space<hbm>> -> memref<1x2x384xi32, #tpu.memory_space<hbm>>
          %dma_wait3A_170 = tpu.memref_squeeze %dma_wait3A_169 : memref<1x2x384xi32, #tpu.memory_space<hbm>> -> memref<2x384xi32, #tpu.memory_space<hbm>>
          %dma_wait3A_171 = arith.constant 0 : i32
          %dma_wait3A_172 = arith.constant 0 : i32
          %dma_wait3A_173 = tpu.memref_slice %arg6[%run_scoped3A_132, %dma_wait3A_171, %dma_wait3A_172] : memref<2x2x384xi32, #tpu.memory_space<vmem>> -> memref<1x2x384xi32, #tpu.memory_space<vmem>>
          %dma_wait3A_174 = tpu.memref_squeeze %dma_wait3A_173 : memref<1x2x384xi32, #tpu.memory_space<vmem>> -> memref<2x384xi32, #tpu.memory_space<vmem>>
          %dma_wait3A_175 = arith.constant 0 : i32
          %dma_wait3A_176 = arith.constant 0 : i32
          %dma_wait3A_177 = tpu.memref_slice %arg3[%add3A_131, %dma_wait3A_175, %dma_wait3A_176] : memref<2112x2x384xi32, #tpu.memory_space<hbm>> -> memref<1x2x384xi32, #tpu.memory_space<hbm>>
          %dma_wait3A_178 = tpu.memref_squeeze %dma_wait3A_177 : memref<1x2x384xi32, #tpu.memory_space<hbm>> -> memref<2x384xi32, #tpu.memory_space<hbm>>
          tpu.wait_dma2 semaphore(%run_scoped3A_146 : memref<!tpu.dma_semaphore, #tpu.memory_space<semaphore_mem>>) src(%dma_wait3A_178 : memref<2x384xi32, #tpu.memory_space<hbm>>) dst(%dma_wait3A_174 : memref<2x384xi32, #tpu.memory_space<vmem>>)
          tpu.yield
        }) : () -> ()
        %dma_start3A_133 = arith.constant 0 : i32
        %dma_start3A_134 = arith.constant 0 : i32
        %dma_start3A_135 = arith.constant 0 : i32
        %dma_start3A_136 = arith.constant 0 : i32
        %dma_start3A_137 = arith.constant 0 : i32
        %dma_start3A_138 = tpu.memref_slice %arg7[%dma_start3A_135, %dma_start3A_136, %dma_start3A_137] : memref<2x384x64xbf16, #tpu.memory_space<vmem>> -> memref<1x384x64xbf16, #tpu.memory_space<vmem>>
        %dma_start3A_139 = tpu.memref_squeeze %dma_start3A_138 : memref<1x384x64xbf16, #tpu.memory_space<vmem>> -> memref<384x64xbf16, #tpu.memory_space<vmem>>
        %dma_start3A_140 = arith.constant 0 : i32
        %dma_start3A_141 = tpu.memref_slice %arg6[%dma_start3A_133, %dma_start3A_134, %dma_start3A_140] : memref<2x2x384xi32, #tpu.memory_space<vmem>> -> memref<1x1x384xi32, #tpu.memory_space<vmem>>
        %dma_start3A_142 = tpu.memref_squeeze %dma_start3A_141 : memref<1x1x384xi32, #tpu.memory_space<vmem>> -> memref<384xi32, #tpu.memory_space<vmem>>
        %dma_start3A_143 = arith.constant 0 : i32
        %dma_start3A_144 = arith.constant 0 : i32
        %dma_start3A_145 = tpu.memref_slice %arg2[%dma_start3A_143, %dma_start3A_144] : memref<50000x64xbf16, #tpu.memory_space<hbm>> -> memref<50000x64xbf16, #tpu.memory_space<hbm>>
        tpu.enqueue_indirect_dma source(%dma_start3A_145 : memref<50000x64xbf16, #tpu.memory_space<hbm>>) target(%dma_start3A_139 : memref<384x64xbf16, #tpu.memory_space<vmem>>) offsets(%dma_start3A_142 : memref<384xi32, #tpu.memory_space<vmem>>) semaphore(%arg9 : memref<!tpu.dma_semaphore, #tpu.memory_space<semaphore_mem>>)
      } else {
      }
      %dma_start3A_114 = arith.constant 1 : i32
      %dma_start3A_115 = arith.constant 1 : i32
      %dma_start3A_116 = arith.constant 1 : i32
      %dma_start3A_117 = arith.constant 0 : i32
      %dma_start3A_118 = arith.constant 0 : i32
      %dma_start3A_119 = tpu.memref_slice %arg7[%dma_start3A_114, %dma_start3A_117, %dma_start3A_118] : memref<2x384x64xbf16, #tpu.memory_space<vmem>> -> memref<1x384x64xbf16, #tpu.memory_space<vmem>>
      %dma_start3A_120 = tpu.memref_squeeze %dma_start3A_119 : memref<1x384x64xbf16, #tpu.memory_space<vmem>> -> memref<384x64xbf16, #tpu.memory_space<vmem>>
      %dma_start3A_121 = arith.constant 0 : i32
      %dma_start3A_122 = tpu.memref_slice %arg6[%dma_start3A_115, %dma_start3A_116, %dma_start3A_121] : memref<2x2x384xi32, #tpu.memory_space<vmem>> -> memref<1x1x384xi32, #tpu.memory_space<vmem>>
      %dma_start3A_123 = tpu.memref_squeeze %dma_start3A_122 : memref<1x1x384xi32, #tpu.memory_space<vmem>> -> memref<384xi32, #tpu.memory_space<vmem>>
      %dma_start3A_124 = arith.constant 0 : i32
      %dma_start3A_125 = arith.constant 0 : i32
      %dma_start3A_126 = tpu.memref_slice %arg8[%dma_start3A_124, %dma_start3A_125] : memref<50176x64xbf16, #tpu.memory_space<vmem_shared>> -> memref<50176x64xbf16, #tpu.memory_space<vmem_shared>>
      tpu.enqueue_indirect_dma source(%dma_start3A_120 : memref<384x64xbf16, #tpu.memory_space<vmem>>) target(%dma_start3A_126 : memref<50176x64xbf16, #tpu.memory_space<vmem_shared>>) offsets(%dma_start3A_123 : memref<384xi32, #tpu.memory_space<vmem>>) semaphore(%arg12 : memref<!tpu.dma_semaphore, #tpu.memory_space<semaphore_mem>>) {add = true}
    }
    %scan3A_20 = arith.constant 33 : i32
    %dma_wait3A = arith.constant 1 : i32
    %dma_wait3A_21 = arith.constant 1 : i32
    %dma_wait3A_22 = arith.constant 1 : i32
    %dma_wait3A_23 = arith.constant 0 : i32
    %dma_wait3A_24 = arith.constant 0 : i32
    %dma_wait3A_25 = tpu.memref_slice %arg7[%dma_wait3A, %dma_wait3A_23, %dma_wait3A_24] : memref<2x384x64xbf16, #tpu.memory_space<vmem>> -> memref<1x384x64xbf16, #tpu.memory_space<vmem>>
    %dma_wait3A_26 = tpu.memref_squeeze %dma_wait3A_25 : memref<1x384x64xbf16, #tpu.memory_space<vmem>> -> memref<384x64xbf16, #tpu.memory_space<vmem>>
    %dma_wait3A_27 = arith.constant 0 : i32
    %dma_wait3A_28 = tpu.memref_slice %arg6[%dma_wait3A_21, %dma_wait3A_22, %dma_wait3A_27] : memref<2x2x384xi32, #tpu.memory_space<vmem>> -> memref<1x1x384xi32, #tpu.memory_space<vmem>>
    %dma_wait3A_29 = tpu.memref_squeeze %dma_wait3A_28 : memref<1x1x384xi32, #tpu.memory_space<vmem>> -> memref<384xi32, #tpu.memory_space<vmem>>
    %dma_wait3A_30 = arith.constant 0 : i32
    %dma_wait3A_31 = arith.constant 0 : i32
    %dma_wait3A_32 = tpu.memref_slice %arg8[%dma_wait3A_30, %dma_wait3A_31] : memref<50176x64xbf16, #tpu.memory_space<vmem_shared>> -> memref<50176x64xbf16, #tpu.memory_space<vmem_shared>>
    tpu.wait_indirect_dma semaphore(%arg12 : memref<!tpu.dma_semaphore, #tpu.memory_space<semaphore_mem>>) src(%dma_wait3A_26 : memref<384x64xbf16, #tpu.memory_space<vmem>>) dst(%dma_wait3A_32 : memref<50176x64xbf16, #tpu.memory_space<vmem_shared>>)
    %barrier3A_33 = arith.constant 0 : index
    tpu.barrier barrier_id(%barrier3A_33)
    %mul3A_34 = arith.constant 3136 : i32
    %mul3A_35 = arith.muli %arg1, %mul3A_34 : i32
    "tpu.region"() ({
      %run_scoped3A_36 = tpu.sem_alloc : memref<!tpu.dma_semaphore, #tpu.memory_space<semaphore_mem>>
      %dma_start3A_37 = arith.constant 0 : i32
      %dma_start3A_38 = tpu.memref_slice %arg5[%arg0, %mul3A_35, %dma_start3A_37] : memref<2x50176x64xbf16, #tpu.memory_space<hbm>> -> memref<1x3136x64xbf16, #tpu.memory_space<hbm>>
      %dma_start3A_39 = tpu.memref_squeeze %dma_start3A_38 : memref<1x3136x64xbf16, #tpu.memory_space<hbm>> -> memref<3136x64xbf16, #tpu.memory_space<hbm>>
      %dma_start3A_40 = arith.constant 0 : i32
      %dma_start3A_41 = tpu.memref_slice %arg8[%mul3A_35, %dma_start3A_40] : memref<50176x64xbf16, #tpu.memory_space<vmem_shared>> -> memref<3136x64xbf16, #tpu.memory_space<vmem_shared>>
      tpu.enqueue_dma source(%dma_start3A_41 : memref<3136x64xbf16, #tpu.memory_space<vmem_shared>>) target(%dma_start3A_39 : memref<3136x64xbf16, #tpu.memory_space<hbm>>) target_semaphore(%run_scoped3A_36 : memref<!tpu.dma_semaphore, #tpu.memory_space<semaphore_mem>>)
      %dma_wait3A_42 = arith.constant 0 : i32
      %dma_wait3A_43 = tpu.memref_slice %arg5[%arg0, %mul3A_35, %dma_wait3A_42] : memref<2x50176x64xbf16, #tpu.memory_space<hbm>> -> memref<1x3136x64xbf16, #tpu.memory_space<hbm>>
      %dma_wait3A_44 = tpu.memref_squeeze %dma_wait3A_43 : memref<1x3136x64xbf16, #tpu.memory_space<hbm>> -> memref<3136x64xbf16, #tpu.memory_space<hbm>>
      %dma_wait3A_45 = arith.constant 0 : i32
      %dma_wait3A_46 = tpu.memref_slice %arg8[%mul3A_35, %dma_wait3A_45] : memref<50176x64xbf16, #tpu.memory_space<vmem_shared>> -> memref<3136x64xbf16, #tpu.memory_space<vmem_shared>>
      tpu.wait_dma2 semaphore(%run_scoped3A_36 : memref<!tpu.dma_semaphore, #tpu.memory_space<semaphore_mem>>) src(%dma_wait3A_46 : memref<3136x64xbf16, #tpu.memory_space<vmem_shared>>) dst(%dma_wait3A_44 : memref<3136x64xbf16, #tpu.memory_space<hbm>>)
      tpu.yield
    }) : () -> ()
    return
  }
}

module attributes {stable_mosaic.version = 14 : i64} {
  func.func @_conv_body(%arg0: i32, %arg1: memref<2000x768xf32, #tpu.memory_space<vmem>>, %arg2: memref<768x588xbf16, #tpu.memory_space<vmem>>, %arg3: memref<1x588xf32, #tpu.memory_space<vmem>>, %arg4: memref<588x64xf32, #tpu.memory_space<vmem>>, %arg5: memref<1x64xf32, #tpu.memory_space<vmem>>, %arg6: memref<768x588xbf16, #tpu.memory_space<vmem>>, %arg7: memref<1x588xf32, #tpu.memory_space<vmem>>, %arg8: memref<588x64xf32, #tpu.memory_space<vmem>>, %arg9: memref<1x64xf32, #tpu.memory_space<vmem>>, %arg10: memref<2000x64xf32, #tpu.memory_space<vmem>>, %arg11: memref<2000x64xf32, #tpu.memory_space<vmem>>, %arg12: memref<2000x64xbf16, #tpu.memory_space<vmem>>) attributes {dimension_semantics = [#tpu.dimension_semantics<arbitrary>], iteration_bounds = array<i64: 25>, scalar_prefetch = 0 : i64, scratch_operands = 0 : i64, tpu.core_type = #tpu.core_type<tc>, window_params = [{transform_indices = @transform_0, window_bounds = array<i64: 2000, 768>}, {pipeline_mode = #tpu.pipeline_mode<synchronous>, transform_indices = @transform_1, window_bounds = array<i64: 768, 588>}, {pipeline_mode = #tpu.pipeline_mode<synchronous>, transform_indices = @transform_2, window_bounds = array<i64: 1, 588>}, {pipeline_mode = #tpu.pipeline_mode<synchronous>, transform_indices = @transform_3, window_bounds = array<i64: 588, 64>}, {pipeline_mode = #tpu.pipeline_mode<synchronous>, transform_indices = @transform_4, window_bounds = array<i64: 1, 64>}, {pipeline_mode = #tpu.pipeline_mode<synchronous>, transform_indices = @transform_5, window_bounds = array<i64: 768, 588>}, {pipeline_mode = #tpu.pipeline_mode<synchronous>, transform_indices = @transform_6, window_bounds = array<i64: 1, 588>}, {pipeline_mode = #tpu.pipeline_mode<synchronous>, transform_indices = @transform_7, window_bounds = array<i64: 588, 64>}, {pipeline_mode = #tpu.pipeline_mode<synchronous>, transform_indices = @transform_8, window_bounds = array<i64: 1, 64>}, {transform_indices = @transform_9, window_bounds = array<i64: 2000, 64>}, {transform_indices = @transform_10, window_bounds = array<i64: 2000, 64>}, {transform_indices = @transform_11, window_bounds = array<i64: 2000, 64>}]} {
    %get3A = arith.constant 0 : index
    %get3A_0 = arith.constant 0 : index
    %get3A_1 = vector.load %arg1[%get3A, %get3A_0] : memref<2000x768xf32, #tpu.memory_space<vmem>>, vector<2000x768xf32>
    %convert_element_type3A = arith.truncf %get3A_1 : vector<2000x768xf32> to vector<2000x768xbf16>
    %get3A_2 = arith.constant 0 : index
    %get3A_3 = arith.constant 0 : index
    %get3A_4 = vector.load %arg2[%get3A_2, %get3A_3] : memref<768x588xbf16, #tpu.memory_space<vmem>>, vector<768x588xbf16>
    %dot_general3A = arith.constant dense<0.000000e+00> : vector<2000x588xf32>
    %dot_general3A_5 = tpu.matmul %convert_element_type3A, %get3A_4, %dot_general3A {dimension_numbers = #tpu.dot_dimension_numbers<[1], [0], [0], [1], [0, 0, 1, 1], [], []>, transpose_lhs_hint = false} : vector<2000x768xbf16>, vector<768x588xbf16>, vector<2000x588xf32> -> vector<2000x588xf32>
    %get3A_6 = arith.constant 0 : index
    %get3A_7 = arith.constant 0 : index
    %get3A_8 = vector.load %arg3[%get3A_6, %get3A_7] : memref<1x588xf32, #tpu.memory_space<vmem>>, vector<1x588xf32>
    %add3A = vector.broadcast %get3A_8 : vector<1x588xf32> to vector<2000x588xf32>
    %add3A_9 = arith.addf %dot_general3A_5, %add3A : vector<2000x588xf32>
    %max3A = arith.constant 0.000000e+00 : f32
    %max3A_10 = vector.broadcast %max3A : f32 to vector<2000x588xf32>
    %max3A_11 = arith.maximumf %add3A_9, %max3A_10 : vector<2000x588xf32>
    %get3A_12 = arith.constant 0 : index
    %get3A_13 = arith.constant 0 : index
    %get3A_14 = vector.load %arg4[%get3A_12, %get3A_13] : memref<588x64xf32, #tpu.memory_space<vmem>>, vector<588x64xf32>
    %dot_general3A_15 = arith.constant dense<0.000000e+00> : vector<2000x64xf32>
    %dot_general3A_16 = tpu.matmul %max3A_11, %get3A_14, %dot_general3A_15 {dimension_numbers = #tpu.dot_dimension_numbers<[1], [0], [0], [1], [0, 0, 1, 1], [], []>, transpose_lhs_hint = false} : vector<2000x588xf32>, vector<588x64xf32>, vector<2000x64xf32> -> vector<2000x64xf32>
    %get3A_17 = arith.constant 0 : index
    %get3A_18 = arith.constant 0 : index
    %get3A_19 = vector.load %arg5[%get3A_17, %get3A_18] : memref<1x64xf32, #tpu.memory_space<vmem>>, vector<1x64xf32>
    %add3A_20 = vector.broadcast %get3A_19 : vector<1x64xf32> to vector<2000x64xf32>
    %add3A_21 = arith.addf %dot_general3A_16, %add3A_20 : vector<2000x64xf32>
    %swap3A = arith.constant 0 : index
    %swap3A_22 = arith.constant 0 : index
    %swap3A_23 = vector.load %arg10[%swap3A, %swap3A_22] : memref<2000x64xf32, #tpu.memory_space<vmem>>, vector<2000x64xf32>
    tpu.vector_store %arg10[%swap3A, %swap3A_22], %add3A_21 {strides = array<i32>} : memref<2000x64xf32, #tpu.memory_space<vmem>>, vector<2000x64xf32>,
    %get3A_24 = arith.constant 0 : index
    %get3A_25 = arith.constant 0 : index
    %get3A_26 = vector.load %arg6[%get3A_24, %get3A_25] : memref<768x588xbf16, #tpu.memory_space<vmem>>, vector<768x588xbf16>
    %dot_general3A_27 = arith.constant dense<0.000000e+00> : vector<2000x588xf32>
    %dot_general3A_28 = tpu.matmul %convert_element_type3A, %get3A_26, %dot_general3A_27 {dimension_numbers = #tpu.dot_dimension_numbers<[1], [0], [0], [1], [0, 0, 1, 1], [], []>, transpose_lhs_hint = false} : vector<2000x768xbf16>, vector<768x588xbf16>, vector<2000x588xf32> -> vector<2000x588xf32>
    %get3A_29 = arith.constant 0 : index
    %get3A_30 = arith.constant 0 : index
    %get3A_31 = vector.load %arg7[%get3A_29, %get3A_30] : memref<1x588xf32, #tpu.memory_space<vmem>>, vector<1x588xf32>
    %add3A_32 = vector.broadcast %get3A_31 : vector<1x588xf32> to vector<2000x588xf32>
    %add3A_33 = arith.addf %dot_general3A_28, %add3A_32 : vector<2000x588xf32>
    %max3A_34 = arith.constant 0.000000e+00 : f32
    %max3A_35 = vector.broadcast %max3A_34 : f32 to vector<2000x588xf32>
    %max3A_36 = arith.maximumf %add3A_33, %max3A_35 : vector<2000x588xf32>
    %get3A_37 = arith.constant 0 : index
    %get3A_38 = arith.constant 0 : index
    %get3A_39 = vector.load %arg8[%get3A_37, %get3A_38] : memref<588x64xf32, #tpu.memory_space<vmem>>, vector<588x64xf32>
    %dot_general3A_40 = arith.constant dense<0.000000e+00> : vector<2000x64xf32>
    %dot_general3A_41 = tpu.matmul %max3A_36, %get3A_39, %dot_general3A_40 {dimension_numbers = #tpu.dot_dimension_numbers<[1], [0], [0], [1], [0, 0, 1, 1], [], []>, transpose_lhs_hint = false} : vector<2000x588xf32>, vector<588x64xf32>, vector<2000x64xf32> -> vector<2000x64xf32>
    %get3A_42 = arith.constant 0 : index
    %get3A_43 = arith.constant 0 : index
    %get3A_44 = vector.load %arg9[%get3A_42, %get3A_43] : memref<1x64xf32, #tpu.memory_space<vmem>>, vector<1x64xf32>
    %add3A_45 = vector.broadcast %get3A_44 : vector<1x64xf32> to vector<2000x64xf32>
    %add3A_46 = arith.addf %dot_general3A_41, %add3A_45 : vector<2000x64xf32>
    %swap3A_47 = arith.constant 0 : index
    %swap3A_48 = arith.constant 0 : index
    %swap3A_49 = vector.load %arg11[%swap3A_47, %swap3A_48] : memref<2000x64xf32, #tpu.memory_space<vmem>>, vector<2000x64xf32>
    tpu.vector_store %arg11[%swap3A_47, %swap3A_48], %add3A_46 {strides = array<i32>} : memref<2000x64xf32, #tpu.memory_space<vmem>>, vector<2000x64xf32>,
    %convert_element_type3A_50 = arith.truncf %add3A_46 : vector<2000x64xf32> to vector<2000x64xbf16>
    %swap3A_51 = arith.constant 0 : index
    %swap3A_52 = arith.constant 0 : index
    %swap3A_53 = vector.load %arg12[%swap3A_51, %swap3A_52] : memref<2000x64xbf16, #tpu.memory_space<vmem>>, vector<2000x64xbf16>
    tpu.vector_store %arg12[%swap3A_51, %swap3A_52], %convert_element_type3A_50 {strides = array<i32>} : memref<2000x64xbf16, #tpu.memory_space<vmem>>, vector<2000x64xbf16>,
    return
  }
  func.func @transform_0(%arg0: i32) -> (i32, i32) {
    %c0_i32 = arith.constant 0 : i32
    %c0_i32_0 = arith.constant 0 : i32
    return %arg0, %c0_i32 : i32, i32
  }
  func.func @transform_1(%arg0: i32) -> (i32, i32) {
    %c0_i32 = arith.constant 0 : i32
    %c0_i32_0 = arith.constant 0 : i32
    %c0_i32_1 = arith.constant 0 : i32
    return %c0_i32, %c0_i32_0 : i32, i32
  }
  func.func @transform_2(%arg0: i32) -> (i32, i32) {
    %c0_i32 = arith.constant 0 : i32
    %c0_i32_0 = arith.constant 0 : i32
    %c0_i32_1 = arith.constant 0 : i32
    return %c0_i32, %c0_i32_0 : i32, i32
  }
  func.func @transform_3(%arg0: i32) -> (i32, i32) {
    %c0_i32 = arith.constant 0 : i32
    %c0_i32_0 = arith.constant 0 : i32
    %c0_i32_1 = arith.constant 0 : i32
    return %c0_i32, %c0_i32_0 : i32, i32
  }
  func.func @transform_4(%arg0: i32) -> (i32, i32) {
    %c0_i32 = arith.constant 0 : i32
    %c0_i32_0 = arith.constant 0 : i32
    %c0_i32_1 = arith.constant 0 : i32
    return %c0_i32, %c0_i32_0 : i32, i32
  }
  func.func @transform_5(%arg0: i32) -> (i32, i32) {
    %c0_i32 = arith.constant 0 : i32
    %c0_i32_0 = arith.constant 0 : i32
    %c0_i32_1 = arith.constant 0 : i32
    return %c0_i32, %c0_i32_0 : i32, i32
  }
  func.func @transform_6(%arg0: i32) -> (i32, i32) {
    %c0_i32 = arith.constant 0 : i32
    %c0_i32_0 = arith.constant 0 : i32
    %c0_i32_1 = arith.constant 0 : i32
    return %c0_i32, %c0_i32_0 : i32, i32
  }
  func.func @transform_7(%arg0: i32) -> (i32, i32) {
    %c0_i32 = arith.constant 0 : i32
    %c0_i32_0 = arith.constant 0 : i32
    %c0_i32_1 = arith.constant 0 : i32
    return %c0_i32, %c0_i32_0 : i32, i32
  }
  func.func @transform_8(%arg0: i32) -> (i32, i32) {
    %c0_i32 = arith.constant 0 : i32
    %c0_i32_0 = arith.constant 0 : i32
    %c0_i32_1 = arith.constant 0 : i32
    return %c0_i32, %c0_i32_0 : i32, i32
  }
  func.func @transform_9(%arg0: i32) -> (i32, i32) {
    %c0_i32 = arith.constant 0 : i32
    %c0_i32_0 = arith.constant 0 : i32
    return %arg0, %c0_i32 : i32, i32
  }
  func.func @transform_10(%arg0: i32) -> (i32, i32) {
    %c0_i32 = arith.constant 0 : i32
    %c0_i32_0 = arith.constant 0 : i32
    return %arg0, %c0_i32 : i32, i32
  }
  func.func @transform_11(%arg0: i32) -> (i32, i32) {
    %c0_i32 = arith.constant 0 : i32
    %c0_i32_0 = arith.constant 0 : i32
    return %arg0, %c0_i32 : i32, i32
  }
}

module attributes {stable_mosaic.version = 14 : i64} {
  func.func @_pre_body(%arg0: i32, %arg1: memref<5000x64xf32, #tpu.memory_space<vmem>>, %arg2: memref<2x5000x64xbf16, #tpu.memory_space<vmem>>, %arg3: memref<1x64xf32, #tpu.memory_space<vmem>>, %arg4: memref<1x64xf32, #tpu.memory_space<vmem>>, %arg5: memref<5000x64xf32, #tpu.memory_space<vmem>>, %arg6: memref<5000x64xbf16, #tpu.memory_space<vmem>>) attributes {dimension_semantics = [#tpu.dimension_semantics<arbitrary>], iteration_bounds = array<i64: 10>, scalar_prefetch = 0 : i64, scratch_operands = 0 : i64, tpu.core_type = #tpu.core_type<tc>, window_params = [{transform_indices = @transform_0, window_bounds = array<i64: 5000, 64>}, {transform_indices = @transform_1, window_bounds = array<i64: 2, 5000, 64>}, {pipeline_mode = #tpu.pipeline_mode<synchronous>, transform_indices = @transform_2, window_bounds = array<i64: 1, 64>}, {pipeline_mode = #tpu.pipeline_mode<synchronous>, transform_indices = @transform_3, window_bounds = array<i64: 1, 64>}, {transform_indices = @transform_4, window_bounds = array<i64: 5000, 64>}, {transform_indices = @transform_5, window_bounds = array<i64: 5000, 64>}]} {
    %get3A = arith.constant 0 : index
    %get3A_0 = arith.constant 0 : index
    %get3A_1 = arith.constant 0 : index
    %get3A_2 = vector.load %arg2[%get3A, %get3A_0, %get3A_1] : memref<2x5000x64xbf16, #tpu.memory_space<vmem>>, vector<2x5000x64xbf16>
    %convert_element_type3A = arith.extf %get3A_2 : vector<2x5000x64xbf16> to vector<2x5000x64xf32>
    %get3A_3 = arith.constant 0 : index
    %get3A_4 = arith.constant 0 : index
    %get3A_5 = vector.load %arg1[%get3A_3, %get3A_4] : memref<5000x64xf32, #tpu.memory_space<vmem>>, vector<5000x64xf32>
    %slice3A = vector.extract_strided_slice %convert_element_type3A {offsets = [0, 0, 0], sizes = [1, 5000, 64], strides = [1, 1, 1]} : vector<2x5000x64xf32> to vector<1x5000x64xf32>
    %squeeze3A = vector.shape_cast %slice3A : vector<1x5000x64xf32> to vector<5000x64xf32>
    %add3A = arith.addf %get3A_5, %squeeze3A : vector<5000x64xf32>
    %slice3A_6 = vector.extract_strided_slice %convert_element_type3A {offsets = [1, 0, 0], sizes = [1, 5000, 64], strides = [1, 1, 1]} : vector<2x5000x64xf32> to vector<1x5000x64xf32>
    %squeeze3A_7 = vector.shape_cast %slice3A_6 : vector<1x5000x64xf32> to vector<5000x64xf32>
    %add3A_8 = arith.addf %add3A, %squeeze3A_7 : vector<5000x64xf32>
    %max3A = arith.constant 0.000000e+00 : f32
    %max3A_9 = vector.broadcast %max3A : f32 to vector<5000x64xf32>
    %max3A_10 = arith.maximumf %add3A_8, %max3A_9 : vector<5000x64xf32>
    %get3A_11 = arith.constant 0 : index
    %get3A_12 = arith.constant 0 : index
    %get3A_13 = vector.load %arg3[%get3A_11, %get3A_12] : memref<1x64xf32, #tpu.memory_space<vmem>>, vector<1x64xf32>
    %get3A_14 = arith.constant 0 : index
    %get3A_15 = arith.constant 0 : index
    %get3A_16 = vector.load %arg4[%get3A_14, %get3A_15] : memref<1x64xf32, #tpu.memory_space<vmem>>, vector<1x64xf32>
    %reduce_sum3A = arith.constant dense<0.000000e+00> : vector<5000xf32>
    %reduce_sum3A_17 = vector.multi_reduction <add>, %max3A_10, %reduce_sum3A [1] : vector<5000x64xf32> to vector<5000xf32>
    %broadcast_in_dim3A = vector.shape_cast %reduce_sum3A_17 : vector<5000xf32> to vector<5000x1xf32>
    %div3A = arith.constant 6.400000e+01 : f32
    %div3A_18 = vector.broadcast %div3A : f32 to vector<5000x1xf32>
    %div3A_19 = arith.divf %broadcast_in_dim3A, %div3A_18 : vector<5000x1xf32>
    %sub3A = vector.broadcast %div3A_19 : vector<5000x1xf32> to vector<5000x64xf32>
    %sub3A_20 = arith.subf %max3A_10, %sub3A : vector<5000x64xf32>
    %integer_pow3A = arith.mulf %sub3A_20, %sub3A_20 : vector<5000x64xf32>
    %reduce_sum3A_21 = arith.constant dense<0.000000e+00> : vector<5000xf32>
    %reduce_sum3A_22 = vector.multi_reduction <add>, %integer_pow3A, %reduce_sum3A_21 [1] : vector<5000x64xf32> to vector<5000xf32>
    %broadcast_in_dim3A_23 = vector.shape_cast %reduce_sum3A_22 : vector<5000xf32> to vector<5000x1xf32>
    %div3A_24 = arith.constant 6.400000e+01 : f32
    %div3A_25 = vector.broadcast %div3A_24 : f32 to vector<5000x1xf32>
    %div3A_26 = arith.divf %broadcast_in_dim3A_23, %div3A_25 : vector<5000x1xf32>
    %sub3A_27 = vector.broadcast %div3A_19 : vector<5000x1xf32> to vector<5000x64xf32>
    %sub3A_28 = arith.subf %max3A_10, %sub3A_27 : vector<5000x64xf32>
    %add3A_29 = arith.constant 9.99999974E-6 : f32
    %add3A_30 = vector.broadcast %add3A_29 : f32 to vector<5000x1xf32>
    %add3A_31 = arith.addf %div3A_26, %add3A_30 : vector<5000x1xf32>
    %sqrt3A = math.sqrt %add3A_31 : vector<5000x1xf32>
    %div3A_32 = vector.broadcast %sqrt3A : vector<5000x1xf32> to vector<5000x64xf32>
    %div3A_33 = arith.divf %sub3A_28, %div3A_32 : vector<5000x64xf32>
    %mul3A = vector.broadcast %get3A_13 : vector<1x64xf32> to vector<5000x64xf32>
    %mul3A_34 = arith.mulf %div3A_33, %mul3A : vector<5000x64xf32>
    %add3A_35 = vector.broadcast %get3A_16 : vector<1x64xf32> to vector<5000x64xf32>
    %add3A_36 = arith.addf %mul3A_34, %add3A_35 : vector<5000x64xf32>
    %swap3A = arith.constant 0 : index
    %swap3A_37 = arith.constant 0 : index
    %swap3A_38 = vector.load %arg5[%swap3A, %swap3A_37] : memref<5000x64xf32, #tpu.memory_space<vmem>>, vector<5000x64xf32>
    tpu.vector_store %arg5[%swap3A, %swap3A_37], %add3A_36 {strides = array<i32>} : memref<5000x64xf32, #tpu.memory_space<vmem>>, vector<5000x64xf32>,
    %convert_element_type3A_39 = arith.truncf %add3A_36 : vector<5000x64xf32> to vector<5000x64xbf16>
    %swap3A_40 = arith.constant 0 : index
    %swap3A_41 = arith.constant 0 : index
    %swap3A_42 = vector.load %arg6[%swap3A_40, %swap3A_41] : memref<5000x64xbf16, #tpu.memory_space<vmem>>, vector<5000x64xbf16>
    tpu.vector_store %arg6[%swap3A_40, %swap3A_41], %convert_element_type3A_39 {strides = array<i32>} : memref<5000x64xbf16, #tpu.memory_space<vmem>>, vector<5000x64xbf16>,
    return
  }
  func.func @transform_0(%arg0: i32) -> (i32, i32) {
    %c0_i32 = arith.constant 0 : i32
    %c0_i32_0 = arith.constant 0 : i32
    return %arg0, %c0_i32 : i32, i32
  }
  func.func @transform_1(%arg0: i32) -> (i32, i32, i32) {
    %c0_i32 = arith.constant 0 : i32
    %c0_i32_0 = arith.constant 0 : i32
    %c0_i32_1 = arith.constant 0 : i32
    return %c0_i32, %arg0, %c0_i32_0 : i32, i32, i32
  }
  func.func @transform_2(%arg0: i32) -> (i32, i32) {
    %c0_i32 = arith.constant 0 : i32
    %c0_i32_0 = arith.constant 0 : i32
    %c0_i32_1 = arith.constant 0 : i32
    return %c0_i32, %c0_i32_0 : i32, i32
  }
  func.func @transform_3(%arg0: i32) -> (i32, i32) {
    %c0_i32 = arith.constant 0 : i32
    %c0_i32_0 = arith.constant 0 : i32
    %c0_i32_1 = arith.constant 0 : i32
    return %c0_i32, %c0_i32_0 : i32, i32
  }
  func.func @transform_4(%arg0: i32) -> (i32, i32) {
    %c0_i32 = arith.constant 0 : i32
    %c0_i32_0 = arith.constant 0 : i32
    return %arg0, %c0_i32 : i32, i32
  }
  func.func @transform_5(%arg0: i32) -> (i32, i32) {
    %c0_i32 = arith.constant 0 : i32
    %c0_i32_0 = arith.constant 0 : i32
    return %arg0, %c0_i32 : i32, i32
  }
}

module attributes {stable_mosaic.version = 14 : i64} {
  func.func @_sage_mid_body(%arg0: i32, %arg1: memref<5000x64xf32, #tpu.memory_space<vmem>>, %arg2: memref<2x5000x64xbf16, #tpu.memory_space<vmem>>, %arg3: memref<5000x1xf32, #tpu.memory_space<vmem>>, %arg4: memref<64x64xf32, #tpu.memory_space<vmem>>, %arg5: memref<1x64xf32, #tpu.memory_space<vmem>>, %arg6: memref<64x64xf32, #tpu.memory_space<vmem>>, %arg7: memref<1x64xf32, #tpu.memory_space<vmem>>, %arg8: memref<1x64xf32, #tpu.memory_space<vmem>>, %arg9: memref<5000x64xf32, #tpu.memory_space<vmem>>, %arg10: memref<5000x64xbf16, #tpu.memory_space<vmem>>) attributes {dimension_semantics = [#tpu.dimension_semantics<arbitrary>], iteration_bounds = array<i64: 10>, scalar_prefetch = 0 : i64, scratch_operands = 0 : i64, tpu.core_type = #tpu.core_type<tc>, window_params = [{transform_indices = @transform_0, window_bounds = array<i64: 5000, 64>}, {transform_indices = @transform_1, window_bounds = array<i64: 2, 5000, 64>}, {transform_indices = @transform_2, window_bounds = array<i64: 5000, 1>}, {pipeline_mode = #tpu.pipeline_mode<synchronous>, transform_indices = @transform_3, window_bounds = array<i64: 64, 64>}, {pipeline_mode = #tpu.pipeline_mode<synchronous>, transform_indices = @transform_4, window_bounds = array<i64: 1, 64>}, {pipeline_mode = #tpu.pipeline_mode<synchronous>, transform_indices = @transform_5, window_bounds = array<i64: 64, 64>}, {pipeline_mode = #tpu.pipeline_mode<synchronous>, transform_indices = @transform_6, window_bounds = array<i64: 1, 64>}, {pipeline_mode = #tpu.pipeline_mode<synchronous>, transform_indices = @transform_7, window_bounds = array<i64: 1, 64>}, {transform_indices = @transform_8, window_bounds = array<i64: 5000, 64>}, {transform_indices = @transform_9, window_bounds = array<i64: 5000, 64>}]} {
    %get3A = arith.constant 0 : index
    %get3A_0 = arith.constant 0 : index
    %get3A_1 = arith.constant 0 : index
    %get3A_2 = vector.load %arg2[%get3A, %get3A_0, %get3A_1] : memref<2x5000x64xbf16, #tpu.memory_space<vmem>>, vector<2x5000x64xbf16>
    %convert_element_type3A = arith.extf %get3A_2 : vector<2x5000x64xbf16> to vector<2x5000x64xf32>
    %slice3A = vector.extract_strided_slice %convert_element_type3A {offsets = [0, 0, 0], sizes = [1, 5000, 64], strides = [1, 1, 1]} : vector<2x5000x64xf32> to vector<1x5000x64xf32>
    %squeeze3A = vector.shape_cast %slice3A : vector<1x5000x64xf32> to vector<5000x64xf32>
    %slice3A_3 = vector.extract_strided_slice %convert_element_type3A {offsets = [1, 0, 0], sizes = [1, 5000, 64], strides = [1, 1, 1]} : vector<2x5000x64xf32> to vector<1x5000x64xf32>
    %squeeze3A_4 = vector.shape_cast %slice3A_3 : vector<1x5000x64xf32> to vector<5000x64xf32>
    %add3A = arith.addf %squeeze3A, %squeeze3A_4 : vector<5000x64xf32>
    %get3A_5 = arith.constant 0 : index
    %get3A_6 = arith.constant 0 : index
    %get3A_7 = vector.load %arg3[%get3A_5, %get3A_6] : memref<5000x1xf32, #tpu.memory_space<vmem>>, vector<5000x1xf32>
    %max3A = arith.constant 1.000000e+00 : f32
    %max3A_8 = vector.broadcast %max3A : f32 to vector<5000x1xf32>
    %max3A_9 = arith.maximumf %get3A_7, %max3A_8 : vector<5000x1xf32>
    %div3A = vector.broadcast %max3A_9 : vector<5000x1xf32> to vector<5000x64xf32>
    %div3A_10 = arith.divf %add3A, %div3A : vector<5000x64xf32>
    %get3A_11 = arith.constant 0 : index
    %get3A_12 = arith.constant 0 : index
    %get3A_13 = vector.load %arg4[%get3A_11, %get3A_12] : memref<64x64xf32, #tpu.memory_space<vmem>>, vector<64x64xf32>
    %dot_general3A = arith.constant dense<0.000000e+00> : vector<5000x64xf32>
    %dot_general3A_14 = tpu.matmul %div3A_10, %get3A_13, %dot_general3A {dimension_numbers = #tpu.dot_dimension_numbers<[1], [0], [0], [1], [0, 0, 1, 1], [], []>, transpose_lhs_hint = false} : vector<5000x64xf32>, vector<64x64xf32>, vector<5000x64xf32> -> vector<5000x64xf32>
    %get3A_15 = arith.constant 0 : index
    %get3A_16 = arith.constant 0 : index
    %get3A_17 = vector.load %arg5[%get3A_15, %get3A_16] : memref<1x64xf32, #tpu.memory_space<vmem>>, vector<1x64xf32>
    %add3A_18 = vector.broadcast %get3A_17 : vector<1x64xf32> to vector<5000x64xf32>
    %add3A_19 = arith.addf %dot_general3A_14, %add3A_18 : vector<5000x64xf32>
    %get3A_20 = arith.constant 0 : index
    %get3A_21 = arith.constant 0 : index
    %get3A_22 = vector.load %arg1[%get3A_20, %get3A_21] : memref<5000x64xf32, #tpu.memory_space<vmem>>, vector<5000x64xf32>
    %get3A_23 = arith.constant 0 : index
    %get3A_24 = arith.constant 0 : index
    %get3A_25 = vector.load %arg6[%get3A_23, %get3A_24] : memref<64x64xf32, #tpu.memory_space<vmem>>, vector<64x64xf32>
    %dot_general3A_26 = arith.constant dense<0.000000e+00> : vector<5000x64xf32>
    %dot_general3A_27 = tpu.matmul %get3A_22, %get3A_25, %dot_general3A_26 {dimension_numbers = #tpu.dot_dimension_numbers<[1], [0], [0], [1], [0, 0, 1, 1], [], []>, transpose_lhs_hint = false} : vector<5000x64xf32>, vector<64x64xf32>, vector<5000x64xf32> -> vector<5000x64xf32>
    %add3A_28 = arith.addf %add3A_19, %dot_general3A_27 : vector<5000x64xf32>
    %max3A_29 = arith.constant 0.000000e+00 : f32
    %max3A_30 = vector.broadcast %max3A_29 : f32 to vector<5000x64xf32>
    %max3A_31 = arith.maximumf %add3A_28, %max3A_30 : vector<5000x64xf32>
    %get3A_32 = arith.constant 0 : index
    %get3A_33 = arith.constant 0 : index
    %get3A_34 = vector.load %arg7[%get3A_32, %get3A_33] : memref<1x64xf32, #tpu.memory_space<vmem>>, vector<1x64xf32>
    %get3A_35 = arith.constant 0 : index
    %get3A_36 = arith.constant 0 : index
    %get3A_37 = vector.load %arg8[%get3A_35, %get3A_36] : memref<1x64xf32, #tpu.memory_space<vmem>>, vector<1x64xf32>
    %reduce_sum3A = arith.constant dense<0.000000e+00> : vector<5000xf32>
    %reduce_sum3A_38 = vector.multi_reduction <add>, %max3A_31, %reduce_sum3A [1] : vector<5000x64xf32> to vector<5000xf32>
    %broadcast_in_dim3A = vector.shape_cast %reduce_sum3A_38 : vector<5000xf32> to vector<5000x1xf32>
    %div3A_39 = arith.constant 6.400000e+01 : f32
    %div3A_40 = vector.broadcast %div3A_39 : f32 to vector<5000x1xf32>
    %div3A_41 = arith.divf %broadcast_in_dim3A, %div3A_40 : vector<5000x1xf32>
    %sub3A = vector.broadcast %div3A_41 : vector<5000x1xf32> to vector<5000x64xf32>
    %sub3A_42 = arith.subf %max3A_31, %sub3A : vector<5000x64xf32>
    %integer_pow3A = arith.mulf %sub3A_42, %sub3A_42 : vector<5000x64xf32>
    %reduce_sum3A_43 = arith.constant dense<0.000000e+00> : vector<5000xf32>
    %reduce_sum3A_44 = vector.multi_reduction <add>, %integer_pow3A, %reduce_sum3A_43 [1] : vector<5000x64xf32> to vector<5000xf32>
    %broadcast_in_dim3A_45 = vector.shape_cast %reduce_sum3A_44 : vector<5000xf32> to vector<5000x1xf32>
    %div3A_46 = arith.constant 6.400000e+01 : f32
    %div3A_47 = vector.broadcast %div3A_46 : f32 to vector<5000x1xf32>
    %div3A_48 = arith.divf %broadcast_in_dim3A_45, %div3A_47 : vector<5000x1xf32>
    %sub3A_49 = vector.broadcast %div3A_41 : vector<5000x1xf32> to vector<5000x64xf32>
    %sub3A_50 = arith.subf %max3A_31, %sub3A_49 : vector<5000x64xf32>
    %add3A_51 = arith.constant 9.99999974E-6 : f32
    %add3A_52 = vector.broadcast %add3A_51 : f32 to vector<5000x1xf32>
    %add3A_53 = arith.addf %div3A_48, %add3A_52 : vector<5000x1xf32>
    %sqrt3A = math.sqrt %add3A_53 : vector<5000x1xf32>
    %div3A_54 = vector.broadcast %sqrt3A : vector<5000x1xf32> to vector<5000x64xf32>
    %div3A_55 = arith.divf %sub3A_50, %div3A_54 : vector<5000x64xf32>
    %mul3A = vector.broadcast %get3A_34 : vector<1x64xf32> to vector<5000x64xf32>
    %mul3A_56 = arith.mulf %div3A_55, %mul3A : vector<5000x64xf32>
    %add3A_57 = vector.broadcast %get3A_37 : vector<1x64xf32> to vector<5000x64xf32>
    %add3A_58 = arith.addf %mul3A_56, %add3A_57 : vector<5000x64xf32>
    %swap3A = arith.constant 0 : index
    %swap3A_59 = arith.constant 0 : index
    %swap3A_60 = vector.load %arg9[%swap3A, %swap3A_59] : memref<5000x64xf32, #tpu.memory_space<vmem>>, vector<5000x64xf32>
    tpu.vector_store %arg9[%swap3A, %swap3A_59], %add3A_58 {strides = array<i32>} : memref<5000x64xf32, #tpu.memory_space<vmem>>, vector<5000x64xf32>,
    %convert_element_type3A_61 = arith.truncf %add3A_58 : vector<5000x64xf32> to vector<5000x64xbf16>
    %swap3A_62 = arith.constant 0 : index
    %swap3A_63 = arith.constant 0 : index
    %swap3A_64 = vector.load %arg10[%swap3A_62, %swap3A_63] : memref<5000x64xbf16, #tpu.memory_space<vmem>>, vector<5000x64xbf16>
    tpu.vector_store %arg10[%swap3A_62, %swap3A_63], %convert_element_type3A_61 {strides = array<i32>} : memref<5000x64xbf16, #tpu.memory_space<vmem>>, vector<5000x64xbf16>,
    return
  }
  func.func @transform_0(%arg0: i32) -> (i32, i32) {
    %c0_i32 = arith.constant 0 : i32
    %c0_i32_0 = arith.constant 0 : i32
    return %arg0, %c0_i32 : i32, i32
  }
  func.func @transform_1(%arg0: i32) -> (i32, i32, i32) {
    %c0_i32 = arith.constant 0 : i32
    %c0_i32_0 = arith.constant 0 : i32
    %c0_i32_1 = arith.constant 0 : i32
    return %c0_i32, %arg0, %c0_i32_0 : i32, i32, i32
  }
  func.func @transform_2(%arg0: i32) -> (i32, i32) {
    %c0_i32 = arith.constant 0 : i32
    %c0_i32_0 = arith.constant 0 : i32
    return %arg0, %c0_i32 : i32, i32
  }
  func.func @transform_3(%arg0: i32) -> (i32, i32) {
    %c0_i32 = arith.constant 0 : i32
    %c0_i32_0 = arith.constant 0 : i32
    %c0_i32_1 = arith.constant 0 : i32
    return %c0_i32, %c0_i32_0 : i32, i32
  }
  func.func @transform_4(%arg0: i32) -> (i32, i32) {
    %c0_i32 = arith.constant 0 : i32
    %c0_i32_0 = arith.constant 0 : i32
    %c0_i32_1 = arith.constant 0 : i32
    return %c0_i32, %c0_i32_0 : i32, i32
  }
  func.func @transform_5(%arg0: i32) -> (i32, i32) {
    %c0_i32 = arith.constant 0 : i32
    %c0_i32_0 = arith.constant 0 : i32
    %c0_i32_1 = arith.constant 0 : i32
    return %c0_i32, %c0_i32_0 : i32, i32
  }
  func.func @transform_6(%arg0: i32) -> (i32, i32) {
    %c0_i32 = arith.constant 0 : i32
    %c0_i32_0 = arith.constant 0 : i32
    %c0_i32_1 = arith.constant 0 : i32
    return %c0_i32, %c0_i32_0 : i32, i32
  }
  func.func @transform_7(%arg0: i32) -> (i32, i32) {
    %c0_i32 = arith.constant 0 : i32
    %c0_i32_0 = arith.constant 0 : i32
    %c0_i32_1 = arith.constant 0 : i32
    return %c0_i32, %c0_i32_0 : i32, i32
  }
  func.func @transform_8(%arg0: i32) -> (i32, i32) {
    %c0_i32 = arith.constant 0 : i32
    %c0_i32_0 = arith.constant 0 : i32
    return %arg0, %c0_i32 : i32, i32
  }
  func.func @transform_9(%arg0: i32) -> (i32, i32) {
    %c0_i32 = arith.constant 0 : i32
    %c0_i32_0 = arith.constant 0 : i32
    return %arg0, %c0_i32 : i32, i32
  }
}

module attributes {stable_mosaic.version = 14 : i64} {
  func.func @_sage_final_body(%arg0: i32, %arg1: memref<5000x64xf32, #tpu.memory_space<vmem>>, %arg2: memref<2x5000x64xbf16, #tpu.memory_space<vmem>>, %arg3: memref<5000x1xf32, #tpu.memory_space<vmem>>, %arg4: memref<64x64xf32, #tpu.memory_space<vmem>>, %arg5: memref<1x64xf32, #tpu.memory_space<vmem>>, %arg6: memref<64x64xf32, #tpu.memory_space<vmem>>, %arg7: memref<64x64xf32, #tpu.memory_space<vmem>>, %arg8: memref<1x64xf32, #tpu.memory_space<vmem>>, %arg9: memref<64x16xf32, #tpu.memory_space<vmem>>, %arg10: memref<1x16xf32, #tpu.memory_space<vmem>>, %arg11: memref<5000x64xf32, #tpu.memory_space<vmem>>, %arg12: memref<5000x16xf32, #tpu.memory_space<vmem>>) attributes {dimension_semantics = [#tpu.dimension_semantics<arbitrary>], iteration_bounds = array<i64: 10>, scalar_prefetch = 0 : i64, scratch_operands = 0 : i64, tpu.core_type = #tpu.core_type<tc>, window_params = [{transform_indices = @transform_0, window_bounds = array<i64: 5000, 64>}, {transform_indices = @transform_1, window_bounds = array<i64: 2, 5000, 64>}, {transform_indices = @transform_2, window_bounds = array<i64: 5000, 1>}, {pipeline_mode = #tpu.pipeline_mode<synchronous>, transform_indices = @transform_3, window_bounds = array<i64: 64, 64>}, {pipeline_mode = #tpu.pipeline_mode<synchronous>, transform_indices = @transform_4, window_bounds = array<i64: 1, 64>}, {pipeline_mode = #tpu.pipeline_mode<synchronous>, transform_indices = @transform_5, window_bounds = array<i64: 64, 64>}, {pipeline_mode = #tpu.pipeline_mode<synchronous>, transform_indices = @transform_6, window_bounds = array<i64: 64, 64>}, {pipeline_mode = #tpu.pipeline_mode<synchronous>, transform_indices = @transform_7, window_bounds = array<i64: 1, 64>}, {pipeline_mode = #tpu.pipeline_mode<synchronous>, transform_indices = @transform_8, window_bounds = array<i64: 64, 16>}, {pipeline_mode = #tpu.pipeline_mode<synchronous>, transform_indices = @transform_9, window_bounds = array<i64: 1, 16>}, {transform_indices = @transform_10, window_bounds = array<i64: 5000, 64>}, {transform_indices = @transform_11, window_bounds = array<i64: 5000, 16>}]} {
    %get3A = arith.constant 0 : index
    %get3A_0 = arith.constant 0 : index
    %get3A_1 = arith.constant 0 : index
    %get3A_2 = vector.load %arg2[%get3A, %get3A_0, %get3A_1] : memref<2x5000x64xbf16, #tpu.memory_space<vmem>>, vector<2x5000x64xbf16>
    %convert_element_type3A = arith.extf %get3A_2 : vector<2x5000x64xbf16> to vector<2x5000x64xf32>
    %slice3A = vector.extract_strided_slice %convert_element_type3A {offsets = [0, 0, 0], sizes = [1, 5000, 64], strides = [1, 1, 1]} : vector<2x5000x64xf32> to vector<1x5000x64xf32>
    %squeeze3A = vector.shape_cast %slice3A : vector<1x5000x64xf32> to vector<5000x64xf32>
    %slice3A_3 = vector.extract_strided_slice %convert_element_type3A {offsets = [1, 0, 0], sizes = [1, 5000, 64], strides = [1, 1, 1]} : vector<2x5000x64xf32> to vector<1x5000x64xf32>
    %squeeze3A_4 = vector.shape_cast %slice3A_3 : vector<1x5000x64xf32> to vector<5000x64xf32>
    %add3A = arith.addf %squeeze3A, %squeeze3A_4 : vector<5000x64xf32>
    %get3A_5 = arith.constant 0 : index
    %get3A_6 = arith.constant 0 : index
    %get3A_7 = vector.load %arg3[%get3A_5, %get3A_6] : memref<5000x1xf32, #tpu.memory_space<vmem>>, vector<5000x1xf32>
    %max3A = arith.constant 1.000000e+00 : f32
    %max3A_8 = vector.broadcast %max3A : f32 to vector<5000x1xf32>
    %max3A_9 = arith.maximumf %get3A_7, %max3A_8 : vector<5000x1xf32>
    %div3A = vector.broadcast %max3A_9 : vector<5000x1xf32> to vector<5000x64xf32>
    %div3A_10 = arith.divf %add3A, %div3A : vector<5000x64xf32>
    %get3A_11 = arith.constant 0 : index
    %get3A_12 = arith.constant 0 : index
    %get3A_13 = vector.load %arg4[%get3A_11, %get3A_12] : memref<64x64xf32, #tpu.memory_space<vmem>>, vector<64x64xf32>
    %dot_general3A = arith.constant dense<0.000000e+00> : vector<5000x64xf32>
    %dot_general3A_14 = tpu.matmul %div3A_10, %get3A_13, %dot_general3A {dimension_numbers = #tpu.dot_dimension_numbers<[1], [0], [0], [1], [0, 0, 1, 1], [], []>, transpose_lhs_hint = false} : vector<5000x64xf32>, vector<64x64xf32>, vector<5000x64xf32> -> vector<5000x64xf32>
    %get3A_15 = arith.constant 0 : index
    %get3A_16 = arith.constant 0 : index
    %get3A_17 = vector.load %arg5[%get3A_15, %get3A_16] : memref<1x64xf32, #tpu.memory_space<vmem>>, vector<1x64xf32>
    %add3A_18 = vector.broadcast %get3A_17 : vector<1x64xf32> to vector<5000x64xf32>
    %add3A_19 = arith.addf %dot_general3A_14, %add3A_18 : vector<5000x64xf32>
    %get3A_20 = arith.constant 0 : index
    %get3A_21 = arith.constant 0 : index
    %get3A_22 = vector.load %arg1[%get3A_20, %get3A_21] : memref<5000x64xf32, #tpu.memory_space<vmem>>, vector<5000x64xf32>
    %get3A_23 = arith.constant 0 : index
    %get3A_24 = arith.constant 0 : index
    %get3A_25 = vector.load %arg6[%get3A_23, %get3A_24] : memref<64x64xf32, #tpu.memory_space<vmem>>, vector<64x64xf32>
    %dot_general3A_26 = arith.constant dense<0.000000e+00> : vector<5000x64xf32>
    %dot_general3A_27 = tpu.matmul %get3A_22, %get3A_25, %dot_general3A_26 {dimension_numbers = #tpu.dot_dimension_numbers<[1], [0], [0], [1], [0, 0, 1, 1], [], []>, transpose_lhs_hint = false} : vector<5000x64xf32>, vector<64x64xf32>, vector<5000x64xf32> -> vector<5000x64xf32>
    %add3A_28 = arith.addf %add3A_19, %dot_general3A_27 : vector<5000x64xf32>
    %swap3A = arith.constant 0 : index
    %swap3A_29 = arith.constant 0 : index
    %swap3A_30 = vector.load %arg11[%swap3A, %swap3A_29] : memref<5000x64xf32, #tpu.memory_space<vmem>>, vector<5000x64xf32>
    tpu.vector_store %arg11[%swap3A, %swap3A_29], %add3A_28 {strides = array<i32>} : memref<5000x64xf32, #tpu.memory_space<vmem>>, vector<5000x64xf32>,
    %max3A_31 = arith.constant 0.000000e+00 : f32
    %max3A_32 = vector.broadcast %max3A_31 : f32 to vector<5000x64xf32>
    %max3A_33 = arith.maximumf %add3A_28, %max3A_32 : vector<5000x64xf32>
    %get3A_34 = arith.constant 0 : index
    %get3A_35 = arith.constant 0 : index
    %get3A_36 = vector.load %arg7[%get3A_34, %get3A_35] : memref<64x64xf32, #tpu.memory_space<vmem>>, vector<64x64xf32>
    %dot_general3A_37 = arith.constant dense<0.000000e+00> : vector<5000x64xf32>
    %dot_general3A_38 = tpu.matmul %max3A_33, %get3A_36, %dot_general3A_37 {dimension_numbers = #tpu.dot_dimension_numbers<[1], [0], [0], [1], [0, 0, 1, 1], [], []>, transpose_lhs_hint = false} : vector<5000x64xf32>, vector<64x64xf32>, vector<5000x64xf32> -> vector<5000x64xf32>
    %get3A_39 = arith.constant 0 : index
    %get3A_40 = arith.constant 0 : index
    %get3A_41 = vector.load %arg8[%get3A_39, %get3A_40] : memref<1x64xf32, #tpu.memory_space<vmem>>, vector<1x64xf32>
    %add3A_42 = vector.broadcast %get3A_41 : vector<1x64xf32> to vector<5000x64xf32>
    %add3A_43 = arith.addf %dot_general3A_38, %add3A_42 : vector<5000x64xf32>
    %get3A_44 = arith.constant 0 : index
    %get3A_45 = arith.constant 0 : index
    %get3A_46 = vector.load %arg9[%get3A_44, %get3A_45] : memref<64x16xf32, #tpu.memory_space<vmem>>, vector<64x16xf32>
    %dot_general3A_47 = arith.constant dense<0.000000e+00> : vector<5000x16xf32>
    %dot_general3A_48 = tpu.matmul %add3A_43, %get3A_46, %dot_general3A_47 {dimension_numbers = #tpu.dot_dimension_numbers<[1], [0], [0], [1], [0, 0, 1, 1], [], []>, transpose_lhs_hint = false} : vector<5000x64xf32>, vector<64x16xf32>, vector<5000x16xf32> -> vector<5000x16xf32>
    %get3A_49 = arith.constant 0 : index
    %get3A_50 = arith.constant 0 : index
    %get3A_51 = vector.load %arg10[%get3A_49, %get3A_50] : memref<1x16xf32, #tpu.memory_space<vmem>>, vector<1x16xf32>
    %add3A_52 = vector.broadcast %get3A_51 : vector<1x16xf32> to vector<5000x16xf32>
    %add3A_53 = arith.addf %dot_general3A_48, %add3A_52 : vector<5000x16xf32>
    %reduce_max3A = arith.constant dense<0xFF800000> : vector<5000xf32>
    %reduce_max3A_54 = vector.multi_reduction <maximumf>, %add3A_53, %reduce_max3A [1] : vector<5000x16xf32> to vector<5000xf32>
    %broadcast_in_dim3A = vector.shape_cast %reduce_max3A_54 : vector<5000xf32> to vector<5000x1xf32>
    %sub3A = vector.broadcast %broadcast_in_dim3A : vector<5000x1xf32> to vector<5000x16xf32>
    %sub3A_55 = arith.subf %add3A_53, %sub3A : vector<5000x16xf32>
    %exp3A = math.exp %sub3A_55 : vector<5000x16xf32>
    %reduce_sum3A = arith.constant dense<0.000000e+00> : vector<5000xf32>
    %reduce_sum3A_56 = vector.multi_reduction <add>, %exp3A, %reduce_sum3A [1] : vector<5000x16xf32> to vector<5000xf32>
    %broadcast_in_dim3A_57 = vector.shape_cast %reduce_sum3A_56 : vector<5000xf32> to vector<5000x1xf32>
    %log3A = math.log %broadcast_in_dim3A_57 : vector<5000x1xf32>
    %sub3A_58 = vector.broadcast %log3A : vector<5000x1xf32> to vector<5000x16xf32>
    %sub3A_59 = arith.subf %sub3A_55, %sub3A_58 : vector<5000x16xf32>
    %swap3A_60 = arith.constant 0 : index
    %swap3A_61 = arith.constant 0 : index
    %swap3A_62 = vector.load %arg12[%swap3A_60, %swap3A_61] : memref<5000x16xf32, #tpu.memory_space<vmem>>, vector<5000x16xf32>
    tpu.vector_store %arg12[%swap3A_60, %swap3A_61], %sub3A_59 {strides = array<i32>} : memref<5000x16xf32, #tpu.memory_space<vmem>>, vector<5000x16xf32>,
    return
  }
  func.func @transform_0(%arg0: i32) -> (i32, i32) {
    %c0_i32 = arith.constant 0 : i32
    %c0_i32_0 = arith.constant 0 : i32
    return %arg0, %c0_i32 : i32, i32
  }
  func.func @transform_1(%arg0: i32) -> (i32, i32, i32) {
    %c0_i32 = arith.constant 0 : i32
    %c0_i32_0 = arith.constant 0 : i32
    %c0_i32_1 = arith.constant 0 : i32
    return %c0_i32, %arg0, %c0_i32_0 : i32, i32, i32
  }
  func.func @transform_2(%arg0: i32) -> (i32, i32) {
    %c0_i32 = arith.constant 0 : i32
    %c0_i32_0 = arith.constant 0 : i32
    return %arg0, %c0_i32 : i32, i32
  }
  func.func @transform_3(%arg0: i32) -> (i32, i32) {
    %c0_i32 = arith.constant 0 : i32
    %c0_i32_0 = arith.constant 0 : i32
    %c0_i32_1 = arith.constant 0 : i32
    return %c0_i32, %c0_i32_0 : i32, i32
  }
  func.func @transform_4(%arg0: i32) -> (i32, i32) {
    %c0_i32 = arith.constant 0 : i32
    %c0_i32_0 = arith.constant 0 : i32
    %c0_i32_1 = arith.constant 0 : i32
    return %c0_i32, %c0_i32_0 : i32, i32
  }
  func.func @transform_5(%arg0: i32) -> (i32, i32) {
    %c0_i32 = arith.constant 0 : i32
    %c0_i32_0 = arith.constant 0 : i32
    %c0_i32_1 = arith.constant 0 : i32
    return %c0_i32, %c0_i32_0 : i32, i32
  }
  func.func @transform_6(%arg0: i32) -> (i32, i32) {
    %c0_i32 = arith.constant 0 : i32
    %c0_i32_0 = arith.constant 0 : i32
    %c0_i32_1 = arith.constant 0 : i32
    return %c0_i32, %c0_i32_0 : i32, i32
  }
  func.func @transform_7(%arg0: i32) -> (i32, i32) {
    %c0_i32 = arith.constant 0 : i32
    %c0_i32_0 = arith.constant 0 : i32
    %c0_i32_1 = arith.constant 0 : i32
    return %c0_i32, %c0_i32_0 : i32, i32
  }
  func.func @transform_8(%arg0: i32) -> (i32, i32) {
    %c0_i32 = arith.constant 0 : i32
    %c0_i32_0 = arith.constant 0 : i32
    %c0_i32_1 = arith.constant 0 : i32
    return %c0_i32, %c0_i32_0 : i32, i32
  }
  func.func @transform_9(%arg0: i32) -> (i32, i32) {
    %c0_i32 = arith.constant 0 : i32
    %c0_i32_0 = arith.constant 0 : i32
    %c0_i32_1 = arith.constant 0 : i32
    return %c0_i32, %c0_i32_0 : i32, i32
  }
  func.func @transform_10(%arg0: i32) -> (i32, i32) {
    %c0_i32 = arith.constant 0 : i32
    %c0_i32_0 = arith.constant 0 : i32
    return %arg0, %c0_i32 : i32, i32
  }
  func.func @transform_11(%arg0: i32) -> (i32, i32) {
    %c0_i32 = arith.constant 0 : i32
    %c0_i32_0 = arith.constant 0 : i32
    return %arg0, %c0_i32 : i32, i32
  }
}

</mosaic_0001>

<sc_bundles>
// kernel: kernel.12.cloned.1.call-start
scs
__scs_entry_jumppad:
0x0: {  	(pc) =	sbr.rel $0x88, $3  }
0x1: {  	(tag) =	ssettag $0x0;
	lr =	simm.s32 $0x1  }
0x2: {  	[smem:$0x3F84] =	sst lr;
	_ =	strace $0xD0000000  }
0x3: {  	_ = 	snop  }
0x4: {  	_ = 	snop  }
0x5: {  	_ = 	snop  }
0x6: {  	_ = 	snop  }
0x7: {  	_ = 	snop  }
__scs_overlays_trampoline_lowered:
0x8: {  	[smem:$0x3F93] =	sst s0  }
0x9: {  	[smem:$0x3F94] =	sst s1  }
0xa: {  	[smem:$0x3F95] =	sst s2  }
0xb: {  	[smem:$0x3F96] =	sst s3  }
0xc: {  	[smem:$0x3F97] =	sst s4  }
0xd: {  	[smem:$0x3F98] =	sst s5  }
0xe: {  	[smem:$0x3F99] =	sst s6  }
0xf: {  	[smem:$0x3F9A] =	sst s7  }
0x10: {  	[smem:$0x3F9B] =	sst s8  }
0x11: {  	[smem:$0x3F9C] =	sst s9;
	s0 =	simm.s32 @!p0 $0x0  }
0x12: {  	s1 =	sld [smem:$0x3F82];
	s0 =	simm.s32 @p0 $0x1  }
0x13: {  	[smem:$0x3F9D] =	sst s0;
	s0 =	simm.s32 @!p1 $0x0  }
0x14: {  	s2 =	sld [smem:$0x3F81];
	s0 =	simm.s32 @p1 $0x1  }
0x15: {  	[smem:$0x3F9E] =	sst s0;
	s0 =	simm.s32 @!p2 $0x0  }
0x16: {  	s3 =	sld [smem:$0x3FDB];
	s0 =	simm.s32 @p2 $0x1  }
0x17: {  	s4 =	simm.s32 $0x1BF5;
	[smem:$0x3FA0] =	sst s0  }
0x18: {  	s0 =	sld [smem:$0x3F83];
	_ =	swait.ge [sflag:s4], $0x0  }
0x19: {  	s7 =	sld [smem:$0x3F84]  }
0x1a: {  	s8 =	sadd.s32 $0xFFFFE003, lr  }
0x1b: {  	s9 =	sadd.s32 $0xFFFFFEF7, lr;
	s5 =	simm.s32 $0xFFFFFFFF;
	p2 =	slt.u32 s8, $0xFFFFF086  }
0x1c: {  	p1 =	slt.u32 s9, $0xF7A;
	s5 =	simm.s32 @!p2 $0x0  }
0x1d: {  	s5 =	simm.s32 @p1 $0x1;
	p0 =	seq.s32 s7, s2  }
0x1e: {  	s7 =	smul.u32 @!p0 $0xF7A, s2;
	p2 =	seq.s32 @!p0 s5, $0x0  }
0x1f: {  	s9 =	smul.u32 $0xF7A, s1;
	s8 =	simm.s32 @!p0 $0x1BF5;
	p2 =	por !p2, p0  }
0x20: {  	[sflag:s8] =	ssyncset.s32 @!p0 $0xFFFFF086;
	s6 =	sadd.s32 @!p0 s3, s7;
	s7 =	simm.s32 @!p0 $0x108  }
0x21: {  	s3 =	sadd.s32 s3, s9;
	s6 =	sadd.s32 @!p0 $0x88, s6;
	s7 =	simm.s32 @p2 $0x1082  }
0x22: {  	[simem:s7], [sflag:s8] =	dma.local @!p0 [hbm:s6], $0xF7A  }
0x23: {  	s9 =	sor.u32 $0xD0000000, s2;
	s6 =	simm.s32 $0x108;
	_ =	swait.ge @!p0 [sflag:s8], $0x0  }
0x24: {  	s3 =	sadd.s32 $0x88, s3;
	s6 =	simm.s32 @!p1 $0x1082;
	[sflag:s4] =	ssyncset.s32 $0xFFFFF086  }
0x25: {  	[simem:s6], [sflag:s4] =	dma.local [hbm:s3], $0xF7A  }
0x26: {  	[smem:$0x3F84] =	sst s1;
	(tag) =	ssettag s2;
	_ =	strace s9  }
0x27: {  	s1 =	sld [smem:$0x3F94]  }
0x28: {  	s2 =	sld [smem:$0x3F95]  }
0x29: {  	s4 =	sld [smem:$0x3F97]  }
0x2a: {  	p0 =	seq.s32 s5, $0x0;
	s5 =	sld [smem:$0x3F98]  }
0x2b: {  	s6 =	sld [smem:$0x3F99]  }
0x2c: {  	s7 =	sld [smem:$0x3F9A]  }
0x2d: {  	s3 =	simm.s32 $0x108;
	s8 =	sld [smem:$0x3F9B]  }
0x2e: {  	s3 =	simm.s32 @!p0 $0x1082;
	s9 =	sld [smem:$0x3F9C]  }
0x2f: {  	lr =	sadd.s32 s0, s3;
	s0 =	sld [smem:$0x3F93]  }
0x30: {  	s3 =	sld [smem:$0x3F96]  }
0x31: {  	[smem:$0x3F9F] =	sst s10  }
0x32: {  	s10 =	sld [smem:$0x3F9D];
	_ =	sdelay $0x3  }
0x33: {  	p0 =	seq.s32 s10, $0x1;
	s10 =	sld [smem:$0x3F9F];
	_ =	sdelay $0x3  }
0x34: {  	[smem:$0x3F9F] =	sst s10  }
0x35: {  	s10 =	sld [smem:$0x3F9E];
	_ =	sdelay $0x3  }
0x36: {  	p1 =	seq.s32 s10, $0x1;
	s10 =	sld [smem:$0x3F9F];
	_ =	sdelay $0x3  }
0x37: {  	[smem:$0x3F9F] =	sst s10  }
0x38: {  	s10 =	sld [smem:$0x3FA0]  }
0x39: {  	_ = 	snop;
	(pc) =	sbr.ind lr, $3  }
0x3a: {  	_ = 	snop  }
0x3b: {  	_ = 	snop  }
0x3c: {  	p2 =	seq.s32 s10, $0x1;
	s10 =	sld [smem:$0x3F9F]  }
0x3d: {  	_ =	shalt  }
0x3e: {  	_ =	shalt  }
0x3f: {  	_ =	shalt  }
0x40: {  	_ =	shalt  }
0x41: {  	_ =	shalt  }
0x42: {  	_ =	shalt  }
0x43: {  	_ =	shalt  }
0x44: {  	_ =	shalt  }
0x45: {  	_ =	shalt  }
0x46: {  	_ =	shalt  }
0x47: {  	_ =	shalt  }
0x48: {  	_ =	shalt  }
0x49: {  	_ =	shalt  }
0x4a: {  	_ =	shalt  }
0x4b: {  	_ =	shalt  }
0x4c: {  	_ =	shalt  }
0x4d: {  	_ =	shalt  }
0x4e: {  	_ =	shalt  }
0x4f: {  	_ =	shalt  }
0x50: {  	_ =	shalt  }
0x51: {  	_ =	shalt  }
0x52: {  	_ =	shalt  }
0x53: {  	_ =	shalt  }
0x54: {  	_ =	shalt  }
0x55: {  	_ =	shalt  }
0x56: {  	_ =	shalt  }
0x57: {  	_ =	shalt  }
0x58: {  	_ =	shalt  }
0x59: {  	_ =	shalt  }
0x5a: {  	_ =	shalt  }
0x5b: {  	_ =	shalt  }
0x5c: {  	_ =	shalt  }
0x5d: {  	_ =	shalt  }
0x5e: {  	_ =	shalt  }
0x5f: {  	_ =	shalt  }
0x60: {  	_ =	shalt  }
0x61: {  	_ =	shalt  }
0x62: {  	_ =	shalt  }
0x63: {  	_ =	shalt  }
0x64: {  	_ =	shalt  }
0x65: {  	_ =	shalt  }
0x66: {  	_ =	shalt  }
0x67: {  	_ =	shalt  }
0x68: {  	_ =	shalt  }
0x69: {  	_ =	shalt  }
0x6a: {  	_ =	shalt  }
0x6b: {  	_ =	shalt  }
0x6c: {  	_ =	shalt  }
0x6d: {  	_ =	shalt  }
0x6e: {  	_ =	shalt  }
0x6f: {  	_ =	shalt  }
0x70: {  	_ =	shalt  }
0x71: {  	_ =	shalt  }
0x72: {  	_ =	shalt  }
0x73: {  	_ =	shalt  }
0x74: {  	_ =	shalt  }
0x75: {  	_ =	shalt  }
0x76: {  	_ =	shalt  }
0x77: {  	_ =	shalt  }
0x78: {  	_ =	shalt  }
0x79: {  	_ =	shalt  }
0x7a: {  	_ =	shalt  }
0x7b: {  	_ =	shalt  }
0x7c: {  	_ =	shalt  }
0x7d: {  	_ =	shalt  }
0x7e: {  	_ =	shalt  }
0x7f: {  	_ =	shalt  }
0x80: {  	_ =	shalt  }
0x81: {  	_ =	shalt  }
0x82: {  	_ =	shalt  }
0x83: {  	_ =	shalt  }
0x84: {  	_ =	shalt  }
0x85: {  	_ =	shalt  }
0x86: {  	_ =	shalt  }
0x87: {  	_ =	shalt  }
.Lfunc_end0:
.L_simem_size_0:
called_computation_lowered:
.L_overlay_start_0:
0x88: {  	s2 =	sld [smem:$0x3FD9]  }
0x89: {  	s3 =	sld [smem:$0x3FFE];
	_ =	sdelay $0x1  }
0x8a: {  	s1 =	srdreg.scid  }
0x8b: {  	s0 =	sand.u32 $0x1, s1  }
0x8c: {  	s17 =	sshll.u32 s0, $0xA;
	s2 =	sadd.s32 s3, s2  }
0x8d: {  	s2 =	sadd.s32 s2, s17  }
0x8e: {  	[smem:$0x3FAB] =	sst s2  }
0x8f: {  	_ = 	snop  }
0x90: {  	(tm) =	ssettm $0x1  }
0x91: {  	s18 =	sld [smem:$0x3FFB];
	_ =	sdelay $0x3  }
0x92: {  	_ =	strace s18  }
0x93: {  	s2 =	sld [smem:$0x3FFC];
	_ =	sdelay $0x3  }
0x94: {  	_ =	strace s2  }
0x95: {  	s2 =	sld [smem:$0x3FFD];
	_ =	sdelay $0x3  }
0x96: {  	_ =	strace s2  }
0x97: {  	_ =	strace $0x8FFFFFFF  }
0x98: {  	s19 =	sld [smem:$0x3FDB];
	_ =	sdelay $0x1  }
0x99: {  	s20 =	simm.s32 $_scs_section_size  }
0x9a: {  	s4 =	simm.s32 $_size__tile_overlayer_lowered;
	s5 =	simm.s32 $_tile_overlayer_lowered  }
0x9b: {  	s6 =	simm.s32 $0x1BFF;
	s21 =	sshll.u32 s5, $0x1;
	s3 =	sadd.s32 s20, s19  }
0x9c: {  	s22 =	simm.s32 $0x0;
	s4 =	sshll.u32 s4, $0x1;
	s5 =	sadd.s32 s21, s3  }
0x9d: {  	[timem:s22], [sflag:s6] =	dma.local [hbm:s5], s4  }
0x9e: {  	_ =	swait.ge [sflag:s6], s4  }
0x9f: {  	s4 =	ssub.s32 $0x0, s4;
	[sflag:s6] =	ssyncset.done $0x0  }
0xa0: {  	[sflag:s6] =	ssyncadd.s32 s4;
	_ =	sdelay $0x1  }
0xa1: {  	s23 =	simm.s32 $0x1B8B  }
0xa2: {  	_ =	swait.ge [sflag:s23], $0x1  }
0xa3: {  	[sflag:s23] =	ssyncset.done $0x0  }
0xa4: {  	[sflag:s23] =	ssyncadd.s32 $0xFFFFFFFF  }
0xa5: {  	s4 =	sld [smem:$0x0]  }
0xa6: {  	s5 =	sand.u32 $0xFFFFFFFE, s1  }
0xa7: {  	p0 =	sne.s32 s1, s5  }
0xa8: {  	s5 =	sshll.u32 @p0 s5, $0xE  }
0xa9: {  	s5 =	sadd.s32 @p0 $0x11B8D, s5;
	s6 =	sshll.u32 @p0 s4, $0x11  }
0xaa: {  	s5 =	sor.u32 @p0 s6, s5  }
0xab: {  	[sflag:s5] =	ssyncadd.remote.s32 @p0 $0x1;
	_ =	sdelay $0x1  }
0xac: {  	s5 =	simm.s32 @p0 $0x1B8D  }
0xad: {  	_ =	swait.eq @p0 [sflag:s5], $0x1  }
0xae: {  	[sflag:s5] =	ssyncadd.s32 @p0 $0xFFFFFFFF  }
0xaf: {  	s6 =	sshll.u32 @!p0 s1, $0xE  }
0xb0: {  	s6 =	sor.u32 @!p0 $0x4000, s6;
	s5 =	simm.s32 @!p0 $0x1B8D  }
0xb1: {  	s4 =	sshll.u32 @!p0 s4, $0x11;
	s6 =	sadd.s32 @!p0 $0x11B8D, s6;
	_ =	swait.eq @!p0 [sflag:s5], $0x1  }
0xb2: {  	s4 =	sor.u32 @!p0 s4, s6;
	[sflag:s5] =	ssyncadd.s32 @!p0 $0xFFFFFFFF  }
0xb3: {  	s25 =	simm.s32 $0x1B8E;
	s24 =	sld [smem:$0x3FFE];
	[sflag:s4] =	ssyncadd.remote.s32 @!p0 $0x1  }
0xb4: {  	s26 =	simm.s32 $execute0_lowered;
	[smem:$0x3FD2] =	sst s25  }
0xb5: {  	s5 =	sshll.u32 s26, $0x1;
	_ =	strace $0x80000049;
	[dreg:$0x1] =	wrdreg $0xFFFFFFFF  }
0xb6: {  	s28 =	simm.s32 $_size_execute0_lowered;
	s3 =	sadd.s32 s3, s5;
	[dreg:$0x0] =	wrdreg $0x0  }
0xb7: {  	s5 =	sshll.u32 s28, $0x1;
	[dreg:$0x2] =	wrdreg s3  }
0xb8: {  	[dreg:$0x3] =	wrdreg s5  }
0xb9: {  	[dreg:$0x4] =	wrdreg $0xC0  }
0xba: {  	_ =	task [dreg:s22], $0x5FFFF  }
0xbb: {  	[dreg:$0x1] =	wrdreg $0xFFFFFFFF  }
0xbc: {  	[dreg:$0x0] =	wrdreg $0x60  }
0xbd: {  	[dreg:$0x2] =	wrdreg s24  }
0xbe: {  	[dreg:$0x3] =	wrdreg $0x8000  }
0xbf: {  	[dreg:$0x4] =	wrdreg $0x9  }
0xc0: {  	_ =	task.clear_ibuf [dreg:s22], $0x5FFFF;
	_ =	strace $0x90000049  }
0xc1: {  	s29 =	simm.s32 $0x9;
	_ =	strace $0x8000004B  }
0xc2: {  	_ =	swait.ge [sflag:s29], $0x1  }
0xc3: {  	[sflag:s29] =	ssyncadd.s32 $0xFFFFFFFF  }
0xc4: {  	_ =	strace $0x9000004B  }
0xc5: {  	_ =	sfence  }
0xc6: {  	s30 =	sld [smem:$0x0];
	_ =	sdelay $0x2  }
0xc7: {  	s31 =	sshll.u32 s1, $0xD;
	s1 =	sshrl.u32 s1, $0x2  }
0xc8: {  	s4 =	sand.u32 $0x4000, s31;
	s1 =	sadd.s32 s1, s30  }
0xc9: {  	s0 =	sor.u32 s4, s0;
	s1 =	sshll.u32 s1, $0x11  }
0xca: {  	s0 =	sor.u32 s1, s0  }
0xcb: {  	s0 =	sadd.s32 $0x8F2B, s0  }
0xcc: {  	[sflag:s0] =	ssyncadd.remote.s32 $0x1  }
0xcd: {  	_ =	sfence.sel $0xFFFF  }
0xce: {  	[dreg:$0x0] =	wrdreg $0xFFFFFFFF;
	(pc) =	sbr.abs _section_cstart, $3  }
0xcf: {  	[dreg:$0x1] =	wrdreg $0xFFFFFFFF  }
0xd0: {  	_ =	task.clear_ibuf [dreg:s22], $0x2FFFF;
	_ =	strace $0x9FFFFFFF  }
0xd1: {  	(tm) =	ssettm $0x7FFFFFFF  }
tec
execute0_lowered:
.L_overlay_start_1:
0x0: {  	(tag) =	ssettag $0x1  }
0x1: {  	s6 =	rddreg [dreg:$0x0]  }
0x2: {  	s2 =	rddreg [dreg:$0x1]  }
0x3: {  	s0 =	srdreg.scid;
	s1 =	rddreg [dreg:$0x2];
	s3 =	simm.s32 $0x0  }
0x4: {  	s13 =	simm.s32 $0x80;
	s14 =	simm.s32 $0x100;
	s15 =	simm.s32 $0x180  }
0x5: {  	s16 =	simm.s32 $0x200;
	s17 =	simm.s32 $0x280;
	s5 =	sand.u32 $0x1, s0  }
0x6: {  	s18 =	simm.s32 $0x300;
	s0 =	stileid.u32;
	s4 =	smul.u32 $0xC800, s5  }
0x7: {  	s19 =	simm.s32 $0x380;
	s20 =	simm.s32 $0x1;
	s7 =	smul.u32 $0x6200, s0  }
0x8: {  	s21 =	simm.s32 $0x0;
	[smem:$0x7FF] =	sst s3;
	s8 =	smul.u32 $0x62000, s5  }
0x9: {  	_ =	strace $0x8000004A;
	s10 =	ssub.s32 $0x2, s5;
	s5 =	sadd.s32 $0xB1C00, s6  }
0xa: {  	s31 =	sshll.u32 s0, $0x6;
	s11 =	sshll.u32 s0, $0x7;
	s30 =	sshrl.u32 s10, $0x1  }
0xb: {  	s9 =	sadd.s32 s4, s6;
	s8 =	sadd.s32 s7, s8;
	s4 =	sadd.s32 $0xB0E00, s6  }
0xc: {  	s10 =	ssub.s32 s10, s30;
	s12 =	sadd.s32 s7, s2;
	s8 =	sshrl.u32 s8, $0x3  }
0xd: {  	s9 =	sadd.s32 s11, s9;
	s11 =	simm.s32 $0x2;
	s8 =	sadd.s32 s8, s6  }
0xe: {  	s6 =	sor.u32 $0x1C02, s31;
	s9 =	sadd.s32 $0x97E00, s9;
	s7 =	sadd.s32 $0xB1E00, s8  }
0xf: {  	s8 =	smax.u32 s10, $0x1;
	s10 =	sshrl.u32 s12, $0x3;
	s12 =	simm.s32 $0x400  }
.LBB2_1:
0x10: {  	[spmem:s10], [sflag:s6] =	dma.local [hbm:s4], $0xC40  }
0x11: {  	_ =	swait.ge [sflag:s11], $0xC40  }
0x12: {  	[sflag:s11] =	ssyncset.done $0x0  }
0x13: {  	[sflag:s11] =	ssyncadd.s32 $0xFFFFF3C0  }
0x14: {  	[tilespmem:s12], [sflag:$0x2] =	stream.linear.gather [hbm4b:s5+s3], $0x400, $0x38;
	[tilespmem:$0x6A00] =	vst v63  }
0x15: {  	_ =	swait.ge [sflag:s11], $0x400  }
0x16: {  	[sflag:s11] =	ssyncset.done $0x0  }
0x17: {  	[sflag:s11] =	ssyncadd.s32 $0xFFFFFC00  }
0x18: {  	s22 =	sadd.s32 $0x0, s9;
	[bflag:$0x0] =	sbarrier.arrive $0xFFFF  }
0x19: {  	[tilespmem:s3], [sflag:$0x2] =	stream.linear.gather [hbm4b:s22+s3], $0x400, $0x38;
	[tilespmem:$0x6A00] =	vst v63  }
0x1a: {  	_ =	swait.ge [sflag:s11], $0x400  }
0x1b: {  	[sflag:s11] =	ssyncset.done $0x0  }
0x1c: {  	[sflag:s11] =	ssyncadd.s32 $0xFFFFFC00  }
0x1d: {  	[spmem:s2] =	stream.indirect.scatter.add.f32 [tilespmem:s12], [sflag:$0x1], $0x8, s3, s13, $0xb8;
	[tilespmem:$0x6A00] =	vst v63  }
0x1e: {  	_ = 	snop  }
0x1f: {  	[spmem:s2] =	stream.indirect.scatter.add.f32 [tilespmem:s12], [sflag:$0x1], $0x8, s13, s13, $0xb8;
	[tilespmem:$0x6A00] =	vst v63  }
0x20: {  	_ = 	snop  }
0x21: {  	[spmem:s2] =	stream.indirect.scatter.add.f32 [tilespmem:s12], [sflag:$0x1], $0x8, s14, s13, $0xb8;
	[tilespmem:$0x6A00] =	vst v63  }
0x22: {  	_ = 	snop  }
0x23: {  	[spmem:s2] =	stream.indirect.scatter.add.f32 [tilespmem:s12], [sflag:$0x1], $0x8, s15, s13, $0xb8;
	[tilespmem:$0x6A00] =	vst v63  }
0x24: {  	_ = 	snop  }
0x25: {  	[spmem:s2] =	stream.indirect.scatter.add.f32 [tilespmem:s12], [sflag:$0x1], $0x8, s16, s13, $0xb8;
	[tilespmem:$0x6A00] =	vst v63  }
0x26: {  	_ = 	snop  }
0x27: {  	[spmem:s2] =	stream.indirect.scatter.add.f32 [tilespmem:s12], [sflag:$0x1], $0x8, s17, s13, $0xb8;
	[tilespmem:$0x6A00] =	vst v63  }
0x28: {  	_ = 	snop  }
0x29: {  	[spmem:s2] =	stream.indirect.scatter.add.f32 [tilespmem:s12], [sflag:$0x1], $0x8, s18, s13, $0xb8;
	[tilespmem:$0x6A00] =	vst v63  }
0x2a: {  	_ = 	snop  }
0x2b: {  	[spmem:s2] =	stream.indirect.scatter.add.f32 [tilespmem:s12], [sflag:$0x1], $0x8, s19, s13, $0xb8;
	[tilespmem:$0x6A00] =	vst v63  }
0x2c: {  	_ =	swait.ge [sflag:s20], $0x400  }
0x2d: {  	[sflag:s20] =	ssyncset.done $0x0  }
0x2e: {  	[sflag:s20] =	ssyncadd.s32 $0xFFFFFC00  }
0x2f: {  	_ =	swait.ge [sflag:s20], $0x400  }
0x30: {  	[sflag:s20] =	ssyncset.done $0x0  }
0x31: {  	[sflag:s20] =	ssyncadd.s32 $0xFFFFFC00  }
0x32: {  	_ =	swait.ge [sflag:s20], $0x400  }
0x33: {  	[sflag:s20] =	ssyncset.done $0x0  }
0x34: {  	[sflag:s20] =	ssyncadd.s32 $0xFFFFFC00  }
0x35: {  	_ =	swait.ge [sflag:s20], $0x400  }
0x36: {  	[sflag:s20] =	ssyncset.done $0x0  }
0x37: {  	[sflag:s20] =	ssyncadd.s32 $0xFFFFFC00  }
0x38: {  	_ =	swait.ge [sflag:s20], $0x400  }
0x39: {  	[sflag:s20] =	ssyncset.done $0x0  }
0x3a: {  	[sflag:s20] =	ssyncadd.s32 $0xFFFFFC00  }
0x3b: {  	_ =	swait.ge [sflag:s20], $0x400  }
0x3c: {  	[sflag:s20] =	ssyncset.done $0x0  }
0x3d: {  	[sflag:s20] =	ssyncadd.s32 $0xFFFFFC00  }
0x3e: {  	_ =	swait.ge [sflag:s20], $0x400  }
0x3f: {  	[sflag:s20] =	ssyncset.done $0x0  }
0x40: {  	[sflag:s20] =	ssyncadd.s32 $0xFFFFFC00  }
0x41: {  	_ =	swait.ge [sflag:s20], $0x400  }
0x42: {  	s24 =	simm.s32 $0x1000;
	s22 =	simm.s32 $0x800;
	[sflag:s20] =	ssyncset.done $0x0  }
.LBB2_2:
0x43: {  	s25 =	sadd.s32 s22, s9  }
0x44: {  	[sflag:s20] =	ssyncadd.s32 $0xFFFFFC00;
	s22 =	smov.u32 s24;
	s23 =	sadd.s32 $0x800, s24  }
0x45: {  	[tilespmem:s3], [sflag:$0x2] =	stream.linear.gather [hbm4b:s25+s3], $0x400, $0x38;
	[tilespmem:$0x6A00] =	vst v63  }
0x46: {  	p0 =	sne.s32 s24, $0xC000;
	_ =	swait.ge [sflag:s11], $0x400  }
0x47: {  	[sflag:s11] =	ssyncset.done $0x0  }
0x48: {  	[sflag:s11] =	ssyncadd.s32 $0xFFFFFC00  }
0x49: {  	[spmem:s2] =	stream.indirect.scatter.add.f32 [tilespmem:s12], [sflag:$0x1], $0x8, s3, s13, $0xb8;
	[tilespmem:$0x6A00] =	vst v63  }
0x4a: {  	_ = 	snop  }
0x4b: {  	[spmem:s2] =	stream.indirect.scatter.add.f32 [tilespmem:s12], [sflag:$0x1], $0x8, s13, s13, $0xb8;
	[tilespmem:$0x6A00] =	vst v63  }
0x4c: {  	_ = 	snop  }
0x4d: {  	[spmem:s2] =	stream.indirect.scatter.add.f32 [tilespmem:s12], [sflag:$0x1], $0x8, s14, s13, $0xb8;
	[tilespmem:$0x6A00] =	vst v63  }
0x4e: {  	_ = 	snop  }
0x4f: {  	[spmem:s2] =	stream.indirect.scatter.add.f32 [tilespmem:s12], [sflag:$0x1], $0x8, s15, s13, $0xb8;
	[tilespmem:$0x6A00] =	vst v63  }
0x50: {  	_ = 	snop  }
0x51: {  	[spmem:s2] =	stream.indirect.scatter.add.f32 [tilespmem:s12], [sflag:$0x1], $0x8, s16, s13, $0xb8;
	[tilespmem:$0x6A00] =	vst v63  }
0x52: {  	_ = 	snop  }
0x53: {  	[spmem:s2] =	stream.indirect.scatter.add.f32 [tilespmem:s12], [sflag:$0x1], $0x8, s17, s13, $0xb8;
	[tilespmem:$0x6A00] =	vst v63  }
0x54: {  	_ = 	snop  }
0x55: {  	[spmem:s2] =	stream.indirect.scatter.add.f32 [tilespmem:s12], [sflag:$0x1], $0x8, s18, s13, $0xb8;
	[tilespmem:$0x6A00] =	vst v63  }
0x56: {  	_ = 	snop  }
0x57: {  	[spmem:s2] =	stream.indirect.scatter.add.f32 [tilespmem:s12], [sflag:$0x1], $0x8, s19, s13, $0xb8;
	[tilespmem:$0x6A00] =	vst v63  }
0x58: {  	_ =	swait.ge [sflag:s20], $0x400  }
0x59: {  	[sflag:s20] =	ssyncset.done $0x0  }
0x5a: {  	[sflag:s20] =	ssyncadd.s32 $0xFFFFFC00  }
0x5b: {  	_ =	swait.ge [sflag:s20], $0x400  }
0x5c: {  	[sflag:s20] =	ssyncset.done $0x0  }
0x5d: {  	[sflag:s20] =	ssyncadd.s32 $0xFFFFFC00  }
0x5e: {  	_ =	swait.ge [sflag:s20], $0x400  }
0x5f: {  	[sflag:s20] =	ssyncset.done $0x0  }
0x60: {  	[sflag:s20] =	ssyncadd.s32 $0xFFFFFC00  }
0x61: {  	_ =	swait.ge [sflag:s20], $0x400  }
0x62: {  	[sflag:s20] =	ssyncset.done $0x0  }
0x63: {  	[sflag:s20] =	ssyncadd.s32 $0xFFFFFC00  }
0x64: {  	_ =	swait.ge [sflag:s20], $0x400  }
0x65: {  	[sflag:s20] =	ssyncset.done $0x0  }
0x66: {  	[sflag:s20] =	ssyncadd.s32 $0xFFFFFC00  }
0x67: {  	_ =	swait.ge [sflag:s20], $0x400  }
0x68: {  	[sflag:s20] =	ssyncset.done $0x0  }
0x69: {  	[sflag:s20] =	ssyncadd.s32 $0xFFFFFC00  }
.Ltmp0:
0x6a: {  	_ =	swait.ge [sflag:s20], $0x400;
	(pc) =	sbr.rel @p0 .LBB2_2-.Ltmp0, $4  }
0x6b: {  	[sflag:s20] =	ssyncset.done $0x0  }
0x6c: {  	[sflag:s20] =	ssyncadd.s32 $0xFFFFFC00  }
0x6d: {  	_ =	swait.ge [sflag:s20], $0x400  }
0x6e: {  	s24 =	smov.u32 s23;
	[sflag:s20] =	ssyncset.done $0x0  }
0x6f: {  	s22 =	sadd.s32 s22, s9;
	[sflag:s20] =	ssyncadd.s32 $0xFFFFFC00  }
0x70: {  	[tilespmem:s3], [sflag:$0x2] =	stream.linear.gather [hbm4b:s22+s3], $0x400, $0x38;
	[tilespmem:$0x6A00] =	vst v63  }
0x71: {  	_ =	swait.ge [sflag:s11], $0x400  }
0x72: {  	[sflag:s11] =	ssyncset.done $0x0  }
0x73: {  	[sflag:s11] =	ssyncadd.s32 $0xFFFFFC00  }
0x74: {  	[spmem:s2] =	stream.indirect.scatter.add.f32 [tilespmem:s12], [sflag:$0x1], $0x8, s3, s13, $0xb8;
	[tilespmem:$0x6A00] =	vst v63  }
0x75: {  	_ = 	snop  }
0x76: {  	[spmem:s2] =	stream.indirect.scatter.add.f32 [tilespmem:s12], [sflag:$0x1], $0x8, s13, s13, $0xb8;
	[tilespmem:$0x6A00] =	vst v63  }
0x77: {  	_ = 	snop  }
0x78: {  	[spmem:s2] =	stream.indirect.scatter.add.f32 [tilespmem:s12], [sflag:$0x1], $0x8, s14, s13, $0xb8;
	[tilespmem:$0x6A00] =	vst v63  }
0x79: {  	_ = 	snop  }
0x7a: {  	[spmem:s2] =	stream.indirect.scatter.add.f32 [tilespmem:s12], [sflag:$0x1], $0x8, s15, s13, $0xb8;
	[tilespmem:$0x6A00] =	vst v63  }
0x7b: {  	_ = 	snop  }
0x7c: {  	[spmem:s2] =	stream.indirect.scatter.add.f32 [tilespmem:s12], [sflag:$0x1], $0x8, s16, s13, $0xb8;
	[tilespmem:$0x6A00] =	vst v63  }
0x7d: {  	_ = 	snop  }
0x7e: {  	[spmem:s2] =	stream.indirect.scatter.add.f32 [tilespmem:s12], [sflag:$0x1], $0x8, s17, s13, $0xb8;
	[tilespmem:$0x6A00] =	vst v63  }
0x7f: {  	_ = 	snop  }
0x80: {  	[spmem:s2] =	stream.indirect.scatter.add.f32 [tilespmem:s12], [sflag:$0x1], $0x8, s18, s13, $0xb8;
	[tilespmem:$0x6A00] =	vst v63  }
0x81: {  	_ = 	snop  }
0x82: {  	[spmem:s2] =	stream.indirect.scatter.add.f32 [tilespmem:s12], [sflag:$0x1], $0x8, s19, s13, $0xb8;
	[tilespmem:$0x6A00] =	vst v63  }
0x83: {  	_ =	swait.ge [sflag:s20], $0x400  }
0x84: {  	[sflag:s20] =	ssyncset.done $0x0  }
0x85: {  	[sflag:s20] =	ssyncadd.s32 $0xFFFFFC00  }
0x86: {  	_ =	swait.ge [sflag:s20], $0x400  }
0x87: {  	[sflag:s20] =	ssyncset.done $0x0  }
0x88: {  	[sflag:s20] =	ssyncadd.s32 $0xFFFFFC00  }
0x89: {  	_ =	swait.ge [sflag:s20], $0x400  }
0x8a: {  	[sflag:s20] =	ssyncset.done $0x0  }
0x8b: {  	[sflag:s20] =	ssyncadd.s32 $0xFFFFFC00  }
0x8c: {  	_ =	swait.ge [sflag:s20], $0x400  }
0x8d: {  	[sflag:s20] =	ssyncset.done $0x0  }
0x8e: {  	[sflag:s20] =	ssyncadd.s32 $0xFFFFFC00  }
0x8f: {  	_ =	swait.ge [sflag:s20], $0x400  }
0x90: {  	[sflag:s20] =	ssyncset.done $0x0  }
0x91: {  	[sflag:s20] =	ssyncadd.s32 $0xFFFFFC00  }
0x92: {  	_ =	swait.ge [sflag:s20], $0x400  }
0x93: {  	[sflag:s20] =	ssyncset.done $0x0  }
0x94: {  	[sflag:s20] =	ssyncadd.s32 $0xFFFFFC00  }
0x95: {  	_ =	swait.ge [sflag:s20], $0x400  }
0x96: {  	[sflag:s20] =	ssyncset.done $0x0  }
0x97: {  	[sflag:s20] =	ssyncadd.s32 $0xFFFFFC00  }
0x98: {  	_ =	swait.ge [sflag:s20], $0x400  }
0x99: {  	s21 =	sadd.s32 $0x1, s21;
	[sflag:s20] =	ssyncset.done $0x0  }
0x9a: {  	p0 =	sne.s32 s21, s8;
	[sflag:s20] =	ssyncadd.s32 $0xFFFFFC00  }
.Ltmp1:
0x9b: {  	[bflag:$0x0] =	sbarrier.arrive $0xFFFF;
	(pc) =	sbr.rel @p0 .LBB2_1-.Ltmp1, $4  }
0x9c: {  	[hbm:s7], [sflag:s6] =	dma.local [spmem:s10], $0xC40  }
0x9d: {  	_ =	swait.ge [sflag:s11], $0xC40  }
0x9e: {  	[sflag:s11] =	ssyncset.done $0x0  }
0x9f: {  	[sflag:s11] =	ssyncadd.s32 $0xFFFFF3C0  }
0xa0: {  	_ =	sfence.sel $0x180000  }
0xa1: {  	[bflag:$0x0] =	sbarrier.arrive $0xFFFF  }
0xa2: {  	p0 =	sne.s32 s0, $0x0;
	_ =	strace $0x9000004A  }
0xa3: {  	s0 =	sadd.s32 @!p0 $0x100000, s1;
	[bflag:$0x2] =	sbarrier.arrive $0xFFFF  }
0xa4: {  	[sflag:s0] =	ssyncadd.tile.s32 @!p0 $0x1;
	_ =	shalt  }
.Lfunc_end2:
_tile_overlayer_lowered:
.L_overlay_start_2:
0xa5: {  	(tag) =	ssettag $0x2  }
0xa6: {  	s0 =	rddreg [dreg:$0x0];
	s2 =	stileid.u32  }
0xa7: {  	s1 =	rddreg [dreg:$0x1];
	p0 =	sne.s32 s2, $0x0  }
0xa8: {  	s3 =	rddreg [dreg:$0x2];
	[bflag:$0x3] =	sbarrier.arrive $0xFFFF;
	s2 =	simm.s32 @!p0 $0x1C02  }
0xa9: {  	[timem:s3], [sflag:s2] =	dma.local @!p0 [hbm:s0], s1  }
0xaa: {  	s0 =	simm.s32 @!p0 $0x2  }
0xab: {  	_ =	swait.ge @!p0 [sflag:s0], s1  }
0xac: {  	s1 =	ssub.s32 @!p0 $0x0, s1;
	[sflag:s0] =	ssyncset.done @!p0 $0x0  }
0xad: {  	[sflag:s0] =	ssyncadd.s32 @!p0 s1  }
0xae: {  	[bflag:$0x3] =	sbarrier.arrive $0xFFFF  }
0xaf: {  	_ =	shalt  }

// kernel: kernel.15.cloned.1.call-start
scs
__scs_entry_jumppad:
0x0: {  	(pc) =	sbr.rel $0x88, $3  }
0x1: {  	(tag) =	ssettag $0x0;
	lr =	simm.s32 $0x1  }
0x2: {  	[smem:$0x3F84] =	sst lr;
	_ =	strace $0xD0000000  }
0x3: {  	_ = 	snop  }
0x4: {  	_ = 	snop  }
0x5: {  	_ = 	snop  }
0x6: {  	_ = 	snop  }
0x7: {  	_ = 	snop  }
__scs_overlays_trampoline_lowered:
0x8: {  	[smem:$0x3F93] =	sst s0  }
0x9: {  	[smem:$0x3F94] =	sst s1  }
0xa: {  	[smem:$0x3F95] =	sst s2  }
0xb: {  	[smem:$0x3F96] =	sst s3  }
0xc: {  	[smem:$0x3F97] =	sst s4  }
0xd: {  	[smem:$0x3F98] =	sst s5  }
0xe: {  	[smem:$0x3F99] =	sst s6  }
0xf: {  	[smem:$0x3F9A] =	sst s7  }
0x10: {  	[smem:$0x3F9B] =	sst s8  }
0x11: {  	[smem:$0x3F9C] =	sst s9;
	s0 =	simm.s32 @!p0 $0x0  }
0x12: {  	s1 =	sld [smem:$0x3F82];
	s0 =	simm.s32 @p0 $0x1  }
0x13: {  	[smem:$0x3F9D] =	sst s0;
	s0 =	simm.s32 @!p1 $0x0  }
0x14: {  	s2 =	sld [smem:$0x3F81];
	s0 =	simm.s32 @p1 $0x1  }
0x15: {  	[smem:$0x3F9E] =	sst s0;
	s0 =	simm.s32 @!p2 $0x0  }
0x16: {  	s3 =	sld [smem:$0x3FDB];
	s0 =	simm.s32 @p2 $0x1  }
0x17: {  	s4 =	simm.s32 $0x1BF5;
	[smem:$0x3FA0] =	sst s0  }
0x18: {  	s0 =	sld [smem:$0x3F83];
	_ =	swait.ge [sflag:s4], $0x0  }
0x19: {  	s7 =	sld [smem:$0x3F84]  }
0x1a: {  	s8 =	sadd.s32 $0xFFFFE003, lr  }
0x1b: {  	s9 =	sadd.s32 $0xFFFFFEF7, lr;
	s5 =	simm.s32 $0xFFFFFFFF;
	p2 =	slt.u32 s8, $0xFFFFF086  }
0x1c: {  	p1 =	slt.u32 s9, $0xF7A;
	s5 =	simm.s32 @!p2 $0x0  }
0x1d: {  	s5 =	simm.s32 @p1 $0x1;
	p0 =	seq.s32 s7, s2  }
0x1e: {  	s7 =	smul.u32 @!p0 $0xF7A, s2;
	p2 =	seq.s32 @!p0 s5, $0x0  }
0x1f: {  	s9 =	smul.u32 $0xF7A, s1;
	s8 =	simm.s32 @!p0 $0x1BF5;
	p2 =	por !p2, p0  }
0x20: {  	[sflag:s8] =	ssyncset.s32 @!p0 $0xFFFFF086;
	s6 =	sadd.s32 @!p0 s3, s7;
	s7 =	simm.s32 @!p0 $0x108  }
0x21: {  	s3 =	sadd.s32 s3, s9;
	s6 =	sadd.s32 @!p0 $0x88, s6;
	s7 =	simm.s32 @p2 $0x1082  }
0x22: {  	[simem:s7], [sflag:s8] =	dma.local @!p0 [hbm:s6], $0xF7A  }
0x23: {  	s9 =	sor.u32 $0xD0000000, s2;
	s6 =	simm.s32 $0x108;
	_ =	swait.ge @!p0 [sflag:s8], $0x0  }
0x24: {  	s3 =	sadd.s32 $0x88, s3;
	s6 =	simm.s32 @!p1 $0x1082;
	[sflag:s4] =	ssyncset.s32 $0xFFFFF086  }
0x25: {  	[simem:s6], [sflag:s4] =	dma.local [hbm:s3], $0xF7A  }
0x26: {  	[smem:$0x3F84] =	sst s1;
	(tag) =	ssettag s2;
	_ =	strace s9  }
0x27: {  	s1 =	sld [smem:$0x3F94]  }
0x28: {  	s2 =	sld [smem:$0x3F95]  }
0x29: {  	s4 =	sld [smem:$0x3F97]  }
0x2a: {  	p0 =	seq.s32 s5, $0x0;
	s5 =	sld [smem:$0x3F98]  }
0x2b: {  	s6 =	sld [smem:$0x3F99]  }
0x2c: {  	s7 =	sld [smem:$0x3F9A]  }
0x2d: {  	s3 =	simm.s32 $0x108;
	s8 =	sld [smem:$0x3F9B]  }
0x2e: {  	s3 =	simm.s32 @!p0 $0x1082;
	s9 =	sld [smem:$0x3F9C]  }
0x2f: {  	lr =	sadd.s32 s0, s3;
	s0 =	sld [smem:$0x3F93]  }
0x30: {  	s3 =	sld [smem:$0x3F96]  }
0x31: {  	[smem:$0x3F9F] =	sst s10  }
0x32: {  	s10 =	sld [smem:$0x3F9D];
	_ =	sdelay $0x3  }
0x33: {  	p0 =	seq.s32 s10, $0x1;
	s10 =	sld [smem:$0x3F9F];
	_ =	sdelay $0x3  }
0x34: {  	[smem:$0x3F9F] =	sst s10  }
0x35: {  	s10 =	sld [smem:$0x3F9E];
	_ =	sdelay $0x3  }
0x36: {  	p1 =	seq.s32 s10, $0x1;
	s10 =	sld [smem:$0x3F9F];
	_ =	sdelay $0x3  }
0x37: {  	[smem:$0x3F9F] =	sst s10  }
0x38: {  	s10 =	sld [smem:$0x3FA0]  }
0x39: {  	_ = 	snop;
	(pc) =	sbr.ind lr, $3  }
0x3a: {  	_ = 	snop  }
0x3b: {  	_ = 	snop  }
0x3c: {  	p2 =	seq.s32 s10, $0x1;
	s10 =	sld [smem:$0x3F9F]  }
0x3d: {  	_ =	shalt  }
0x3e: {  	_ =	shalt  }
0x3f: {  	_ =	shalt  }
0x40: {  	_ =	shalt  }
0x41: {  	_ =	shalt  }
0x42: {  	_ =	shalt  }
0x43: {  	_ =	shalt  }
0x44: {  	_ =	shalt  }
0x45: {  	_ =	shalt  }
0x46: {  	_ =	shalt  }
0x47: {  	_ =	shalt  }
0x48: {  	_ =	shalt  }
0x49: {  	_ =	shalt  }
0x4a: {  	_ =	shalt  }
0x4b: {  	_ =	shalt  }
0x4c: {  	_ =	shalt  }
0x4d: {  	_ =	shalt  }
0x4e: {  	_ =	shalt  }
0x4f: {  	_ =	shalt  }
0x50: {  	_ =	shalt  }
0x51: {  	_ =	shalt  }
0x52: {  	_ =	shalt  }
0x53: {  	_ =	shalt  }
0x54: {  	_ =	shalt  }
0x55: {  	_ =	shalt  }
0x56: {  	_ =	shalt  }
0x57: {  	_ =	shalt  }
0x58: {  	_ =	shalt  }
0x59: {  	_ =	shalt  }
0x5a: {  	_ =	shalt  }
0x5b: {  	_ =	shalt  }
0x5c: {  	_ =	shalt  }
0x5d: {  	_ =	shalt  }
0x5e: {  	_ =	shalt  }
0x5f: {  	_ =	shalt  }
0x60: {  	_ =	shalt  }
0x61: {  	_ =	shalt  }
0x62: {  	_ =	shalt  }
0x63: {  	_ =	shalt  }
0x64: {  	_ =	shalt  }
0x65: {  	_ =	shalt  }
0x66: {  	_ =	shalt  }
0x67: {  	_ =	shalt  }
0x68: {  	_ =	shalt  }
0x69: {  	_ =	shalt  }
0x6a: {  	_ =	shalt  }
0x6b: {  	_ =	shalt  }
0x6c: {  	_ =	shalt  }
0x6d: {  	_ =	shalt  }
0x6e: {  	_ =	shalt  }
0x6f: {  	_ =	shalt  }
0x70: {  	_ =	shalt  }
0x71: {  	_ =	shalt  }
0x72: {  	_ =	shalt  }
0x73: {  	_ =	shalt  }
0x74: {  	_ =	shalt  }
0x75: {  	_ =	shalt  }
0x76: {  	_ =	shalt  }
0x77: {  	_ =	shalt  }
0x78: {  	_ =	shalt  }
0x79: {  	_ =	shalt  }
0x7a: {  	_ =	shalt  }
0x7b: {  	_ =	shalt  }
0x7c: {  	_ =	shalt  }
0x7d: {  	_ =	shalt  }
0x7e: {  	_ =	shalt  }
0x7f: {  	_ =	shalt  }
0x80: {  	_ =	shalt  }
0x81: {  	_ =	shalt  }
0x82: {  	_ =	shalt  }
0x83: {  	_ =	shalt  }
0x84: {  	_ =	shalt  }
0x85: {  	_ =	shalt  }
0x86: {  	_ =	shalt  }
0x87: {  	_ =	shalt  }
.Lfunc_end0:
.L_simem_size_0:
called_computation.1_lowered:
.L_overlay_start_0:
0x88: {  	s2 =	sld [smem:$0x3FD9]  }
0x89: {  	s3 =	sld [smem:$0x3FFE];
	_ =	sdelay $0x1  }
0x8a: {  	s1 =	srdreg.scid  }
0x8b: {  	s0 =	sand.u32 $0x1, s1  }
0x8c: {  	s14 =	sshll.u32 s0, $0xA;
	s2 =	sadd.s32 s3, s2  }
0x8d: {  	s2 =	sadd.s32 s2, s14  }
0x8e: {  	[smem:$0x3FAB] =	sst s2  }
0x8f: {  	_ = 	snop  }
0x90: {  	s2 =	sld [smem:$0x3FD0];
	_ =	sdelay $0x2  }
0x91: {  	s15 =	simm.s32 $0xB;
	s4 =	simm.s32 $0x10  }
0x92: {  	[smem:s4], [sflag:s15] =	dma.local [hbm:s2], $0x1  }
0x93: {  	_ =	swait.eq [sflag:s15], $0x1  }
0x94: {  	[sflag:s15] =	ssyncset.done $0x0  }
0x95: {  	s16 =	sld [smem:$0x10];
	[sflag:s15] =	ssyncadd.s32 $0xFFFFFFFF  }
0x96: {  	s17 =	sld [smem:$0x11];
	(tm) =	ssettm $0x1  }
0x97: {  	s18 =	sld [smem:$0x3FFB];
	_ =	sdelay $0x3  }
0x98: {  	_ =	strace s18  }
0x99: {  	s4 =	sld [smem:$0x3FFC];
	_ =	sdelay $0x3  }
0x9a: {  	_ =	strace s4  }
0x9b: {  	s4 =	sld [smem:$0x3FFD];
	_ =	sdelay $0x3  }
0x9c: {  	_ =	strace s4  }
0x9d: {  	_ =	strace $0x8FFFFFFF  }
0x9e: {  	s19 =	sld [smem:$0x3FDB];
	_ =	sdelay $0x1  }
0x9f: {  	s5 =	simm.s32 $_scs_section_size  }
0xa0: {  	s6 =	simm.s32 $_size__tile_overlayer_lowered;
	s7 =	simm.s32 $_tile_overlayer_lowered  }
0xa1: {  	s22 =	simm.s32 $0x1BFF;
	s21 =	sshll.u32 s7, $0x1;
	s4 =	sadd.s32 s5, s19  }
0xa2: {  	s8 =	simm.s32 $0x0;
	s20 =	sshll.u32 s6, $0x1;
	s6 =	sadd.s32 s21, s4  }
0xa3: {  	[timem:s8], [sflag:s22] =	dma.local [hbm:s6], s20  }
0xa4: {  	_ =	swait.ge [sflag:s22], s20  }
0xa5: {  	s5 =	ssub.s32 $0x0, s20;
	[sflag:s22] =	ssyncset.done $0x0  }
0xa6: {  	[sflag:s22] =	ssyncadd.s32 s5;
	_ =	sdelay $0x1  }
0xa7: {  	s23 =	simm.s32 $0x1B8B  }
0xa8: {  	_ =	swait.ge [sflag:s23], $0x1  }
0xa9: {  	[sflag:s23] =	ssyncset.done $0x0  }
0xaa: {  	s25 =	simm.s32 $0x1B8E;
	s24 =	sld [smem:$0x3FFE];
	[sflag:s23] =	ssyncadd.s32 $0xFFFFFFFF  }
0xab: {  	s26 =	simm.s32 $execute0_lowered;
	[smem:$0x3FD2] =	sst s25  }
0xac: {  	s6 =	sshll.u32 s26, $0x1;
	_ =	strace $0x80000046;
	[dreg:$0x1] =	wrdreg $0xFFFFFFFF  }
0xad: {  	s28 =	simm.s32 $_size_execute0_lowered;
	s4 =	sadd.s32 s4, s6;
	[dreg:$0x0] =	wrdreg $0x0  }
0xae: {  	s6 =	sshll.u32 s28, $0x1;
	[dreg:$0x2] =	wrdreg s4  }
0xaf: {  	[dreg:$0x3] =	wrdreg s6  }
0xb0: {  	[dreg:$0x4] =	wrdreg $0xC0  }
0xb1: {  	_ =	task [dreg:s8], $0x5FFFF  }
0xb2: {  	[dreg:$0x1] =	wrdreg $0xFFFFFFFF  }
0xb3: {  	[dreg:$0x0] =	wrdreg $0x60  }
0xb4: {  	[dreg:$0x2] =	wrdreg s24  }
0xb5: {  	[dreg:$0x3] =	wrdreg s16  }
0xb6: {  	[dreg:$0x4] =	wrdreg s17  }
0xb7: {  	[dreg:$0x5] =	wrdreg $0x66000  }
0xb8: {  	[dreg:$0x6] =	wrdreg $0xA  }
0xb9: {  	_ =	task.clear_ibuf [dreg:s8], $0x7FFFF;
	_ =	strace $0x90000046  }
0xba: {  	s29 =	simm.s32 $0xA;
	_ =	strace $0x80000048  }
0xbb: {  	_ =	swait.ge [sflag:s29], $0x1  }
0xbc: {  	[sflag:s29] =	ssyncadd.s32 $0xFFFFFFFF  }
0xbd: {  	_ =	strace $0x90000048  }
0xbe: {  	_ =	sfence  }
0xbf: {  	s30 =	sld [smem:$0x0];
	_ =	sdelay $0x2  }
0xc0: {  	s31 =	sshll.u32 s1, $0xD;
	s1 =	sshrl.u32 s1, $0x2  }
0xc1: {  	s3 =	sand.u32 $0x4000, s31;
	s1 =	sadd.s32 s1, s30  }
0xc2: {  	s0 =	sor.u32 s3, s0;
	s1 =	sshll.u32 s1, $0x11  }
0xc3: {  	s0 =	sor.u32 s1, s0  }
0xc4: {  	s0 =	sadd.s32 $0x8F2B, s0  }
0xc5: {  	[sflag:s0] =	ssyncadd.remote.s32 $0x1  }
0xc6: {  	_ =	sfence.sel $0xFFFF  }
0xc7: {  	[dreg:$0x0] =	wrdreg $0xFFFFFFFF;
	(pc) =	sbr.abs _section_cstart, $3  }
0xc8: {  	[dreg:$0x1] =	wrdreg $0xFFFFFFFF  }
0xc9: {  	_ =	task.clear_ibuf [dreg:s8], $0x2FFFF;
	_ =	strace $0x9FFFFFFF  }
0xca: {  	(tm) =	ssettm $0x7FFFFFFF  }
0xcb: {  	_ =	shalt  }
tec
execute0_lowered:
.L_overlay_start_1:
0x0: {  	(tag) =	ssettag $0x1  }
0x1: {  	s6 =	rddreg [dreg:$0x0]  }
0x2: {  	s13 =	rddreg [dreg:$0x1]  }
0x3: {  	s2 =	rddreg [dreg:$0x2]  }
0x4: {  	s3 =	rddreg [dreg:$0x3]  }
0x5: {  	s0 =	rddreg [dreg:$0x4];
	s5 =	srdreg.scid  }
0x6: {  	s1 =	stileid.u32;
	s4 =	simm.s32 $0x0;
	s17 =	simm.s32 $0x600  }
0x7: {  	s18 =	simm.s32 $0x1;
	s19 =	simm.s32 $0x300;
	s20 =	simm.s32 $0x3600  }
0x8: {  	s21 =	simm.s32 $0x2;
	s22 =	simm.s32 $0x3;
	s23 =	simm.s32 $0x480  }
0x9: {  	s24 =	simm.s32 $0x4;
	s7 =	sand.u32 $0x1, s5;
	s8 =	smul.u32 $0x31000, s1  }
0xa: {  	[smem:$0x7FF] =	sst s4;
	s5 =	sadd.s32 $0x5000, s6;
	s16 =	smul.u32 $0xC600, s1  }
0xb: {  	s28 =	sshll.u32 s1, $0x6;
	s9 =	smul.u32 $0x310000, s7;
	s10 =	sshll.u32 s7, $0x4  }
0xc: {  	s11 =	ssub.s32 $0x2, s7;
	s14 =	smul.u32 $0xC6000, s7;
	s10 =	sor.u32 s1, s10  }
0xd: {  	_ =	strace $0x80000047;
	s25 =	sshrl.u32 s11, $0x1;
	s12 =	smul.u32 $0x18C0, s10  }
0xe: {  	s26 =	sshrl.u32 s8, $0x1;
	s9 =	sadd.s32 s8, s9;
	s10 =	smul.u32 $0xC600, s10  }
0xf: {  	s11 =	ssub.s32 s11, s25;
	s15 =	sadd.s32 s26, s3;
	s29 =	sadd.s32 s16, s14  }
0x10: {  	s16 =	simm.s32 $0x180;
	s25 =	simm.s32 $0x0;
	s9 =	sshrl.u32 s9, $0x4  }
0x11: {  	s14 =	sadd.s32 $0xC00, s29;
	s9 =	sadd.s32 s9, s6;
	s6 =	sor.u32 $0x1C05, s28  }
.Ltmp0:
0x12: {  	s7 =	sadd.s32 s13, s12;
	s10 =	sshrl.u32 s10, $0x3;
	(pc) =	sbr.rel .LBB2_1-.Ltmp0, $4  }
0x13: {  	s14 =	sshrl.u32 s14, $0x3;
	s8 =	sadd.s32 $0x35E00, s9;
	s9 =	smax.u32 s11, $0x1  }
0x14: {  	s30 =	sadd.s32 s13, s10;
	s11 =	sadd.s32 $0x900, s29;
	s12 =	sadd.s32 s14, s13  }
0x15: {  	s14 =	sshrl.u32 s15, $0x3;
	s15 =	simm.s32 $0x5;
	s31 =	sshrl.u32 s11, $0x3  }
0x16: {  	s10 =	sadd.s32 $0x60, s30;
	s11 =	sadd.s32 $0xC0, s30;
	s13 =	sadd.s32 s31, s13  }
.LBB2_4:
0x17: {  	[spmem:s3] =	stream.indirect.scatter.add.bf16 [tilespmem:s20], [sflag:$0x4], $0x20, s23, s16, $0xb8;
	[tilespmem:$0x1EE00] =	vst v63  }
0x18: {  	_ =	swait.ge [sflag:s24], $0x3000  }
0x19: {  	s25 =	sadd.s32 $0x1, s25;
	[sflag:s24] =	ssyncset.done $0x0  }
0x1a: {  	p0 =	sne.s32 s25, s9;
	[sflag:s24] =	ssyncadd.s32 $0xFFFFD000  }
.Ltmp1:
0x1b: {  	[bflag:$0x0] =	sbarrier.arrive $0xFFFF;
	(pc) =	sbr.rel @!p0 .LBB2_5-.Ltmp1, $4  }
0x1c: {  	[hbm:s8], [sflag:s6] =	dma.local [spmem:s14], $0x3100  }
0x1d: {  	_ =	swait.ge [sflag:s15], $0x3100  }
0x1e: {  	[sflag:s15] =	ssyncset.done $0x0  }
0x1f: {  	[sflag:s15] =	ssyncadd.s32 $0xFFFFCF00  }
.LBB2_1:
0x20: {  	[spmem:s14], [sflag:s6] =	dma.local [hbm:s2], $0x3100  }
0x21: {  	_ =	swait.ge [sflag:s15], $0x3100  }
0x22: {  	[sflag:s15] =	ssyncset.done $0x0  }
0x23: {  	[sflag:s15] =	ssyncadd.s32 $0xFFFFCF00  }
0x24: {  	[tilespmem:s4], [sflag:$0x5] =	stream.linear.gather [hbm4b:s7+s4], $0x300, $0x38;
	[tilespmem:$0x1EE00] =	vst v63  }
0x25: {  	_ =	swait.ge [sflag:s15], $0x300  }
0x26: {  	[sflag:s15] =	ssyncset.done $0x0  }
0x27: {  	[sflag:s15] =	ssyncadd.s32 $0xFFFFFD00  }
0x28: {  	[tilespmem:s17], [sflag:$0x1] =	stream.indirect.gather [hbm4b:s5+s16], $0x20, s4, s16, $0xb8;
	[tilespmem:$0x1EE00] =	vst v63  }
0x29: {  	[bflag:$0x0] =	sbarrier.arrive $0xFFFF  }
0x2a: {  	_ =	swait.ge [sflag:s18], $0x3000  }
0x2b: {  	[sflag:s18] =	ssyncset.done $0x0  }
0x2c: {  	[sflag:s18] =	ssyncadd.s32 $0xFFFFD000  }
0x2d: {  	[spmem:s3] =	stream.indirect.scatter.add.bf16 [tilespmem:s17], [sflag:$0x3], $0x20, s16, s16, $0xb8;
	[tilespmem:$0x1EE00] =	vst v63  }
0x2e: {  	_ = 	snop  }
0x2f: {  	[tilespmem:s19], [sflag:$0x5] =	stream.linear.gather [hbm4b:s10+s4], $0x300, $0x38;
	[tilespmem:$0x1EE00] =	vst v63  }
0x30: {  	_ =	swait.ge [sflag:s15], $0x300  }
0x31: {  	[sflag:s15] =	ssyncset.done $0x0  }
0x32: {  	[sflag:s15] =	ssyncadd.s32 $0xFFFFFD00  }
0x33: {  	[tilespmem:s20], [sflag:$0x2] =	stream.indirect.gather [hbm4b:s5+s16], $0x20, s19, s16, $0xb8;
	[tilespmem:$0x1EE00] =	vst v63  }
0x34: {  	_ =	swait.ge [sflag:s21], $0x3000  }
0x35: {  	[sflag:s21] =	ssyncset.done $0x0  }
0x36: {  	[sflag:s21] =	ssyncadd.s32 $0xFFFFD000  }
0x37: {  	_ =	swait.ge [sflag:s22], $0x3000  }
0x38: {  	[sflag:s22] =	ssyncset.done $0x0  }
0x39: {  	[sflag:s22] =	ssyncadd.s32 $0xFFFFD000  }
0x3a: {  	[tilespmem:s4], [sflag:$0x5] =	stream.linear.gather [hbm4b:s11+s4], $0x300, $0x38;
	[tilespmem:$0x1EE00] =	vst v63  }
0x3b: {  	_ =	swait.ge [sflag:s15], $0x300  }
0x3c: {  	[sflag:s15] =	ssyncset.done $0x0  }
0x3d: {  	[sflag:s15] =	ssyncadd.s32 $0xFFFFFD00  }
0x3e: {  	[tilespmem:s17], [sflag:$0x1] =	stream.indirect.gather [hbm4b:s5+s16], $0x20, s4, s16, $0xb8;
	[tilespmem:$0x1EE00] =	vst v63  }
0x3f: {  	s26 =	simm.s32 $0x0  }
0x40: {  	[spmem:s3] =	stream.indirect.scatter.add.bf16 [tilespmem:s20], [sflag:$0x4], $0x20, s23, s16, $0xb8;
	[tilespmem:$0x1EE00] =	vst v63  }
.LBB2_2:
0x41: {  	_ =	swait.ge [sflag:s18], $0x3000  }
0x42: {  	[sflag:s18] =	ssyncset.done $0x0  }
0x43: {  	[sflag:s18] =	ssyncadd.s32 $0xFFFFD000  }
0x44: {  	_ =	swait.ge [sflag:s24], $0x3000  }
0x45: {  	[sflag:s24] =	ssyncset.done $0x0  }
0x46: {  	[sflag:s24] =	ssyncadd.s32 $0xFFFFD000  }
0x47: {  	[spmem:s3] =	stream.indirect.scatter.add.bf16 [tilespmem:s17], [sflag:$0x3], $0x20, s16, s16, $0xb8;
	[tilespmem:$0x1EE00] =	vst v63  }
0x48: {  	s28 =	sadd.s32 s26, s13  }
0x49: {  	[tilespmem:s19], [sflag:$0x5] =	stream.linear.gather [hbm4b:s28+s4], $0x300, $0x38;
	[tilespmem:$0x1EE00] =	vst v63  }
0x4a: {  	_ =	swait.ge [sflag:s15], $0x300  }
0x4b: {  	[sflag:s15] =	ssyncset.done $0x0  }
0x4c: {  	[sflag:s15] =	ssyncadd.s32 $0xFFFFFD00  }
0x4d: {  	[tilespmem:s20], [sflag:$0x2] =	stream.indirect.gather [hbm4b:s5+s16], $0x20, s19, s16, $0xb8;
	[tilespmem:$0x1EE00] =	vst v63  }
0x4e: {  	p0 =	seq.s32 s26, $0x1740;
	_ =	swait.ge [sflag:s21], $0x3000  }
.Ltmp2:
0x4f: {  	[sflag:s21] =	ssyncset.done $0x0;
	(pc) =	sbr.rel @p0 .LBB2_4-.Ltmp2, $4  }
0x50: {  	[sflag:s21] =	ssyncadd.s32 $0xFFFFD000  }
0x51: {  	_ =	swait.ge [sflag:s22], $0x3000  }
0x52: {  	[sflag:s22] =	ssyncset.done $0x0  }
0x53: {  	[sflag:s22] =	ssyncadd.s32 $0xFFFFD000  }
0x54: {  	s28 =	sadd.s32 s26, s12  }
0x55: {  	[tilespmem:s4], [sflag:$0x5] =	stream.linear.gather [hbm4b:s28+s4], $0x300, $0x38;
	[tilespmem:$0x1EE00] =	vst v63  }
0x56: {  	_ =	swait.ge [sflag:s15], $0x300  }
.Ltmp3:
0x57: {  	[sflag:s15] =	ssyncset.done $0x0;
	(pc) =	sbr.rel .LBB2_2-.Ltmp3, $4  }
0x58: {  	[sflag:s15] =	ssyncadd.s32 $0xFFFFFD00  }
0x59: {  	[tilespmem:s17], [sflag:$0x1] =	stream.indirect.gather [hbm4b:s5+s16], $0x20, s4, s16, $0xb8;
	[tilespmem:$0x1EE00] =	vst v63  }
0x5a: {  	s26 =	sadd.s32 $0xC0, s26  }
0x5b: {  	[spmem:s3] =	stream.indirect.scatter.add.bf16 [tilespmem:s20], [sflag:$0x4], $0x20, s23, s16, $0xb8;
	[tilespmem:$0x1EE00] =	vst v63  }
.LBB2_5:
0x5c: {  	_ =	sfence.sel $0x180000  }
0x5d: {  	[bflag:$0x0] =	sbarrier.arrive $0xFFFF  }
0x5e: {  	p0 =	sne.s32 s1, $0x0;
	_ =	strace $0x90000047  }
0x5f: {  	s0 =	sadd.s32 @!p0 $0x100000, s0;
	[bflag:$0x2] =	sbarrier.arrive $0xFFFF  }
0x60: {  	[sflag:s0] =	ssyncadd.tile.s32 @!p0 $0x1;
	_ =	shalt  }
.Lfunc_end2:
_tile_overlayer_lowered:
.L_overlay_start_2:
0x61: {  	(tag) =	ssettag $0x2  }
0x62: {  	s0 =	rddreg [dreg:$0x0];
	s2 =	stileid.u32  }
0x63: {  	s1 =	rddreg [dreg:$0x1];
	p0 =	sne.s32 s2, $0x0  }
0x64: {  	s3 =	rddreg [dreg:$0x2];
	[bflag:$0x3] =	sbarrier.arrive $0xFFFF;
	s2 =	simm.s32 @!p0 $0x1C05  }
0x65: {  	[timem:s3], [sflag:s2] =	dma.local @!p0 [hbm:s0], s1  }
0x66: {  	s0 =	simm.s32 @!p0 $0x5  }
0x67: {  	_ =	swait.ge @!p0 [sflag:s0], s1  }
0x68: {  	s1 =	ssub.s32 @!p0 $0x0, s1;
	[sflag:s0] =	ssyncset.done @!p0 $0x0  }
0x69: {  	[sflag:s0] =	ssyncadd.s32 @!p0 s1  }
0x6a: {  	[bflag:$0x3] =	sbarrier.arrive $0xFFFF  }
0x6b: {  	_ =	shalt  }

// kernel: kernel.18.cloned.1.call-start
scs
__scs_entry_jumppad:
0x0: {  	(pc) =	sbr.rel $0x88, $3  }
0x1: {  	(tag) =	ssettag $0x0;
	lr =	simm.s32 $0x1  }
0x2: {  	[smem:$0x3F84] =	sst lr;
	_ =	strace $0xD0000000  }
0x3: {  	_ = 	snop  }
0x4: {  	_ = 	snop  }
0x5: {  	_ = 	snop  }
0x6: {  	_ = 	snop  }
0x7: {  	_ = 	snop  }
__scs_overlays_trampoline_lowered:
0x8: {  	[smem:$0x3F93] =	sst s0  }
0x9: {  	[smem:$0x3F94] =	sst s1  }
0xa: {  	[smem:$0x3F95] =	sst s2  }
0xb: {  	[smem:$0x3F96] =	sst s3  }
0xc: {  	[smem:$0x3F97] =	sst s4  }
0xd: {  	[smem:$0x3F98] =	sst s5  }
0xe: {  	[smem:$0x3F99] =	sst s6  }
0xf: {  	[smem:$0x3F9A] =	sst s7  }
0x10: {  	[smem:$0x3F9B] =	sst s8  }
0x11: {  	[smem:$0x3F9C] =	sst s9;
	s0 =	simm.s32 @!p0 $0x0  }
0x12: {  	s1 =	sld [smem:$0x3F82];
	s0 =	simm.s32 @p0 $0x1  }
0x13: {  	[smem:$0x3F9D] =	sst s0;
	s0 =	simm.s32 @!p1 $0x0  }
0x14: {  	s2 =	sld [smem:$0x3F81];
	s0 =	simm.s32 @p1 $0x1  }
0x15: {  	[smem:$0x3F9E] =	sst s0;
	s0 =	simm.s32 @!p2 $0x0  }
0x16: {  	s3 =	sld [smem:$0x3FDB];
	s0 =	simm.s32 @p2 $0x1  }
0x17: {  	s4 =	simm.s32 $0x1BF5;
	[smem:$0x3FA0] =	sst s0  }
0x18: {  	s0 =	sld [smem:$0x3F83];
	_ =	swait.ge [sflag:s4], $0x0  }
0x19: {  	s7 =	sld [smem:$0x3F84]  }
0x1a: {  	s8 =	sadd.s32 $0xFFFFE003, lr  }
0x1b: {  	s9 =	sadd.s32 $0xFFFFFEF7, lr;
	s5 =	simm.s32 $0xFFFFFFFF;
	p2 =	slt.u32 s8, $0xFFFFF086  }
0x1c: {  	p1 =	slt.u32 s9, $0xF7A;
	s5 =	simm.s32 @!p2 $0x0  }
0x1d: {  	s5 =	simm.s32 @p1 $0x1;
	p0 =	seq.s32 s7, s2  }
0x1e: {  	s7 =	smul.u32 @!p0 $0xF7A, s2;
	p2 =	seq.s32 @!p0 s5, $0x0  }
0x1f: {  	s9 =	smul.u32 $0xF7A, s1;
	s8 =	simm.s32 @!p0 $0x1BF5;
	p2 =	por !p2, p0  }
0x20: {  	[sflag:s8] =	ssyncset.s32 @!p0 $0xFFFFF086;
	s6 =	sadd.s32 @!p0 s3, s7;
	s7 =	simm.s32 @!p0 $0x108  }
0x21: {  	s3 =	sadd.s32 s3, s9;
	s6 =	sadd.s32 @!p0 $0x88, s6;
	s7 =	simm.s32 @p2 $0x1082  }
0x22: {  	[simem:s7], [sflag:s8] =	dma.local @!p0 [hbm:s6], $0xF7A  }
0x23: {  	s9 =	sor.u32 $0xD0000000, s2;
	s6 =	simm.s32 $0x108;
	_ =	swait.ge @!p0 [sflag:s8], $0x0  }
0x24: {  	s3 =	sadd.s32 $0x88, s3;
	s6 =	simm.s32 @!p1 $0x1082;
	[sflag:s4] =	ssyncset.s32 $0xFFFFF086  }
0x25: {  	[simem:s6], [sflag:s4] =	dma.local [hbm:s3], $0xF7A  }
0x26: {  	[smem:$0x3F84] =	sst s1;
	(tag) =	ssettag s2;
	_ =	strace s9  }
0x27: {  	s1 =	sld [smem:$0x3F94]  }
0x28: {  	s2 =	sld [smem:$0x3F95]  }
0x29: {  	s4 =	sld [smem:$0x3F97]  }
0x2a: {  	p0 =	seq.s32 s5, $0x0;
	s5 =	sld [smem:$0x3F98]  }
0x2b: {  	s6 =	sld [smem:$0x3F99]  }
0x2c: {  	s7 =	sld [smem:$0x3F9A]  }
0x2d: {  	s3 =	simm.s32 $0x108;
	s8 =	sld [smem:$0x3F9B]  }
0x2e: {  	s3 =	simm.s32 @!p0 $0x1082;
	s9 =	sld [smem:$0x3F9C]  }
0x2f: {  	lr =	sadd.s32 s0, s3;
	s0 =	sld [smem:$0x3F93]  }
0x30: {  	s3 =	sld [smem:$0x3F96]  }
0x31: {  	[smem:$0x3F9F] =	sst s10  }
0x32: {  	s10 =	sld [smem:$0x3F9D];
	_ =	sdelay $0x3  }
0x33: {  	p0 =	seq.s32 s10, $0x1;
	s10 =	sld [smem:$0x3F9F];
	_ =	sdelay $0x3  }
0x34: {  	[smem:$0x3F9F] =	sst s10  }
0x35: {  	s10 =	sld [smem:$0x3F9E];
	_ =	sdelay $0x3  }
0x36: {  	p1 =	seq.s32 s10, $0x1;
	s10 =	sld [smem:$0x3F9F];
	_ =	sdelay $0x3  }
0x37: {  	[smem:$0x3F9F] =	sst s10  }
0x38: {  	s10 =	sld [smem:$0x3FA0]  }
0x39: {  	_ = 	snop;
	(pc) =	sbr.ind lr, $3  }
0x3a: {  	_ = 	snop  }
0x3b: {  	_ = 	snop  }
0x3c: {  	p2 =	seq.s32 s10, $0x1;
	s10 =	sld [smem:$0x3F9F]  }
0x3d: {  	_ =	shalt  }
0x3e: {  	_ =	shalt  }
0x3f: {  	_ =	shalt  }
0x40: {  	_ =	shalt  }
0x41: {  	_ =	shalt  }
0x42: {  	_ =	shalt  }
0x43: {  	_ =	shalt  }
0x44: {  	_ =	shalt  }
0x45: {  	_ =	shalt  }
0x46: {  	_ =	shalt  }
0x47: {  	_ =	shalt  }
0x48: {  	_ =	shalt  }
0x49: {  	_ =	shalt  }
0x4a: {  	_ =	shalt  }
0x4b: {  	_ =	shalt  }
0x4c: {  	_ =	shalt  }
0x4d: {  	_ =	shalt  }
0x4e: {  	_ =	shalt  }
0x4f: {  	_ =	shalt  }
0x50: {  	_ =	shalt  }
0x51: {  	_ =	shalt  }
0x52: {  	_ =	shalt  }
0x53: {  	_ =	shalt  }
0x54: {  	_ =	shalt  }
0x55: {  	_ =	shalt  }
0x56: {  	_ =	shalt  }
0x57: {  	_ =	shalt  }
0x58: {  	_ =	shalt  }
0x59: {  	_ =	shalt  }
0x5a: {  	_ =	shalt  }
0x5b: {  	_ =	shalt  }
0x5c: {  	_ =	shalt  }
0x5d: {  	_ =	shalt  }
0x5e: {  	_ =	shalt  }
0x5f: {  	_ =	shalt  }
0x60: {  	_ =	shalt  }
0x61: {  	_ =	shalt  }
0x62: {  	_ =	shalt  }
0x63: {  	_ =	shalt  }
0x64: {  	_ =	shalt  }
0x65: {  	_ =	shalt  }
0x66: {  	_ =	shalt  }
0x67: {  	_ =	shalt  }
0x68: {  	_ =	shalt  }
0x69: {  	_ =	shalt  }
0x6a: {  	_ =	shalt  }
0x6b: {  	_ =	shalt  }
0x6c: {  	_ =	shalt  }
0x6d: {  	_ =	shalt  }
0x6e: {  	_ =	shalt  }
0x6f: {  	_ =	shalt  }
0x70: {  	_ =	shalt  }
0x71: {  	_ =	shalt  }
0x72: {  	_ =	shalt  }
0x73: {  	_ =	shalt  }
0x74: {  	_ =	shalt  }
0x75: {  	_ =	shalt  }
0x76: {  	_ =	shalt  }
0x77: {  	_ =	shalt  }
0x78: {  	_ =	shalt  }
0x79: {  	_ =	shalt  }
0x7a: {  	_ =	shalt  }
0x7b: {  	_ =	shalt  }
0x7c: {  	_ =	shalt  }
0x7d: {  	_ =	shalt  }
0x7e: {  	_ =	shalt  }
0x7f: {  	_ =	shalt  }
0x80: {  	_ =	shalt  }
0x81: {  	_ =	shalt  }
0x82: {  	_ =	shalt  }
0x83: {  	_ =	shalt  }
0x84: {  	_ =	shalt  }
0x85: {  	_ =	shalt  }
0x86: {  	_ =	shalt  }
0x87: {  	_ =	shalt  }
.Lfunc_end0:
.L_simem_size_0:
called_computation.2_lowered:
.L_overlay_start_0:
0x88: {  	s2 =	sld [smem:$0x3FD9]  }
0x89: {  	s3 =	sld [smem:$0x3FFE];
	_ =	sdelay $0x1  }
0x8a: {  	s1 =	srdreg.scid  }
0x8b: {  	s0 =	sand.u32 $0x1, s1  }
0x8c: {  	s15 =	sshll.u32 s0, $0xA;
	s2 =	sadd.s32 s3, s2  }
0x8d: {  	s2 =	sadd.s32 s2, s15  }
0x8e: {  	[smem:$0x3FAB] =	sst s2  }
0x8f: {  	_ = 	snop  }
0x90: {  	s2 =	sld [smem:$0x3FD0];
	_ =	sdelay $0x2  }
0x91: {  	s4 =	simm.s32 $0xB;
	s16 =	simm.s32 $0x10  }
0x92: {  	[smem:s16], [sflag:s4] =	dma.local [hbm:s2], $0x1  }
0x93: {  	_ =	swait.eq [sflag:s4], $0x1  }
0x94: {  	[sflag:s4] =	ssyncset.done $0x0  }
0x95: {  	s17 =	sld [smem:$0x10];
	[sflag:s4] =	ssyncadd.s32 $0xFFFFFFFF  }
0x96: {  	s18 =	sld [smem:$0x11];
	(tm) =	ssettm $0x1  }
0x97: {  	s19 =	sld [smem:$0x3FFB];
	_ =	sdelay $0x3  }
0x98: {  	_ =	strace s19  }
0x99: {  	s2 =	sld [smem:$0x3FFC];
	_ =	sdelay $0x3  }
0x9a: {  	_ =	strace s2  }
0x9b: {  	s2 =	sld [smem:$0x3FFD];
	_ =	sdelay $0x3  }
0x9c: {  	_ =	strace s2  }
0x9d: {  	_ =	strace $0x8FFFFFFF  }
0x9e: {  	s20 =	sld [smem:$0x3FDB];
	_ =	sdelay $0x1  }
0x9f: {  	s5 =	simm.s32 $_scs_section_size  }
0xa0: {  	s6 =	simm.s32 $_size__tile_overlayer_lowered;
	s7 =	simm.s32 $_tile_overlayer_lowered  }
0xa1: {  	s8 =	simm.s32 $0x1BFF;
	s21 =	sshll.u32 s7, $0x1;
	s5 =	sadd.s32 s5, s20  }
0xa2: {  	s22 =	simm.s32 $0x0;
	s6 =	sshll.u32 s6, $0x1;
	s7 =	sadd.s32 s21, s5  }
0xa3: {  	[timem:s22], [sflag:s8] =	dma.local [hbm:s7], s6  }
0xa4: {  	_ =	swait.ge [sflag:s8], s6  }
0xa5: {  	s6 =	ssub.s32 $0x0, s6;
	[sflag:s8] =	ssyncset.done $0x0  }
0xa6: {  	[sflag:s8] =	ssyncadd.s32 s6;
	_ =	sdelay $0x1  }
0xa7: {  	s23 =	simm.s32 $0x1B8B  }
0xa8: {  	_ =	swait.ge [sflag:s23], $0x1  }
0xa9: {  	[sflag:s23] =	ssyncset.done $0x0  }
0xaa: {  	[sflag:s23] =	ssyncadd.s32 $0xFFFFFFFF  }
0xab: {  	s6 =	sld [smem:$0x0]  }
0xac: {  	s7 =	sand.u32 $0xFFFFFFFE, s1  }
0xad: {  	p0 =	sne.s32 s1, s7  }
0xae: {  	s7 =	sshll.u32 @p0 s7, $0xE  }
0xaf: {  	s7 =	sadd.s32 @p0 $0x11B8D, s7;
	s8 =	sshll.u32 @p0 s6, $0x11  }
0xb0: {  	s7 =	sor.u32 @p0 s8, s7  }
0xb1: {  	[sflag:s7] =	ssyncadd.remote.s32 @p0 $0x1;
	_ =	sdelay $0x1  }
0xb2: {  	s7 =	simm.s32 @p0 $0x1B8D  }
0xb3: {  	_ =	swait.eq @p0 [sflag:s7], $0x1  }
0xb4: {  	[sflag:s7] =	ssyncadd.s32 @p0 $0xFFFFFFFF  }
0xb5: {  	s8 =	sshll.u32 @!p0 s1, $0xE  }
0xb6: {  	s8 =	sor.u32 @!p0 $0x4000, s8;
	s7 =	simm.s32 @!p0 $0x1B8D  }
0xb7: {  	s6 =	sshll.u32 @!p0 s6, $0x11;
	s8 =	sadd.s32 @!p0 $0x11B8D, s8;
	_ =	swait.eq @!p0 [sflag:s7], $0x1  }
0xb8: {  	s6 =	sor.u32 @!p0 s6, s8;
	[sflag:s7] =	ssyncadd.s32 @!p0 $0xFFFFFFFF  }
0xb9: {  	s25 =	simm.s32 $0x1B8E;
	s24 =	sld [smem:$0x3FFE];
	[sflag:s6] =	ssyncadd.remote.s32 @!p0 $0x1  }
0xba: {  	s26 =	simm.s32 $execute0_lowered;
	[smem:$0x3FD2] =	sst s25  }
0xbb: {  	s7 =	sshll.u32 s26, $0x1;
	_ =	strace $0x8000004C;
	[dreg:$0x1] =	wrdreg $0xFFFFFFFF  }
0xbc: {  	s28 =	simm.s32 $_size_execute0_lowered;
	s5 =	sadd.s32 s5, s7;
	[dreg:$0x0] =	wrdreg $0x0  }
0xbd: {  	s7 =	sshll.u32 s28, $0x1;
	[dreg:$0x2] =	wrdreg s5  }
0xbe: {  	[dreg:$0x3] =	wrdreg s7  }
0xbf: {  	[dreg:$0x4] =	wrdreg $0xC0  }
0xc0: {  	_ =	task [dreg:s22], $0x5FFFF  }
0xc1: {  	[dreg:$0x1] =	wrdreg $0xFFFFFFFF  }
0xc2: {  	[dreg:$0x0] =	wrdreg $0x60  }
0xc3: {  	[dreg:$0x2] =	wrdreg s17  }
0xc4: {  	[dreg:$0x3] =	wrdreg s24  }
0xc5: {  	[dreg:$0x4] =	wrdreg s18  }
0xc6: {  	[dreg:$0x5] =	wrdreg $0x66000  }
0xc7: {  	[dreg:$0x6] =	wrdreg $0xA  }
0xc8: {  	_ =	task.clear_ibuf [dreg:s22], $0x7FFFF;
	_ =	strace $0x9000004C  }
0xc9: {  	s29 =	simm.s32 $0xA;
	_ =	strace $0x8000004E  }
0xca: {  	_ =	swait.ge [sflag:s29], $0x1  }
0xcb: {  	[sflag:s29] =	ssyncadd.s32 $0xFFFFFFFF  }
0xcc: {  	_ =	strace $0x9000004E  }
0xcd: {  	_ =	sfence  }
0xce: {  	s30 =	sld [smem:$0x0];
	_ =	sdelay $0x2  }
0xcf: {  	s31 =	sshll.u32 s1, $0xD;
	s1 =	sshrl.u32 s1, $0x2  }
0xd0: {  	s4 =	sand.u32 $0x4000, s31;
	s1 =	sadd.s32 s1, s30  }
0xd1: {  	s0 =	sor.u32 s4, s0;
	s1 =	sshll.u32 s1, $0x11  }
0xd2: {  	s0 =	sor.u32 s1, s0  }
0xd3: {  	s0 =	sadd.s32 $0x8F2B, s0  }
0xd4: {  	[sflag:s0] =	ssyncadd.remote.s32 $0x1  }
0xd5: {  	_ =	sfence.sel $0xFFFF  }
0xd6: {  	[dreg:$0x0] =	wrdreg $0xFFFFFFFF;
	(pc) =	sbr.abs _section_cstart, $3  }
0xd7: {  	[dreg:$0x1] =	wrdreg $0xFFFFFFFF  }
0xd8: {  	_ =	task.clear_ibuf [dreg:s22], $0x2FFFF;
	_ =	strace $0x9FFFFFFF  }
0xd9: {  	(tm) =	ssettm $0x7FFFFFFF  }
tec
execute0_lowered:
.L_overlay_start_1:
0x0: {  	(tag) =	ssettag $0x1  }
0x1: {  	s1 =	rddreg [dreg:$0x0]  }
0x2: {  	s6 =	rddreg [dreg:$0x1]  }
0x3: {  	s3 =	rddreg [dreg:$0x2]  }
0x4: {  	s4 =	rddreg [dreg:$0x3]  }
0x5: {  	s0 =	rddreg [dreg:$0x4];
	s7 =	srdreg.scid  }
0x6: {  	s2 =	stileid.u32;
	s5 =	simm.s32 $0x0;
	s17 =	simm.s32 $0x600  }
0x7: {  	s18 =	simm.s32 $0x1;
	s19 =	simm.s32 $0x300;
	s20 =	simm.s32 $0x3600  }
0x8: {  	s21 =	simm.s32 $0x2;
	s22 =	simm.s32 $0x3;
	s23 =	simm.s32 $0x480  }
0x9: {  	s24 =	simm.s32 $0x4;
	s7 =	sand.u32 $0x1, s7;
	s8 =	smul.u32 $0x31000, s2  }
0xa: {  	[smem:$0x7FF] =	sst s5;
	s13 =	sadd.s32 $0xCA600, s6;
	s16 =	smul.u32 $0xC600, s2  }
0xb: {  	s28 =	sshll.u32 s2, $0x6;
	s9 =	smul.u32 $0x310000, s7;
	s10 =	sshll.u32 s7, $0x4  }
0xc: {  	s11 =	ssub.s32 $0x2, s7;
	s14 =	smul.u32 $0xC6000, s7;
	s10 =	sor.u32 s2, s10  }
0xd: {  	_ =	strace $0x8000004D;
	s25 =	sshrl.u32 s11, $0x1;
	s12 =	smul.u32 $0x18C0, s10  }
0xe: {  	s26 =	sshrl.u32 s8, $0x1;
	s9 =	sadd.s32 s8, s9;
	s10 =	smul.u32 $0xC600, s10  }
0xf: {  	s11 =	ssub.s32 s11, s25;
	s15 =	sadd.s32 s26, s4;
	s29 =	sadd.s32 s16, s14  }
0x10: {  	s16 =	simm.s32 $0x180;
	s25 =	simm.s32 $0x0;
	s9 =	sshrl.u32 s9, $0x4  }
0x11: {  	s14 =	sadd.s32 $0xC00, s29;
	s9 =	sadd.s32 s9, s6;
	s6 =	sor.u32 $0x1C05, s28  }
.Ltmp0:
0x12: {  	s7 =	sadd.s32 s13, s12;
	s10 =	sshrl.u32 s10, $0x3;
	(pc) =	sbr.rel .LBB2_1-.Ltmp0, $4  }
0x13: {  	s14 =	sshrl.u32 s14, $0x3;
	s8 =	sadd.s32 $0x5000, s9;
	s9 =	smax.u32 s11, $0x1  }
0x14: {  	s30 =	sadd.s32 s13, s10;
	s11 =	sadd.s32 $0x900, s29;
	s12 =	sadd.s32 s14, s13  }
0x15: {  	s14 =	sshrl.u32 s15, $0x3;
	s15 =	simm.s32 $0x5;
	s31 =	sshrl.u32 s11, $0x3  }
0x16: {  	s10 =	sadd.s32 $0x60, s30;
	s11 =	sadd.s32 $0xC0, s30;
	s13 =	sadd.s32 s31, s13  }
.LBB2_4:
0x17: {  	[spmem:s4] =	stream.indirect.scatter.add.bf16 [tilespmem:s20], [sflag:$0x4], $0x20, s23, s16, $0xb8;
	[tilespmem:$0x1EE00] =	vst v63  }
0x18: {  	_ =	swait.ge [sflag:s24], $0x3000  }
0x19: {  	s25 =	sadd.s32 $0x1, s25;
	[sflag:s24] =	ssyncset.done $0x0  }
0x1a: {  	p0 =	sne.s32 s25, s9;
	[sflag:s24] =	ssyncadd.s32 $0xFFFFD000  }
.Ltmp1:
0x1b: {  	[bflag:$0x0] =	sbarrier.arrive $0xFFFF;
	(pc) =	sbr.rel @!p0 .LBB2_5-.Ltmp1, $4  }
0x1c: {  	[hbm:s8], [sflag:s6] =	dma.local [spmem:s14], $0x3100  }
0x1d: {  	_ =	swait.ge [sflag:s15], $0x3100  }
0x1e: {  	[sflag:s15] =	ssyncset.done $0x0  }
0x1f: {  	[sflag:s15] =	ssyncadd.s32 $0xFFFFCF00  }
.LBB2_1:
0x20: {  	[spmem:s14], [sflag:s6] =	dma.local [hbm:s3], $0x3100  }
0x21: {  	_ =	swait.ge [sflag:s15], $0x3100  }
0x22: {  	[sflag:s15] =	ssyncset.done $0x0  }
0x23: {  	[sflag:s15] =	ssyncadd.s32 $0xFFFFCF00  }
0x24: {  	[tilespmem:s5], [sflag:$0x5] =	stream.linear.gather [hbm4b:s7+s5], $0x300, $0x38;
	[tilespmem:$0x1EE00] =	vst v63  }
0x25: {  	_ =	swait.ge [sflag:s15], $0x300  }
0x26: {  	[sflag:s15] =	ssyncset.done $0x0  }
0x27: {  	[sflag:s15] =	ssyncadd.s32 $0xFFFFFD00  }
0x28: {  	[tilespmem:s17], [sflag:$0x1] =	stream.indirect.gather [hbm4b:s1+s16], $0x20, s5, s16, $0xb8;
	[tilespmem:$0x1EE00] =	vst v63  }
0x29: {  	[bflag:$0x0] =	sbarrier.arrive $0xFFFF  }
0x2a: {  	_ =	swait.ge [sflag:s18], $0x3000  }
0x2b: {  	[sflag:s18] =	ssyncset.done $0x0  }
0x2c: {  	[sflag:s18] =	ssyncadd.s32 $0xFFFFD000  }
0x2d: {  	[spmem:s4] =	stream.indirect.scatter.add.bf16 [tilespmem:s17], [sflag:$0x3], $0x20, s16, s16, $0xb8;
	[tilespmem:$0x1EE00] =	vst v63  }
0x2e: {  	_ = 	snop  }
0x2f: {  	[tilespmem:s19], [sflag:$0x5] =	stream.linear.gather [hbm4b:s10+s5], $0x300, $0x38;
	[tilespmem:$0x1EE00] =	vst v63  }
0x30: {  	_ =	swait.ge [sflag:s15], $0x300  }
0x31: {  	[sflag:s15] =	ssyncset.done $0x0  }
0x32: {  	[sflag:s15] =	ssyncadd.s32 $0xFFFFFD00  }
0x33: {  	[tilespmem:s20], [sflag:$0x2] =	stream.indirect.gather [hbm4b:s1+s16], $0x20, s19, s16, $0xb8;
	[tilespmem:$0x1EE00] =	vst v63  }
0x34: {  	_ =	swait.ge [sflag:s21], $0x3000  }
0x35: {  	[sflag:s21] =	ssyncset.done $0x0  }
0x36: {  	[sflag:s21] =	ssyncadd.s32 $0xFFFFD000  }
0x37: {  	_ =	swait.ge [sflag:s22], $0x3000  }
0x38: {  	[sflag:s22] =	ssyncset.done $0x0  }
0x39: {  	[sflag:s22] =	ssyncadd.s32 $0xFFFFD000  }
0x3a: {  	[tilespmem:s5], [sflag:$0x5] =	stream.linear.gather [hbm4b:s11+s5], $0x300, $0x38;
	[tilespmem:$0x1EE00] =	vst v63  }
0x3b: {  	_ =	swait.ge [sflag:s15], $0x300  }
0x3c: {  	[sflag:s15] =	ssyncset.done $0x0  }
0x3d: {  	[sflag:s15] =	ssyncadd.s32 $0xFFFFFD00  }
0x3e: {  	[tilespmem:s17], [sflag:$0x1] =	stream.indirect.gather [hbm4b:s1+s16], $0x20, s5, s16, $0xb8;
	[tilespmem:$0x1EE00] =	vst v63  }
0x3f: {  	s26 =	simm.s32 $0x0  }
0x40: {  	[spmem:s4] =	stream.indirect.scatter.add.bf16 [tilespmem:s20], [sflag:$0x4], $0x20, s23, s16, $0xb8;
	[tilespmem:$0x1EE00] =	vst v63  }
.LBB2_2:
0x41: {  	_ =	swait.ge [sflag:s18], $0x3000  }
0x42: {  	[sflag:s18] =	ssyncset.done $0x0  }
0x43: {  	[sflag:s18] =	ssyncadd.s32 $0xFFFFD000  }
0x44: {  	_ =	swait.ge [sflag:s24], $0x3000  }
0x45: {  	[sflag:s24] =	ssyncset.done $0x0  }
0x46: {  	[sflag:s24] =	ssyncadd.s32 $0xFFFFD000  }
0x47: {  	[spmem:s4] =	stream.indirect.scatter.add.bf16 [tilespmem:s17], [sflag:$0x3], $0x20, s16, s16, $0xb8;
	[tilespmem:$0x1EE00] =	vst v63  }
0x48: {  	s28 =	sadd.s32 s26, s13  }
0x49: {  	[tilespmem:s19], [sflag:$0x5] =	stream.linear.gather [hbm4b:s28+s5], $0x300, $0x38;
	[tilespmem:$0x1EE00] =	vst v63  }
0x4a: {  	_ =	swait.ge [sflag:s15], $0x300  }
0x4b: {  	[sflag:s15] =	ssyncset.done $0x0  }
0x4c: {  	[sflag:s15] =	ssyncadd.s32 $0xFFFFFD00  }
0x4d: {  	[tilespmem:s20], [sflag:$0x2] =	stream.indirect.gather [hbm4b:s1+s16], $0x20, s19, s16, $0xb8;
	[tilespmem:$0x1EE00] =	vst v63  }
0x4e: {  	p0 =	seq.s32 s26, $0x1740;
	_ =	swait.ge [sflag:s21], $0x3000  }
.Ltmp2:
0x4f: {  	[sflag:s21] =	ssyncset.done $0x0;
	(pc) =	sbr.rel @p0 .LBB2_4-.Ltmp2, $4  }
0x50: {  	[sflag:s21] =	ssyncadd.s32 $0xFFFFD000  }
0x51: {  	_ =	swait.ge [sflag:s22], $0x3000  }
0x52: {  	[sflag:s22] =	ssyncset.done $0x0  }
0x53: {  	[sflag:s22] =	ssyncadd.s32 $0xFFFFD000  }
0x54: {  	s28 =	sadd.s32 s26, s12  }
0x55: {  	[tilespmem:s5], [sflag:$0x5] =	stream.linear.gather [hbm4b:s28+s5], $0x300, $0x38;
	[tilespmem:$0x1EE00] =	vst v63  }
0x56: {  	_ =	swait.ge [sflag:s15], $0x300  }
.Ltmp3:
0x57: {  	[sflag:s15] =	ssyncset.done $0x0;
	(pc) =	sbr.rel .LBB2_2-.Ltmp3, $4  }
0x58: {  	[sflag:s15] =	ssyncadd.s32 $0xFFFFFD00  }
0x59: {  	[tilespmem:s17], [sflag:$0x1] =	stream.indirect.gather [hbm4b:s1+s16], $0x20, s5, s16, $0xb8;
	[tilespmem:$0x1EE00] =	vst v63  }
0x5a: {  	s26 =	sadd.s32 $0xC0, s26  }
0x5b: {  	[spmem:s4] =	stream.indirect.scatter.add.bf16 [tilespmem:s20], [sflag:$0x4], $0x20, s23, s16, $0xb8;
	[tilespmem:$0x1EE00] =	vst v63  }
.LBB2_5:
0x5c: {  	_ =	sfence.sel $0x180000  }
0x5d: {  	[bflag:$0x0] =	sbarrier.arrive $0xFFFF  }
0x5e: {  	p0 =	sne.s32 s2, $0x0;
	_ =	strace $0x9000004D  }
0x5f: {  	s0 =	sadd.s32 @!p0 $0x100000, s0;
	[bflag:$0x2] =	sbarrier.arrive $0xFFFF  }
0x60: {  	[sflag:s0] =	ssyncadd.tile.s32 @!p0 $0x1;
	_ =	shalt  }
.Lfunc_end2:
_tile_overlayer_lowered:
.L_overlay_start_2:
0x61: {  	(tag) =	ssettag $0x2  }
0x62: {  	s0 =	rddreg [dreg:$0x0];
	s2 =	stileid.u32  }
0x63: {  	s1 =	rddreg [dreg:$0x1];
	p0 =	sne.s32 s2, $0x0  }
0x64: {  	s3 =	rddreg [dreg:$0x2];
	[bflag:$0x3] =	sbarrier.arrive $0xFFFF;
	s2 =	simm.s32 @!p0 $0x1C05  }
0x65: {  	[timem:s3], [sflag:s2] =	dma.local @!p0 [hbm:s0], s1  }
0x66: {  	s0 =	simm.s32 @!p0 $0x5  }
0x67: {  	_ =	swait.ge @!p0 [sflag:s0], s1  }
0x68: {  	s1 =	ssub.s32 @!p0 $0x0, s1;
	[sflag:s0] =	ssyncset.done @!p0 $0x0  }
0x69: {  	[sflag:s0] =	ssyncadd.s32 @!p0 s1  }
0x6a: {  	[bflag:$0x3] =	sbarrier.arrive $0xFFFF  }
0x6b: {  	_ =	shalt  }

// kernel: kernel.21.cloned.1.call-start
scs
__scs_entry_jumppad:
0x0: {  	(pc) =	sbr.rel $0x88, $3  }
0x1: {  	(tag) =	ssettag $0x0;
	lr =	simm.s32 $0x1  }
0x2: {  	[smem:$0x3F84] =	sst lr;
	_ =	strace $0xD0000000  }
0x3: {  	_ = 	snop  }
0x4: {  	_ = 	snop  }
0x5: {  	_ = 	snop  }
0x6: {  	_ = 	snop  }
0x7: {  	_ = 	snop  }
__scs_overlays_trampoline_lowered:
0x8: {  	[smem:$0x3F93] =	sst s0  }
0x9: {  	[smem:$0x3F94] =	sst s1  }
0xa: {  	[smem:$0x3F95] =	sst s2  }
0xb: {  	[smem:$0x3F96] =	sst s3  }
0xc: {  	[smem:$0x3F97] =	sst s4  }
0xd: {  	[smem:$0x3F98] =	sst s5  }
0xe: {  	[smem:$0x3F99] =	sst s6  }
0xf: {  	[smem:$0x3F9A] =	sst s7  }
0x10: {  	[smem:$0x3F9B] =	sst s8  }
0x11: {  	[smem:$0x3F9C] =	sst s9;
	s0 =	simm.s32 @!p0 $0x0  }
0x12: {  	s1 =	sld [smem:$0x3F82];
	s0 =	simm.s32 @p0 $0x1  }
0x13: {  	[smem:$0x3F9D] =	sst s0;
	s0 =	simm.s32 @!p1 $0x0  }
0x14: {  	s2 =	sld [smem:$0x3F81];
	s0 =	simm.s32 @p1 $0x1  }
0x15: {  	[smem:$0x3F9E] =	sst s0;
	s0 =	simm.s32 @!p2 $0x0  }
0x16: {  	s3 =	sld [smem:$0x3FDB];
	s0 =	simm.s32 @p2 $0x1  }
0x17: {  	s4 =	simm.s32 $0x1BF5;
	[smem:$0x3FA0] =	sst s0  }
0x18: {  	s0 =	sld [smem:$0x3F83];
	_ =	swait.ge [sflag:s4], $0x0  }
0x19: {  	s7 =	sld [smem:$0x3F84]  }
0x1a: {  	s8 =	sadd.s32 $0xFFFFE003, lr  }
0x1b: {  	s9 =	sadd.s32 $0xFFFFFEF7, lr;
	s5 =	simm.s32 $0xFFFFFFFF;
	p2 =	slt.u32 s8, $0xFFFFF086  }
0x1c: {  	p1 =	slt.u32 s9, $0xF7A;
	s5 =	simm.s32 @!p2 $0x0  }
0x1d: {  	s5 =	simm.s32 @p1 $0x1;
	p0 =	seq.s32 s7, s2  }
0x1e: {  	s7 =	smul.u32 @!p0 $0xF7A, s2;
	p2 =	seq.s32 @!p0 s5, $0x0  }
0x1f: {  	s9 =	smul.u32 $0xF7A, s1;
	s8 =	simm.s32 @!p0 $0x1BF5;
	p2 =	por !p2, p0  }
0x20: {  	[sflag:s8] =	ssyncset.s32 @!p0 $0xFFFFF086;
	s6 =	sadd.s32 @!p0 s3, s7;
	s7 =	simm.s32 @!p0 $0x108  }
0x21: {  	s3 =	sadd.s32 s3, s9;
	s6 =	sadd.s32 @!p0 $0x88, s6;
	s7 =	simm.s32 @p2 $0x1082  }
0x22: {  	[simem:s7], [sflag:s8] =	dma.local @!p0 [hbm:s6], $0xF7A  }
0x23: {  	s9 =	sor.u32 $0xD0000000, s2;
	s6 =	simm.s32 $0x108;
	_ =	swait.ge @!p0 [sflag:s8], $0x0  }
0x24: {  	s3 =	sadd.s32 $0x88, s3;
	s6 =	simm.s32 @!p1 $0x1082;
	[sflag:s4] =	ssyncset.s32 $0xFFFFF086  }
0x25: {  	[simem:s6], [sflag:s4] =	dma.local [hbm:s3], $0xF7A  }
0x26: {  	[smem:$0x3F84] =	sst s1;
	(tag) =	ssettag s2;
	_ =	strace s9  }
0x27: {  	s1 =	sld [smem:$0x3F94]  }
0x28: {  	s2 =	sld [smem:$0x3F95]  }
0x29: {  	s4 =	sld [smem:$0x3F97]  }
0x2a: {  	p0 =	seq.s32 s5, $0x0;
	s5 =	sld [smem:$0x3F98]  }
0x2b: {  	s6 =	sld [smem:$0x3F99]  }
0x2c: {  	s7 =	sld [smem:$0x3F9A]  }
0x2d: {  	s3 =	simm.s32 $0x108;
	s8 =	sld [smem:$0x3F9B]  }
0x2e: {  	s3 =	simm.s32 @!p0 $0x1082;
	s9 =	sld [smem:$0x3F9C]  }
0x2f: {  	lr =	sadd.s32 s0, s3;
	s0 =	sld [smem:$0x3F93]  }
0x30: {  	s3 =	sld [smem:$0x3F96]  }
0x31: {  	[smem:$0x3F9F] =	sst s10  }
0x32: {  	s10 =	sld [smem:$0x3F9D];
	_ =	sdelay $0x3  }
0x33: {  	p0 =	seq.s32 s10, $0x1;
	s10 =	sld [smem:$0x3F9F];
	_ =	sdelay $0x3  }
0x34: {  	[smem:$0x3F9F] =	sst s10  }
0x35: {  	s10 =	sld [smem:$0x3F9E];
	_ =	sdelay $0x3  }
0x36: {  	p1 =	seq.s32 s10, $0x1;
	s10 =	sld [smem:$0x3F9F];
	_ =	sdelay $0x3  }
0x37: {  	[smem:$0x3F9F] =	sst s10  }
0x38: {  	s10 =	sld [smem:$0x3FA0]  }
0x39: {  	_ = 	snop;
	(pc) =	sbr.ind lr, $3  }
0x3a: {  	_ = 	snop  }
0x3b: {  	_ = 	snop  }
0x3c: {  	p2 =	seq.s32 s10, $0x1;
	s10 =	sld [smem:$0x3F9F]  }
0x3d: {  	_ =	shalt  }
0x3e: {  	_ =	shalt  }
0x3f: {  	_ =	shalt  }
0x40: {  	_ =	shalt  }
0x41: {  	_ =	shalt  }
0x42: {  	_ =	shalt  }
0x43: {  	_ =	shalt  }
0x44: {  	_ =	shalt  }
0x45: {  	_ =	shalt  }
0x46: {  	_ =	shalt  }
0x47: {  	_ =	shalt  }
0x48: {  	_ =	shalt  }
0x49: {  	_ =	shalt  }
0x4a: {  	_ =	shalt  }
0x4b: {  	_ =	shalt  }
0x4c: {  	_ =	shalt  }
0x4d: {  	_ =	shalt  }
0x4e: {  	_ =	shalt  }
0x4f: {  	_ =	shalt  }
0x50: {  	_ =	shalt  }
0x51: {  	_ =	shalt  }
0x52: {  	_ =	shalt  }
0x53: {  	_ =	shalt  }
0x54: {  	_ =	shalt  }
0x55: {  	_ =	shalt  }
0x56: {  	_ =	shalt  }
0x57: {  	_ =	shalt  }
0x58: {  	_ =	shalt  }
0x59: {  	_ =	shalt  }
0x5a: {  	_ =	shalt  }
0x5b: {  	_ =	shalt  }
0x5c: {  	_ =	shalt  }
0x5d: {  	_ =	shalt  }
0x5e: {  	_ =	shalt  }
0x5f: {  	_ =	shalt  }
0x60: {  	_ =	shalt  }
0x61: {  	_ =	shalt  }
0x62: {  	_ =	shalt  }
0x63: {  	_ =	shalt  }
0x64: {  	_ =	shalt  }
0x65: {  	_ =	shalt  }
0x66: {  	_ =	shalt  }
0x67: {  	_ =	shalt  }
0x68: {  	_ =	shalt  }
0x69: {  	_ =	shalt  }
0x6a: {  	_ =	shalt  }
0x6b: {  	_ =	shalt  }
0x6c: {  	_ =	shalt  }
0x6d: {  	_ =	shalt  }
0x6e: {  	_ =	shalt  }
0x6f: {  	_ =	shalt  }
0x70: {  	_ =	shalt  }
0x71: {  	_ =	shalt  }
0x72: {  	_ =	shalt  }
0x73: {  	_ =	shalt  }
0x74: {  	_ =	shalt  }
0x75: {  	_ =	shalt  }
0x76: {  	_ =	shalt  }
0x77: {  	_ =	shalt  }
0x78: {  	_ =	shalt  }
0x79: {  	_ =	shalt  }
0x7a: {  	_ =	shalt  }
0x7b: {  	_ =	shalt  }
0x7c: {  	_ =	shalt  }
0x7d: {  	_ =	shalt  }
0x7e: {  	_ =	shalt  }
0x7f: {  	_ =	shalt  }
0x80: {  	_ =	shalt  }
0x81: {  	_ =	shalt  }
0x82: {  	_ =	shalt  }
0x83: {  	_ =	shalt  }
0x84: {  	_ =	shalt  }
0x85: {  	_ =	shalt  }
0x86: {  	_ =	shalt  }
0x87: {  	_ =	shalt  }
.Lfunc_end0:
.L_simem_size_0:
called_computation.3_lowered:
.L_overlay_start_0:
0x88: {  	s2 =	sld [smem:$0x3FD9]  }
0x89: {  	s3 =	sld [smem:$0x3FFE];
	_ =	sdelay $0x1  }
0x8a: {  	s1 =	srdreg.scid  }
0x8b: {  	s0 =	sand.u32 $0x1, s1  }
0x8c: {  	s14 =	sshll.u32 s0, $0xA;
	s2 =	sadd.s32 s3, s2  }
0x8d: {  	s2 =	sadd.s32 s2, s14  }
0x8e: {  	[smem:$0x3FAB] =	sst s2  }
0x8f: {  	_ = 	snop  }
0x90: {  	s2 =	sld [smem:$0x3FD0];
	_ =	sdelay $0x2  }
0x91: {  	s15 =	simm.s32 $0xB;
	s4 =	simm.s32 $0x10  }
0x92: {  	[smem:s4], [sflag:s15] =	dma.local [hbm:s2], $0x1  }
0x93: {  	_ =	swait.eq [sflag:s15], $0x1  }
0x94: {  	[sflag:s15] =	ssyncset.done $0x0  }
0x95: {  	s16 =	sld [smem:$0x10];
	[sflag:s15] =	ssyncadd.s32 $0xFFFFFFFF  }
0x96: {  	s17 =	sld [smem:$0x11];
	(tm) =	ssettm $0x1  }
0x97: {  	s18 =	sld [smem:$0x3FFB];
	_ =	sdelay $0x3  }
0x98: {  	_ =	strace s18  }
0x99: {  	s4 =	sld [smem:$0x3FFC];
	_ =	sdelay $0x3  }
0x9a: {  	_ =	strace s4  }
0x9b: {  	s4 =	sld [smem:$0x3FFD];
	_ =	sdelay $0x3  }
0x9c: {  	_ =	strace s4  }
0x9d: {  	_ =	strace $0x8FFFFFFF  }
0x9e: {  	s19 =	sld [smem:$0x3FDB];
	_ =	sdelay $0x1  }
0x9f: {  	s5 =	simm.s32 $_scs_section_size  }
0xa0: {  	s6 =	simm.s32 $_size__tile_overlayer_lowered;
	s7 =	simm.s32 $_tile_overlayer_lowered  }
0xa1: {  	s22 =	simm.s32 $0x1BFF;
	s21 =	sshll.u32 s7, $0x1;
	s4 =	sadd.s32 s5, s19  }
0xa2: {  	s8 =	simm.s32 $0x0;
	s20 =	sshll.u32 s6, $0x1;
	s6 =	sadd.s32 s21, s4  }
0xa3: {  	[timem:s8], [sflag:s22] =	dma.local [hbm:s6], s20  }
0xa4: {  	_ =	swait.ge [sflag:s22], s20  }
0xa5: {  	s5 =	ssub.s32 $0x0, s20;
	[sflag:s22] =	ssyncset.done $0x0  }
0xa6: {  	[sflag:s22] =	ssyncadd.s32 s5;
	_ =	sdelay $0x1  }
0xa7: {  	s23 =	simm.s32 $0x1B8B  }
0xa8: {  	_ =	swait.ge [sflag:s23], $0x1  }
0xa9: {  	[sflag:s23] =	ssyncset.done $0x0  }
0xaa: {  	s25 =	simm.s32 $0x1B8E;
	s24 =	sld [smem:$0x3FFE];
	[sflag:s23] =	ssyncadd.s32 $0xFFFFFFFF  }
0xab: {  	s26 =	simm.s32 $execute0_lowered;
	[smem:$0x3FD2] =	sst s25  }
0xac: {  	s6 =	sshll.u32 s26, $0x1;
	_ =	strace $0x8000004F;
	[dreg:$0x1] =	wrdreg $0xFFFFFFFF  }
0xad: {  	s28 =	simm.s32 $_size_execute0_lowered;
	s4 =	sadd.s32 s4, s6;
	[dreg:$0x0] =	wrdreg $0x0  }
0xae: {  	s6 =	sshll.u32 s28, $0x1;
	[dreg:$0x2] =	wrdreg s4  }
0xaf: {  	[dreg:$0x3] =	wrdreg s6  }
0xb0: {  	[dreg:$0x4] =	wrdreg $0xC0  }
0xb1: {  	_ =	task [dreg:s8], $0x5FFFF  }
0xb2: {  	[dreg:$0x1] =	wrdreg $0xFFFFFFFF  }
0xb3: {  	[dreg:$0x0] =	wrdreg $0x60  }
0xb4: {  	[dreg:$0x2] =	wrdreg s16  }
0xb5: {  	[dreg:$0x3] =	wrdreg s24  }
0xb6: {  	[dreg:$0x4] =	wrdreg s17  }
0xb7: {  	[dreg:$0x5] =	wrdreg $0x66000  }
0xb8: {  	[dreg:$0x6] =	wrdreg $0x9  }
0xb9: {  	_ =	task.clear_ibuf [dreg:s8], $0x7FFFF;
	_ =	strace $0x9000004F  }
0xba: {  	s29 =	simm.s32 $0x9;
	_ =	strace $0x80000051  }
0xbb: {  	_ =	swait.ge [sflag:s29], $0x1  }
0xbc: {  	[sflag:s29] =	ssyncadd.s32 $0xFFFFFFFF  }
0xbd: {  	_ =	strace $0x90000051  }
0xbe: {  	_ =	sfence  }
0xbf: {  	s30 =	sld [smem:$0x0];
	_ =	sdelay $0x2  }
0xc0: {  	s31 =	sshll.u32 s1, $0xD;
	s1 =	sshrl.u32 s1, $0x2  }
0xc1: {  	s3 =	sand.u32 $0x4000, s31;
	s1 =	sadd.s32 s1, s30  }
0xc2: {  	s0 =	sor.u32 s3, s0;
	s1 =	sshll.u32 s1, $0x11  }
0xc3: {  	s0 =	sor.u32 s1, s0  }
0xc4: {  	s0 =	sadd.s32 $0x8F2B, s0  }
0xc5: {  	[sflag:s0] =	ssyncadd.remote.s32 $0x1  }
0xc6: {  	_ =	sfence.sel $0xFFFF  }
0xc7: {  	[dreg:$0x0] =	wrdreg $0xFFFFFFFF;
	(pc) =	sbr.abs _section_cstart, $3  }
0xc8: {  	[dreg:$0x1] =	wrdreg $0xFFFFFFFF  }
0xc9: {  	_ =	task.clear_ibuf [dreg:s8], $0x2FFFF;
	_ =	strace $0x9FFFFFFF  }
0xca: {  	(tm) =	ssettm $0x7FFFFFFF  }
0xcb: {  	_ =	shalt  }
tec
execute0_lowered:
.L_overlay_start_1:
0x0: {  	(tag) =	ssettag $0x1  }
0x1: {  	s1 =	rddreg [dreg:$0x0]  }
0x2: {  	s6 =	rddreg [dreg:$0x1]  }
0x3: {  	s3 =	rddreg [dreg:$0x2]  }
0x4: {  	s4 =	rddreg [dreg:$0x3]  }
0x5: {  	s0 =	rddreg [dreg:$0x4];
	s7 =	srdreg.scid  }
0x6: {  	s2 =	stileid.u32;
	s5 =	simm.s32 $0x0;
	s17 =	simm.s32 $0x600  }
0x7: {  	s18 =	simm.s32 $0x1;
	s19 =	simm.s32 $0x300;
	s20 =	simm.s32 $0x3600  }
0x8: {  	s21 =	simm.s32 $0x2;
	s22 =	simm.s32 $0x3;
	s23 =	simm.s32 $0x480  }
0x9: {  	s24 =	simm.s32 $0x4;
	s7 =	sand.u32 $0x1, s7;
	s8 =	smul.u32 $0x31000, s2  }
0xa: {  	[smem:$0x7FF] =	sst s5;
	s13 =	sadd.s32 $0xCA600, s6;
	s16 =	smul.u32 $0xC600, s2  }
0xb: {  	s28 =	sshll.u32 s2, $0x6;
	s9 =	smul.u32 $0x310000, s7;
	s10 =	sshll.u32 s7, $0x4  }
0xc: {  	s11 =	ssub.s32 $0x2, s7;
	s14 =	smul.u32 $0xC6000, s7;
	s10 =	sor.u32 s2, s10  }
0xd: {  	_ =	strace $0x80000050;
	s25 =	sshrl.u32 s11, $0x1;
	s12 =	smul.u32 $0x18C0, s10  }
0xe: {  	s26 =	sshrl.u32 s8, $0x1;
	s9 =	sadd.s32 s8, s9;
	s10 =	smul.u32 $0xC600, s10  }
0xf: {  	s11 =	ssub.s32 s11, s25;
	s15 =	sadd.s32 s26, s4;
	s29 =	sadd.s32 s16, s14  }
0x10: {  	s16 =	simm.s32 $0x180;
	s25 =	simm.s32 $0x0;
	s9 =	sshrl.u32 s9, $0x4  }
0x11: {  	s14 =	sadd.s32 $0xC00, s29;
	s9 =	sadd.s32 s9, s6;
	s6 =	sor.u32 $0x1C05, s28  }
.Ltmp0:
0x12: {  	s7 =	sadd.s32 s13, s12;
	s10 =	sshrl.u32 s10, $0x3;
	(pc) =	sbr.rel .LBB2_1-.Ltmp0, $4  }
0x13: {  	s14 =	sshrl.u32 s14, $0x3;
	s8 =	sadd.s32 $0x1BFE00, s9;
	s9 =	smax.u32 s11, $0x1  }
0x14: {  	s30 =	sadd.s32 s13, s10;
	s11 =	sadd.s32 $0x900, s29;
	s12 =	sadd.s32 s14, s13  }
0x15: {  	s14 =	sshrl.u32 s15, $0x3;
	s15 =	simm.s32 $0x5;
	s31 =	sshrl.u32 s11, $0x3  }
0x16: {  	s10 =	sadd.s32 $0x60, s30;
	s11 =	sadd.s32 $0xC0, s30;
	s13 =	sadd.s32 s31, s13  }
.LBB2_4:
0x17: {  	[spmem:s4] =	stream.indirect.scatter.add.bf16 [tilespmem:s20], [sflag:$0x4], $0x20, s23, s16, $0xb8;
	[tilespmem:$0x1EE00] =	vst v63  }
0x18: {  	_ =	swait.ge [sflag:s24], $0x3000  }
0x19: {  	s25 =	sadd.s32 $0x1, s25;
	[sflag:s24] =	ssyncset.done $0x0  }
0x1a: {  	p0 =	sne.s32 s25, s9;
	[sflag:s24] =	ssyncadd.s32 $0xFFFFD000  }
.Ltmp1:
0x1b: {  	[bflag:$0x0] =	sbarrier.arrive $0xFFFF;
	(pc) =	sbr.rel @!p0 .LBB2_5-.Ltmp1, $4  }
0x1c: {  	[hbm:s8], [sflag:s6] =	dma.local [spmem:s14], $0x3100  }
0x1d: {  	_ =	swait.ge [sflag:s15], $0x3100  }
0x1e: {  	[sflag:s15] =	ssyncset.done $0x0  }
0x1f: {  	[sflag:s15] =	ssyncadd.s32 $0xFFFFCF00  }
.LBB2_1:
0x20: {  	[spmem:s14], [sflag:s6] =	dma.local [hbm:s3], $0x3100  }
0x21: {  	_ =	swait.ge [sflag:s15], $0x3100  }
0x22: {  	[sflag:s15] =	ssyncset.done $0x0  }
0x23: {  	[sflag:s15] =	ssyncadd.s32 $0xFFFFCF00  }
0x24: {  	[tilespmem:s5], [sflag:$0x5] =	stream.linear.gather [hbm4b:s7+s5], $0x300, $0x38;
	[tilespmem:$0x1EE00] =	vst v63  }
0x25: {  	_ =	swait.ge [sflag:s15], $0x300  }
0x26: {  	[sflag:s15] =	ssyncset.done $0x0  }
0x27: {  	[sflag:s15] =	ssyncadd.s32 $0xFFFFFD00  }
0x28: {  	[tilespmem:s17], [sflag:$0x1] =	stream.indirect.gather [hbm4b:s1+s16], $0x20, s5, s16, $0xb8;
	[tilespmem:$0x1EE00] =	vst v63  }
0x29: {  	[bflag:$0x0] =	sbarrier.arrive $0xFFFF  }
0x2a: {  	_ =	swait.ge [sflag:s18], $0x3000  }
0x2b: {  	[sflag:s18] =	ssyncset.done $0x0  }
0x2c: {  	[sflag:s18] =	ssyncadd.s32 $0xFFFFD000  }
0x2d: {  	[spmem:s4] =	stream.indirect.scatter.add.bf16 [tilespmem:s17], [sflag:$0x3], $0x20, s16, s16, $0xb8;
	[tilespmem:$0x1EE00] =	vst v63  }
0x2e: {  	_ = 	snop  }
0x2f: {  	[tilespmem:s19], [sflag:$0x5] =	stream.linear.gather [hbm4b:s10+s5], $0x300, $0x38;
	[tilespmem:$0x1EE00] =	vst v63  }
0x30: {  	_ =	swait.ge [sflag:s15], $0x300  }
0x31: {  	[sflag:s15] =	ssyncset.done $0x0  }
0x32: {  	[sflag:s15] =	ssyncadd.s32 $0xFFFFFD00  }
0x33: {  	[tilespmem:s20], [sflag:$0x2] =	stream.indirect.gather [hbm4b:s1+s16], $0x20, s19, s16, $0xb8;
	[tilespmem:$0x1EE00] =	vst v63  }
0x34: {  	_ =	swait.ge [sflag:s21], $0x3000  }
0x35: {  	[sflag:s21] =	ssyncset.done $0x0  }
0x36: {  	[sflag:s21] =	ssyncadd.s32 $0xFFFFD000  }
0x37: {  	_ =	swait.ge [sflag:s22], $0x3000  }
0x38: {  	[sflag:s22] =	ssyncset.done $0x0  }
0x39: {  	[sflag:s22] =	ssyncadd.s32 $0xFFFFD000  }
0x3a: {  	[tilespmem:s5], [sflag:$0x5] =	stream.linear.gather [hbm4b:s11+s5], $0x300, $0x38;
	[tilespmem:$0x1EE00] =	vst v63  }
0x3b: {  	_ =	swait.ge [sflag:s15], $0x300  }
0x3c: {  	[sflag:s15] =	ssyncset.done $0x0  }
0x3d: {  	[sflag:s15] =	ssyncadd.s32 $0xFFFFFD00  }
0x3e: {  	[tilespmem:s17], [sflag:$0x1] =	stream.indirect.gather [hbm4b:s1+s16], $0x20, s5, s16, $0xb8;
	[tilespmem:$0x1EE00] =	vst v63  }
0x3f: {  	s26 =	simm.s32 $0x0  }
0x40: {  	[spmem:s4] =	stream.indirect.scatter.add.bf16 [tilespmem:s20], [sflag:$0x4], $0x20, s23, s16, $0xb8;
	[tilespmem:$0x1EE00] =	vst v63  }
.LBB2_2:
0x41: {  	_ =	swait.ge [sflag:s18], $0x3000  }
0x42: {  	[sflag:s18] =	ssyncset.done $0x0  }
0x43: {  	[sflag:s18] =	ssyncadd.s32 $0xFFFFD000  }
0x44: {  	_ =	swait.ge [sflag:s24], $0x3000  }
0x45: {  	[sflag:s24] =	ssyncset.done $0x0  }
0x46: {  	[sflag:s24] =	ssyncadd.s32 $0xFFFFD000  }
0x47: {  	[spmem:s4] =	stream.indirect.scatter.add.bf16 [tilespmem:s17], [sflag:$0x3], $0x20, s16, s16, $0xb8;
	[tilespmem:$0x1EE00] =	vst v63  }
0x48: {  	s28 =	sadd.s32 s26, s13  }
0x49: {  	[tilespmem:s19], [sflag:$0x5] =	stream.linear.gather [hbm4b:s28+s5], $0x300, $0x38;
	[tilespmem:$0x1EE00] =	vst v63  }
0x4a: {  	_ =	swait.ge [sflag:s15], $0x300  }
0x4b: {  	[sflag:s15] =	ssyncset.done $0x0  }
0x4c: {  	[sflag:s15] =	ssyncadd.s32 $0xFFFFFD00  }
0x4d: {  	[tilespmem:s20], [sflag:$0x2] =	stream.indirect.gather [hbm4b:s1+s16], $0x20, s19, s16, $0xb8;
	[tilespmem:$0x1EE00] =	vst v63  }
0x4e: {  	p0 =	seq.s32 s26, $0x1740;
	_ =	swait.ge [sflag:s21], $0x3000  }
.Ltmp2:
0x4f: {  	[sflag:s21] =	ssyncset.done $0x0;
	(pc) =	sbr.rel @p0 .LBB2_4-.Ltmp2, $4  }
0x50: {  	[sflag:s21] =	ssyncadd.s32 $0xFFFFD000  }
0x51: {  	_ =	swait.ge [sflag:s22], $0x3000  }
0x52: {  	[sflag:s22] =	ssyncset.done $0x0  }
0x53: {  	[sflag:s22] =	ssyncadd.s32 $0xFFFFD000  }
0x54: {  	s28 =	sadd.s32 s26, s12  }
0x55: {  	[tilespmem:s5], [sflag:$0x5] =	stream.linear.gather [hbm4b:s28+s5], $0x300, $0x38;
	[tilespmem:$0x1EE00] =	vst v63  }
0x56: {  	_ =	swait.ge [sflag:s15], $0x300  }
.Ltmp3:
0x57: {  	[sflag:s15] =	ssyncset.done $0x0;
	(pc) =	sbr.rel .LBB2_2-.Ltmp3, $4  }
0x58: {  	[sflag:s15] =	ssyncadd.s32 $0xFFFFFD00  }
0x59: {  	[tilespmem:s17], [sflag:$0x1] =	stream.indirect.gather [hbm4b:s1+s16], $0x20, s5, s16, $0xb8;
	[tilespmem:$0x1EE00] =	vst v63  }
0x5a: {  	s26 =	sadd.s32 $0xC0, s26  }
0x5b: {  	[spmem:s4] =	stream.indirect.scatter.add.bf16 [tilespmem:s20], [sflag:$0x4], $0x20, s23, s16, $0xb8;
	[tilespmem:$0x1EE00] =	vst v63  }
.LBB2_5:
0x5c: {  	_ =	sfence.sel $0x180000  }
0x5d: {  	[bflag:$0x0] =	sbarrier.arrive $0xFFFF  }
0x5e: {  	p0 =	sne.s32 s2, $0x0;
	_ =	strace $0x90000050  }
0x5f: {  	s0 =	sadd.s32 @!p0 $0x100000, s0;
	[bflag:$0x2] =	sbarrier.arrive $0xFFFF  }
0x60: {  	[sflag:s0] =	ssyncadd.tile.s32 @!p0 $0x1;
	_ =	shalt  }
.Lfunc_end2:
_tile_overlayer_lowered:
.L_overlay_start_2:
0x61: {  	(tag) =	ssettag $0x2  }
0x62: {  	s0 =	rddreg [dreg:$0x0];
	s2 =	stileid.u32  }
0x63: {  	s1 =	rddreg [dreg:$0x1];
	p0 =	sne.s32 s2, $0x0  }
0x64: {  	s3 =	rddreg [dreg:$0x2];
	[bflag:$0x3] =	sbarrier.arrive $0xFFFF;
	s2 =	simm.s32 @!p0 $0x1C05  }
0x65: {  	[timem:s3], [sflag:s2] =	dma.local @!p0 [hbm:s0], s1  }
0x66: {  	s0 =	simm.s32 @!p0 $0x5  }
0x67: {  	_ =	swait.ge @!p0 [sflag:s0], s1  }
0x68: {  	s1 =	ssub.s32 @!p0 $0x0, s1;
	[sflag:s0] =	ssyncset.done @!p0 $0x0  }
0x69: {  	[sflag:s0] =	ssyncadd.s32 @!p0 s1  }
0x6a: {  	[bflag:$0x3] =	sbarrier.arrive $0xFFFF  }
0x6b: {  	_ =	shalt  }

// kernel: kernel.24.cloned.1.call-start
scs
__scs_entry_jumppad:
0x0: {  	(pc) =	sbr.rel $0x88, $3  }
0x1: {  	(tag) =	ssettag $0x0;
	lr =	simm.s32 $0x1  }
0x2: {  	[smem:$0x3F84] =	sst lr;
	_ =	strace $0xD0000000  }
0x3: {  	_ = 	snop  }
0x4: {  	_ = 	snop  }
0x5: {  	_ = 	snop  }
0x6: {  	_ = 	snop  }
0x7: {  	_ = 	snop  }
__scs_overlays_trampoline_lowered:
0x8: {  	[smem:$0x3F93] =	sst s0  }
0x9: {  	[smem:$0x3F94] =	sst s1  }
0xa: {  	[smem:$0x3F95] =	sst s2  }
0xb: {  	[smem:$0x3F96] =	sst s3  }
0xc: {  	[smem:$0x3F97] =	sst s4  }
0xd: {  	[smem:$0x3F98] =	sst s5  }
0xe: {  	[smem:$0x3F99] =	sst s6  }
0xf: {  	[smem:$0x3F9A] =	sst s7  }
0x10: {  	[smem:$0x3F9B] =	sst s8  }
0x11: {  	[smem:$0x3F9C] =	sst s9;
	s0 =	simm.s32 @!p0 $0x0  }
0x12: {  	s1 =	sld [smem:$0x3F82];
	s0 =	simm.s32 @p0 $0x1  }
0x13: {  	[smem:$0x3F9D] =	sst s0;
	s0 =	simm.s32 @!p1 $0x0  }
0x14: {  	s2 =	sld [smem:$0x3F81];
	s0 =	simm.s32 @p1 $0x1  }
0x15: {  	[smem:$0x3F9E] =	sst s0;
	s0 =	simm.s32 @!p2 $0x0  }
0x16: {  	s3 =	sld [smem:$0x3FDB];
	s0 =	simm.s32 @p2 $0x1  }
0x17: {  	s4 =	simm.s32 $0x1BF5;
	[smem:$0x3FA0] =	sst s0  }
0x18: {  	s0 =	sld [smem:$0x3F83];
	_ =	swait.ge [sflag:s4], $0x0  }
0x19: {  	s7 =	sld [smem:$0x3F84]  }
0x1a: {  	s8 =	sadd.s32 $0xFFFFE003, lr  }
0x1b: {  	s9 =	sadd.s32 $0xFFFFFEF7, lr;
	s5 =	simm.s32 $0xFFFFFFFF;
	p2 =	slt.u32 s8, $0xFFFFF086  }
0x1c: {  	p1 =	slt.u32 s9, $0xF7A;
	s5 =	simm.s32 @!p2 $0x0  }
0x1d: {  	s5 =	simm.s32 @p1 $0x1;
	p0 =	seq.s32 s7, s2  }
0x1e: {  	s7 =	smul.u32 @!p0 $0xF7A, s2;
	p2 =	seq.s32 @!p0 s5, $0x0  }
0x1f: {  	s9 =	smul.u32 $0xF7A, s1;
	s8 =	simm.s32 @!p0 $0x1BF5;
	p2 =	por !p2, p0  }
0x20: {  	[sflag:s8] =	ssyncset.s32 @!p0 $0xFFFFF086;
	s6 =	sadd.s32 @!p0 s3, s7;
	s7 =	simm.s32 @!p0 $0x108  }
0x21: {  	s3 =	sadd.s32 s3, s9;
	s6 =	sadd.s32 @!p0 $0x88, s6;
	s7 =	simm.s32 @p2 $0x1082  }
0x22: {  	[simem:s7], [sflag:s8] =	dma.local @!p0 [hbm:s6], $0xF7A  }
0x23: {  	s9 =	sor.u32 $0xD0000000, s2;
	s6 =	simm.s32 $0x108;
	_ =	swait.ge @!p0 [sflag:s8], $0x0  }
0x24: {  	s3 =	sadd.s32 $0x88, s3;
	s6 =	simm.s32 @!p1 $0x1082;
	[sflag:s4] =	ssyncset.s32 $0xFFFFF086  }
0x25: {  	[simem:s6], [sflag:s4] =	dma.local [hbm:s3], $0xF7A  }
0x26: {  	[smem:$0x3F84] =	sst s1;
	(tag) =	ssettag s2;
	_ =	strace s9  }
0x27: {  	s1 =	sld [smem:$0x3F94]  }
0x28: {  	s2 =	sld [smem:$0x3F95]  }
0x29: {  	s4 =	sld [smem:$0x3F97]  }
0x2a: {  	p0 =	seq.s32 s5, $0x0;
	s5 =	sld [smem:$0x3F98]  }
0x2b: {  	s6 =	sld [smem:$0x3F99]  }
0x2c: {  	s7 =	sld [smem:$0x3F9A]  }
0x2d: {  	s3 =	simm.s32 $0x108;
	s8 =	sld [smem:$0x3F9B]  }
0x2e: {  	s3 =	simm.s32 @!p0 $0x1082;
	s9 =	sld [smem:$0x3F9C]  }
0x2f: {  	lr =	sadd.s32 s0, s3;
	s0 =	sld [smem:$0x3F93]  }
0x30: {  	s3 =	sld [smem:$0x3F96]  }
0x31: {  	[smem:$0x3F9F] =	sst s10  }
0x32: {  	s10 =	sld [smem:$0x3F9D];
	_ =	sdelay $0x3  }
0x33: {  	p0 =	seq.s32 s10, $0x1;
	s10 =	sld [smem:$0x3F9F];
	_ =	sdelay $0x3  }
0x34: {  	[smem:$0x3F9F] =	sst s10  }
0x35: {  	s10 =	sld [smem:$0x3F9E];
	_ =	sdelay $0x3  }
0x36: {  	p1 =	seq.s32 s10, $0x1;
	s10 =	sld [smem:$0x3F9F];
	_ =	sdelay $0x3  }
0x37: {  	[smem:$0x3F9F] =	sst s10  }
0x38: {  	s10 =	sld [smem:$0x3FA0]  }
0x39: {  	_ = 	snop;
	(pc) =	sbr.ind lr, $3  }
0x3a: {  	_ = 	snop  }
0x3b: {  	_ = 	snop  }
0x3c: {  	p2 =	seq.s32 s10, $0x1;
	s10 =	sld [smem:$0x3F9F]  }
0x3d: {  	_ =	shalt  }
0x3e: {  	_ =	shalt  }
0x3f: {  	_ =	shalt  }
0x40: {  	_ =	shalt  }
0x41: {  	_ =	shalt  }
0x42: {  	_ =	shalt  }
0x43: {  	_ =	shalt  }
0x44: {  	_ =	shalt  }
0x45: {  	_ =	shalt  }
0x46: {  	_ =	shalt  }
0x47: {  	_ =	shalt  }
0x48: {  	_ =	shalt  }
0x49: {  	_ =	shalt  }
0x4a: {  	_ =	shalt  }
0x4b: {  	_ =	shalt  }
0x4c: {  	_ =	shalt  }
0x4d: {  	_ =	shalt  }
0x4e: {  	_ =	shalt  }
0x4f: {  	_ =	shalt  }
0x50: {  	_ =	shalt  }
0x51: {  	_ =	shalt  }
0x52: {  	_ =	shalt  }
0x53: {  	_ =	shalt  }
0x54: {  	_ =	shalt  }
0x55: {  	_ =	shalt  }
0x56: {  	_ =	shalt  }
0x57: {  	_ =	shalt  }
0x58: {  	_ =	shalt  }
0x59: {  	_ =	shalt  }
0x5a: {  	_ =	shalt  }
0x5b: {  	_ =	shalt  }
0x5c: {  	_ =	shalt  }
0x5d: {  	_ =	shalt  }
0x5e: {  	_ =	shalt  }
0x5f: {  	_ =	shalt  }
0x60: {  	_ =	shalt  }
0x61: {  	_ =	shalt  }
0x62: {  	_ =	shalt  }
0x63: {  	_ =	shalt  }
0x64: {  	_ =	shalt  }
0x65: {  	_ =	shalt  }
0x66: {  	_ =	shalt  }
0x67: {  	_ =	shalt  }
0x68: {  	_ =	shalt  }
0x69: {  	_ =	shalt  }
0x6a: {  	_ =	shalt  }
0x6b: {  	_ =	shalt  }
0x6c: {  	_ =	shalt  }
0x6d: {  	_ =	shalt  }
0x6e: {  	_ =	shalt  }
0x6f: {  	_ =	shalt  }
0x70: {  	_ =	shalt  }
0x71: {  	_ =	shalt  }
0x72: {  	_ =	shalt  }
0x73: {  	_ =	shalt  }
0x74: {  	_ =	shalt  }
0x75: {  	_ =	shalt  }
0x76: {  	_ =	shalt  }
0x77: {  	_ =	shalt  }
0x78: {  	_ =	shalt  }
0x79: {  	_ =	shalt  }
0x7a: {  	_ =	shalt  }
0x7b: {  	_ =	shalt  }
0x7c: {  	_ =	shalt  }
0x7d: {  	_ =	shalt  }
0x7e: {  	_ =	shalt  }
0x7f: {  	_ =	shalt  }
0x80: {  	_ =	shalt  }
0x81: {  	_ =	shalt  }
0x82: {  	_ =	shalt  }
0x83: {  	_ =	shalt  }
0x84: {  	_ =	shalt  }
0x85: {  	_ =	shalt  }
0x86: {  	_ =	shalt  }
0x87: {  	_ =	shalt  }
.Lfunc_end0:
.L_simem_size_0:
called_computation.4_lowered:
.L_overlay_start_0:
0x88: {  	s2 =	sld [smem:$0x3FD9]  }
0x89: {  	s3 =	sld [smem:$0x3FFE];
	_ =	sdelay $0x1  }
0x8a: {  	s1 =	srdreg.scid  }
0x8b: {  	s0 =	sand.u32 $0x1, s1  }
0x8c: {  	s14 =	sshll.u32 s0, $0xA;
	s2 =	sadd.s32 s3, s2  }
0x8d: {  	s2 =	sadd.s32 s2, s14  }
0x8e: {  	[smem:$0x3FAB] =	sst s2  }
0x8f: {  	_ = 	snop  }
0x90: {  	s2 =	sld [smem:$0x3FD0];
	_ =	sdelay $0x2  }
0x91: {  	s15 =	simm.s32 $0xB;
	s4 =	simm.s32 $0x10  }
0x92: {  	[smem:s4], [sflag:s15] =	dma.local [hbm:s2], $0x1  }
0x93: {  	_ =	swait.eq [sflag:s15], $0x1  }
0x94: {  	[sflag:s15] =	ssyncset.done $0x0  }
0x95: {  	s16 =	sld [smem:$0x10];
	[sflag:s15] =	ssyncadd.s32 $0xFFFFFFFF  }
0x96: {  	s17 =	sld [smem:$0x11];
	(tm) =	ssettm $0x1  }
0x97: {  	s18 =	sld [smem:$0x3FFB];
	_ =	sdelay $0x3  }
0x98: {  	_ =	strace s18  }
0x99: {  	s4 =	sld [smem:$0x3FFC];
	_ =	sdelay $0x3  }
0x9a: {  	_ =	strace s4  }
0x9b: {  	s4 =	sld [smem:$0x3FFD];
	_ =	sdelay $0x3  }
0x9c: {  	_ =	strace s4  }
0x9d: {  	_ =	strace $0x8FFFFFFF  }
0x9e: {  	s19 =	sld [smem:$0x3FDB];
	_ =	sdelay $0x1  }
0x9f: {  	s5 =	simm.s32 $_scs_section_size  }
0xa0: {  	s6 =	simm.s32 $_size__tile_overlayer_lowered;
	s7 =	simm.s32 $_tile_overlayer_lowered  }
0xa1: {  	s22 =	simm.s32 $0x1BFF;
	s21 =	sshll.u32 s7, $0x1;
	s4 =	sadd.s32 s5, s19  }
0xa2: {  	s8 =	simm.s32 $0x0;
	s20 =	sshll.u32 s6, $0x1;
	s6 =	sadd.s32 s21, s4  }
0xa3: {  	[timem:s8], [sflag:s22] =	dma.local [hbm:s6], s20  }
0xa4: {  	_ =	swait.ge [sflag:s22], s20  }
0xa5: {  	s5 =	ssub.s32 $0x0, s20;
	[sflag:s22] =	ssyncset.done $0x0  }
0xa6: {  	[sflag:s22] =	ssyncadd.s32 s5;
	_ =	sdelay $0x1  }
0xa7: {  	s23 =	simm.s32 $0x1B8B  }
0xa8: {  	_ =	swait.ge [sflag:s23], $0x1  }
0xa9: {  	[sflag:s23] =	ssyncset.done $0x0  }
0xaa: {  	s25 =	simm.s32 $0x1B8E;
	s24 =	sld [smem:$0x3FFE];
	[sflag:s23] =	ssyncadd.s32 $0xFFFFFFFF  }
0xab: {  	s26 =	simm.s32 $execute0_lowered;
	[smem:$0x3FD2] =	sst s25  }
0xac: {  	s6 =	sshll.u32 s26, $0x1;
	_ =	strace $0x80000052;
	[dreg:$0x1] =	wrdreg $0xFFFFFFFF  }
0xad: {  	s28 =	simm.s32 $_size_execute0_lowered;
	s4 =	sadd.s32 s4, s6;
	[dreg:$0x0] =	wrdreg $0x0  }
0xae: {  	s6 =	sshll.u32 s28, $0x1;
	[dreg:$0x2] =	wrdreg s4  }
0xaf: {  	[dreg:$0x3] =	wrdreg s6  }
0xb0: {  	[dreg:$0x4] =	wrdreg $0xC0  }
0xb1: {  	_ =	task [dreg:s8], $0x5FFFF  }
0xb2: {  	[dreg:$0x1] =	wrdreg $0xFFFFFFFF  }
0xb3: {  	[dreg:$0x0] =	wrdreg $0x60  }
0xb4: {  	[dreg:$0x2] =	wrdreg s16  }
0xb5: {  	[dreg:$0x3] =	wrdreg s24  }
0xb6: {  	[dreg:$0x4] =	wrdreg s17  }
0xb7: {  	[dreg:$0x5] =	wrdreg $0x66000  }
0xb8: {  	[dreg:$0x6] =	wrdreg $0x9  }
0xb9: {  	_ =	task.clear_ibuf [dreg:s8], $0x7FFFF;
	_ =	strace $0x90000052  }
0xba: {  	s29 =	simm.s32 $0x9;
	_ =	strace $0x80000054  }
0xbb: {  	_ =	swait.ge [sflag:s29], $0x1  }
0xbc: {  	[sflag:s29] =	ssyncadd.s32 $0xFFFFFFFF  }
0xbd: {  	_ =	strace $0x90000054  }
0xbe: {  	_ =	sfence  }
0xbf: {  	s30 =	sld [smem:$0x0];
	_ =	sdelay $0x2  }
0xc0: {  	s31 =	sshll.u32 s1, $0xD;
	s1 =	sshrl.u32 s1, $0x2  }
0xc1: {  	s3 =	sand.u32 $0x4000, s31;
	s1 =	sadd.s32 s1, s30  }
0xc2: {  	s0 =	sor.u32 s3, s0;
	s1 =	sshll.u32 s1, $0x11  }
0xc3: {  	s0 =	sor.u32 s1, s0  }
0xc4: {  	s0 =	sadd.s32 $0x8F2B, s0  }
0xc5: {  	[sflag:s0] =	ssyncadd.remote.s32 $0x1  }
0xc6: {  	_ =	sfence.sel $0xFFFF  }
0xc7: {  	[dreg:$0x0] =	wrdreg $0xFFFFFFFF;
	(pc) =	sbr.abs _section_cstart, $3  }
0xc8: {  	[dreg:$0x1] =	wrdreg $0xFFFFFFFF  }
0xc9: {  	_ =	task.clear_ibuf [dreg:s8], $0x2FFFF;
	_ =	strace $0x9FFFFFFF  }
0xca: {  	(tm) =	ssettm $0x7FFFFFFF  }
0xcb: {  	_ =	shalt  }
tec
execute0_lowered:
.L_overlay_start_1:
0x0: {  	(tag) =	ssettag $0x1  }
0x1: {  	s1 =	rddreg [dreg:$0x0]  }
0x2: {  	s6 =	rddreg [dreg:$0x1]  }
0x3: {  	s3 =	rddreg [dreg:$0x2]  }
0x4: {  	s4 =	rddreg [dreg:$0x3]  }
0x5: {  	s0 =	rddreg [dreg:$0x4];
	s7 =	srdreg.scid  }
0x6: {  	s2 =	stileid.u32;
	s5 =	simm.s32 $0x0;
	s17 =	simm.s32 $0x600  }
0x7: {  	s18 =	simm.s32 $0x1;
	s19 =	simm.s32 $0x300;
	s20 =	simm.s32 $0x3600  }
0x8: {  	s21 =	simm.s32 $0x2;
	s22 =	simm.s32 $0x3;
	s23 =	simm.s32 $0x480  }
0x9: {  	s24 =	simm.s32 $0x4;
	s7 =	sand.u32 $0x1, s7;
	s8 =	smul.u32 $0x31000, s2  }
0xa: {  	[smem:$0x7FF] =	sst s5;
	s13 =	sadd.s32 $0xCA600, s6;
	s16 =	smul.u32 $0xC600, s2  }
0xb: {  	s28 =	sshll.u32 s2, $0x6;
	s9 =	smul.u32 $0x310000, s7;
	s10 =	sshll.u32 s7, $0x4  }
0xc: {  	s11 =	ssub.s32 $0x2, s7;
	s14 =	smul.u32 $0xC6000, s7;
	s10 =	sor.u32 s2, s10  }
0xd: {  	_ =	strace $0x80000053;
	s25 =	sshrl.u32 s11, $0x1;
	s12 =	smul.u32 $0x18C0, s10  }
0xe: {  	s26 =	sshrl.u32 s8, $0x1;
	s9 =	sadd.s32 s8, s9;
	s10 =	smul.u32 $0xC600, s10  }
0xf: {  	s11 =	ssub.s32 s11, s25;
	s15 =	sadd.s32 s26, s4;
	s29 =	sadd.s32 s16, s14  }
0x10: {  	s16 =	simm.s32 $0x180;
	s25 =	simm.s32 $0x0;
	s9 =	sshrl.u32 s9, $0x4  }
0x11: {  	s14 =	sadd.s32 $0xC00, s29;
	s9 =	sadd.s32 s9, s6;
	s6 =	sor.u32 $0x1C05, s28  }
.Ltmp0:
0x12: {  	s7 =	sadd.s32 s13, s12;
	s10 =	sshrl.u32 s10, $0x3;
	(pc) =	sbr.rel .LBB2_1-.Ltmp0, $4  }
0x13: {  	s14 =	sshrl.u32 s14, $0x3;
	s8 =	sadd.s32 $0x5000, s9;
	s9 =	smax.u32 s11, $0x1  }
0x14: {  	s30 =	sadd.s32 s13, s10;
	s11 =	sadd.s32 $0x900, s29;
	s12 =	sadd.s32 s14, s13  }
0x15: {  	s14 =	sshrl.u32 s15, $0x3;
	s15 =	simm.s32 $0x5;
	s31 =	sshrl.u32 s11, $0x3  }
0x16: {  	s10 =	sadd.s32 $0x60, s30;
	s11 =	sadd.s32 $0xC0, s30;
	s13 =	sadd.s32 s31, s13  }
.LBB2_4:
0x17: {  	[spmem:s4] =	stream.indirect.scatter.add.bf16 [tilespmem:s20], [sflag:$0x4], $0x20, s23, s16, $0xb8;
	[tilespmem:$0x1EE00] =	vst v63  }
0x18: {  	_ =	swait.ge [sflag:s24], $0x3000  }
0x19: {  	s25 =	sadd.s32 $0x1, s25;
	[sflag:s24] =	ssyncset.done $0x0  }
0x1a: {  	p0 =	sne.s32 s25, s9;
	[sflag:s24] =	ssyncadd.s32 $0xFFFFD000  }
.Ltmp1:
0x1b: {  	[bflag:$0x0] =	sbarrier.arrive $0xFFFF;
	(pc) =	sbr.rel @!p0 .LBB2_5-.Ltmp1, $4  }
0x1c: {  	[hbm:s8], [sflag:s6] =	dma.local [spmem:s14], $0x3100  }
0x1d: {  	_ =	swait.ge [sflag:s15], $0x3100  }
0x1e: {  	[sflag:s15] =	ssyncset.done $0x0  }
0x1f: {  	[sflag:s15] =	ssyncadd.s32 $0xFFFFCF00  }
.LBB2_1:
0x20: {  	[spmem:s14], [sflag:s6] =	dma.local [hbm:s3], $0x3100  }
0x21: {  	_ =	swait.ge [sflag:s15], $0x3100  }
0x22: {  	[sflag:s15] =	ssyncset.done $0x0  }
0x23: {  	[sflag:s15] =	ssyncadd.s32 $0xFFFFCF00  }
0x24: {  	[tilespmem:s5], [sflag:$0x5] =	stream.linear.gather [hbm4b:s7+s5], $0x300, $0x38;
	[tilespmem:$0x1EE00] =	vst v63  }
0x25: {  	_ =	swait.ge [sflag:s15], $0x300  }
0x26: {  	[sflag:s15] =	ssyncset.done $0x0  }
0x27: {  	[sflag:s15] =	ssyncadd.s32 $0xFFFFFD00  }
0x28: {  	[tilespmem:s17], [sflag:$0x1] =	stream.indirect.gather [hbm4b:s1+s16], $0x20, s5, s16, $0xb8;
	[tilespmem:$0x1EE00] =	vst v63  }
0x29: {  	[bflag:$0x0] =	sbarrier.arrive $0xFFFF  }
0x2a: {  	_ =	swait.ge [sflag:s18], $0x3000  }
0x2b: {  	[sflag:s18] =	ssyncset.done $0x0  }
0x2c: {  	[sflag:s18] =	ssyncadd.s32 $0xFFFFD000  }
0x2d: {  	[spmem:s4] =	stream.indirect.scatter.add.bf16 [tilespmem:s17], [sflag:$0x3], $0x20, s16, s16, $0xb8;
	[tilespmem:$0x1EE00] =	vst v63  }
0x2e: {  	_ = 	snop  }
0x2f: {  	[tilespmem:s19], [sflag:$0x5] =	stream.linear.gather [hbm4b:s10+s5], $0x300, $0x38;
	[tilespmem:$0x1EE00] =	vst v63  }
0x30: {  	_ =	swait.ge [sflag:s15], $0x300  }
0x31: {  	[sflag:s15] =	ssyncset.done $0x0  }
0x32: {  	[sflag:s15] =	ssyncadd.s32 $0xFFFFFD00  }
0x33: {  	[tilespmem:s20], [sflag:$0x2] =	stream.indirect.gather [hbm4b:s1+s16], $0x20, s19, s16, $0xb8;
	[tilespmem:$0x1EE00] =	vst v63  }
0x34: {  	_ =	swait.ge [sflag:s21], $0x3000  }
0x35: {  	[sflag:s21] =	ssyncset.done $0x0  }
0x36: {  	[sflag:s21] =	ssyncadd.s32 $0xFFFFD000  }
0x37: {  	_ =	swait.ge [sflag:s22], $0x3000  }
0x38: {  	[sflag:s22] =	ssyncset.done $0x0  }
0x39: {  	[sflag:s22] =	ssyncadd.s32 $0xFFFFD000  }
0x3a: {  	[tilespmem:s5], [sflag:$0x5] =	stream.linear.gather [hbm4b:s11+s5], $0x300, $0x38;
	[tilespmem:$0x1EE00] =	vst v63  }
0x3b: {  	_ =	swait.ge [sflag:s15], $0x300  }
0x3c: {  	[sflag:s15] =	ssyncset.done $0x0  }
0x3d: {  	[sflag:s15] =	ssyncadd.s32 $0xFFFFFD00  }
0x3e: {  	[tilespmem:s17], [sflag:$0x1] =	stream.indirect.gather [hbm4b:s1+s16], $0x20, s5, s16, $0xb8;
	[tilespmem:$0x1EE00] =	vst v63  }
0x3f: {  	s26 =	simm.s32 $0x0  }
0x40: {  	[spmem:s4] =	stream.indirect.scatter.add.bf16 [tilespmem:s20], [sflag:$0x4], $0x20, s23, s16, $0xb8;
	[tilespmem:$0x1EE00] =	vst v63  }
.LBB2_2:
0x41: {  	_ =	swait.ge [sflag:s18], $0x3000  }
0x42: {  	[sflag:s18] =	ssyncset.done $0x0  }
0x43: {  	[sflag:s18] =	ssyncadd.s32 $0xFFFFD000  }
0x44: {  	_ =	swait.ge [sflag:s24], $0x3000  }
0x45: {  	[sflag:s24] =	ssyncset.done $0x0  }
0x46: {  	[sflag:s24] =	ssyncadd.s32 $0xFFFFD000  }
0x47: {  	[spmem:s4] =	stream.indirect.scatter.add.bf16 [tilespmem:s17], [sflag:$0x3], $0x20, s16, s16, $0xb8;
	[tilespmem:$0x1EE00] =	vst v63  }
0x48: {  	s28 =	sadd.s32 s26, s13  }
0x49: {  	[tilespmem:s19], [sflag:$0x5] =	stream.linear.gather [hbm4b:s28+s5], $0x300, $0x38;
	[tilespmem:$0x1EE00] =	vst v63  }
0x4a: {  	_ =	swait.ge [sflag:s15], $0x300  }
0x4b: {  	[sflag:s15] =	ssyncset.done $0x0  }
0x4c: {  	[sflag:s15] =	ssyncadd.s32 $0xFFFFFD00  }
0x4d: {  	[tilespmem:s20], [sflag:$0x2] =	stream.indirect.gather [hbm4b:s1+s16], $0x20, s19, s16, $0xb8;
	[tilespmem:$0x1EE00] =	vst v63  }
0x4e: {  	p0 =	seq.s32 s26, $0x1740;
	_ =	swait.ge [sflag:s21], $0x3000  }
.Ltmp2:
0x4f: {  	[sflag:s21] =	ssyncset.done $0x0;
	(pc) =	sbr.rel @p0 .LBB2_4-.Ltmp2, $4  }
0x50: {  	[sflag:s21] =	ssyncadd.s32 $0xFFFFD000  }
0x51: {  	_ =	swait.ge [sflag:s22], $0x3000  }
0x52: {  	[sflag:s22] =	ssyncset.done $0x0  }
0x53: {  	[sflag:s22] =	ssyncadd.s32 $0xFFFFD000  }
0x54: {  	s28 =	sadd.s32 s26, s12  }
0x55: {  	[tilespmem:s5], [sflag:$0x5] =	stream.linear.gather [hbm4b:s28+s5], $0x300, $0x38;
	[tilespmem:$0x1EE00] =	vst v63  }
0x56: {  	_ =	swait.ge [sflag:s15], $0x300  }
.Ltmp3:
0x57: {  	[sflag:s15] =	ssyncset.done $0x0;
	(pc) =	sbr.rel .LBB2_2-.Ltmp3, $4  }
0x58: {  	[sflag:s15] =	ssyncadd.s32 $0xFFFFFD00  }
0x59: {  	[tilespmem:s17], [sflag:$0x1] =	stream.indirect.gather [hbm4b:s1+s16], $0x20, s5, s16, $0xb8;
	[tilespmem:$0x1EE00] =	vst v63  }
0x5a: {  	s26 =	sadd.s32 $0xC0, s26  }
0x5b: {  	[spmem:s4] =	stream.indirect.scatter.add.bf16 [tilespmem:s20], [sflag:$0x4], $0x20, s23, s16, $0xb8;
	[tilespmem:$0x1EE00] =	vst v63  }
.LBB2_5:
0x5c: {  	_ =	sfence.sel $0x180000  }
0x5d: {  	[bflag:$0x0] =	sbarrier.arrive $0xFFFF  }
0x5e: {  	p0 =	sne.s32 s2, $0x0;
	_ =	strace $0x90000053  }
0x5f: {  	s0 =	sadd.s32 @!p0 $0x100000, s0;
	[bflag:$0x2] =	sbarrier.arrive $0xFFFF  }
0x60: {  	[sflag:s0] =	ssyncadd.tile.s32 @!p0 $0x1;
	_ =	shalt  }
.Lfunc_end2:
_tile_overlayer_lowered:
.L_overlay_start_2:
0x61: {  	(tag) =	ssettag $0x2  }
0x62: {  	s0 =	rddreg [dreg:$0x0];
	s2 =	stileid.u32  }
0x63: {  	s1 =	rddreg [dreg:$0x1];
	p0 =	sne.s32 s2, $0x0  }
0x64: {  	s3 =	rddreg [dreg:$0x2];
	[bflag:$0x3] =	sbarrier.arrive $0xFFFF;
	s2 =	simm.s32 @!p0 $0x1C05  }
0x65: {  	[timem:s3], [sflag:s2] =	dma.local @!p0 [hbm:s0], s1  }
0x66: {  	s0 =	simm.s32 @!p0 $0x5  }
0x67: {  	_ =	swait.ge @!p0 [sflag:s0], s1  }
0x68: {  	s1 =	ssub.s32 @!p0 $0x0, s1;
	[sflag:s0] =	ssyncset.done @!p0 $0x0  }
0x69: {  	[sflag:s0] =	ssyncadd.s32 @!p0 s1  }
0x6a: {  	[bflag:$0x3] =	sbarrier.arrive $0xFFFF  }
0x6b: {  	_ =	shalt  }

</sc_bundles>
